<compile_context>
chip_gen: v7x
topology: tpu7x:2x2x1
jax: 0.10.2.dev20260603
libtpu: 0.0.44.dev20260713+nightly
codegen_flags: <defaults>
</compile_context>

<pallas_src>
import functools
import itertools

import jax
import jax.numpy as jnp
import numpy as np
from jax import lax
from jax.experimental import pallas as pl
from jax.experimental.pallas import tpu as pltpu
from jax.experimental.pallas import tpu_sc as plsc


def _combo_pairs():
    cola = [set(c) for c in itertools.combinations(range(8), 2)]
    pairs = []
    for i, si in enumerate(cola):
        for j, sj in enumerate(cola):
            if not si.intersection(sj):
                if [i, j] not in pairs and [j, i] not in pairs:
                    pairs.append([i, j])
    return np.array(sorted(pairs), dtype=np.int32)


_PAIRS = _combo_pairs()

_NROWS = 131072
_NCOL = 28
_NCOMB = 210
_NC = 2
_NS = 16
_NW = _NC * _NS
_ROWS_PER_W = _NROWS // _NW
_CH = 128
_NCHUNK = _ROWS_PER_W // _CH
_L = 16
_NK = 14

_PADDED = list(range(_NCOMB)) + list(range(_NK * _L - _NCOMB))
_ACOL = np.array(
    [[int(_PAIRS[_PADDED[k * _L + l], 0]) for l in range(_L)] for k in range(_NK)],
    dtype=np.int32,
)
_BCOL = np.array(
    [[int(_PAIRS[_PADDED[k * _L + l], 1]) for l in range(_L)] for k in range(_NK)],
    dtype=np.int32,
)
_TAILCOL = np.array(
    [(_NK - 1) * _L + l if l < 2 else 0 for l in range(_L)], dtype=np.int32
)


def _compute_chunk(xbuf, outbuf, ridxbuf, rbase, tabbuf):
    acols = tuple(tabbuf[k, :] for k in range(_NK))
    bcols = tuple(tabbuf[_NK + k, :] for k in range(_NK))
    tailcol = tabbuf[2 * _NK, :]
    tailmask = lax.iota(jnp.int32, _L) < 2
    zero = jnp.float32(0.0)
    inf = jnp.float32(np.inf)

    def row_body(r, carry):
        acols, bcols, tailcol, zmin = carry
        rvec = jnp.broadcast_to(r, (_L,)).astype(jnp.int32)
        vs = []
        for k in range(_NK):
            va = plsc.load_gather(xbuf, [rvec, acols[k]])
            vb = plsc.load_gather(xbuf, [rvec, bcols[k]])
            s = va + vb
            v = jnp.abs(va - vb) / s
            zmin = jnp.minimum(zmin, s)
            vs.append(v)
        for k in range(_NK - 1):
            outbuf[r, pl.ds(k * _L, _L)] = vs[k]
        plsc.store_scatter(outbuf, [rvec, tailcol], vs[_NK - 1], mask=tailmask)
        return (acols, bcols, tailcol, zmin)

    carry = lax.fori_loop(
        0,
        _CH,
        row_body,
        (acols, bcols, tailcol, jnp.full((_L,), 1.0, jnp.float32)),
        unroll=4,
    )
    zmin = carry[3]

    @pl.when(jnp.any(zmin == zero))
    def _rescan():
        def fix_row(r, _):
            rvec = jnp.broadcast_to(r, (_L,)).astype(jnp.int32)
            vs = []
            allnan = None
            for k in range(_NK):
                va = plsc.load_gather(xbuf, [rvec, acols[k]])
                vb = plsc.load_gather(xbuf, [rvec, bcols[k]])
                s = va + vb
                z = s == zero
                v = jnp.where(z, inf, jnp.abs(va - vb) / s)
                allnan = z if allnan is None else (allnan & z)
                vs.append(v)
            for k in range(_NK - 1):
                outbuf[r, pl.ds(k * _L, _L)] = vs[k]
            plsc.store_scatter(
                outbuf, [rvec, tailcol], vs[_NK - 1], mask=tailmask
            )

            @pl.when(jnp.all(allnan))
            def _fix():
                colvec = plsc.load_gather(ridxbuf, [rvec + rbase])
                plsc.store_scatter(
                    outbuf,
                    [rvec, colvec],
                    jnp.full((_L,), 1.0, jnp.float32),
                    mask=lax.iota(jnp.int32, _L) < 1,
                )

            return ()

        lax.fori_loop(0, _CH, fix_row, (), unroll=False)


def _body(
    x_hbm, ridx_hbm, tab_hbm, out_hbm,
    xb0, xb1, ob0, ob1, ridxbuf, tabbuf,
    isem0, isem1, osem0, osem1,
):
    wid = lax.axis_index("s") * _NC + lax.axis_index("c")
    w_base = wid * _ROWS_PER_W
    pltpu.sync_copy(tab_hbm, tabbuf)
    pltpu.sync_copy(ridx_hbm.at[pl.ds(w_base, _ROWS_PER_W)], ridxbuf)

    xbufs = (xb0, xb1)
    obufs = (ob0, ob1)
    isems = (isem0, isem1)
    osems = (osem0, osem1)

    def in_copy(ci, p):
        return pltpu.make_async_copy(
            x_hbm.at[pl.ds(w_base + ci * _CH, _CH)], xbufs[p], isems[p]
        )

    def out_copy(ci, p):
        return pltpu.make_async_copy(
            obufs[p],
            out_hbm.at[pl.ds(w_base + ci * _CH, _CH)],
            osems[p],
        )

    in_copy(0, 0).start()
    in_copy(1, 1).start()

    def loop_body(k, _):
        for p in range(2):
            ci = 2 * k + p
            in_copy(ci, p).wait()

            @pl.when(ci >= 2)
            def _wait_out():
                out_copy(ci - 2, p).wait()

            _compute_chunk(xbufs[p], obufs[p], ridxbuf, ci * _CH, tabbuf)
            out_copy(ci, p).start()

            @pl.when(ci + 2 < _NCHUNK)
            def _prefetch():
                in_copy(ci + 2, p).start()
        return ()

    lax.fori_loop(0, _NCHUNK // 2, loop_body, (), unroll=False)

    out_copy(_NCHUNK - 2, 0).wait()
    out_copy(_NCHUNK - 1, 1).wait()


@jax.jit
def kernel(x):
    ridx = jax.random.randint(
        jax.random.key(1), (x.shape[0],), 0, _NCOMB
    ).astype(jnp.int32)
    tab = jnp.asarray(
        np.concatenate([_ACOL, _BCOL, _TAILCOL[None, :]], axis=0)
    )
    run = pl.kernel(
        _body,
        out_type=jax.ShapeDtypeStruct((_NROWS, _NCOMB), jnp.float32),
        mesh=plsc.VectorSubcoreMesh(core_axis_name="c", subcore_axis_name="s"),
        scratch_types=[
            pltpu.VMEM((_CH, _NCOL), jnp.float32),
            pltpu.VMEM((_CH, _NCOL), jnp.float32),
            pltpu.VMEM((_CH, _NCOMB), jnp.float32),
            pltpu.VMEM((_CH, _NCOMB), jnp.float32),
            pltpu.VMEM((_ROWS_PER_W,), jnp.int32),
            pltpu.VMEM((2 * _NK + 1, _L), jnp.int32),
            pltpu.SemaphoreType.DMA,
            pltpu.SemaphoreType.DMA,
            pltpu.SemaphoreType.DMA,
            pltpu.SemaphoreType.DMA,
        ],
        compiler_params=pltpu.CompilerParams(needs_layout_passes=False),
    )
    return run(x, ridx, tab)

# --- scband reference (transcript-rebuilt; emitter-appended) ---
"""Pipeline reference for scband-mass-asymmetry-35562329211301 (READ-ONLY COPY).

The authoritative reference and input builder live on the scoring server;
editing this copy changes nothing except your own understanding.
"""

import jax, jax.numpy as jnp
import numpy as np
import itertools


def _get_combos():
    # mirrors MassAsymmetry.getcombos for colacombos = all 2-combinations of 8 objects
    colacombos = [set(c) for c in itertools.combinations(range(8), 2)]
    combos = []
    for i, si in enumerate(colacombos):
        for j, sj in enumerate(colacombos):
            if not si.intersection(sj):
                if [i, j] not in combos and [j, i] not in combos:
                    combos.append([i, j])
    return np.array(sorted(combos), dtype=np.int32)  # [210, 2]

COMBOS = _get_combos()


def setup_inputs(seed: int = 0) -> dict:
    key = jax.random.key(seed)
    # positive 'mass' columns -> no NaNs from 0/0, matching typical usage
    x = jax.random.uniform(key, (131072, 28), dtype=jnp.float32)
    return {"x": x}


def reference(x):
    a_idx = jnp.asarray(COMBOS[:, 0])
    b_idx = jnp.asarray(COMBOS[:, 1])
    # gather the two columns for every combo: x[:, combo] in torch
    xa = jnp.take(x, a_idx, axis=1)  # [B, ncombos]
    xb = jnp.take(x, b_idx, axis=1)  # [B, ncombos]
    fwd = jnp.abs(xa - xb) / (xa + xb)
    # rows where every combo is NaN: write 1 at one random column (torch: fwd[j, idx] = 1)
    row_allnan = jnp.all(jnp.isnan(fwd), axis=1)  # [B]
    ridx = jax.random.randint(jax.random.key(1), (x.shape[0],), 0, fwd.shape[1])
    rows = jnp.arange(x.shape[0])
    cur = fwd[rows, ridx]
    fwd = fwd.at[rows, ridx].set(jnp.where(row_allnan, jnp.float32(1.0), cur))
    # remaining NaNs -> +inf (torch: fwd[torch.isnan(fwd)] = float('inf'))
    fwd = jnp.where(jnp.isnan(fwd), jnp.inf, fwd)
    return fwd

if __name__ == "__main__":
    import jax
    _d = setup_inputs()
    print(jax.jit(kernel)(*tuple(_d.values())))

</pallas_src>

<mosaic_0001>
#map = affine_map<(d0, d1) -> (0, 0)>
#map1 = affine_map<(d0, d1) -> (0)>
module attributes {stable_mosaic.version = 14 : i64} {
  func.func @_body(%arg0: i32, %arg1: i32, %arg2: memref<131072x28xf32, #tpu.memory_space<hbm>>, %arg3: memref<131072xi32, #tpu.memory_space<hbm>>, %arg4: memref<29x16xi32, #tpu.memory_space<hbm>>, %arg5: memref<131072x210xf32, #tpu.memory_space<hbm>>, %arg6: memref<128x28xf32, #tpu.memory_space<vmem>>, %arg7: memref<128x28xf32, #tpu.memory_space<vmem>>, %arg8: memref<128x210xf32, #tpu.memory_space<vmem>>, %arg9: memref<128x210xf32, #tpu.memory_space<vmem>>, %arg10: memref<4096xi32, #tpu.memory_space<vmem>>, %arg11: memref<29x16xi32, #tpu.memory_space<vmem>>, %arg12: memref<!tpu.dma_semaphore, #tpu.memory_space<semaphore_mem>>, %arg13: memref<!tpu.dma_semaphore, #tpu.memory_space<semaphore_mem>>, %arg14: memref<!tpu.dma_semaphore, #tpu.memory_space<semaphore_mem>>, %arg15: memref<!tpu.dma_semaphore, #tpu.memory_space<semaphore_mem>>) attributes {dimension_semantics = [#tpu.dimension_semantics<core_parallel>, #tpu.dimension_semantics<subcore_parallel>], iteration_bounds = array<i64: 2, 16>, scalar_prefetch = 0 : i64, scratch_operands = 10 : i64, tpu.core_type = #tpu.core_type<sc_vector_subcore>, window_params = [{transform_indices = #map}, {transform_indices = #map1}, {transform_indices = #map}, {transform_indices = #map}]} {
    %mul3A = arith.constant 2 : i32
    %mul3A_0 = arith.muli %arg1, %mul3A : i32
    %add3A = arith.addi %mul3A_0, %arg0 : i32
    %mul3A_1 = arith.constant 4096 : i32
    %mul3A_2 = arith.muli %add3A, %mul3A_1 : i32
    "tpu.region"() ({
      %run_scoped3A = tpu.sem_alloc : memref<!tpu.dma_semaphore, #tpu.memory_space<semaphore_mem>>
      tpu.enqueue_dma source(%arg4 : memref<29x16xi32, #tpu.memory_space<hbm>>) target(%arg11 : memref<29x16xi32, #tpu.memory_space<vmem>>) target_semaphore(%run_scoped3A : memref<!tpu.dma_semaphore, #tpu.memory_space<semaphore_mem>>)
      tpu.wait_dma2 semaphore(%run_scoped3A : memref<!tpu.dma_semaphore, #tpu.memory_space<semaphore_mem>>) src(%arg4 : memref<29x16xi32, #tpu.memory_space<hbm>>) dst(%arg11 : memref<29x16xi32, #tpu.memory_space<vmem>>)
      tpu.yield
    }) : () -> ()
    "tpu.region"() ({
      %run_scoped3A = tpu.sem_alloc : memref<!tpu.dma_semaphore, #tpu.memory_space<semaphore_mem>>
      %dma_start3A_29 = tpu.memref_slice %arg3[%mul3A_2] : memref<131072xi32, #tpu.memory_space<hbm>> -> memref<4096xi32, #tpu.memory_space<hbm>>
      %dma_start3A_30 = tpu.memref_slice %arg3[%mul3A_2] : memref<131072xi32, #tpu.memory_space<hbm>> -> memref<4096xi32, #tpu.memory_space<hbm>>
      tpu.enqueue_dma source(%dma_start3A_30 : memref<4096xi32, #tpu.memory_space<hbm>>) target(%arg10 : memref<4096xi32, #tpu.memory_space<vmem>>) target_semaphore(%run_scoped3A : memref<!tpu.dma_semaphore, #tpu.memory_space<semaphore_mem>>)
      %dma_wait3A_31 = tpu.memref_slice %arg3[%mul3A_2] : memref<131072xi32, #tpu.memory_space<hbm>> -> memref<4096xi32, #tpu.memory_space<hbm>>
      %dma_wait3A_32 = tpu.memref_slice %arg3[%mul3A_2] : memref<131072xi32, #tpu.memory_space<hbm>> -> memref<4096xi32, #tpu.memory_space<hbm>>
      tpu.wait_dma2 semaphore(%run_scoped3A : memref<!tpu.dma_semaphore, #tpu.memory_space<semaphore_mem>>) src(%dma_wait3A_32 : memref<4096xi32, #tpu.memory_space<hbm>>) dst(%arg10 : memref<4096xi32, #tpu.memory_space<vmem>>)
      tpu.yield
    }) : () -> ()
    %add3A_3 = arith.constant 0 : i32
    %add3A_4 = arith.addi %mul3A_2, %add3A_3 : i32
    %dma_start3A = arith.constant 0 : i32
    %dma_start3A_5 = tpu.memref_slice %arg2[%add3A_4, %dma_start3A] : memref<131072x28xf32, #tpu.memory_space<hbm>> -> memref<128x28xf32, #tpu.memory_space<hbm>>
    %dma_start3A_6 = arith.constant 0 : i32
    %dma_start3A_7 = tpu.memref_slice %arg2[%add3A_4, %dma_start3A_6] : memref<131072x28xf32, #tpu.memory_space<hbm>> -> memref<128x28xf32, #tpu.memory_space<hbm>>
    tpu.enqueue_dma source(%dma_start3A_7 : memref<128x28xf32, #tpu.memory_space<hbm>>) target(%arg6 : memref<128x28xf32, #tpu.memory_space<vmem>>) target_semaphore(%arg12 : memref<!tpu.dma_semaphore, #tpu.memory_space<semaphore_mem>>)
    %add3A_8 = arith.constant 128 : i32
    %add3A_9 = arith.addi %mul3A_2, %add3A_8 : i32
    %dma_start3A_10 = arith.constant 0 : i32
    %dma_start3A_11 = tpu.memref_slice %arg2[%add3A_9, %dma_start3A_10] : memref<131072x28xf32, #tpu.memory_space<hbm>> -> memref<128x28xf32, #tpu.memory_space<hbm>>
    %dma_start3A_12 = arith.constant 0 : i32
    %dma_start3A_13 = tpu.memref_slice %arg2[%add3A_9, %dma_start3A_12] : memref<131072x28xf32, #tpu.memory_space<hbm>> -> memref<128x28xf32, #tpu.memory_space<hbm>>
    tpu.enqueue_dma source(%dma_start3A_13 : memref<128x28xf32, #tpu.memory_space<hbm>>) target(%arg7 : memref<128x28xf32, #tpu.memory_space<vmem>>) target_semaphore(%arg13 : memref<!tpu.dma_semaphore, #tpu.memory_space<semaphore_mem>>)
    %scan3A = arith.constant 0 : i32
    %scan3A_14 = arith.constant 16 : i32
    %scan3A_15 = arith.addi %scan3A, %scan3A_14 : i32
    %scan3A_16 = arith.constant 1 : i32
    scf.for %scan3A_29 = %scan3A to %scan3A_15 step %scan3A_16  : i32 {
      %mul3A_30 = arith.constant 2 : i32
      %mul3A_31 = arith.muli %mul3A_30, %scan3A_29 : i32
      %add3A_32 = arith.constant 0 : i32
      %add3A_33 = arith.addi %mul3A_31, %add3A_32 : i32
      %mul3A_34 = arith.constant 128 : i32
      %mul3A_35 = arith.muli %add3A_33, %mul3A_34 : i32
      %add3A_36 = arith.addi %mul3A_2, %mul3A_35 : i32
      %dma_wait3A_37 = arith.constant 0 : i32
      %dma_wait3A_38 = tpu.memref_slice %arg2[%add3A_36, %dma_wait3A_37] : memref<131072x28xf32, #tpu.memory_space<hbm>> -> memref<128x28xf32, #tpu.memory_space<hbm>>
      %dma_wait3A_39 = arith.constant 0 : i32
      %dma_wait3A_40 = tpu.memref_slice %arg2[%add3A_36, %dma_wait3A_39] : memref<131072x28xf32, #tpu.memory_space<hbm>> -> memref<128x28xf32, #tpu.memory_space<hbm>>
      tpu.wait_dma2 semaphore(%arg12 : memref<!tpu.dma_semaphore, #tpu.memory_space<semaphore_mem>>) src(%dma_wait3A_40 : memref<128x28xf32, #tpu.memory_space<hbm>>) dst(%arg6 : memref<128x28xf32, #tpu.memory_space<vmem>>)
      %ge3A = arith.constant 2 : i32
      %ge3A_41 = arith.cmpi sge, %add3A_33, %ge3A : i32
      %convert_element_type3A = arith.extui %ge3A_41 : i1 to i32
      %cond3A = arith.constant 0 : i32
      %cond3A_42 = arith.cmpi ne, %convert_element_type3A, %cond3A : i32
      scf.if %cond3A_42 {
        %sub3A = arith.constant 2 : i32
        %sub3A_379 = arith.subi %add3A_33, %sub3A : i32
        %mul3A_380 = arith.constant 128 : i32
        %mul3A_381 = arith.muli %sub3A_379, %mul3A_380 : i32
        %add3A_382 = arith.addi %mul3A_2, %mul3A_381 : i32
        %dma_wait3A_383 = arith.constant 0 : i32
        %dma_wait3A_384 = tpu.memref_slice %arg5[%add3A_382, %dma_wait3A_383] : memref<131072x210xf32, #tpu.memory_space<hbm>> -> memref<128x210xf32, #tpu.memory_space<hbm>>
        %dma_wait3A_385 = arith.constant 0 : i32
        %dma_wait3A_386 = tpu.memref_slice %arg5[%add3A_382, %dma_wait3A_385] : memref<131072x210xf32, #tpu.memory_space<hbm>> -> memref<128x210xf32, #tpu.memory_space<hbm>>
        tpu.wait_dma2 semaphore(%arg14 : memref<!tpu.dma_semaphore, #tpu.memory_space<semaphore_mem>>) src(%arg8 : memref<128x210xf32, #tpu.memory_space<vmem>>) dst(%dma_wait3A_386 : memref<128x210xf32, #tpu.memory_space<hbm>>)
      } else {
      }
      %mul3A_43 = arith.constant 128 : i32
      %mul3A_44 = arith.muli %add3A_33, %mul3A_43 : i32
      %get3A = arith.constant 0 : i32
      %get3A_45 = arith.index_cast %get3A : i32 to index
      %get3A_46 = arith.constant 0 : index
      %get3A_47 = tpu.vector_load %arg11[%get3A_45, %get3A_46] {strides = array<i32>} : memref<29x16xi32, #tpu.memory_space<vmem>>, vector<16xi32>,
      %get3A_48 = arith.constant 1 : i32
      %get3A_49 = arith.index_cast %get3A_48 : i32 to index
      %get3A_50 = arith.constant 0 : index
      %get3A_51 = tpu.vector_load %arg11[%get3A_49, %get3A_50] {strides = array<i32>} : memref<29x16xi32, #tpu.memory_space<vmem>>, vector<16xi32>,
      %get3A_52 = arith.constant 2 : i32
      %get3A_53 = arith.index_cast %get3A_52 : i32 to index
      %get3A_54 = arith.constant 0 : index
      %get3A_55 = tpu.vector_load %arg11[%get3A_53, %get3A_54] {strides = array<i32>} : memref<29x16xi32, #tpu.memory_space<vmem>>, vector<16xi32>,
      %get3A_56 = arith.constant 3 : i32
      %get3A_57 = arith.index_cast %get3A_56 : i32 to index
      %get3A_58 = arith.constant 0 : index
      %get3A_59 = tpu.vector_load %arg11[%get3A_57, %get3A_58] {strides = array<i32>} : memref<29x16xi32, #tpu.memory_space<vmem>>, vector<16xi32>,
      %get3A_60 = arith.constant 4 : i32
      %get3A_61 = arith.index_cast %get3A_60 : i32 to index
      %get3A_62 = arith.constant 0 : index
      %get3A_63 = tpu.vector_load %arg11[%get3A_61, %get3A_62] {strides = array<i32>} : memref<29x16xi32, #tpu.memory_space<vmem>>, vector<16xi32>,
      %get3A_64 = arith.constant 5 : i32
      %get3A_65 = arith.index_cast %get3A_64 : i32 to index
      %get3A_66 = arith.constant 0 : index
      %get3A_67 = tpu.vector_load %arg11[%get3A_65, %get3A_66] {strides = array<i32>} : memref<29x16xi32, #tpu.memory_space<vmem>>, vector<16xi32>,
      %get3A_68 = arith.constant 6 : i32
      %get3A_69 = arith.index_cast %get3A_68 : i32 to index
      %get3A_70 = arith.constant 0 : index
      %get3A_71 = tpu.vector_load %arg11[%get3A_69, %get3A_70] {strides = array<i32>} : memref<29x16xi32, #tpu.memory_space<vmem>>, vector<16xi32>,
      %get3A_72 = arith.constant 7 : i32
      %get3A_73 = arith.index_cast %get3A_72 : i32 to index
      %get3A_74 = arith.constant 0 : index
      %get3A_75 = tpu.vector_load %arg11[%get3A_73, %get3A_74] {strides = array<i32>} : memref<29x16xi32, #tpu.memory_space<vmem>>, vector<16xi32>,
      %get3A_76 = arith.constant 8 : i32
      %get3A_77 = arith.index_cast %get3A_76 : i32 to index
      %get3A_78 = arith.constant 0 : index
      %get3A_79 = tpu.vector_load %arg11[%get3A_77, %get3A_78] {strides = array<i32>} : memref<29x16xi32, #tpu.memory_space<vmem>>, vector<16xi32>,
      %get3A_80 = arith.constant 9 : i32
      %get3A_81 = arith.index_cast %get3A_80 : i32 to index
      %get3A_82 = arith.constant 0 : index
      %get3A_83 = tpu.vector_load %arg11[%get3A_81, %get3A_82] {strides = array<i32>} : memref<29x16xi32, #tpu.memory_space<vmem>>, vector<16xi32>,
      %get3A_84 = arith.constant 10 : i32
      %get3A_85 = arith.index_cast %get3A_84 : i32 to index
      %get3A_86 = arith.constant 0 : index
      %get3A_87 = tpu.vector_load %arg11[%get3A_85, %get3A_86] {strides = array<i32>} : memref<29x16xi32, #tpu.memory_space<vmem>>, vector<16xi32>,
      %get3A_88 = arith.constant 11 : i32
      %get3A_89 = arith.index_cast %get3A_88 : i32 to index
      %get3A_90 = arith.constant 0 : index
      %get3A_91 = tpu.vector_load %arg11[%get3A_89, %get3A_90] {strides = array<i32>} : memref<29x16xi32, #tpu.memory_space<vmem>>, vector<16xi32>,
      %get3A_92 = arith.constant 12 : i32
      %get3A_93 = arith.index_cast %get3A_92 : i32 to index
      %get3A_94 = arith.constant 0 : index
      %get3A_95 = tpu.vector_load %arg11[%get3A_93, %get3A_94] {strides = array<i32>} : memref<29x16xi32, #tpu.memory_space<vmem>>, vector<16xi32>,
      %get3A_96 = arith.constant 13 : i32
      %get3A_97 = arith.index_cast %get3A_96 : i32 to index
      %get3A_98 = arith.constant 0 : index
      %get3A_99 = tpu.vector_load %arg11[%get3A_97, %get3A_98] {strides = array<i32>} : memref<29x16xi32, #tpu.memory_space<vmem>>, vector<16xi32>,
      %get3A_100 = arith.constant 14 : i32
      %get3A_101 = arith.index_cast %get3A_100 : i32 to index
      %get3A_102 = arith.constant 0 : index
      %get3A_103 = tpu.vector_load %arg11[%get3A_101, %get3A_102] {strides = array<i32>} : memref<29x16xi32, #tpu.memory_space<vmem>>, vector<16xi32>,
      %get3A_104 = arith.constant 15 : i32
      %get3A_105 = arith.index_cast %get3A_104 : i32 to index
      %get3A_106 = arith.constant 0 : index
      %get3A_107 = tpu.vector_load %arg11[%get3A_105, %get3A_106] {strides = array<i32>} : memref<29x16xi32, #tpu.memory_space<vmem>>, vector<16xi32>,
      %get3A_108 = arith.constant 16 : i32
      %get3A_109 = arith.index_cast %get3A_108 : i32 to index
      %get3A_110 = arith.constant 0 : index
      %get3A_111 = tpu.vector_load %arg11[%get3A_109, %get3A_110] {strides = array<i32>} : memref<29x16xi32, #tpu.memory_space<vmem>>, vector<16xi32>,
      %get3A_112 = arith.constant 17 : i32
      %get3A_113 = arith.index_cast %get3A_112 : i32 to index
      %get3A_114 = arith.constant 0 : index
      %get3A_115 = tpu.vector_load %arg11[%get3A_113, %get3A_114] {strides = array<i32>} : memref<29x16xi32, #tpu.memory_space<vmem>>, vector<16xi32>,
      %get3A_116 = arith.constant 18 : i32
      %get3A_117 = arith.index_cast %get3A_116 : i32 to index
      %get3A_118 = arith.constant 0 : index
      %get3A_119 = tpu.vector_load %arg11[%get3A_117, %get3A_118] {strides = array<i32>} : memref<29x16xi32, #tpu.memory_space<vmem>>, vector<16xi32>,
      %get3A_120 = arith.constant 19 : i32
      %get3A_121 = arith.index_cast %get3A_120 : i32 to index
      %get3A_122 = arith.constant 0 : index
      %get3A_123 = tpu.vector_load %arg11[%get3A_121, %get3A_122] {strides = array<i32>} : memref<29x16xi32, #tpu.memory_space<vmem>>, vector<16xi32>,
      %get3A_124 = arith.constant 20 : i32
      %get3A_125 = arith.index_cast %get3A_124 : i32 to index
      %get3A_126 = arith.constant 0 : index
      %get3A_127 = tpu.vector_load %arg11[%get3A_125, %get3A_126] {strides = array<i32>} : memref<29x16xi32, #tpu.memory_space<vmem>>, vector<16xi32>,
      %get3A_128 = arith.constant 21 : i32
      %get3A_129 = arith.index_cast %get3A_128 : i32 to index
      %get3A_130 = arith.constant 0 : index
      %get3A_131 = tpu.vector_load %arg11[%get3A_129, %get3A_130] {strides = array<i32>} : memref<29x16xi32, #tpu.memory_space<vmem>>, vector<16xi32>,
      %get3A_132 = arith.constant 22 : i32
      %get3A_133 = arith.index_cast %get3A_132 : i32 to index
      %get3A_134 = arith.constant 0 : index
      %get3A_135 = tpu.vector_load %arg11[%get3A_133, %get3A_134] {strides = array<i32>} : memref<29x16xi32, #tpu.memory_space<vmem>>, vector<16xi32>,
      %get3A_136 = arith.constant 23 : i32
      %get3A_137 = arith.index_cast %get3A_136 : i32 to index
      %get3A_138 = arith.constant 0 : index
      %get3A_139 = tpu.vector_load %arg11[%get3A_137, %get3A_138] {strides = array<i32>} : memref<29x16xi32, #tpu.memory_space<vmem>>, vector<16xi32>,
      %get3A_140 = arith.constant 24 : i32
      %get3A_141 = arith.index_cast %get3A_140 : i32 to index
      %get3A_142 = arith.constant 0 : index
      %get3A_143 = tpu.vector_load %arg11[%get3A_141, %get3A_142] {strides = array<i32>} : memref<29x16xi32, #tpu.memory_space<vmem>>, vector<16xi32>,
      %get3A_144 = arith.constant 25 : i32
      %get3A_145 = arith.index_cast %get3A_144 : i32 to index
      %get3A_146 = arith.constant 0 : index
      %get3A_147 = tpu.vector_load %arg11[%get3A_145, %get3A_146] {strides = array<i32>} : memref<29x16xi32, #tpu.memory_space<vmem>>, vector<16xi32>,
      %get3A_148 = arith.constant 26 : i32
      %get3A_149 = arith.index_cast %get3A_148 : i32 to index
      %get3A_150 = arith.constant 0 : index
      %get3A_151 = tpu.vector_load %arg11[%get3A_149, %get3A_150] {strides = array<i32>} : memref<29x16xi32, #tpu.memory_space<vmem>>, vector<16xi32>,
      %get3A_152 = arith.constant 27 : i32
      %get3A_153 = arith.index_cast %get3A_152 : i32 to index
      %get3A_154 = arith.constant 0 : index
      %get3A_155 = tpu.vector_load %arg11[%get3A_153, %get3A_154] {strides = array<i32>} : memref<29x16xi32, #tpu.memory_space<vmem>>, vector<16xi32>,
      %get3A_156 = arith.constant 28 : i32
      %get3A_157 = arith.index_cast %get3A_156 : i32 to index
      %get3A_158 = arith.constant 0 : index
      %get3A_159 = tpu.vector_load %arg11[%get3A_157, %get3A_158] {strides = array<i32>} : memref<29x16xi32, #tpu.memory_space<vmem>>, vector<16xi32>,
      %iota3A = tpu.iota {dimensions = array<i32: 0>} : vector<16xi32>
      %lt3A = arith.constant 2 : i32
      %lt3A_160 = vector.broadcast %lt3A : i32 to vector<16xi32>
      %lt3A_161 = arith.cmpi slt, %iota3A, %lt3A_160 : vector<16xi32>
      %broadcast_in_dim3A = arith.constant 1.000000e+00 : f32
      %broadcast_in_dim3A_162 = vector.broadcast %broadcast_in_dim3A : f32 to vector<16xf32>
      %scan3A_163 = arith.constant 0 : i32
      %scan3A_164 = arith.constant 128 : i32
      %scan3A_165 = arith.addi %scan3A_163, %scan3A_164 : i32
      %scan3A_166 = arith.constant 4 : i32
      %scan3A_167 = scf.for %scan3A_379 = %scan3A_163 to %scan3A_165 step %scan3A_166 iter_args(%scan3A_380 = %broadcast_in_dim3A_162) -> (vector<16xf32>)  : i32 {
        %broadcast_in_dim3A_381 = vector.broadcast %scan3A_379 : i32 to vector<16xi32>
        %gather3A = tpu.vector_load_idx %arg6[%broadcast_in_dim3A_381, %get3A_47] : memref<128x28xf32, #tpu.memory_space<vmem>>[vector<16xi32>, vector<16xi32>], vector<16xf32>,
        %gather3A_382 = tpu.vector_load_idx %arg6[%broadcast_in_dim3A_381, %get3A_103] : memref<128x28xf32, #tpu.memory_space<vmem>>[vector<16xi32>, vector<16xi32>], vector<16xf32>,
        %add3A_383 = arith.addf %gather3A, %gather3A_382 : vector<16xf32>
        %sub3A = arith.subf %gather3A, %gather3A_382 : vector<16xf32>
        %abs3A = math.absf %sub3A : vector<16xf32>
        %div3A = arith.divf %abs3A, %add3A_383 : vector<16xf32>
        %min3A = arith.minimumf %scan3A_380, %add3A_383 : vector<16xf32>
        %gather3A_384 = tpu.vector_load_idx %arg6[%broadcast_in_dim3A_381, %get3A_51] : memref<128x28xf32, #tpu.memory_space<vmem>>[vector<16xi32>, vector<16xi32>], vector<16xf32>,
        %gather3A_385 = tpu.vector_load_idx %arg6[%broadcast_in_dim3A_381, %get3A_107] : memref<128x28xf32, #tpu.memory_space<vmem>>[vector<16xi32>, vector<16xi32>], vector<16xf32>,
        %add3A_386 = arith.addf %gather3A_384, %gather3A_385 : vector<16xf32>
        %sub3A_387 = arith.subf %gather3A_384, %gather3A_385 : vector<16xf32>
        %abs3A_388 = math.absf %sub3A_387 : vector<16xf32>
        %div3A_389 = arith.divf %abs3A_388, %add3A_386 : vector<16xf32>
        %min3A_390 = arith.minimumf %min3A, %add3A_386 : vector<16xf32>
        %gather3A_391 = tpu.vector_load_idx %arg6[%broadcast_in_dim3A_381, %get3A_55] : memref<128x28xf32, #tpu.memory_space<vmem>>[vector<16xi32>, vector<16xi32>], vector<16xf32>,
        %gather3A_392 = tpu.vector_load_idx %arg6[%broadcast_in_dim3A_381, %get3A_111] : memref<128x28xf32, #tpu.memory_space<vmem>>[vector<16xi32>, vector<16xi32>], vector<16xf32>,
        %add3A_393 = arith.addf %gather3A_391, %gather3A_392 : vector<16xf32>
        %sub3A_394 = arith.subf %gather3A_391, %gather3A_392 : vector<16xf32>
        %abs3A_395 = math.absf %sub3A_394 : vector<16xf32>
        %div3A_396 = arith.divf %abs3A_395, %add3A_393 : vector<16xf32>
        %min3A_397 = arith.minimumf %min3A_390, %add3A_393 : vector<16xf32>
        %gather3A_398 = tpu.vector_load_idx %arg6[%broadcast_in_dim3A_381, %get3A_59] : memref<128x28xf32, #tpu.memory_space<vmem>>[vector<16xi32>, vector<16xi32>], vector<16xf32>,
        %gather3A_399 = tpu.vector_load_idx %arg6[%broadcast_in_dim3A_381, %get3A_115] : memref<128x28xf32, #tpu.memory_space<vmem>>[vector<16xi32>, vector<16xi32>], vector<16xf32>,
        %add3A_400 = arith.addf %gather3A_398, %gather3A_399 : vector<16xf32>
        %sub3A_401 = arith.subf %gather3A_398, %gather3A_399 : vector<16xf32>
        %abs3A_402 = math.absf %sub3A_401 : vector<16xf32>
        %div3A_403 = arith.divf %abs3A_402, %add3A_400 : vector<16xf32>
        %min3A_404 = arith.minimumf %min3A_397, %add3A_400 : vector<16xf32>
        %gather3A_405 = tpu.vector_load_idx %arg6[%broadcast_in_dim3A_381, %get3A_63] : memref<128x28xf32, #tpu.memory_space<vmem>>[vector<16xi32>, vector<16xi32>], vector<16xf32>,
        %gather3A_406 = tpu.vector_load_idx %arg6[%broadcast_in_dim3A_381, %get3A_119] : memref<128x28xf32, #tpu.memory_space<vmem>>[vector<16xi32>, vector<16xi32>], vector<16xf32>,
        %add3A_407 = arith.addf %gather3A_405, %gather3A_406 : vector<16xf32>
        %sub3A_408 = arith.subf %gather3A_405, %gather3A_406 : vector<16xf32>
        %abs3A_409 = math.absf %sub3A_408 : vector<16xf32>
        %div3A_410 = arith.divf %abs3A_409, %add3A_407 : vector<16xf32>
        %min3A_411 = arith.minimumf %min3A_404, %add3A_407 : vector<16xf32>
        %gather3A_412 = tpu.vector_load_idx %arg6[%broadcast_in_dim3A_381, %get3A_67] : memref<128x28xf32, #tpu.memory_space<vmem>>[vector<16xi32>, vector<16xi32>], vector<16xf32>,
        %gather3A_413 = tpu.vector_load_idx %arg6[%broadcast_in_dim3A_381, %get3A_123] : memref<128x28xf32, #tpu.memory_space<vmem>>[vector<16xi32>, vector<16xi32>], vector<16xf32>,
        %add3A_414 = arith.addf %gather3A_412, %gather3A_413 : vector<16xf32>
        %sub3A_415 = arith.subf %gather3A_412, %gather3A_413 : vector<16xf32>
        %abs3A_416 = math.absf %sub3A_415 : vector<16xf32>
        %div3A_417 = arith.divf %abs3A_416, %add3A_414 : vector<16xf32>
        %min3A_418 = arith.minimumf %min3A_411, %add3A_414 : vector<16xf32>
        %gather3A_419 = tpu.vector_load_idx %arg6[%broadcast_in_dim3A_381, %get3A_71] : memref<128x28xf32, #tpu.memory_space<vmem>>[vector<16xi32>, vector<16xi32>], vector<16xf32>,
        %gather3A_420 = tpu.vector_load_idx %arg6[%broadcast_in_dim3A_381, %get3A_127] : memref<128x28xf32, #tpu.memory_space<vmem>>[vector<16xi32>, vector<16xi32>], vector<16xf32>,
        %add3A_421 = arith.addf %gather3A_419, %gather3A_420 : vector<16xf32>
        %sub3A_422 = arith.subf %gather3A_419, %gather3A_420 : vector<16xf32>
        %abs3A_423 = math.absf %sub3A_422 : vector<16xf32>
        %div3A_424 = arith.divf %abs3A_423, %add3A_421 : vector<16xf32>
        %min3A_425 = arith.minimumf %min3A_418, %add3A_421 : vector<16xf32>
        %gather3A_426 = tpu.vector_load_idx %arg6[%broadcast_in_dim3A_381, %get3A_75] : memref<128x28xf32, #tpu.memory_space<vmem>>[vector<16xi32>, vector<16xi32>], vector<16xf32>,
        %gather3A_427 = tpu.vector_load_idx %arg6[%broadcast_in_dim3A_381, %get3A_131] : memref<128x28xf32, #tpu.memory_space<vmem>>[vector<16xi32>, vector<16xi32>], vector<16xf32>,
        %add3A_428 = arith.addf %gather3A_426, %gather3A_427 : vector<16xf32>
        %sub3A_429 = arith.subf %gather3A_426, %gather3A_427 : vector<16xf32>
        %abs3A_430 = math.absf %sub3A_429 : vector<16xf32>
        %div3A_431 = arith.divf %abs3A_430, %add3A_428 : vector<16xf32>
        %min3A_432 = arith.minimumf %min3A_425, %add3A_428 : vector<16xf32>
        %gather3A_433 = tpu.vector_load_idx %arg6[%broadcast_in_dim3A_381, %get3A_79] : memref<128x28xf32, #tpu.memory_space<vmem>>[vector<16xi32>, vector<16xi32>], vector<16xf32>,
        %gather3A_434 = tpu.vector_load_idx %arg6[%broadcast_in_dim3A_381, %get3A_135] : memref<128x28xf32, #tpu.memory_space<vmem>>[vector<16xi32>, vector<16xi32>], vector<16xf32>,
        %add3A_435 = arith.addf %gather3A_433, %gather3A_434 : vector<16xf32>
        %sub3A_436 = arith.subf %gather3A_433, %gather3A_434 : vector<16xf32>
        %abs3A_437 = math.absf %sub3A_436 : vector<16xf32>
        %div3A_438 = arith.divf %abs3A_437, %add3A_435 : vector<16xf32>
        %min3A_439 = arith.minimumf %min3A_432, %add3A_435 : vector<16xf32>
        %gather3A_440 = tpu.vector_load_idx %arg6[%broadcast_in_dim3A_381, %get3A_83] : memref<128x28xf32, #tpu.memory_space<vmem>>[vector<16xi32>, vector<16xi32>], vector<16xf32>,
        %gather3A_441 = tpu.vector_load_idx %arg6[%broadcast_in_dim3A_381, %get3A_139] : memref<128x28xf32, #tpu.memory_space<vmem>>[vector<16xi32>, vector<16xi32>], vector<16xf32>,
        %add3A_442 = arith.addf %gather3A_440, %gather3A_441 : vector<16xf32>
        %sub3A_443 = arith.subf %gather3A_440, %gather3A_441 : vector<16xf32>
        %abs3A_444 = math.absf %sub3A_443 : vector<16xf32>
        %div3A_445 = arith.divf %abs3A_444, %add3A_442 : vector<16xf32>
        %min3A_446 = arith.minimumf %min3A_439, %add3A_442 : vector<16xf32>
        %gather3A_447 = tpu.vector_load_idx %arg6[%broadcast_in_dim3A_381, %get3A_87] : memref<128x28xf32, #tpu.memory_space<vmem>>[vector<16xi32>, vector<16xi32>], vector<16xf32>,
        %gather3A_448 = tpu.vector_load_idx %arg6[%broadcast_in_dim3A_381, %get3A_143] : memref<128x28xf32, #tpu.memory_space<vmem>>[vector<16xi32>, vector<16xi32>], vector<16xf32>,
        %add3A_449 = arith.addf %gather3A_447, %gather3A_448 : vector<16xf32>
        %sub3A_450 = arith.subf %gather3A_447, %gather3A_448 : vector<16xf32>
        %abs3A_451 = math.absf %sub3A_450 : vector<16xf32>
        %div3A_452 = arith.divf %abs3A_451, %add3A_449 : vector<16xf32>
        %min3A_453 = arith.minimumf %min3A_446, %add3A_449 : vector<16xf32>
        %gather3A_454 = tpu.vector_load_idx %arg6[%broadcast_in_dim3A_381, %get3A_91] : memref<128x28xf32, #tpu.memory_space<vmem>>[vector<16xi32>, vector<16xi32>], vector<16xf32>,
        %gather3A_455 = tpu.vector_load_idx %arg6[%broadcast_in_dim3A_381, %get3A_147] : memref<128x28xf32, #tpu.memory_space<vmem>>[vector<16xi32>, vector<16xi32>], vector<16xf32>,
        %add3A_456 = arith.addf %gather3A_454, %gather3A_455 : vector<16xf32>
        %sub3A_457 = arith.subf %gather3A_454, %gather3A_455 : vector<16xf32>
        %abs3A_458 = math.absf %sub3A_457 : vector<16xf32>
        %div3A_459 = arith.divf %abs3A_458, %add3A_456 : vector<16xf32>
        %min3A_460 = arith.minimumf %min3A_453, %add3A_456 : vector<16xf32>
        %gather3A_461 = tpu.vector_load_idx %arg6[%broadcast_in_dim3A_381, %get3A_95] : memref<128x28xf32, #tpu.memory_space<vmem>>[vector<16xi32>, vector<16xi32>], vector<16xf32>,
        %gather3A_462 = tpu.vector_load_idx %arg6[%broadcast_in_dim3A_381, %get3A_151] : memref<128x28xf32, #tpu.memory_space<vmem>>[vector<16xi32>, vector<16xi32>], vector<16xf32>,
        %add3A_463 = arith.addf %gather3A_461, %gather3A_462 : vector<16xf32>
        %sub3A_464 = arith.subf %gather3A_461, %gather3A_462 : vector<16xf32>
        %abs3A_465 = math.absf %sub3A_464 : vector<16xf32>
        %div3A_466 = arith.divf %abs3A_465, %add3A_463 : vector<16xf32>
        %min3A_467 = arith.minimumf %min3A_460, %add3A_463 : vector<16xf32>
        %gather3A_468 = tpu.vector_load_idx %arg6[%broadcast_in_dim3A_381, %get3A_99] : memref<128x28xf32, #tpu.memory_space<vmem>>[vector<16xi32>, vector<16xi32>], vector<16xf32>,
        %gather3A_469 = tpu.vector_load_idx %arg6[%broadcast_in_dim3A_381, %get3A_155] : memref<128x28xf32, #tpu.memory_space<vmem>>[vector<16xi32>, vector<16xi32>], vector<16xf32>,
        %add3A_470 = arith.addf %gather3A_468, %gather3A_469 : vector<16xf32>
        %sub3A_471 = arith.subf %gather3A_468, %gather3A_469 : vector<16xf32>
        %abs3A_472 = math.absf %sub3A_471 : vector<16xf32>
        %div3A_473 = arith.divf %abs3A_472, %add3A_470 : vector<16xf32>
        %min3A_474 = arith.minimumf %min3A_467, %add3A_470 : vector<16xf32>
        %swap3A = arith.index_cast %scan3A_379 : i32 to index
        %swap3A_475 = arith.constant 0 : index
        %swap3A_476 = tpu.vector_load %arg8[%swap3A, %swap3A_475] {strides = array<i32>} : memref<128x210xf32, #tpu.memory_space<vmem>>, vector<16xf32>,
        tpu.vector_store %arg8[%swap3A, %swap3A_475], %div3A {strides = array<i32>} : memref<128x210xf32, #tpu.memory_space<vmem>>, vector<16xf32>,
        %swap3A_477 = arith.index_cast %scan3A_379 : i32 to index
        %swap3A_478 = arith.constant 16 : index
        %swap3A_479 = tpu.vector_load %arg8[%swap3A_477, %swap3A_478] {strides = array<i32>} : memref<128x210xf32, #tpu.memory_space<vmem>>, vector<16xf32>,
        tpu.vector_store %arg8[%swap3A_477, %swap3A_478], %div3A_389 {strides = array<i32>} : memref<128x210xf32, #tpu.memory_space<vmem>>, vector<16xf32>,
        %swap3A_480 = arith.index_cast %scan3A_379 : i32 to index
        %swap3A_481 = arith.constant 32 : index
        %swap3A_482 = tpu.vector_load %arg8[%swap3A_480, %swap3A_481] {strides = array<i32>} : memref<128x210xf32, #tpu.memory_space<vmem>>, vector<16xf32>,
        tpu.vector_store %arg8[%swap3A_480, %swap3A_481], %div3A_396 {strides = array<i32>} : memref<128x210xf32, #tpu.memory_space<vmem>>, vector<16xf32>,
        %swap3A_483 = arith.index_cast %scan3A_379 : i32 to index
        %swap3A_484 = arith.constant 48 : index
        %swap3A_485 = tpu.vector_load %arg8[%swap3A_483, %swap3A_484] {strides = array<i32>} : memref<128x210xf32, #tpu.memory_space<vmem>>, vector<16xf32>,
        tpu.vector_store %arg8[%swap3A_483, %swap3A_484], %div3A_403 {strides = array<i32>} : memref<128x210xf32, #tpu.memory_space<vmem>>, vector<16xf32>,
        %swap3A_486 = arith.index_cast %scan3A_379 : i32 to index
        %swap3A_487 = arith.constant 64 : index
        %swap3A_488 = tpu.vector_load %arg8[%swap3A_486, %swap3A_487] {strides = array<i32>} : memref<128x210xf32, #tpu.memory_space<vmem>>, vector<16xf32>,
        tpu.vector_store %arg8[%swap3A_486, %swap3A_487], %div3A_410 {strides = array<i32>} : memref<128x210xf32, #tpu.memory_space<vmem>>, vector<16xf32>,
        %swap3A_489 = arith.index_cast %scan3A_379 : i32 to index
        %swap3A_490 = arith.constant 80 : index
        %swap3A_491 = tpu.vector_load %arg8[%swap3A_489, %swap3A_490] {strides = array<i32>} : memref<128x210xf32, #tpu.memory_space<vmem>>, vector<16xf32>,
        tpu.vector_store %arg8[%swap3A_489, %swap3A_490], %div3A_417 {strides = array<i32>} : memref<128x210xf32, #tpu.memory_space<vmem>>, vector<16xf32>,
        %swap3A_492 = arith.index_cast %scan3A_379 : i32 to index
        %swap3A_493 = arith.constant 96 : index
        %swap3A_494 = tpu.vector_load %arg8[%swap3A_492, %swap3A_493] {strides = array<i32>} : memref<128x210xf32, #tpu.memory_space<vmem>>, vector<16xf32>,
        tpu.vector_store %arg8[%swap3A_492, %swap3A_493], %div3A_424 {strides = array<i32>} : memref<128x210xf32, #tpu.memory_space<vmem>>, vector<16xf32>,
        %swap3A_495 = arith.index_cast %scan3A_379 : i32 to index
        %swap3A_496 = arith.constant 112 : index
        %swap3A_497 = tpu.vector_load %arg8[%swap3A_495, %swap3A_496] {strides = array<i32>} : memref<128x210xf32, #tpu.memory_space<vmem>>, vector<16xf32>,
        tpu.vector_store %arg8[%swap3A_495, %swap3A_496], %div3A_431 {strides = array<i32>} : memref<128x210xf32, #tpu.memory_space<vmem>>, vector<16xf32>,
        %swap3A_498 = arith.index_cast %scan3A_379 : i32 to index
        %swap3A_499 = arith.constant 128 : index
        %swap3A_500 = tpu.vector_load %arg8[%swap3A_498, %swap3A_499] {strides = array<i32>} : memref<128x210xf32, #tpu.memory_space<vmem>>, vector<16xf32>,
        tpu.vector_store %arg8[%swap3A_498, %swap3A_499], %div3A_438 {strides = array<i32>} : memref<128x210xf32, #tpu.memory_space<vmem>>, vector<16xf32>,
        %swap3A_501 = arith.index_cast %scan3A_379 : i32 to index
        %swap3A_502 = arith.constant 144 : index
        %swap3A_503 = tpu.vector_load %arg8[%swap3A_501, %swap3A_502] {strides = array<i32>} : memref<128x210xf32, #tpu.memory_space<vmem>>, vector<16xf32>,
        tpu.vector_store %arg8[%swap3A_501, %swap3A_502], %div3A_445 {strides = array<i32>} : memref<128x210xf32, #tpu.memory_space<vmem>>, vector<16xf32>,
        %swap3A_504 = arith.index_cast %scan3A_379 : i32 to index
        %swap3A_505 = arith.constant 160 : index
        %swap3A_506 = tpu.vector_load %arg8[%swap3A_504, %swap3A_505] {strides = array<i32>} : memref<128x210xf32, #tpu.memory_space<vmem>>, vector<16xf32>,
        tpu.vector_store %arg8[%swap3A_504, %swap3A_505], %div3A_452 {strides = array<i32>} : memref<128x210xf32, #tpu.memory_space<vmem>>, vector<16xf32>,
        %swap3A_507 = arith.index_cast %scan3A_379 : i32 to index
        %swap3A_508 = arith.constant 176 : index
        %swap3A_509 = tpu.vector_load %arg8[%swap3A_507, %swap3A_508] {strides = array<i32>} : memref<128x210xf32, #tpu.memory_space<vmem>>, vector<16xf32>,
        tpu.vector_store %arg8[%swap3A_507, %swap3A_508], %div3A_459 {strides = array<i32>} : memref<128x210xf32, #tpu.memory_space<vmem>>, vector<16xf32>,
        %swap3A_510 = arith.index_cast %scan3A_379 : i32 to index
        %swap3A_511 = arith.constant 192 : index
        %swap3A_512 = tpu.vector_load %arg8[%swap3A_510, %swap3A_511] {strides = array<i32>} : memref<128x210xf32, #tpu.memory_space<vmem>>, vector<16xf32>,
        tpu.vector_store %arg8[%swap3A_510, %swap3A_511], %div3A_466 {strides = array<i32>} : memref<128x210xf32, #tpu.memory_space<vmem>>, vector<16xf32>,
        tpu.vector_store_idx %arg8[%broadcast_in_dim3A_381, %get3A_159], %div3A_473 masked %lt3A_161 : memref<128x210xf32, #tpu.memory_space<vmem>>[vector<16xi32>, vector<16xi32>], vector<16xf32>, vector<16xi1>
        %scan3A_513 = arith.constant 1 : i32
        %scan3A_514 = arith.addi %scan3A_379, %scan3A_513 : i32
        %broadcast_in_dim3A_515 = vector.broadcast %scan3A_514 : i32 to vector<16xi32>
        %gather3A_516 = tpu.vector_load_idx %arg6[%broadcast_in_dim3A_515, %get3A_47] : memref<128x28xf32, #tpu.memory_space<vmem>>[vector<16xi32>, vector<16xi32>], vector<16xf32>,
        %gather3A_517 = tpu.vector_load_idx %arg6[%broadcast_in_dim3A_515, %get3A_103] : memref<128x28xf32, #tpu.memory_space<vmem>>[vector<16xi32>, vector<16xi32>], vector<16xf32>,
        %add3A_518 = arith.addf %gather3A_516, %gather3A_517 : vector<16xf32>
        %sub3A_519 = arith.subf %gather3A_516, %gather3A_517 : vector<16xf32>
        %abs3A_520 = math.absf %sub3A_519 : vector<16xf32>
        %div3A_521 = arith.divf %abs3A_520, %add3A_518 : vector<16xf32>
        %min3A_522 = arith.minimumf %min3A_474, %add3A_518 : vector<16xf32>
        %gather3A_523 = tpu.vector_load_idx %arg6[%broadcast_in_dim3A_515, %get3A_51] : memref<128x28xf32, #tpu.memory_space<vmem>>[vector<16xi32>, vector<16xi32>], vector<16xf32>,
        %gather3A_524 = tpu.vector_load_idx %arg6[%broadcast_in_dim3A_515, %get3A_107] : memref<128x28xf32, #tpu.memory_space<vmem>>[vector<16xi32>, vector<16xi32>], vector<16xf32>,
        %add3A_525 = arith.addf %gather3A_523, %gather3A_524 : vector<16xf32>
        %sub3A_526 = arith.subf %gather3A_523, %gather3A_524 : vector<16xf32>
        %abs3A_527 = math.absf %sub3A_526 : vector<16xf32>
        %div3A_528 = arith.divf %abs3A_527, %add3A_525 : vector<16xf32>
        %min3A_529 = arith.minimumf %min3A_522, %add3A_525 : vector<16xf32>
        %gather3A_530 = tpu.vector_load_idx %arg6[%broadcast_in_dim3A_515, %get3A_55] : memref<128x28xf32, #tpu.memory_space<vmem>>[vector<16xi32>, vector<16xi32>], vector<16xf32>,
        %gather3A_531 = tpu.vector_load_idx %arg6[%broadcast_in_dim3A_515, %get3A_111] : memref<128x28xf32, #tpu.memory_space<vmem>>[vector<16xi32>, vector<16xi32>], vector<16xf32>,
        %add3A_532 = arith.addf %gather3A_530, %gather3A_531 : vector<16xf32>
        %sub3A_533 = arith.subf %gather3A_530, %gather3A_531 : vector<16xf32>
        %abs3A_534 = math.absf %sub3A_533 : vector<16xf32>
        %div3A_535 = arith.divf %abs3A_534, %add3A_532 : vector<16xf32>
        %min3A_536 = arith.minimumf %min3A_529, %add3A_532 : vector<16xf32>
        %gather3A_537 = tpu.vector_load_idx %arg6[%broadcast_in_dim3A_515, %get3A_59] : memref<128x28xf32, #tpu.memory_space<vmem>>[vector<16xi32>, vector<16xi32>], vector<16xf32>,
        %gather3A_538 = tpu.vector_load_idx %arg6[%broadcast_in_dim3A_515, %get3A_115] : memref<128x28xf32, #tpu.memory_space<vmem>>[vector<16xi32>, vector<16xi32>], vector<16xf32>,
        %add3A_539 = arith.addf %gather3A_537, %gather3A_538 : vector<16xf32>
        %sub3A_540 = arith.subf %gather3A_537, %gather3A_538 : vector<16xf32>
        %abs3A_541 = math.absf %sub3A_540 : vector<16xf32>
        %div3A_542 = arith.divf %abs3A_541, %add3A_539 : vector<16xf32>
        %min3A_543 = arith.minimumf %min3A_536, %add3A_539 : vector<16xf32>
        %gather3A_544 = tpu.vector_load_idx %arg6[%broadcast_in_dim3A_515, %get3A_63] : memref<128x28xf32, #tpu.memory_space<vmem>>[vector<16xi32>, vector<16xi32>], vector<16xf32>,
        %gather3A_545 = tpu.vector_load_idx %arg6[%broadcast_in_dim3A_515, %get3A_119] : memref<128x28xf32, #tpu.memory_space<vmem>>[vector<16xi32>, vector<16xi32>], vector<16xf32>,
        %add3A_546 = arith.addf %gather3A_544, %gather3A_545 : vector<16xf32>
        %sub3A_547 = arith.subf %gather3A_544, %gather3A_545 : vector<16xf32>
        %abs3A_548 = math.absf %sub3A_547 : vector<16xf32>
        %div3A_549 = arith.divf %abs3A_548, %add3A_546 : vector<16xf32>
        %min3A_550 = arith.minimumf %min3A_543, %add3A_546 : vector<16xf32>
        %gather3A_551 = tpu.vector_load_idx %arg6[%broadcast_in_dim3A_515, %get3A_67] : memref<128x28xf32, #tpu.memory_space<vmem>>[vector<16xi32>, vector<16xi32>], vector<16xf32>,
        %gather3A_552 = tpu.vector_load_idx %arg6[%broadcast_in_dim3A_515, %get3A_123] : memref<128x28xf32, #tpu.memory_space<vmem>>[vector<16xi32>, vector<16xi32>], vector<16xf32>,
        %add3A_553 = arith.addf %gather3A_551, %gather3A_552 : vector<16xf32>
        %sub3A_554 = arith.subf %gather3A_551, %gather3A_552 : vector<16xf32>
        %abs3A_555 = math.absf %sub3A_554 : vector<16xf32>
        %div3A_556 = arith.divf %abs3A_555, %add3A_553 : vector<16xf32>
        %min3A_557 = arith.minimumf %min3A_550, %add3A_553 : vector<16xf32>
        %gather3A_558 = tpu.vector_load_idx %arg6[%broadcast_in_dim3A_515, %get3A_71] : memref<128x28xf32, #tpu.memory_space<vmem>>[vector<16xi32>, vector<16xi32>], vector<16xf32>,
        %gather3A_559 = tpu.vector_load_idx %arg6[%broadcast_in_dim3A_515, %get3A_127] : memref<128x28xf32, #tpu.memory_space<vmem>>[vector<16xi32>, vector<16xi32>], vector<16xf32>,
        %add3A_560 = arith.addf %gather3A_558, %gather3A_559 : vector<16xf32>
        %sub3A_561 = arith.subf %gather3A_558, %gather3A_559 : vector<16xf32>
        %abs3A_562 = math.absf %sub3A_561 : vector<16xf32>
        %div3A_563 = arith.divf %abs3A_562, %add3A_560 : vector<16xf32>
        %min3A_564 = arith.minimumf %min3A_557, %add3A_560 : vector<16xf32>
        %gather3A_565 = tpu.vector_load_idx %arg6[%broadcast_in_dim3A_515, %get3A_75] : memref<128x28xf32, #tpu.memory_space<vmem>>[vector<16xi32>, vector<16xi32>], vector<16xf32>,
        %gather3A_566 = tpu.vector_load_idx %arg6[%broadcast_in_dim3A_515, %get3A_131] : memref<128x28xf32, #tpu.memory_space<vmem>>[vector<16xi32>, vector<16xi32>], vector<16xf32>,
        %add3A_567 = arith.addf %gather3A_565, %gather3A_566 : vector<16xf32>
        %sub3A_568 = arith.subf %gather3A_565, %gather3A_566 : vector<16xf32>
        %abs3A_569 = math.absf %sub3A_568 : vector<16xf32>
        %div3A_570 = arith.divf %abs3A_569, %add3A_567 : vector<16xf32>
        %min3A_571 = arith.minimumf %min3A_564, %add3A_567 : vector<16xf32>
        %gather3A_572 = tpu.vector_load_idx %arg6[%broadcast_in_dim3A_515, %get3A_79] : memref<128x28xf32, #tpu.memory_space<vmem>>[vector<16xi32>, vector<16xi32>], vector<16xf32>,
        %gather3A_573 = tpu.vector_load_idx %arg6[%broadcast_in_dim3A_515, %get3A_135] : memref<128x28xf32, #tpu.memory_space<vmem>>[vector<16xi32>, vector<16xi32>], vector<16xf32>,
        %add3A_574 = arith.addf %gather3A_572, %gather3A_573 : vector<16xf32>
        %sub3A_575 = arith.subf %gather3A_572, %gather3A_573 : vector<16xf32>
        %abs3A_576 = math.absf %sub3A_575 : vector<16xf32>
        %div3A_577 = arith.divf %abs3A_576, %add3A_574 : vector<16xf32>
        %min3A_578 = arith.minimumf %min3A_571, %add3A_574 : vector<16xf32>
        %gather3A_579 = tpu.vector_load_idx %arg6[%broadcast_in_dim3A_515, %get3A_83] : memref<128x28xf32, #tpu.memory_space<vmem>>[vector<16xi32>, vector<16xi32>], vector<16xf32>,
        %gather3A_580 = tpu.vector_load_idx %arg6[%broadcast_in_dim3A_515, %get3A_139] : memref<128x28xf32, #tpu.memory_space<vmem>>[vector<16xi32>, vector<16xi32>], vector<16xf32>,
        %add3A_581 = arith.addf %gather3A_579, %gather3A_580 : vector<16xf32>
        %sub3A_582 = arith.subf %gather3A_579, %gather3A_580 : vector<16xf32>
        %abs3A_583 = math.absf %sub3A_582 : vector<16xf32>
        %div3A_584 = arith.divf %abs3A_583, %add3A_581 : vector<16xf32>
        %min3A_585 = arith.minimumf %min3A_578, %add3A_581 : vector<16xf32>
        %gather3A_586 = tpu.vector_load_idx %arg6[%broadcast_in_dim3A_515, %get3A_87] : memref<128x28xf32, #tpu.memory_space<vmem>>[vector<16xi32>, vector<16xi32>], vector<16xf32>,
        %gather3A_587 = tpu.vector_load_idx %arg6[%broadcast_in_dim3A_515, %get3A_143] : memref<128x28xf32, #tpu.memory_space<vmem>>[vector<16xi32>, vector<16xi32>], vector<16xf32>,
        %add3A_588 = arith.addf %gather3A_586, %gather3A_587 : vector<16xf32>
        %sub3A_589 = arith.subf %gather3A_586, %gather3A_587 : vector<16xf32>
        %abs3A_590 = math.absf %sub3A_589 : vector<16xf32>
        %div3A_591 = arith.divf %abs3A_590, %add3A_588 : vector<16xf32>
        %min3A_592 = arith.minimumf %min3A_585, %add3A_588 : vector<16xf32>
        %gather3A_593 = tpu.vector_load_idx %arg6[%broadcast_in_dim3A_515, %get3A_91] : memref<128x28xf32, #tpu.memory_space<vmem>>[vector<16xi32>, vector<16xi32>], vector<16xf32>,
        %gather3A_594 = tpu.vector_load_idx %arg6[%broadcast_in_dim3A_515, %get3A_147] : memref<128x28xf32, #tpu.memory_space<vmem>>[vector<16xi32>, vector<16xi32>], vector<16xf32>,
        %add3A_595 = arith.addf %gather3A_593, %gather3A_594 : vector<16xf32>
        %sub3A_596 = arith.subf %gather3A_593, %gather3A_594 : vector<16xf32>
        %abs3A_597 = math.absf %sub3A_596 : vector<16xf32>
        %div3A_598 = arith.divf %abs3A_597, %add3A_595 : vector<16xf32>
        %min3A_599 = arith.minimumf %min3A_592, %add3A_595 : vector<16xf32>
        %gather3A_600 = tpu.vector_load_idx %arg6[%broadcast_in_dim3A_515, %get3A_95] : memref<128x28xf32, #tpu.memory_space<vmem>>[vector<16xi32>, vector<16xi32>], vector<16xf32>,
        %gather3A_601 = tpu.vector_load_idx %arg6[%broadcast_in_dim3A_515, %get3A_151] : memref<128x28xf32, #tpu.memory_space<vmem>>[vector<16xi32>, vector<16xi32>], vector<16xf32>,
        %add3A_602 = arith.addf %gather3A_600, %gather3A_601 : vector<16xf32>
        %sub3A_603 = arith.subf %gather3A_600, %gather3A_601 : vector<16xf32>
        %abs3A_604 = math.absf %sub3A_603 : vector<16xf32>
        %div3A_605 = arith.divf %abs3A_604, %add3A_602 : vector<16xf32>
        %min3A_606 = arith.minimumf %min3A_599, %add3A_602 : vector<16xf32>
        %gather3A_607 = tpu.vector_load_idx %arg6[%broadcast_in_dim3A_515, %get3A_99] : memref<128x28xf32, #tpu.memory_space<vmem>>[vector<16xi32>, vector<16xi32>], vector<16xf32>,
        %gather3A_608 = tpu.vector_load_idx %arg6[%broadcast_in_dim3A_515, %get3A_155] : memref<128x28xf32, #tpu.memory_space<vmem>>[vector<16xi32>, vector<16xi32>], vector<16xf32>,
        %add3A_609 = arith.addf %gather3A_607, %gather3A_608 : vector<16xf32>
        %sub3A_610 = arith.subf %gather3A_607, %gather3A_608 : vector<16xf32>
        %abs3A_611 = math.absf %sub3A_610 : vector<16xf32>
        %div3A_612 = arith.divf %abs3A_611, %add3A_609 : vector<16xf32>
        %min3A_613 = arith.minimumf %min3A_606, %add3A_609 : vector<16xf32>
        %swap3A_614 = arith.index_cast %scan3A_514 : i32 to index
        %swap3A_615 = arith.constant 0 : index
        %swap3A_616 = tpu.vector_load %arg8[%swap3A_614, %swap3A_615] {strides = array<i32>} : memref<128x210xf32, #tpu.memory_space<vmem>>, vector<16xf32>,
        tpu.vector_store %arg8[%swap3A_614, %swap3A_615], %div3A_521 {strides = array<i32>} : memref<128x210xf32, #tpu.memory_space<vmem>>, vector<16xf32>,
        %swap3A_617 = arith.index_cast %scan3A_514 : i32 to index
        %swap3A_618 = arith.constant 16 : index
        %swap3A_619 = tpu.vector_load %arg8[%swap3A_617, %swap3A_618] {strides = array<i32>} : memref<128x210xf32, #tpu.memory_space<vmem>>, vector<16xf32>,
        tpu.vector_store %arg8[%swap3A_617, %swap3A_618], %div3A_528 {strides = array<i32>} : memref<128x210xf32, #tpu.memory_space<vmem>>, vector<16xf32>,
        %swap3A_620 = arith.index_cast %scan3A_514 : i32 to index
        %swap3A_621 = arith.constant 32 : index
        %swap3A_622 = tpu.vector_load %arg8[%swap3A_620, %swap3A_621] {strides = array<i32>} : memref<128x210xf32, #tpu.memory_space<vmem>>, vector<16xf32>,
        tpu.vector_store %arg8[%swap3A_620, %swap3A_621], %div3A_535 {strides = array<i32>} : memref<128x210xf32, #tpu.memory_space<vmem>>, vector<16xf32>,
        %swap3A_623 = arith.index_cast %scan3A_514 : i32 to index
        %swap3A_624 = arith.constant 48 : index
        %swap3A_625 = tpu.vector_load %arg8[%swap3A_623, %swap3A_624] {strides = array<i32>} : memref<128x210xf32, #tpu.memory_space<vmem>>, vector<16xf32>,
        tpu.vector_store %arg8[%swap3A_623, %swap3A_624], %div3A_542 {strides = array<i32>} : memref<128x210xf32, #tpu.memory_space<vmem>>, vector<16xf32>,
        %swap3A_626 = arith.index_cast %scan3A_514 : i32 to index
        %swap3A_627 = arith.constant 64 : index
        %swap3A_628 = tpu.vector_load %arg8[%swap3A_626, %swap3A_627] {strides = array<i32>} : memref<128x210xf32, #tpu.memory_space<vmem>>, vector<16xf32>,
        tpu.vector_store %arg8[%swap3A_626, %swap3A_627], %div3A_549 {strides = array<i32>} : memref<128x210xf32, #tpu.memory_space<vmem>>, vector<16xf32>,
        %swap3A_629 = arith.index_cast %scan3A_514 : i32 to index
        %swap3A_630 = arith.constant 80 : index
        %swap3A_631 = tpu.vector_load %arg8[%swap3A_629, %swap3A_630] {strides = array<i32>} : memref<128x210xf32, #tpu.memory_space<vmem>>, vector<16xf32>,
        tpu.vector_store %arg8[%swap3A_629, %swap3A_630], %div3A_556 {strides = array<i32>} : memref<128x210xf32, #tpu.memory_space<vmem>>, vector<16xf32>,
        %swap3A_632 = arith.index_cast %scan3A_514 : i32 to index
        %swap3A_633 = arith.constant 96 : index
        %swap3A_634 = tpu.vector_load %arg8[%swap3A_632, %swap3A_633] {strides = array<i32>} : memref<128x210xf32, #tpu.memory_space<vmem>>, vector<16xf32>,
        tpu.vector_store %arg8[%swap3A_632, %swap3A_633], %div3A_563 {strides = array<i32>} : memref<128x210xf32, #tpu.memory_space<vmem>>, vector<16xf32>,
        %swap3A_635 = arith.index_cast %scan3A_514 : i32 to index
        %swap3A_636 = arith.constant 112 : index
        %swap3A_637 = tpu.vector_load %arg8[%swap3A_635, %swap3A_636] {strides = array<i32>} : memref<128x210xf32, #tpu.memory_space<vmem>>, vector<16xf32>,
        tpu.vector_store %arg8[%swap3A_635, %swap3A_636], %div3A_570 {strides = array<i32>} : memref<128x210xf32, #tpu.memory_space<vmem>>, vector<16xf32>,
        %swap3A_638 = arith.index_cast %scan3A_514 : i32 to index
        %swap3A_639 = arith.constant 128 : index
        %swap3A_640 = tpu.vector_load %arg8[%swap3A_638, %swap3A_639] {strides = array<i32>} : memref<128x210xf32, #tpu.memory_space<vmem>>, vector<16xf32>,
        tpu.vector_store %arg8[%swap3A_638, %swap3A_639], %div3A_577 {strides = array<i32>} : memref<128x210xf32, #tpu.memory_space<vmem>>, vector<16xf32>,
        %swap3A_641 = arith.index_cast %scan3A_514 : i32 to index
        %swap3A_642 = arith.constant 144 : index
        %swap3A_643 = tpu.vector_load %arg8[%swap3A_641, %swap3A_642] {strides = array<i32>} : memref<128x210xf32, #tpu.memory_space<vmem>>, vector<16xf32>,
        tpu.vector_store %arg8[%swap3A_641, %swap3A_642], %div3A_584 {strides = array<i32>} : memref<128x210xf32, #tpu.memory_space<vmem>>, vector<16xf32>,
        %swap3A_644 = arith.index_cast %scan3A_514 : i32 to index
        %swap3A_645 = arith.constant 160 : index
        %swap3A_646 = tpu.vector_load %arg8[%swap3A_644, %swap3A_645] {strides = array<i32>} : memref<128x210xf32, #tpu.memory_space<vmem>>, vector<16xf32>,
        tpu.vector_store %arg8[%swap3A_644, %swap3A_645], %div3A_591 {strides = array<i32>} : memref<128x210xf32, #tpu.memory_space<vmem>>, vector<16xf32>,
        %swap3A_647 = arith.index_cast %scan3A_514 : i32 to index
        %swap3A_648 = arith.constant 176 : index
        %swap3A_649 = tpu.vector_load %arg8[%swap3A_647, %swap3A_648] {strides = array<i32>} : memref<128x210xf32, #tpu.memory_space<vmem>>, vector<16xf32>,
        tpu.vector_store %arg8[%swap3A_647, %swap3A_648], %div3A_598 {strides = array<i32>} : memref<128x210xf32, #tpu.memory_space<vmem>>, vector<16xf32>,
        %swap3A_650 = arith.index_cast %scan3A_514 : i32 to index
        %swap3A_651 = arith.constant 192 : index
        %swap3A_652 = tpu.vector_load %arg8[%swap3A_650, %swap3A_651] {strides = array<i32>} : memref<128x210xf32, #tpu.memory_space<vmem>>, vector<16xf32>,
        tpu.vector_store %arg8[%swap3A_650, %swap3A_651], %div3A_605 {strides = array<i32>} : memref<128x210xf32, #tpu.memory_space<vmem>>, vector<16xf32>,
        tpu.vector_store_idx %arg8[%broadcast_in_dim3A_515, %get3A_159], %div3A_612 masked %lt3A_161 : memref<128x210xf32, #tpu.memory_space<vmem>>[vector<16xi32>, vector<16xi32>], vector<16xf32>, vector<16xi1>
        %scan3A_653 = arith.constant 2 : i32
        %scan3A_654 = arith.addi %scan3A_379, %scan3A_653 : i32
        %broadcast_in_dim3A_655 = vector.broadcast %scan3A_654 : i32 to vector<16xi32>
        %gather3A_656 = tpu.vector_load_idx %arg6[%broadcast_in_dim3A_655, %get3A_47] : memref<128x28xf32, #tpu.memory_space<vmem>>[vector<16xi32>, vector<16xi32>], vector<16xf32>,
        %gather3A_657 = tpu.vector_load_idx %arg6[%broadcast_in_dim3A_655, %get3A_103] : memref<128x28xf32, #tpu.memory_space<vmem>>[vector<16xi32>, vector<16xi32>], vector<16xf32>,
        %add3A_658 = arith.addf %gather3A_656, %gather3A_657 : vector<16xf32>
        %sub3A_659 = arith.subf %gather3A_656, %gather3A_657 : vector<16xf32>
        %abs3A_660 = math.absf %sub3A_659 : vector<16xf32>
        %div3A_661 = arith.divf %abs3A_660, %add3A_658 : vector<16xf32>
        %min3A_662 = arith.minimumf %min3A_613, %add3A_658 : vector<16xf32>
        %gather3A_663 = tpu.vector_load_idx %arg6[%broadcast_in_dim3A_655, %get3A_51] : memref<128x28xf32, #tpu.memory_space<vmem>>[vector<16xi32>, vector<16xi32>], vector<16xf32>,
        %gather3A_664 = tpu.vector_load_idx %arg6[%broadcast_in_dim3A_655, %get3A_107] : memref<128x28xf32, #tpu.memory_space<vmem>>[vector<16xi32>, vector<16xi32>], vector<16xf32>,
        %add3A_665 = arith.addf %gather3A_663, %gather3A_664 : vector<16xf32>
        %sub3A_666 = arith.subf %gather3A_663, %gather3A_664 : vector<16xf32>
        %abs3A_667 = math.absf %sub3A_666 : vector<16xf32>
        %div3A_668 = arith.divf %abs3A_667, %add3A_665 : vector<16xf32>
        %min3A_669 = arith.minimumf %min3A_662, %add3A_665 : vector<16xf32>
        %gather3A_670 = tpu.vector_load_idx %arg6[%broadcast_in_dim3A_655, %get3A_55] : memref<128x28xf32, #tpu.memory_space<vmem>>[vector<16xi32>, vector<16xi32>], vector<16xf32>,
        %gather3A_671 = tpu.vector_load_idx %arg6[%broadcast_in_dim3A_655, %get3A_111] : memref<128x28xf32, #tpu.memory_space<vmem>>[vector<16xi32>, vector<16xi32>], vector<16xf32>,
        %add3A_672 = arith.addf %gather3A_670, %gather3A_671 : vector<16xf32>
        %sub3A_673 = arith.subf %gather3A_670, %gather3A_671 : vector<16xf32>
        %abs3A_674 = math.absf %sub3A_673 : vector<16xf32>
        %div3A_675 = arith.divf %abs3A_674, %add3A_672 : vector<16xf32>
        %min3A_676 = arith.minimumf %min3A_669, %add3A_672 : vector<16xf32>
        %gather3A_677 = tpu.vector_load_idx %arg6[%broadcast_in_dim3A_655, %get3A_59] : memref<128x28xf32, #tpu.memory_space<vmem>>[vector<16xi32>, vector<16xi32>], vector<16xf32>,
        %gather3A_678 = tpu.vector_load_idx %arg6[%broadcast_in_dim3A_655, %get3A_115] : memref<128x28xf32, #tpu.memory_space<vmem>>[vector<16xi32>, vector<16xi32>], vector<16xf32>,
        %add3A_679 = arith.addf %gather3A_677, %gather3A_678 : vector<16xf32>
        %sub3A_680 = arith.subf %gather3A_677, %gather3A_678 : vector<16xf32>
        %abs3A_681 = math.absf %sub3A_680 : vector<16xf32>
        %div3A_682 = arith.divf %abs3A_681, %add3A_679 : vector<16xf32>
        %min3A_683 = arith.minimumf %min3A_676, %add3A_679 : vector<16xf32>
        %gather3A_684 = tpu.vector_load_idx %arg6[%broadcast_in_dim3A_655, %get3A_63] : memref<128x28xf32, #tpu.memory_space<vmem>>[vector<16xi32>, vector<16xi32>], vector<16xf32>,
        %gather3A_685 = tpu.vector_load_idx %arg6[%broadcast_in_dim3A_655, %get3A_119] : memref<128x28xf32, #tpu.memory_space<vmem>>[vector<16xi32>, vector<16xi32>], vector<16xf32>,
        %add3A_686 = arith.addf %gather3A_684, %gather3A_685 : vector<16xf32>
        %sub3A_687 = arith.subf %gather3A_684, %gather3A_685 : vector<16xf32>
        %abs3A_688 = math.absf %sub3A_687 : vector<16xf32>
        %div3A_689 = arith.divf %abs3A_688, %add3A_686 : vector<16xf32>
        %min3A_690 = arith.minimumf %min3A_683, %add3A_686 : vector<16xf32>
        %gather3A_691 = tpu.vector_load_idx %arg6[%broadcast_in_dim3A_655, %get3A_67] : memref<128x28xf32, #tpu.memory_space<vmem>>[vector<16xi32>, vector<16xi32>], vector<16xf32>,
        %gather3A_692 = tpu.vector_load_idx %arg6[%broadcast_in_dim3A_655, %get3A_123] : memref<128x28xf32, #tpu.memory_space<vmem>>[vector<16xi32>, vector<16xi32>], vector<16xf32>,
        %add3A_693 = arith.addf %gather3A_691, %gather3A_692 : vector<16xf32>
        %sub3A_694 = arith.subf %gather3A_691, %gather3A_692 : vector<16xf32>
        %abs3A_695 = math.absf %sub3A_694 : vector<16xf32>
        %div3A_696 = arith.divf %abs3A_695, %add3A_693 : vector<16xf32>
        %min3A_697 = arith.minimumf %min3A_690, %add3A_693 : vector<16xf32>
        %gather3A_698 = tpu.vector_load_idx %arg6[%broadcast_in_dim3A_655, %get3A_71] : memref<128x28xf32, #tpu.memory_space<vmem>>[vector<16xi32>, vector<16xi32>], vector<16xf32>,
        %gather3A_699 = tpu.vector_load_idx %arg6[%broadcast_in_dim3A_655, %get3A_127] : memref<128x28xf32, #tpu.memory_space<vmem>>[vector<16xi32>, vector<16xi32>], vector<16xf32>,
        %add3A_700 = arith.addf %gather3A_698, %gather3A_699 : vector<16xf32>
        %sub3A_701 = arith.subf %gather3A_698, %gather3A_699 : vector<16xf32>
        %abs3A_702 = math.absf %sub3A_701 : vector<16xf32>
        %div3A_703 = arith.divf %abs3A_702, %add3A_700 : vector<16xf32>
        %min3A_704 = arith.minimumf %min3A_697, %add3A_700 : vector<16xf32>
        %gather3A_705 = tpu.vector_load_idx %arg6[%broadcast_in_dim3A_655, %get3A_75] : memref<128x28xf32, #tpu.memory_space<vmem>>[vector<16xi32>, vector<16xi32>], vector<16xf32>,
        %gather3A_706 = tpu.vector_load_idx %arg6[%broadcast_in_dim3A_655, %get3A_131] : memref<128x28xf32, #tpu.memory_space<vmem>>[vector<16xi32>, vector<16xi32>], vector<16xf32>,
        %add3A_707 = arith.addf %gather3A_705, %gather3A_706 : vector<16xf32>
        %sub3A_708 = arith.subf %gather3A_705, %gather3A_706 : vector<16xf32>
        %abs3A_709 = math.absf %sub3A_708 : vector<16xf32>
        %div3A_710 = arith.divf %abs3A_709, %add3A_707 : vector<16xf32>
        %min3A_711 = arith.minimumf %min3A_704, %add3A_707 : vector<16xf32>
        %gather3A_712 = tpu.vector_load_idx %arg6[%broadcast_in_dim3A_655, %get3A_79] : memref<128x28xf32, #tpu.memory_space<vmem>>[vector<16xi32>, vector<16xi32>], vector<16xf32>,
        %gather3A_713 = tpu.vector_load_idx %arg6[%broadcast_in_dim3A_655, %get3A_135] : memref<128x28xf32, #tpu.memory_space<vmem>>[vector<16xi32>, vector<16xi32>], vector<16xf32>,
        %add3A_714 = arith.addf %gather3A_712, %gather3A_713 : vector<16xf32>
        %sub3A_715 = arith.subf %gather3A_712, %gather3A_713 : vector<16xf32>
        %abs3A_716 = math.absf %sub3A_715 : vector<16xf32>
        %div3A_717 = arith.divf %abs3A_716, %add3A_714 : vector<16xf32>
        %min3A_718 = arith.minimumf %min3A_711, %add3A_714 : vector<16xf32>
        %gather3A_719 = tpu.vector_load_idx %arg6[%broadcast_in_dim3A_655, %get3A_83] : memref<128x28xf32, #tpu.memory_space<vmem>>[vector<16xi32>, vector<16xi32>], vector<16xf32>,
        %gather3A_720 = tpu.vector_load_idx %arg6[%broadcast_in_dim3A_655, %get3A_139] : memref<128x28xf32, #tpu.memory_space<vmem>>[vector<16xi32>, vector<16xi32>], vector<16xf32>,
        %add3A_721 = arith.addf %gather3A_719, %gather3A_720 : vector<16xf32>
        %sub3A_722 = arith.subf %gather3A_719, %gather3A_720 : vector<16xf32>
        %abs3A_723 = math.absf %sub3A_722 : vector<16xf32>
        %div3A_724 = arith.divf %abs3A_723, %add3A_721 : vector<16xf32>
        %min3A_725 = arith.minimumf %min3A_718, %add3A_721 : vector<16xf32>
        %gather3A_726 = tpu.vector_load_idx %arg6[%broadcast_in_dim3A_655, %get3A_87] : memref<128x28xf32, #tpu.memory_space<vmem>>[vector<16xi32>, vector<16xi32>], vector<16xf32>,
        %gather3A_727 = tpu.vector_load_idx %arg6[%broadcast_in_dim3A_655, %get3A_143] : memref<128x28xf32, #tpu.memory_space<vmem>>[vector<16xi32>, vector<16xi32>], vector<16xf32>,
        %add3A_728 = arith.addf %gather3A_726, %gather3A_727 : vector<16xf32>
        %sub3A_729 = arith.subf %gather3A_726, %gather3A_727 : vector<16xf32>
        %abs3A_730 = math.absf %sub3A_729 : vector<16xf32>
        %div3A_731 = arith.divf %abs3A_730, %add3A_728 : vector<16xf32>
        %min3A_732 = arith.minimumf %min3A_725, %add3A_728 : vector<16xf32>
        %gather3A_733 = tpu.vector_load_idx %arg6[%broadcast_in_dim3A_655, %get3A_91] : memref<128x28xf32, #tpu.memory_space<vmem>>[vector<16xi32>, vector<16xi32>], vector<16xf32>,
        %gather3A_734 = tpu.vector_load_idx %arg6[%broadcast_in_dim3A_655, %get3A_147] : memref<128x28xf32, #tpu.memory_space<vmem>>[vector<16xi32>, vector<16xi32>], vector<16xf32>,
        %add3A_735 = arith.addf %gather3A_733, %gather3A_734 : vector<16xf32>
        %sub3A_736 = arith.subf %gather3A_733, %gather3A_734 : vector<16xf32>
        %abs3A_737 = math.absf %sub3A_736 : vector<16xf32>
        %div3A_738 = arith.divf %abs3A_737, %add3A_735 : vector<16xf32>
        %min3A_739 = arith.minimumf %min3A_732, %add3A_735 : vector<16xf32>
        %gather3A_740 = tpu.vector_load_idx %arg6[%broadcast_in_dim3A_655, %get3A_95] : memref<128x28xf32, #tpu.memory_space<vmem>>[vector<16xi32>, vector<16xi32>], vector<16xf32>,
        %gather3A_741 = tpu.vector_load_idx %arg6[%broadcast_in_dim3A_655, %get3A_151] : memref<128x28xf32, #tpu.memory_space<vmem>>[vector<16xi32>, vector<16xi32>], vector<16xf32>,
        %add3A_742 = arith.addf %gather3A_740, %gather3A_741 : vector<16xf32>
        %sub3A_743 = arith.subf %gather3A_740, %gather3A_741 : vector<16xf32>
        %abs3A_744 = math.absf %sub3A_743 : vector<16xf32>
        %div3A_745 = arith.divf %abs3A_744, %add3A_742 : vector<16xf32>
        %min3A_746 = arith.minimumf %min3A_739, %add3A_742 : vector<16xf32>
        %gather3A_747 = tpu.vector_load_idx %arg6[%broadcast_in_dim3A_655, %get3A_99] : memref<128x28xf32, #tpu.memory_space<vmem>>[vector<16xi32>, vector<16xi32>], vector<16xf32>,
        %gather3A_748 = tpu.vector_load_idx %arg6[%broadcast_in_dim3A_655, %get3A_155] : memref<128x28xf32, #tpu.memory_space<vmem>>[vector<16xi32>, vector<16xi32>], vector<16xf32>,
        %add3A_749 = arith.addf %gather3A_747, %gather3A_748 : vector<16xf32>
        %sub3A_750 = arith.subf %gather3A_747, %gather3A_748 : vector<16xf32>
        %abs3A_751 = math.absf %sub3A_750 : vector<16xf32>
        %div3A_752 = arith.divf %abs3A_751, %add3A_749 : vector<16xf32>
        %min3A_753 = arith.minimumf %min3A_746, %add3A_749 : vector<16xf32>
        %swap3A_754 = arith.index_cast %scan3A_654 : i32 to index
        %swap3A_755 = arith.constant 0 : index
        %swap3A_756 = tpu.vector_load %arg8[%swap3A_754, %swap3A_755] {strides = array<i32>} : memref<128x210xf32, #tpu.memory_space<vmem>>, vector<16xf32>,
        tpu.vector_store %arg8[%swap3A_754, %swap3A_755], %div3A_661 {strides = array<i32>} : memref<128x210xf32, #tpu.memory_space<vmem>>, vector<16xf32>,
        %swap3A_757 = arith.index_cast %scan3A_654 : i32 to index
        %swap3A_758 = arith.constant 16 : index
        %swap3A_759 = tpu.vector_load %arg8[%swap3A_757, %swap3A_758] {strides = array<i32>} : memref<128x210xf32, #tpu.memory_space<vmem>>, vector<16xf32>,
        tpu.vector_store %arg8[%swap3A_757, %swap3A_758], %div3A_668 {strides = array<i32>} : memref<128x210xf32, #tpu.memory_space<vmem>>, vector<16xf32>,
        %swap3A_760 = arith.index_cast %scan3A_654 : i32 to index
        %swap3A_761 = arith.constant 32 : index
        %swap3A_762 = tpu.vector_load %arg8[%swap3A_760, %swap3A_761] {strides = array<i32>} : memref<128x210xf32, #tpu.memory_space<vmem>>, vector<16xf32>,
        tpu.vector_store %arg8[%swap3A_760, %swap3A_761], %div3A_675 {strides = array<i32>} : memref<128x210xf32, #tpu.memory_space<vmem>>, vector<16xf32>,
        %swap3A_763 = arith.index_cast %scan3A_654 : i32 to index
        %swap3A_764 = arith.constant 48 : index
        %swap3A_765 = tpu.vector_load %arg8[%swap3A_763, %swap3A_764] {strides = array<i32>} : memref<128x210xf32, #tpu.memory_space<vmem>>, vector<16xf32>,
        tpu.vector_store %arg8[%swap3A_763, %swap3A_764], %div3A_682 {strides = array<i32>} : memref<128x210xf32, #tpu.memory_space<vmem>>, vector<16xf32>,
        %swap3A_766 = arith.index_cast %scan3A_654 : i32 to index
        %swap3A_767 = arith.constant 64 : index
        %swap3A_768 = tpu.vector_load %arg8[%swap3A_766, %swap3A_767] {strides = array<i32>} : memref<128x210xf32, #tpu.memory_space<vmem>>, vector<16xf32>,
        tpu.vector_store %arg8[%swap3A_766, %swap3A_767], %div3A_689 {strides = array<i32>} : memref<128x210xf32, #tpu.memory_space<vmem>>, vector<16xf32>,
        %swap3A_769 = arith.index_cast %scan3A_654 : i32 to index
        %swap3A_770 = arith.constant 80 : index
        %swap3A_771 = tpu.vector_load %arg8[%swap3A_769, %swap3A_770] {strides = array<i32>} : memref<128x210xf32, #tpu.memory_space<vmem>>, vector<16xf32>,
        tpu.vector_store %arg8[%swap3A_769, %swap3A_770], %div3A_696 {strides = array<i32>} : memref<128x210xf32, #tpu.memory_space<vmem>>, vector<16xf32>,
        %swap3A_772 = arith.index_cast %scan3A_654 : i32 to index
        %swap3A_773 = arith.constant 96 : index
        %swap3A_774 = tpu.vector_load %arg8[%swap3A_772, %swap3A_773] {strides = array<i32>} : memref<128x210xf32, #tpu.memory_space<vmem>>, vector<16xf32>,
        tpu.vector_store %arg8[%swap3A_772, %swap3A_773], %div3A_703 {strides = array<i32>} : memref<128x210xf32, #tpu.memory_space<vmem>>, vector<16xf32>,
        %swap3A_775 = arith.index_cast %scan3A_654 : i32 to index
        %swap3A_776 = arith.constant 112 : index
        %swap3A_777 = tpu.vector_load %arg8[%swap3A_775, %swap3A_776] {strides = array<i32>} : memref<128x210xf32, #tpu.memory_space<vmem>>, vector<16xf32>,
        tpu.vector_store %arg8[%swap3A_775, %swap3A_776], %div3A_710 {strides = array<i32>} : memref<128x210xf32, #tpu.memory_space<vmem>>, vector<16xf32>,
        %swap3A_778 = arith.index_cast %scan3A_654 : i32 to index
        %swap3A_779 = arith.constant 128 : index
        %swap3A_780 = tpu.vector_load %arg8[%swap3A_778, %swap3A_779] {strides = array<i32>} : memref<128x210xf32, #tpu.memory_space<vmem>>, vector<16xf32>,
        tpu.vector_store %arg8[%swap3A_778, %swap3A_779], %div3A_717 {strides = array<i32>} : memref<128x210xf32, #tpu.memory_space<vmem>>, vector<16xf32>,
        %swap3A_781 = arith.index_cast %scan3A_654 : i32 to index
        %swap3A_782 = arith.constant 144 : index
        %swap3A_783 = tpu.vector_load %arg8[%swap3A_781, %swap3A_782] {strides = array<i32>} : memref<128x210xf32, #tpu.memory_space<vmem>>, vector<16xf32>,
        tpu.vector_store %arg8[%swap3A_781, %swap3A_782], %div3A_724 {strides = array<i32>} : memref<128x210xf32, #tpu.memory_space<vmem>>, vector<16xf32>,
        %swap3A_784 = arith.index_cast %scan3A_654 : i32 to index
        %swap3A_785 = arith.constant 160 : index
        %swap3A_786 = tpu.vector_load %arg8[%swap3A_784, %swap3A_785] {strides = array<i32>} : memref<128x210xf32, #tpu.memory_space<vmem>>, vector<16xf32>,
        tpu.vector_store %arg8[%swap3A_784, %swap3A_785], %div3A_731 {strides = array<i32>} : memref<128x210xf32, #tpu.memory_space<vmem>>, vector<16xf32>,
        %swap3A_787 = arith.index_cast %scan3A_654 : i32 to index
        %swap3A_788 = arith.constant 176 : index
        %swap3A_789 = tpu.vector_load %arg8[%swap3A_787, %swap3A_788] {strides = array<i32>} : memref<128x210xf32, #tpu.memory_space<vmem>>, vector<16xf32>,
        tpu.vector_store %arg8[%swap3A_787, %swap3A_788], %div3A_738 {strides = array<i32>} : memref<128x210xf32, #tpu.memory_space<vmem>>, vector<16xf32>,
        %swap3A_790 = arith.index_cast %scan3A_654 : i32 to index
        %swap3A_791 = arith.constant 192 : index
        %swap3A_792 = tpu.vector_load %arg8[%swap3A_790, %swap3A_791] {strides = array<i32>} : memref<128x210xf32, #tpu.memory_space<vmem>>, vector<16xf32>,
        tpu.vector_store %arg8[%swap3A_790, %swap3A_791], %div3A_745 {strides = array<i32>} : memref<128x210xf32, #tpu.memory_space<vmem>>, vector<16xf32>,
        tpu.vector_store_idx %arg8[%broadcast_in_dim3A_655, %get3A_159], %div3A_752 masked %lt3A_161 : memref<128x210xf32, #tpu.memory_space<vmem>>[vector<16xi32>, vector<16xi32>], vector<16xf32>, vector<16xi1>
        %scan3A_793 = arith.constant 3 : i32
        %scan3A_794 = arith.addi %scan3A_379, %scan3A_793 : i32
        %broadcast_in_dim3A_795 = vector.broadcast %scan3A_794 : i32 to vector<16xi32>
        %gather3A_796 = tpu.vector_load_idx %arg6[%broadcast_in_dim3A_795, %get3A_47] : memref<128x28xf32, #tpu.memory_space<vmem>>[vector<16xi32>, vector<16xi32>], vector<16xf32>,
        %gather3A_797 = tpu.vector_load_idx %arg6[%broadcast_in_dim3A_795, %get3A_103] : memref<128x28xf32, #tpu.memory_space<vmem>>[vector<16xi32>, vector<16xi32>], vector<16xf32>,
        %add3A_798 = arith.addf %gather3A_796, %gather3A_797 : vector<16xf32>
        %sub3A_799 = arith.subf %gather3A_796, %gather3A_797 : vector<16xf32>
        %abs3A_800 = math.absf %sub3A_799 : vector<16xf32>
        %div3A_801 = arith.divf %abs3A_800, %add3A_798 : vector<16xf32>
        %min3A_802 = arith.minimumf %min3A_753, %add3A_798 : vector<16xf32>
        %gather3A_803 = tpu.vector_load_idx %arg6[%broadcast_in_dim3A_795, %get3A_51] : memref<128x28xf32, #tpu.memory_space<vmem>>[vector<16xi32>, vector<16xi32>], vector<16xf32>,
        %gather3A_804 = tpu.vector_load_idx %arg6[%broadcast_in_dim3A_795, %get3A_107] : memref<128x28xf32, #tpu.memory_space<vmem>>[vector<16xi32>, vector<16xi32>], vector<16xf32>,
        %add3A_805 = arith.addf %gather3A_803, %gather3A_804 : vector<16xf32>
        %sub3A_806 = arith.subf %gather3A_803, %gather3A_804 : vector<16xf32>
        %abs3A_807 = math.absf %sub3A_806 : vector<16xf32>
        %div3A_808 = arith.divf %abs3A_807, %add3A_805 : vector<16xf32>
        %min3A_809 = arith.minimumf %min3A_802, %add3A_805 : vector<16xf32>
        %gather3A_810 = tpu.vector_load_idx %arg6[%broadcast_in_dim3A_795, %get3A_55] : memref<128x28xf32, #tpu.memory_space<vmem>>[vector<16xi32>, vector<16xi32>], vector<16xf32>,
        %gather3A_811 = tpu.vector_load_idx %arg6[%broadcast_in_dim3A_795, %get3A_111] : memref<128x28xf32, #tpu.memory_space<vmem>>[vector<16xi32>, vector<16xi32>], vector<16xf32>,
        %add3A_812 = arith.addf %gather3A_810, %gather3A_811 : vector<16xf32>
        %sub3A_813 = arith.subf %gather3A_810, %gather3A_811 : vector<16xf32>
        %abs3A_814 = math.absf %sub3A_813 : vector<16xf32>
        %div3A_815 = arith.divf %abs3A_814, %add3A_812 : vector<16xf32>
        %min3A_816 = arith.minimumf %min3A_809, %add3A_812 : vector<16xf32>
        %gather3A_817 = tpu.vector_load_idx %arg6[%broadcast_in_dim3A_795, %get3A_59] : memref<128x28xf32, #tpu.memory_space<vmem>>[vector<16xi32>, vector<16xi32>], vector<16xf32>,
        %gather3A_818 = tpu.vector_load_idx %arg6[%broadcast_in_dim3A_795, %get3A_115] : memref<128x28xf32, #tpu.memory_space<vmem>>[vector<16xi32>, vector<16xi32>], vector<16xf32>,
        %add3A_819 = arith.addf %gather3A_817, %gather3A_818 : vector<16xf32>
        %sub3A_820 = arith.subf %gather3A_817, %gather3A_818 : vector<16xf32>
        %abs3A_821 = math.absf %sub3A_820 : vector<16xf32>
        %div3A_822 = arith.divf %abs3A_821, %add3A_819 : vector<16xf32>
        %min3A_823 = arith.minimumf %min3A_816, %add3A_819 : vector<16xf32>
        %gather3A_824 = tpu.vector_load_idx %arg6[%broadcast_in_dim3A_795, %get3A_63] : memref<128x28xf32, #tpu.memory_space<vmem>>[vector<16xi32>, vector<16xi32>], vector<16xf32>,
        %gather3A_825 = tpu.vector_load_idx %arg6[%broadcast_in_dim3A_795, %get3A_119] : memref<128x28xf32, #tpu.memory_space<vmem>>[vector<16xi32>, vector<16xi32>], vector<16xf32>,
        %add3A_826 = arith.addf %gather3A_824, %gather3A_825 : vector<16xf32>
        %sub3A_827 = arith.subf %gather3A_824, %gather3A_825 : vector<16xf32>
        %abs3A_828 = math.absf %sub3A_827 : vector<16xf32>
        %div3A_829 = arith.divf %abs3A_828, %add3A_826 : vector<16xf32>
        %min3A_830 = arith.minimumf %min3A_823, %add3A_826 : vector<16xf32>
        %gather3A_831 = tpu.vector_load_idx %arg6[%broadcast_in_dim3A_795, %get3A_67] : memref<128x28xf32, #tpu.memory_space<vmem>>[vector<16xi32>, vector<16xi32>], vector<16xf32>,
        %gather3A_832 = tpu.vector_load_idx %arg6[%broadcast_in_dim3A_795, %get3A_123] : memref<128x28xf32, #tpu.memory_space<vmem>>[vector<16xi32>, vector<16xi32>], vector<16xf32>,
        %add3A_833 = arith.addf %gather3A_831, %gather3A_832 : vector<16xf32>
        %sub3A_834 = arith.subf %gather3A_831, %gather3A_832 : vector<16xf32>
        %abs3A_835 = math.absf %sub3A_834 : vector<16xf32>
        %div3A_836 = arith.divf %abs3A_835, %add3A_833 : vector<16xf32>
        %min3A_837 = arith.minimumf %min3A_830, %add3A_833 : vector<16xf32>
        %gather3A_838 = tpu.vector_load_idx %arg6[%broadcast_in_dim3A_795, %get3A_71] : memref<128x28xf32, #tpu.memory_space<vmem>>[vector<16xi32>, vector<16xi32>], vector<16xf32>,
        %gather3A_839 = tpu.vector_load_idx %arg6[%broadcast_in_dim3A_795, %get3A_127] : memref<128x28xf32, #tpu.memory_space<vmem>>[vector<16xi32>, vector<16xi32>], vector<16xf32>,
        %add3A_840 = arith.addf %gather3A_838, %gather3A_839 : vector<16xf32>
        %sub3A_841 = arith.subf %gather3A_838, %gather3A_839 : vector<16xf32>
        %abs3A_842 = math.absf %sub3A_841 : vector<16xf32>
        %div3A_843 = arith.divf %abs3A_842, %add3A_840 : vector<16xf32>
        %min3A_844 = arith.minimumf %min3A_837, %add3A_840 : vector<16xf32>
        %gather3A_845 = tpu.vector_load_idx %arg6[%broadcast_in_dim3A_795, %get3A_75] : memref<128x28xf32, #tpu.memory_space<vmem>>[vector<16xi32>, vector<16xi32>], vector<16xf32>,
        %gather3A_846 = tpu.vector_load_idx %arg6[%broadcast_in_dim3A_795, %get3A_131] : memref<128x28xf32, #tpu.memory_space<vmem>>[vector<16xi32>, vector<16xi32>], vector<16xf32>,
        %add3A_847 = arith.addf %gather3A_845, %gather3A_846 : vector<16xf32>
        %sub3A_848 = arith.subf %gather3A_845, %gather3A_846 : vector<16xf32>
        %abs3A_849 = math.absf %sub3A_848 : vector<16xf32>
        %div3A_850 = arith.divf %abs3A_849, %add3A_847 : vector<16xf32>
        %min3A_851 = arith.minimumf %min3A_844, %add3A_847 : vector<16xf32>
        %gather3A_852 = tpu.vector_load_idx %arg6[%broadcast_in_dim3A_795, %get3A_79] : memref<128x28xf32, #tpu.memory_space<vmem>>[vector<16xi32>, vector<16xi32>], vector<16xf32>,
        %gather3A_853 = tpu.vector_load_idx %arg6[%broadcast_in_dim3A_795, %get3A_135] : memref<128x28xf32, #tpu.memory_space<vmem>>[vector<16xi32>, vector<16xi32>], vector<16xf32>,
        %add3A_854 = arith.addf %gather3A_852, %gather3A_853 : vector<16xf32>
        %sub3A_855 = arith.subf %gather3A_852, %gather3A_853 : vector<16xf32>
        %abs3A_856 = math.absf %sub3A_855 : vector<16xf32>
        %div3A_857 = arith.divf %abs3A_856, %add3A_854 : vector<16xf32>
        %min3A_858 = arith.minimumf %min3A_851, %add3A_854 : vector<16xf32>
        %gather3A_859 = tpu.vector_load_idx %arg6[%broadcast_in_dim3A_795, %get3A_83] : memref<128x28xf32, #tpu.memory_space<vmem>>[vector<16xi32>, vector<16xi32>], vector<16xf32>,
        %gather3A_860 = tpu.vector_load_idx %arg6[%broadcast_in_dim3A_795, %get3A_139] : memref<128x28xf32, #tpu.memory_space<vmem>>[vector<16xi32>, vector<16xi32>], vector<16xf32>,
        %add3A_861 = arith.addf %gather3A_859, %gather3A_860 : vector<16xf32>
        %sub3A_862 = arith.subf %gather3A_859, %gather3A_860 : vector<16xf32>
        %abs3A_863 = math.absf %sub3A_862 : vector<16xf32>
        %div3A_864 = arith.divf %abs3A_863, %add3A_861 : vector<16xf32>
        %min3A_865 = arith.minimumf %min3A_858, %add3A_861 : vector<16xf32>
        %gather3A_866 = tpu.vector_load_idx %arg6[%broadcast_in_dim3A_795, %get3A_87] : memref<128x28xf32, #tpu.memory_space<vmem>>[vector<16xi32>, vector<16xi32>], vector<16xf32>,
        %gather3A_867 = tpu.vector_load_idx %arg6[%broadcast_in_dim3A_795, %get3A_143] : memref<128x28xf32, #tpu.memory_space<vmem>>[vector<16xi32>, vector<16xi32>], vector<16xf32>,
        %add3A_868 = arith.addf %gather3A_866, %gather3A_867 : vector<16xf32>
        %sub3A_869 = arith.subf %gather3A_866, %gather3A_867 : vector<16xf32>
        %abs3A_870 = math.absf %sub3A_869 : vector<16xf32>
        %div3A_871 = arith.divf %abs3A_870, %add3A_868 : vector<16xf32>
        %min3A_872 = arith.minimumf %min3A_865, %add3A_868 : vector<16xf32>
        %gather3A_873 = tpu.vector_load_idx %arg6[%broadcast_in_dim3A_795, %get3A_91] : memref<128x28xf32, #tpu.memory_space<vmem>>[vector<16xi32>, vector<16xi32>], vector<16xf32>,
        %gather3A_874 = tpu.vector_load_idx %arg6[%broadcast_in_dim3A_795, %get3A_147] : memref<128x28xf32, #tpu.memory_space<vmem>>[vector<16xi32>, vector<16xi32>], vector<16xf32>,
        %add3A_875 = arith.addf %gather3A_873, %gather3A_874 : vector<16xf32>
        %sub3A_876 = arith.subf %gather3A_873, %gather3A_874 : vector<16xf32>
        %abs3A_877 = math.absf %sub3A_876 : vector<16xf32>
        %div3A_878 = arith.divf %abs3A_877, %add3A_875 : vector<16xf32>
        %min3A_879 = arith.minimumf %min3A_872, %add3A_875 : vector<16xf32>
        %gather3A_880 = tpu.vector_load_idx %arg6[%broadcast_in_dim3A_795, %get3A_95] : memref<128x28xf32, #tpu.memory_space<vmem>>[vector<16xi32>, vector<16xi32>], vector<16xf32>,
        %gather3A_881 = tpu.vector_load_idx %arg6[%broadcast_in_dim3A_795, %get3A_151] : memref<128x28xf32, #tpu.memory_space<vmem>>[vector<16xi32>, vector<16xi32>], vector<16xf32>,
        %add3A_882 = arith.addf %gather3A_880, %gather3A_881 : vector<16xf32>
        %sub3A_883 = arith.subf %gather3A_880, %gather3A_881 : vector<16xf32>
        %abs3A_884 = math.absf %sub3A_883 : vector<16xf32>
        %div3A_885 = arith.divf %abs3A_884, %add3A_882 : vector<16xf32>
        %min3A_886 = arith.minimumf %min3A_879, %add3A_882 : vector<16xf32>
        %gather3A_887 = tpu.vector_load_idx %arg6[%broadcast_in_dim3A_795, %get3A_99] : memref<128x28xf32, #tpu.memory_space<vmem>>[vector<16xi32>, vector<16xi32>], vector<16xf32>,
        %gather3A_888 = tpu.vector_load_idx %arg6[%broadcast_in_dim3A_795, %get3A_155] : memref<128x28xf32, #tpu.memory_space<vmem>>[vector<16xi32>, vector<16xi32>], vector<16xf32>,
        %add3A_889 = arith.addf %gather3A_887, %gather3A_888 : vector<16xf32>
        %sub3A_890 = arith.subf %gather3A_887, %gather3A_888 : vector<16xf32>
        %abs3A_891 = math.absf %sub3A_890 : vector<16xf32>
        %div3A_892 = arith.divf %abs3A_891, %add3A_889 : vector<16xf32>
        %min3A_893 = arith.minimumf %min3A_886, %add3A_889 : vector<16xf32>
        %swap3A_894 = arith.index_cast %scan3A_794 : i32 to index
        %swap3A_895 = arith.constant 0 : index
        %swap3A_896 = tpu.vector_load %arg8[%swap3A_894, %swap3A_895] {strides = array<i32>} : memref<128x210xf32, #tpu.memory_space<vmem>>, vector<16xf32>,
        tpu.vector_store %arg8[%swap3A_894, %swap3A_895], %div3A_801 {strides = array<i32>} : memref<128x210xf32, #tpu.memory_space<vmem>>, vector<16xf32>,
        %swap3A_897 = arith.index_cast %scan3A_794 : i32 to index
        %swap3A_898 = arith.constant 16 : index
        %swap3A_899 = tpu.vector_load %arg8[%swap3A_897, %swap3A_898] {strides = array<i32>} : memref<128x210xf32, #tpu.memory_space<vmem>>, vector<16xf32>,
        tpu.vector_store %arg8[%swap3A_897, %swap3A_898], %div3A_808 {strides = array<i32>} : memref<128x210xf32, #tpu.memory_space<vmem>>, vector<16xf32>,
        %swap3A_900 = arith.index_cast %scan3A_794 : i32 to index
        %swap3A_901 = arith.constant 32 : index
        %swap3A_902 = tpu.vector_load %arg8[%swap3A_900, %swap3A_901] {strides = array<i32>} : memref<128x210xf32, #tpu.memory_space<vmem>>, vector<16xf32>,
        tpu.vector_store %arg8[%swap3A_900, %swap3A_901], %div3A_815 {strides = array<i32>} : memref<128x210xf32, #tpu.memory_space<vmem>>, vector<16xf32>,
        %swap3A_903 = arith.index_cast %scan3A_794 : i32 to index
        %swap3A_904 = arith.constant 48 : index
        %swap3A_905 = tpu.vector_load %arg8[%swap3A_903, %swap3A_904] {strides = array<i32>} : memref<128x210xf32, #tpu.memory_space<vmem>>, vector<16xf32>,
        tpu.vector_store %arg8[%swap3A_903, %swap3A_904], %div3A_822 {strides = array<i32>} : memref<128x210xf32, #tpu.memory_space<vmem>>, vector<16xf32>,
        %swap3A_906 = arith.index_cast %scan3A_794 : i32 to index
        %swap3A_907 = arith.constant 64 : index
        %swap3A_908 = tpu.vector_load %arg8[%swap3A_906, %swap3A_907] {strides = array<i32>} : memref<128x210xf32, #tpu.memory_space<vmem>>, vector<16xf32>,
        tpu.vector_store %arg8[%swap3A_906, %swap3A_907], %div3A_829 {strides = array<i32>} : memref<128x210xf32, #tpu.memory_space<vmem>>, vector<16xf32>,
        %swap3A_909 = arith.index_cast %scan3A_794 : i32 to index
        %swap3A_910 = arith.constant 80 : index
        %swap3A_911 = tpu.vector_load %arg8[%swap3A_909, %swap3A_910] {strides = array<i32>} : memref<128x210xf32, #tpu.memory_space<vmem>>, vector<16xf32>,
        tpu.vector_store %arg8[%swap3A_909, %swap3A_910], %div3A_836 {strides = array<i32>} : memref<128x210xf32, #tpu.memory_space<vmem>>, vector<16xf32>,
        %swap3A_912 = arith.index_cast %scan3A_794 : i32 to index
        %swap3A_913 = arith.constant 96 : index
        %swap3A_914 = tpu.vector_load %arg8[%swap3A_912, %swap3A_913] {strides = array<i32>} : memref<128x210xf32, #tpu.memory_space<vmem>>, vector<16xf32>,
        tpu.vector_store %arg8[%swap3A_912, %swap3A_913], %div3A_843 {strides = array<i32>} : memref<128x210xf32, #tpu.memory_space<vmem>>, vector<16xf32>,
        %swap3A_915 = arith.index_cast %scan3A_794 : i32 to index
        %swap3A_916 = arith.constant 112 : index
        %swap3A_917 = tpu.vector_load %arg8[%swap3A_915, %swap3A_916] {strides = array<i32>} : memref<128x210xf32, #tpu.memory_space<vmem>>, vector<16xf32>,
        tpu.vector_store %arg8[%swap3A_915, %swap3A_916], %div3A_850 {strides = array<i32>} : memref<128x210xf32, #tpu.memory_space<vmem>>, vector<16xf32>,
        %swap3A_918 = arith.index_cast %scan3A_794 : i32 to index
        %swap3A_919 = arith.constant 128 : index
        %swap3A_920 = tpu.vector_load %arg8[%swap3A_918, %swap3A_919] {strides = array<i32>} : memref<128x210xf32, #tpu.memory_space<vmem>>, vector<16xf32>,
        tpu.vector_store %arg8[%swap3A_918, %swap3A_919], %div3A_857 {strides = array<i32>} : memref<128x210xf32, #tpu.memory_space<vmem>>, vector<16xf32>,
        %swap3A_921 = arith.index_cast %scan3A_794 : i32 to index
        %swap3A_922 = arith.constant 144 : index
        %swap3A_923 = tpu.vector_load %arg8[%swap3A_921, %swap3A_922] {strides = array<i32>} : memref<128x210xf32, #tpu.memory_space<vmem>>, vector<16xf32>,
        tpu.vector_store %arg8[%swap3A_921, %swap3A_922], %div3A_864 {strides = array<i32>} : memref<128x210xf32, #tpu.memory_space<vmem>>, vector<16xf32>,
        %swap3A_924 = arith.index_cast %scan3A_794 : i32 to index
        %swap3A_925 = arith.constant 160 : index
        %swap3A_926 = tpu.vector_load %arg8[%swap3A_924, %swap3A_925] {strides = array<i32>} : memref<128x210xf32, #tpu.memory_space<vmem>>, vector<16xf32>,
        tpu.vector_store %arg8[%swap3A_924, %swap3A_925], %div3A_871 {strides = array<i32>} : memref<128x210xf32, #tpu.memory_space<vmem>>, vector<16xf32>,
        %swap3A_927 = arith.index_cast %scan3A_794 : i32 to index
        %swap3A_928 = arith.constant 176 : index
        %swap3A_929 = tpu.vector_load %arg8[%swap3A_927, %swap3A_928] {strides = array<i32>} : memref<128x210xf32, #tpu.memory_space<vmem>>, vector<16xf32>,
        tpu.vector_store %arg8[%swap3A_927, %swap3A_928], %div3A_878 {strides = array<i32>} : memref<128x210xf32, #tpu.memory_space<vmem>>, vector<16xf32>,
        %swap3A_930 = arith.index_cast %scan3A_794 : i32 to index
        %swap3A_931 = arith.constant 192 : index
        %swap3A_932 = tpu.vector_load %arg8[%swap3A_930, %swap3A_931] {strides = array<i32>} : memref<128x210xf32, #tpu.memory_space<vmem>>, vector<16xf32>,
        tpu.vector_store %arg8[%swap3A_930, %swap3A_931], %div3A_885 {strides = array<i32>} : memref<128x210xf32, #tpu.memory_space<vmem>>, vector<16xf32>,
        tpu.vector_store_idx %arg8[%broadcast_in_dim3A_795, %get3A_159], %div3A_892 masked %lt3A_161 : memref<128x210xf32, #tpu.memory_space<vmem>>[vector<16xi32>, vector<16xi32>], vector<16xf32>, vector<16xi1>
        scf.yield %min3A_893 : vector<16xf32>
      }
      %scan3A_168 = arith.constant 128 : i32
      %eq3A = arith.constant 0.000000e+00 : f32
      %eq3A_169 = vector.broadcast %eq3A : f32 to vector<16xf32>
      %eq3A_170 = arith.cmpf oeq, %scan3A_167, %eq3A_169 : vector<16xf32>
      %reduce_or3A = arith.constant 1.000000e+00 : f32
      %reduce_or3A_171 = arith.constant 0.000000e+00 : f32
      %reduce_or3A_172 = vector.broadcast %reduce_or3A : f32 to vector<16xf32>
      %reduce_or3A_173 = vector.broadcast %reduce_or3A_171 : f32 to vector<16xf32>
      %reduce_or3A_174 = arith.select %eq3A_170, %reduce_or3A_172, %reduce_or3A_173 : vector<16xi1>, vector<16xf32>
      %reduce_or3A_175 = arith.constant true
      %reduce_or3A_176 = vector.broadcast %reduce_or3A_175 : i1 to vector<16xi1>
      %reduce_or3A_177 = tpu.scan <max>, %reduce_or3A_174 masked %reduce_or3A_176 : vector<16xf32>, vector<16xi1> -> vector<16xf32>
      %reduce_or3A_178 = vector.extract %reduce_or3A_177[15] : f32 from vector<16xf32>
      %reduce_or3A_179 = arith.constant 0.000000e+00 : f32
      %reduce_or3A_180 = arith.cmpf ogt, %reduce_or3A_178, %reduce_or3A_179 : f32
      %convert_element_type3A_181 = arith.extui %reduce_or3A_180 : i1 to i32
      %cond3A_182 = arith.constant 0.000000e+00 : f32
      %cond3A_183 = arith.constant 0x7F800000 : f32
      %cond3A_184 = arith.constant 0 : i32
      %cond3A_185 = arith.cmpi ne, %convert_element_type3A_181, %cond3A_184 : i32
      scf.if %cond3A_185 {
        %scan3A_379 = arith.constant 0 : i32
        %scan3A_380 = arith.constant 128 : i32
        %scan3A_381 = arith.addi %scan3A_379, %scan3A_380 : i32
        %scan3A_382 = arith.constant 1 : i32
        scf.for %scan3A_384 = %scan3A_379 to %scan3A_381 step %scan3A_382  : i32 {
          %broadcast_in_dim3A_385 = vector.broadcast %scan3A_384 : i32 to vector<16xi32>
          %gather3A = tpu.vector_load_idx %arg6[%broadcast_in_dim3A_385, %get3A_47] : memref<128x28xf32, #tpu.memory_space<vmem>>[vector<16xi32>, vector<16xi32>], vector<16xf32>,
          %gather3A_386 = tpu.vector_load_idx %arg6[%broadcast_in_dim3A_385, %get3A_103] : memref<128x28xf32, #tpu.memory_space<vmem>>[vector<16xi32>, vector<16xi32>], vector<16xf32>,
          %add3A_387 = arith.addf %gather3A, %gather3A_386 : vector<16xf32>
          %eq3A_388 = vector.broadcast %cond3A_182 : f32 to vector<16xf32>
          %eq3A_389 = arith.cmpf oeq, %add3A_387, %eq3A_388 : vector<16xf32>
          %sub3A = arith.subf %gather3A, %gather3A_386 : vector<16xf32>
          %abs3A = math.absf %sub3A : vector<16xf32>
          %div3A = arith.divf %abs3A, %add3A_387 : vector<16xf32>
          %broadcast_in_dim3A_390 = vector.broadcast %cond3A_183 : f32 to vector<16xf32>
          %select_n3A = arith.select %eq3A_389, %broadcast_in_dim3A_390, %div3A : vector<16xi1>, vector<16xf32>
          %gather3A_391 = tpu.vector_load_idx %arg6[%broadcast_in_dim3A_385, %get3A_51] : memref<128x28xf32, #tpu.memory_space<vmem>>[vector<16xi32>, vector<16xi32>], vector<16xf32>,
          %gather3A_392 = tpu.vector_load_idx %arg6[%broadcast_in_dim3A_385, %get3A_107] : memref<128x28xf32, #tpu.memory_space<vmem>>[vector<16xi32>, vector<16xi32>], vector<16xf32>,
          %add3A_393 = arith.addf %gather3A_391, %gather3A_392 : vector<16xf32>
          %eq3A_394 = vector.broadcast %cond3A_182 : f32 to vector<16xf32>
          %eq3A_395 = arith.cmpf oeq, %add3A_393, %eq3A_394 : vector<16xf32>
          %sub3A_396 = arith.subf %gather3A_391, %gather3A_392 : vector<16xf32>
          %abs3A_397 = math.absf %sub3A_396 : vector<16xf32>
          %div3A_398 = arith.divf %abs3A_397, %add3A_393 : vector<16xf32>
          %broadcast_in_dim3A_399 = vector.broadcast %cond3A_183 : f32 to vector<16xf32>
          %select_n3A_400 = arith.select %eq3A_395, %broadcast_in_dim3A_399, %div3A_398 : vector<16xi1>, vector<16xf32>
          %and3A = arith.andi %eq3A_389, %eq3A_395 : vector<16xi1>
          %gather3A_401 = tpu.vector_load_idx %arg6[%broadcast_in_dim3A_385, %get3A_55] : memref<128x28xf32, #tpu.memory_space<vmem>>[vector<16xi32>, vector<16xi32>], vector<16xf32>,
          %gather3A_402 = tpu.vector_load_idx %arg6[%broadcast_in_dim3A_385, %get3A_111] : memref<128x28xf32, #tpu.memory_space<vmem>>[vector<16xi32>, vector<16xi32>], vector<16xf32>,
          %add3A_403 = arith.addf %gather3A_401, %gather3A_402 : vector<16xf32>
          %eq3A_404 = vector.broadcast %cond3A_182 : f32 to vector<16xf32>
          %eq3A_405 = arith.cmpf oeq, %add3A_403, %eq3A_404 : vector<16xf32>
          %sub3A_406 = arith.subf %gather3A_401, %gather3A_402 : vector<16xf32>
          %abs3A_407 = math.absf %sub3A_406 : vector<16xf32>
          %div3A_408 = arith.divf %abs3A_407, %add3A_403 : vector<16xf32>
          %broadcast_in_dim3A_409 = vector.broadcast %cond3A_183 : f32 to vector<16xf32>
          %select_n3A_410 = arith.select %eq3A_405, %broadcast_in_dim3A_409, %div3A_408 : vector<16xi1>, vector<16xf32>
          %and3A_411 = arith.andi %and3A, %eq3A_405 : vector<16xi1>
          %gather3A_412 = tpu.vector_load_idx %arg6[%broadcast_in_dim3A_385, %get3A_59] : memref<128x28xf32, #tpu.memory_space<vmem>>[vector<16xi32>, vector<16xi32>], vector<16xf32>,
          %gather3A_413 = tpu.vector_load_idx %arg6[%broadcast_in_dim3A_385, %get3A_115] : memref<128x28xf32, #tpu.memory_space<vmem>>[vector<16xi32>, vector<16xi32>], vector<16xf32>,
          %add3A_414 = arith.addf %gather3A_412, %gather3A_413 : vector<16xf32>
          %eq3A_415 = vector.broadcast %cond3A_182 : f32 to vector<16xf32>
          %eq3A_416 = arith.cmpf oeq, %add3A_414, %eq3A_415 : vector<16xf32>
          %sub3A_417 = arith.subf %gather3A_412, %gather3A_413 : vector<16xf32>
          %abs3A_418 = math.absf %sub3A_417 : vector<16xf32>
          %div3A_419 = arith.divf %abs3A_418, %add3A_414 : vector<16xf32>
          %broadcast_in_dim3A_420 = vector.broadcast %cond3A_183 : f32 to vector<16xf32>
          %select_n3A_421 = arith.select %eq3A_416, %broadcast_in_dim3A_420, %div3A_419 : vector<16xi1>, vector<16xf32>
          %and3A_422 = arith.andi %and3A_411, %eq3A_416 : vector<16xi1>
          %gather3A_423 = tpu.vector_load_idx %arg6[%broadcast_in_dim3A_385, %get3A_63] : memref<128x28xf32, #tpu.memory_space<vmem>>[vector<16xi32>, vector<16xi32>], vector<16xf32>,
          %gather3A_424 = tpu.vector_load_idx %arg6[%broadcast_in_dim3A_385, %get3A_119] : memref<128x28xf32, #tpu.memory_space<vmem>>[vector<16xi32>, vector<16xi32>], vector<16xf32>,
          %add3A_425 = arith.addf %gather3A_423, %gather3A_424 : vector<16xf32>
          %eq3A_426 = vector.broadcast %cond3A_182 : f32 to vector<16xf32>
          %eq3A_427 = arith.cmpf oeq, %add3A_425, %eq3A_426 : vector<16xf32>
          %sub3A_428 = arith.subf %gather3A_423, %gather3A_424 : vector<16xf32>
          %abs3A_429 = math.absf %sub3A_428 : vector<16xf32>
          %div3A_430 = arith.divf %abs3A_429, %add3A_425 : vector<16xf32>
          %broadcast_in_dim3A_431 = vector.broadcast %cond3A_183 : f32 to vector<16xf32>
          %select_n3A_432 = arith.select %eq3A_427, %broadcast_in_dim3A_431, %div3A_430 : vector<16xi1>, vector<16xf32>
          %and3A_433 = arith.andi %and3A_422, %eq3A_427 : vector<16xi1>
          %gather3A_434 = tpu.vector_load_idx %arg6[%broadcast_in_dim3A_385, %get3A_67] : memref<128x28xf32, #tpu.memory_space<vmem>>[vector<16xi32>, vector<16xi32>], vector<16xf32>,
          %gather3A_435 = tpu.vector_load_idx %arg6[%broadcast_in_dim3A_385, %get3A_123] : memref<128x28xf32, #tpu.memory_space<vmem>>[vector<16xi32>, vector<16xi32>], vector<16xf32>,
          %add3A_436 = arith.addf %gather3A_434, %gather3A_435 : vector<16xf32>
          %eq3A_437 = vector.broadcast %cond3A_182 : f32 to vector<16xf32>
          %eq3A_438 = arith.cmpf oeq, %add3A_436, %eq3A_437 : vector<16xf32>
          %sub3A_439 = arith.subf %gather3A_434, %gather3A_435 : vector<16xf32>
          %abs3A_440 = math.absf %sub3A_439 : vector<16xf32>
          %div3A_441 = arith.divf %abs3A_440, %add3A_436 : vector<16xf32>
          %broadcast_in_dim3A_442 = vector.broadcast %cond3A_183 : f32 to vector<16xf32>
          %select_n3A_443 = arith.select %eq3A_438, %broadcast_in_dim3A_442, %div3A_441 : vector<16xi1>, vector<16xf32>
          %and3A_444 = arith.andi %and3A_433, %eq3A_438 : vector<16xi1>
          %gather3A_445 = tpu.vector_load_idx %arg6[%broadcast_in_dim3A_385, %get3A_71] : memref<128x28xf32, #tpu.memory_space<vmem>>[vector<16xi32>, vector<16xi32>], vector<16xf32>,
          %gather3A_446 = tpu.vector_load_idx %arg6[%broadcast_in_dim3A_385, %get3A_127] : memref<128x28xf32, #tpu.memory_space<vmem>>[vector<16xi32>, vector<16xi32>], vector<16xf32>,
          %add3A_447 = arith.addf %gather3A_445, %gather3A_446 : vector<16xf32>
          %eq3A_448 = vector.broadcast %cond3A_182 : f32 to vector<16xf32>
          %eq3A_449 = arith.cmpf oeq, %add3A_447, %eq3A_448 : vector<16xf32>
          %sub3A_450 = arith.subf %gather3A_445, %gather3A_446 : vector<16xf32>
          %abs3A_451 = math.absf %sub3A_450 : vector<16xf32>
          %div3A_452 = arith.divf %abs3A_451, %add3A_447 : vector<16xf32>
          %broadcast_in_dim3A_453 = vector.broadcast %cond3A_183 : f32 to vector<16xf32>
          %select_n3A_454 = arith.select %eq3A_449, %broadcast_in_dim3A_453, %div3A_452 : vector<16xi1>, vector<16xf32>
          %and3A_455 = arith.andi %and3A_444, %eq3A_449 : vector<16xi1>
          %gather3A_456 = tpu.vector_load_idx %arg6[%broadcast_in_dim3A_385, %get3A_75] : memref<128x28xf32, #tpu.memory_space<vmem>>[vector<16xi32>, vector<16xi32>], vector<16xf32>,
          %gather3A_457 = tpu.vector_load_idx %arg6[%broadcast_in_dim3A_385, %get3A_131] : memref<128x28xf32, #tpu.memory_space<vmem>>[vector<16xi32>, vector<16xi32>], vector<16xf32>,
          %add3A_458 = arith.addf %gather3A_456, %gather3A_457 : vector<16xf32>
          %eq3A_459 = vector.broadcast %cond3A_182 : f32 to vector<16xf32>
          %eq3A_460 = arith.cmpf oeq, %add3A_458, %eq3A_459 : vector<16xf32>
          %sub3A_461 = arith.subf %gather3A_456, %gather3A_457 : vector<16xf32>
          %abs3A_462 = math.absf %sub3A_461 : vector<16xf32>
          %div3A_463 = arith.divf %abs3A_462, %add3A_458 : vector<16xf32>
          %broadcast_in_dim3A_464 = vector.broadcast %cond3A_183 : f32 to vector<16xf32>
          %select_n3A_465 = arith.select %eq3A_460, %broadcast_in_dim3A_464, %div3A_463 : vector<16xi1>, vector<16xf32>
          %and3A_466 = arith.andi %and3A_455, %eq3A_460 : vector<16xi1>
          %gather3A_467 = tpu.vector_load_idx %arg6[%broadcast_in_dim3A_385, %get3A_79] : memref<128x28xf32, #tpu.memory_space<vmem>>[vector<16xi32>, vector<16xi32>], vector<16xf32>,
          %gather3A_468 = tpu.vector_load_idx %arg6[%broadcast_in_dim3A_385, %get3A_135] : memref<128x28xf32, #tpu.memory_space<vmem>>[vector<16xi32>, vector<16xi32>], vector<16xf32>,
          %add3A_469 = arith.addf %gather3A_467, %gather3A_468 : vector<16xf32>
          %eq3A_470 = vector.broadcast %cond3A_182 : f32 to vector<16xf32>
          %eq3A_471 = arith.cmpf oeq, %add3A_469, %eq3A_470 : vector<16xf32>
          %sub3A_472 = arith.subf %gather3A_467, %gather3A_468 : vector<16xf32>
          %abs3A_473 = math.absf %sub3A_472 : vector<16xf32>
          %div3A_474 = arith.divf %abs3A_473, %add3A_469 : vector<16xf32>
          %broadcast_in_dim3A_475 = vector.broadcast %cond3A_183 : f32 to vector<16xf32>
          %select_n3A_476 = arith.select %eq3A_471, %broadcast_in_dim3A_475, %div3A_474 : vector<16xi1>, vector<16xf32>
          %and3A_477 = arith.andi %and3A_466, %eq3A_471 : vector<16xi1>
          %gather3A_478 = tpu.vector_load_idx %arg6[%broadcast_in_dim3A_385, %get3A_83] : memref<128x28xf32, #tpu.memory_space<vmem>>[vector<16xi32>, vector<16xi32>], vector<16xf32>,
          %gather3A_479 = tpu.vector_load_idx %arg6[%broadcast_in_dim3A_385, %get3A_139] : memref<128x28xf32, #tpu.memory_space<vmem>>[vector<16xi32>, vector<16xi32>], vector<16xf32>,
          %add3A_480 = arith.addf %gather3A_478, %gather3A_479 : vector<16xf32>
          %eq3A_481 = vector.broadcast %cond3A_182 : f32 to vector<16xf32>
          %eq3A_482 = arith.cmpf oeq, %add3A_480, %eq3A_481 : vector<16xf32>
          %sub3A_483 = arith.subf %gather3A_478, %gather3A_479 : vector<16xf32>
          %abs3A_484 = math.absf %sub3A_483 : vector<16xf32>
          %div3A_485 = arith.divf %abs3A_484, %add3A_480 : vector<16xf32>
          %broadcast_in_dim3A_486 = vector.broadcast %cond3A_183 : f32 to vector<16xf32>
          %select_n3A_487 = arith.select %eq3A_482, %broadcast_in_dim3A_486, %div3A_485 : vector<16xi1>, vector<16xf32>
          %and3A_488 = arith.andi %and3A_477, %eq3A_482 : vector<16xi1>
          %gather3A_489 = tpu.vector_load_idx %arg6[%broadcast_in_dim3A_385, %get3A_87] : memref<128x28xf32, #tpu.memory_space<vmem>>[vector<16xi32>, vector<16xi32>], vector<16xf32>,
          %gather3A_490 = tpu.vector_load_idx %arg6[%broadcast_in_dim3A_385, %get3A_143] : memref<128x28xf32, #tpu.memory_space<vmem>>[vector<16xi32>, vector<16xi32>], vector<16xf32>,
          %add3A_491 = arith.addf %gather3A_489, %gather3A_490 : vector<16xf32>
          %eq3A_492 = vector.broadcast %cond3A_182 : f32 to vector<16xf32>
          %eq3A_493 = arith.cmpf oeq, %add3A_491, %eq3A_492 : vector<16xf32>
          %sub3A_494 = arith.subf %gather3A_489, %gather3A_490 : vector<16xf32>
          %abs3A_495 = math.absf %sub3A_494 : vector<16xf32>
          %div3A_496 = arith.divf %abs3A_495, %add3A_491 : vector<16xf32>
          %broadcast_in_dim3A_497 = vector.broadcast %cond3A_183 : f32 to vector<16xf32>
          %select_n3A_498 = arith.select %eq3A_493, %broadcast_in_dim3A_497, %div3A_496 : vector<16xi1>, vector<16xf32>
          %and3A_499 = arith.andi %and3A_488, %eq3A_493 : vector<16xi1>
          %gather3A_500 = tpu.vector_load_idx %arg6[%broadcast_in_dim3A_385, %get3A_91] : memref<128x28xf32, #tpu.memory_space<vmem>>[vector<16xi32>, vector<16xi32>], vector<16xf32>,
          %gather3A_501 = tpu.vector_load_idx %arg6[%broadcast_in_dim3A_385, %get3A_147] : memref<128x28xf32, #tpu.memory_space<vmem>>[vector<16xi32>, vector<16xi32>], vector<16xf32>,
          %add3A_502 = arith.addf %gather3A_500, %gather3A_501 : vector<16xf32>
          %eq3A_503 = vector.broadcast %cond3A_182 : f32 to vector<16xf32>
          %eq3A_504 = arith.cmpf oeq, %add3A_502, %eq3A_503 : vector<16xf32>
          %sub3A_505 = arith.subf %gather3A_500, %gather3A_501 : vector<16xf32>
          %abs3A_506 = math.absf %sub3A_505 : vector<16xf32>
          %div3A_507 = arith.divf %abs3A_506, %add3A_502 : vector<16xf32>
          %broadcast_in_dim3A_508 = vector.broadcast %cond3A_183 : f32 to vector<16xf32>
          %select_n3A_509 = arith.select %eq3A_504, %broadcast_in_dim3A_508, %div3A_507 : vector<16xi1>, vector<16xf32>
          %and3A_510 = arith.andi %and3A_499, %eq3A_504 : vector<16xi1>
          %gather3A_511 = tpu.vector_load_idx %arg6[%broadcast_in_dim3A_385, %get3A_95] : memref<128x28xf32, #tpu.memory_space<vmem>>[vector<16xi32>, vector<16xi32>], vector<16xf32>,
          %gather3A_512 = tpu.vector_load_idx %arg6[%broadcast_in_dim3A_385, %get3A_151] : memref<128x28xf32, #tpu.memory_space<vmem>>[vector<16xi32>, vector<16xi32>], vector<16xf32>,
          %add3A_513 = arith.addf %gather3A_511, %gather3A_512 : vector<16xf32>
          %eq3A_514 = vector.broadcast %cond3A_182 : f32 to vector<16xf32>
          %eq3A_515 = arith.cmpf oeq, %add3A_513, %eq3A_514 : vector<16xf32>
          %sub3A_516 = arith.subf %gather3A_511, %gather3A_512 : vector<16xf32>
          %abs3A_517 = math.absf %sub3A_516 : vector<16xf32>
          %div3A_518 = arith.divf %abs3A_517, %add3A_513 : vector<16xf32>
          %broadcast_in_dim3A_519 = vector.broadcast %cond3A_183 : f32 to vector<16xf32>
          %select_n3A_520 = arith.select %eq3A_515, %broadcast_in_dim3A_519, %div3A_518 : vector<16xi1>, vector<16xf32>
          %and3A_521 = arith.andi %and3A_510, %eq3A_515 : vector<16xi1>
          %gather3A_522 = tpu.vector_load_idx %arg6[%broadcast_in_dim3A_385, %get3A_99] : memref<128x28xf32, #tpu.memory_space<vmem>>[vector<16xi32>, vector<16xi32>], vector<16xf32>,
          %gather3A_523 = tpu.vector_load_idx %arg6[%broadcast_in_dim3A_385, %get3A_155] : memref<128x28xf32, #tpu.memory_space<vmem>>[vector<16xi32>, vector<16xi32>], vector<16xf32>,
          %add3A_524 = arith.addf %gather3A_522, %gather3A_523 : vector<16xf32>
          %eq3A_525 = vector.broadcast %cond3A_182 : f32 to vector<16xf32>
          %eq3A_526 = arith.cmpf oeq, %add3A_524, %eq3A_525 : vector<16xf32>
          %sub3A_527 = arith.subf %gather3A_522, %gather3A_523 : vector<16xf32>
          %abs3A_528 = math.absf %sub3A_527 : vector<16xf32>
          %div3A_529 = arith.divf %abs3A_528, %add3A_524 : vector<16xf32>
          %broadcast_in_dim3A_530 = vector.broadcast %cond3A_183 : f32 to vector<16xf32>
          %select_n3A_531 = arith.select %eq3A_526, %broadcast_in_dim3A_530, %div3A_529 : vector<16xi1>, vector<16xf32>
          %and3A_532 = arith.andi %and3A_521, %eq3A_526 : vector<16xi1>
          %swap3A = arith.index_cast %scan3A_384 : i32 to index
          %swap3A_533 = arith.constant 0 : index
          %swap3A_534 = tpu.vector_load %arg8[%swap3A, %swap3A_533] {strides = array<i32>} : memref<128x210xf32, #tpu.memory_space<vmem>>, vector<16xf32>,
          tpu.vector_store %arg8[%swap3A, %swap3A_533], %select_n3A {strides = array<i32>} : memref<128x210xf32, #tpu.memory_space<vmem>>, vector<16xf32>,
          %swap3A_535 = arith.index_cast %scan3A_384 : i32 to index
          %swap3A_536 = arith.constant 16 : index
          %swap3A_537 = tpu.vector_load %arg8[%swap3A_535, %swap3A_536] {strides = array<i32>} : memref<128x210xf32, #tpu.memory_space<vmem>>, vector<16xf32>,
          tpu.vector_store %arg8[%swap3A_535, %swap3A_536], %select_n3A_400 {strides = array<i32>} : memref<128x210xf32, #tpu.memory_space<vmem>>, vector<16xf32>,
          %swap3A_538 = arith.index_cast %scan3A_384 : i32 to index
          %swap3A_539 = arith.constant 32 : index
          %swap3A_540 = tpu.vector_load %arg8[%swap3A_538, %swap3A_539] {strides = array<i32>} : memref<128x210xf32, #tpu.memory_space<vmem>>, vector<16xf32>,
          tpu.vector_store %arg8[%swap3A_538, %swap3A_539], %select_n3A_410 {strides = array<i32>} : memref<128x210xf32, #tpu.memory_space<vmem>>, vector<16xf32>,
          %swap3A_541 = arith.index_cast %scan3A_384 : i32 to index
          %swap3A_542 = arith.constant 48 : index
          %swap3A_543 = tpu.vector_load %arg8[%swap3A_541, %swap3A_542] {strides = array<i32>} : memref<128x210xf32, #tpu.memory_space<vmem>>, vector<16xf32>,
          tpu.vector_store %arg8[%swap3A_541, %swap3A_542], %select_n3A_421 {strides = array<i32>} : memref<128x210xf32, #tpu.memory_space<vmem>>, vector<16xf32>,
          %swap3A_544 = arith.index_cast %scan3A_384 : i32 to index
          %swap3A_545 = arith.constant 64 : index
          %swap3A_546 = tpu.vector_load %arg8[%swap3A_544, %swap3A_545] {strides = array<i32>} : memref<128x210xf32, #tpu.memory_space<vmem>>, vector<16xf32>,
          tpu.vector_store %arg8[%swap3A_544, %swap3A_545], %select_n3A_432 {strides = array<i32>} : memref<128x210xf32, #tpu.memory_space<vmem>>, vector<16xf32>,
          %swap3A_547 = arith.index_cast %scan3A_384 : i32 to index
          %swap3A_548 = arith.constant 80 : index
          %swap3A_549 = tpu.vector_load %arg8[%swap3A_547, %swap3A_548] {strides = array<i32>} : memref<128x210xf32, #tpu.memory_space<vmem>>, vector<16xf32>,
          tpu.vector_store %arg8[%swap3A_547, %swap3A_548], %select_n3A_443 {strides = array<i32>} : memref<128x210xf32, #tpu.memory_space<vmem>>, vector<16xf32>,
          %swap3A_550 = arith.index_cast %scan3A_384 : i32 to index
          %swap3A_551 = arith.constant 96 : index
          %swap3A_552 = tpu.vector_load %arg8[%swap3A_550, %swap3A_551] {strides = array<i32>} : memref<128x210xf32, #tpu.memory_space<vmem>>, vector<16xf32>,
          tpu.vector_store %arg8[%swap3A_550, %swap3A_551], %select_n3A_454 {strides = array<i32>} : memref<128x210xf32, #tpu.memory_space<vmem>>, vector<16xf32>,
          %swap3A_553 = arith.index_cast %scan3A_384 : i32 to index
          %swap3A_554 = arith.constant 112 : index
          %swap3A_555 = tpu.vector_load %arg8[%swap3A_553, %swap3A_554] {strides = array<i32>} : memref<128x210xf32, #tpu.memory_space<vmem>>, vector<16xf32>,
          tpu.vector_store %arg8[%swap3A_553, %swap3A_554], %select_n3A_465 {strides = array<i32>} : memref<128x210xf32, #tpu.memory_space<vmem>>, vector<16xf32>,
          %swap3A_556 = arith.index_cast %scan3A_384 : i32 to index
          %swap3A_557 = arith.constant 128 : index
          %swap3A_558 = tpu.vector_load %arg8[%swap3A_556, %swap3A_557] {strides = array<i32>} : memref<128x210xf32, #tpu.memory_space<vmem>>, vector<16xf32>,
          tpu.vector_store %arg8[%swap3A_556, %swap3A_557], %select_n3A_476 {strides = array<i32>} : memref<128x210xf32, #tpu.memory_space<vmem>>, vector<16xf32>,
          %swap3A_559 = arith.index_cast %scan3A_384 : i32 to index
          %swap3A_560 = arith.constant 144 : index
          %swap3A_561 = tpu.vector_load %arg8[%swap3A_559, %swap3A_560] {strides = array<i32>} : memref<128x210xf32, #tpu.memory_space<vmem>>, vector<16xf32>,
          tpu.vector_store %arg8[%swap3A_559, %swap3A_560], %select_n3A_487 {strides = array<i32>} : memref<128x210xf32, #tpu.memory_space<vmem>>, vector<16xf32>,
          %swap3A_562 = arith.index_cast %scan3A_384 : i32 to index
          %swap3A_563 = arith.constant 160 : index
          %swap3A_564 = tpu.vector_load %arg8[%swap3A_562, %swap3A_563] {strides = array<i32>} : memref<128x210xf32, #tpu.memory_space<vmem>>, vector<16xf32>,
          tpu.vector_store %arg8[%swap3A_562, %swap3A_563], %select_n3A_498 {strides = array<i32>} : memref<128x210xf32, #tpu.memory_space<vmem>>, vector<16xf32>,
          %swap3A_565 = arith.index_cast %scan3A_384 : i32 to index
          %swap3A_566 = arith.constant 176 : index
          %swap3A_567 = tpu.vector_load %arg8[%swap3A_565, %swap3A_566] {strides = array<i32>} : memref<128x210xf32, #tpu.memory_space<vmem>>, vector<16xf32>,
          tpu.vector_store %arg8[%swap3A_565, %swap3A_566], %select_n3A_509 {strides = array<i32>} : memref<128x210xf32, #tpu.memory_space<vmem>>, vector<16xf32>,
          %swap3A_568 = arith.index_cast %scan3A_384 : i32 to index
          %swap3A_569 = arith.constant 192 : index
          %swap3A_570 = tpu.vector_load %arg8[%swap3A_568, %swap3A_569] {strides = array<i32>} : memref<128x210xf32, #tpu.memory_space<vmem>>, vector<16xf32>,
          tpu.vector_store %arg8[%swap3A_568, %swap3A_569], %select_n3A_520 {strides = array<i32>} : memref<128x210xf32, #tpu.memory_space<vmem>>, vector<16xf32>,
          tpu.vector_store_idx %arg8[%broadcast_in_dim3A_385, %get3A_159], %select_n3A_531 masked %lt3A_161 : memref<128x210xf32, #tpu.memory_space<vmem>>[vector<16xi32>, vector<16xi32>], vector<16xf32>, vector<16xi1>
          %reduce_and3A = arith.constant 1.000000e+00 : f32
          %reduce_and3A_571 = arith.constant 0.000000e+00 : f32
          %reduce_and3A_572 = vector.broadcast %reduce_and3A : f32 to vector<16xf32>
          %reduce_and3A_573 = vector.broadcast %reduce_and3A_571 : f32 to vector<16xf32>
          %reduce_and3A_574 = arith.select %and3A_532, %reduce_and3A_572, %reduce_and3A_573 : vector<16xi1>, vector<16xf32>
          %reduce_and3A_575 = arith.constant true
          %reduce_and3A_576 = vector.broadcast %reduce_and3A_575 : i1 to vector<16xi1>
          %reduce_and3A_577 = tpu.scan <min>, %reduce_and3A_574 masked %reduce_and3A_576 : vector<16xf32>, vector<16xi1> -> vector<16xf32>
          %reduce_and3A_578 = vector.extract %reduce_and3A_577[15] : f32 from vector<16xf32>
          %reduce_and3A_579 = arith.constant 0.000000e+00 : f32
          %reduce_and3A_580 = arith.cmpf ogt, %reduce_and3A_578, %reduce_and3A_579 : f32
          %convert_element_type3A_581 = arith.extui %reduce_and3A_580 : i1 to i32
          %cond3A_582 = arith.constant 0 : i32
          %cond3A_583 = arith.cmpi ne, %convert_element_type3A_581, %cond3A_582 : i32
          scf.if %cond3A_583 {
            %add3A_584 = vector.broadcast %mul3A_44 : i32 to vector<16xi32>
            %add3A_585 = arith.addi %broadcast_in_dim3A_385, %add3A_584 : vector<16xi32>
            %gather3A_586 = tpu.vector_load_idx %arg10[%add3A_585] : memref<4096xi32, #tpu.memory_space<vmem>>[vector<16xi32>], vector<16xi32>,
            %broadcast_in_dim3A_587 = arith.constant 1.000000e+00 : f32
            %broadcast_in_dim3A_588 = vector.broadcast %broadcast_in_dim3A_587 : f32 to vector<16xf32>
            %iota3A_589 = tpu.iota {dimensions = array<i32: 0>} : vector<16xi32>
            %lt3A_590 = arith.constant 1 : i32
            %lt3A_591 = vector.broadcast %lt3A_590 : i32 to vector<16xi32>
            %lt3A_592 = arith.cmpi slt, %iota3A_589, %lt3A_591 : vector<16xi32>
            tpu.vector_store_idx %arg8[%broadcast_in_dim3A_385, %gather3A_586], %broadcast_in_dim3A_588 masked %lt3A_592 : memref<128x210xf32, #tpu.memory_space<vmem>>[vector<16xi32>, vector<16xi32>], vector<16xf32>, vector<16xi1>
          } else {
          }
        }
        %scan3A_383 = arith.constant 128 : i32
      } else {
      }
      %mul3A_186 = arith.constant 128 : i32
      %mul3A_187 = arith.muli %add3A_33, %mul3A_186 : i32
      %add3A_188 = arith.addi %mul3A_2, %mul3A_187 : i32
      %dma_start3A_189 = arith.constant 0 : i32
      %dma_start3A_190 = tpu.memref_slice %arg5[%add3A_188, %dma_start3A_189] : memref<131072x210xf32, #tpu.memory_space<hbm>> -> memref<128x210xf32, #tpu.memory_space<hbm>>
      %dma_start3A_191 = arith.constant 0 : i32
      %dma_start3A_192 = tpu.memref_slice %arg5[%add3A_188, %dma_start3A_191] : memref<131072x210xf32, #tpu.memory_space<hbm>> -> memref<128x210xf32, #tpu.memory_space<hbm>>
      tpu.enqueue_dma source(%arg8 : memref<128x210xf32, #tpu.memory_space<vmem>>) target(%dma_start3A_192 : memref<128x210xf32, #tpu.memory_space<hbm>>) target_semaphore(%arg14 : memref<!tpu.dma_semaphore, #tpu.memory_space<semaphore_mem>>)
      %add3A_193 = arith.constant 2 : i32
      %add3A_194 = arith.addi %add3A_33, %add3A_193 : i32
      %lt3A_195 = arith.constant 32 : i32
      %lt3A_196 = arith.cmpi slt, %add3A_194, %lt3A_195 : i32
      %convert_element_type3A_197 = arith.extui %lt3A_196 : i1 to i32
      %cond3A_198 = arith.constant 0 : i32
      %cond3A_199 = arith.cmpi ne, %convert_element_type3A_197, %cond3A_198 : i32
      scf.if %cond3A_199 {
        %add3A_379 = arith.constant 2 : i32
        %add3A_380 = arith.addi %add3A_33, %add3A_379 : i32
        %mul3A_381 = arith.constant 128 : i32
        %mul3A_382 = arith.muli %add3A_380, %mul3A_381 : i32
        %add3A_383 = arith.addi %mul3A_2, %mul3A_382 : i32
        %dma_start3A_384 = arith.constant 0 : i32
        %dma_start3A_385 = tpu.memref_slice %arg2[%add3A_383, %dma_start3A_384] : memref<131072x28xf32, #tpu.memory_space<hbm>> -> memref<128x28xf32, #tpu.memory_space<hbm>>
        %dma_start3A_386 = arith.constant 0 : i32
        %dma_start3A_387 = tpu.memref_slice %arg2[%add3A_383, %dma_start3A_386] : memref<131072x28xf32, #tpu.memory_space<hbm>> -> memref<128x28xf32, #tpu.memory_space<hbm>>
        tpu.enqueue_dma source(%dma_start3A_387 : memref<128x28xf32, #tpu.memory_space<hbm>>) target(%arg6 : memref<128x28xf32, #tpu.memory_space<vmem>>) target_semaphore(%arg12 : memref<!tpu.dma_semaphore, #tpu.memory_space<semaphore_mem>>)
      } else {
      }
      %mul3A_200 = arith.constant 2 : i32
      %mul3A_201 = arith.muli %mul3A_200, %scan3A_29 : i32
      %add3A_202 = arith.constant 1 : i32
      %add3A_203 = arith.addi %mul3A_201, %add3A_202 : i32
      %mul3A_204 = arith.constant 128 : i32
      %mul3A_205 = arith.muli %add3A_203, %mul3A_204 : i32
      %add3A_206 = arith.addi %mul3A_2, %mul3A_205 : i32
      %dma_wait3A_207 = arith.constant 0 : i32
      %dma_wait3A_208 = tpu.memref_slice %arg2[%add3A_206, %dma_wait3A_207] : memref<131072x28xf32, #tpu.memory_space<hbm>> -> memref<128x28xf32, #tpu.memory_space<hbm>>
      %dma_wait3A_209 = arith.constant 0 : i32
      %dma_wait3A_210 = tpu.memref_slice %arg2[%add3A_206, %dma_wait3A_209] : memref<131072x28xf32, #tpu.memory_space<hbm>> -> memref<128x28xf32, #tpu.memory_space<hbm>>
      tpu.wait_dma2 semaphore(%arg13 : memref<!tpu.dma_semaphore, #tpu.memory_space<semaphore_mem>>) src(%dma_wait3A_210 : memref<128x28xf32, #tpu.memory_space<hbm>>) dst(%arg7 : memref<128x28xf32, #tpu.memory_space<vmem>>)
      %ge3A_211 = arith.constant 2 : i32
      %ge3A_212 = arith.cmpi sge, %add3A_203, %ge3A_211 : i32
      %convert_element_type3A_213 = arith.extui %ge3A_212 : i1 to i32
      %cond3A_214 = arith.constant 0 : i32
      %cond3A_215 = arith.cmpi ne, %convert_element_type3A_213, %cond3A_214 : i32
      scf.if %cond3A_215 {
        %sub3A = arith.constant 2 : i32
        %sub3A_379 = arith.subi %add3A_203, %sub3A : i32
        %mul3A_380 = arith.constant 128 : i32
        %mul3A_381 = arith.muli %sub3A_379, %mul3A_380 : i32
        %add3A_382 = arith.addi %mul3A_2, %mul3A_381 : i32
        %dma_wait3A_383 = arith.constant 0 : i32
        %dma_wait3A_384 = tpu.memref_slice %arg5[%add3A_382, %dma_wait3A_383] : memref<131072x210xf32, #tpu.memory_space<hbm>> -> memref<128x210xf32, #tpu.memory_space<hbm>>
        %dma_wait3A_385 = arith.constant 0 : i32
        %dma_wait3A_386 = tpu.memref_slice %arg5[%add3A_382, %dma_wait3A_385] : memref<131072x210xf32, #tpu.memory_space<hbm>> -> memref<128x210xf32, #tpu.memory_space<hbm>>
        tpu.wait_dma2 semaphore(%arg15 : memref<!tpu.dma_semaphore, #tpu.memory_space<semaphore_mem>>) src(%arg9 : memref<128x210xf32, #tpu.memory_space<vmem>>) dst(%dma_wait3A_386 : memref<128x210xf32, #tpu.memory_space<hbm>>)
      } else {
      }
      %mul3A_216 = arith.constant 128 : i32
      %mul3A_217 = arith.muli %add3A_203, %mul3A_216 : i32
      %get3A_218 = arith.constant 0 : i32
      %get3A_219 = arith.index_cast %get3A_218 : i32 to index
      %get3A_220 = arith.constant 0 : index
      %get3A_221 = tpu.vector_load %arg11[%get3A_219, %get3A_220] {strides = array<i32>} : memref<29x16xi32, #tpu.memory_space<vmem>>, vector<16xi32>,
      %get3A_222 = arith.constant 1 : i32
      %get3A_223 = arith.index_cast %get3A_222 : i32 to index
      %get3A_224 = arith.constant 0 : index
      %get3A_225 = tpu.vector_load %arg11[%get3A_223, %get3A_224] {strides = array<i32>} : memref<29x16xi32, #tpu.memory_space<vmem>>, vector<16xi32>,
      %get3A_226 = arith.constant 2 : i32
      %get3A_227 = arith.index_cast %get3A_226 : i32 to index
      %get3A_228 = arith.constant 0 : index
      %get3A_229 = tpu.vector_load %arg11[%get3A_227, %get3A_228] {strides = array<i32>} : memref<29x16xi32, #tpu.memory_space<vmem>>, vector<16xi32>,
      %get3A_230 = arith.constant 3 : i32
      %get3A_231 = arith.index_cast %get3A_230 : i32 to index
      %get3A_232 = arith.constant 0 : index
      %get3A_233 = tpu.vector_load %arg11[%get3A_231, %get3A_232] {strides = array<i32>} : memref<29x16xi32, #tpu.memory_space<vmem>>, vector<16xi32>,
      %get3A_234 = arith.constant 4 : i32
      %get3A_235 = arith.index_cast %get3A_234 : i32 to index
      %get3A_236 = arith.constant 0 : index
      %get3A_237 = tpu.vector_load %arg11[%get3A_235, %get3A_236] {strides = array<i32>} : memref<29x16xi32, #tpu.memory_space<vmem>>, vector<16xi32>,
      %get3A_238 = arith.constant 5 : i32
      %get3A_239 = arith.index_cast %get3A_238 : i32 to index
      %get3A_240 = arith.constant 0 : index
      %get3A_241 = tpu.vector_load %arg11[%get3A_239, %get3A_240] {strides = array<i32>} : memref<29x16xi32, #tpu.memory_space<vmem>>, vector<16xi32>,
      %get3A_242 = arith.constant 6 : i32
      %get3A_243 = arith.index_cast %get3A_242 : i32 to index
      %get3A_244 = arith.constant 0 : index
      %get3A_245 = tpu.vector_load %arg11[%get3A_243, %get3A_244] {strides = array<i32>} : memref<29x16xi32, #tpu.memory_space<vmem>>, vector<16xi32>,
      %get3A_246 = arith.constant 7 : i32
      %get3A_247 = arith.index_cast %get3A_246 : i32 to index
      %get3A_248 = arith.constant 0 : index
      %get3A_249 = tpu.vector_load %arg11[%get3A_247, %get3A_248] {strides = array<i32>} : memref<29x16xi32, #tpu.memory_space<vmem>>, vector<16xi32>,
      %get3A_250 = arith.constant 8 : i32
      %get3A_251 = arith.index_cast %get3A_250 : i32 to index
      %get3A_252 = arith.constant 0 : index
      %get3A_253 = tpu.vector_load %arg11[%get3A_251, %get3A_252] {strides = array<i32>} : memref<29x16xi32, #tpu.memory_space<vmem>>, vector<16xi32>,
      %get3A_254 = arith.constant 9 : i32
      %get3A_255 = arith.index_cast %get3A_254 : i32 to index
      %get3A_256 = arith.constant 0 : index
      %get3A_257 = tpu.vector_load %arg11[%get3A_255, %get3A_256] {strides = array<i32>} : memref<29x16xi32, #tpu.memory_space<vmem>>, vector<16xi32>,
      %get3A_258 = arith.constant 10 : i32
      %get3A_259 = arith.index_cast %get3A_258 : i32 to index
      %get3A_260 = arith.constant 0 : index
      %get3A_261 = tpu.vector_load %arg11[%get3A_259, %get3A_260] {strides = array<i32>} : memref<29x16xi32, #tpu.memory_space<vmem>>, vector<16xi32>,
      %get3A_262 = arith.constant 11 : i32
      %get3A_263 = arith.index_cast %get3A_262 : i32 to index
      %get3A_264 = arith.constant 0 : index
      %get3A_265 = tpu.vector_load %arg11[%get3A_263, %get3A_264] {strides = array<i32>} : memref<29x16xi32, #tpu.memory_space<vmem>>, vector<16xi32>,
      %get3A_266 = arith.constant 12 : i32
      %get3A_267 = arith.index_cast %get3A_266 : i32 to index
      %get3A_268 = arith.constant 0 : index
      %get3A_269 = tpu.vector_load %arg11[%get3A_267, %get3A_268] {strides = array<i32>} : memref<29x16xi32, #tpu.memory_space<vmem>>, vector<16xi32>,
      %get3A_270 = arith.constant 13 : i32
      %get3A_271 = arith.index_cast %get3A_270 : i32 to index
      %get3A_272 = arith.constant 0 : index
      %get3A_273 = tpu.vector_load %arg11[%get3A_271, %get3A_272] {strides = array<i32>} : memref<29x16xi32, #tpu.memory_space<vmem>>, vector<16xi32>,
      %get3A_274 = arith.constant 14 : i32
      %get3A_275 = arith.index_cast %get3A_274 : i32 to index
      %get3A_276 = arith.constant 0 : index
      %get3A_277 = tpu.vector_load %arg11[%get3A_275, %get3A_276] {strides = array<i32>} : memref<29x16xi32, #tpu.memory_space<vmem>>, vector<16xi32>,
      %get3A_278 = arith.constant 15 : i32
      %get3A_279 = arith.index_cast %get3A_278 : i32 to index
      %get3A_280 = arith.constant 0 : index
      %get3A_281 = tpu.vector_load %arg11[%get3A_279, %get3A_280] {strides = array<i32>} : memref<29x16xi32, #tpu.memory_space<vmem>>, vector<16xi32>,
      %get3A_282 = arith.constant 16 : i32
      %get3A_283 = arith.index_cast %get3A_282 : i32 to index
      %get3A_284 = arith.constant 0 : index
      %get3A_285 = tpu.vector_load %arg11[%get3A_283, %get3A_284] {strides = array<i32>} : memref<29x16xi32, #tpu.memory_space<vmem>>, vector<16xi32>,
      %get3A_286 = arith.constant 17 : i32
      %get3A_287 = arith.index_cast %get3A_286 : i32 to index
      %get3A_288 = arith.constant 0 : index
      %get3A_289 = tpu.vector_load %arg11[%get3A_287, %get3A_288] {strides = array<i32>} : memref<29x16xi32, #tpu.memory_space<vmem>>, vector<16xi32>,
      %get3A_290 = arith.constant 18 : i32
      %get3A_291 = arith.index_cast %get3A_290 : i32 to index
      %get3A_292 = arith.constant 0 : index
      %get3A_293 = tpu.vector_load %arg11[%get3A_291, %get3A_292] {strides = array<i32>} : memref<29x16xi32, #tpu.memory_space<vmem>>, vector<16xi32>,
      %get3A_294 = arith.constant 19 : i32
      %get3A_295 = arith.index_cast %get3A_294 : i32 to index
      %get3A_296 = arith.constant 0 : index
      %get3A_297 = tpu.vector_load %arg11[%get3A_295, %get3A_296] {strides = array<i32>} : memref<29x16xi32, #tpu.memory_space<vmem>>, vector<16xi32>,
      %get3A_298 = arith.constant 20 : i32
      %get3A_299 = arith.index_cast %get3A_298 : i32 to index
      %get3A_300 = arith.constant 0 : index
      %get3A_301 = tpu.vector_load %arg11[%get3A_299, %get3A_300] {strides = array<i32>} : memref<29x16xi32, #tpu.memory_space<vmem>>, vector<16xi32>,
      %get3A_302 = arith.constant 21 : i32
      %get3A_303 = arith.index_cast %get3A_302 : i32 to index
      %get3A_304 = arith.constant 0 : index
      %get3A_305 = tpu.vector_load %arg11[%get3A_303, %get3A_304] {strides = array<i32>} : memref<29x16xi32, #tpu.memory_space<vmem>>, vector<16xi32>,
      %get3A_306 = arith.constant 22 : i32
      %get3A_307 = arith.index_cast %get3A_306 : i32 to index
      %get3A_308 = arith.constant 0 : index
      %get3A_309 = tpu.vector_load %arg11[%get3A_307, %get3A_308] {strides = array<i32>} : memref<29x16xi32, #tpu.memory_space<vmem>>, vector<16xi32>,
      %get3A_310 = arith.constant 23 : i32
      %get3A_311 = arith.index_cast %get3A_310 : i32 to index
      %get3A_312 = arith.constant 0 : index
      %get3A_313 = tpu.vector_load %arg11[%get3A_311, %get3A_312] {strides = array<i32>} : memref<29x16xi32, #tpu.memory_space<vmem>>, vector<16xi32>,
      %get3A_314 = arith.constant 24 : i32
      %get3A_315 = arith.index_cast %get3A_314 : i32 to index
      %get3A_316 = arith.constant 0 : index
      %get3A_317 = tpu.vector_load %arg11[%get3A_315, %get3A_316] {strides = array<i32>} : memref<29x16xi32, #tpu.memory_space<vmem>>, vector<16xi32>,
      %get3A_318 = arith.constant 25 : i32
      %get3A_319 = arith.index_cast %get3A_318 : i32 to index
      %get3A_320 = arith.constant 0 : index
      %get3A_321 = tpu.vector_load %arg11[%get3A_319, %get3A_320] {strides = array<i32>} : memref<29x16xi32, #tpu.memory_space<vmem>>, vector<16xi32>,
      %get3A_322 = arith.constant 26 : i32
      %get3A_323 = arith.index_cast %get3A_322 : i32 to index
      %get3A_324 = arith.constant 0 : index
      %get3A_325 = tpu.vector_load %arg11[%get3A_323, %get3A_324] {strides = array<i32>} : memref<29x16xi32, #tpu.memory_space<vmem>>, vector<16xi32>,
      %get3A_326 = arith.constant 27 : i32
      %get3A_327 = arith.index_cast %get3A_326 : i32 to index
      %get3A_328 = arith.constant 0 : index
      %get3A_329 = tpu.vector_load %arg11[%get3A_327, %get3A_328] {strides = array<i32>} : memref<29x16xi32, #tpu.memory_space<vmem>>, vector<16xi32>,
      %get3A_330 = arith.constant 28 : i32
      %get3A_331 = arith.index_cast %get3A_330 : i32 to index
      %get3A_332 = arith.constant 0 : index
      %get3A_333 = tpu.vector_load %arg11[%get3A_331, %get3A_332] {strides = array<i32>} : memref<29x16xi32, #tpu.memory_space<vmem>>, vector<16xi32>,
      %iota3A_334 = tpu.iota {dimensions = array<i32: 0>} : vector<16xi32>
      %lt3A_335 = arith.constant 2 : i32
      %lt3A_336 = vector.broadcast %lt3A_335 : i32 to vector<16xi32>
      %lt3A_337 = arith.cmpi slt, %iota3A_334, %lt3A_336 : vector<16xi32>
      %broadcast_in_dim3A_338 = arith.constant 1.000000e+00 : f32
      %broadcast_in_dim3A_339 = vector.broadcast %broadcast_in_dim3A_338 : f32 to vector<16xf32>
      %scan3A_340 = arith.constant 0 : i32
      %scan3A_341 = arith.constant 128 : i32
      %scan3A_342 = arith.addi %scan3A_340, %scan3A_341 : i32
      %scan3A_343 = arith.constant 4 : i32
      %scan3A_344 = scf.for %scan3A_379 = %scan3A_340 to %scan3A_342 step %scan3A_343 iter_args(%scan3A_380 = %broadcast_in_dim3A_339) -> (vector<16xf32>)  : i32 {
        %broadcast_in_dim3A_381 = vector.broadcast %scan3A_379 : i32 to vector<16xi32>
        %gather3A = tpu.vector_load_idx %arg7[%broadcast_in_dim3A_381, %get3A_221] : memref<128x28xf32, #tpu.memory_space<vmem>>[vector<16xi32>, vector<16xi32>], vector<16xf32>,
        %gather3A_382 = tpu.vector_load_idx %arg7[%broadcast_in_dim3A_381, %get3A_277] : memref<128x28xf32, #tpu.memory_space<vmem>>[vector<16xi32>, vector<16xi32>], vector<16xf32>,
        %add3A_383 = arith.addf %gather3A, %gather3A_382 : vector<16xf32>
        %sub3A = arith.subf %gather3A, %gather3A_382 : vector<16xf32>
        %abs3A = math.absf %sub3A : vector<16xf32>
        %div3A = arith.divf %abs3A, %add3A_383 : vector<16xf32>
        %min3A = arith.minimumf %scan3A_380, %add3A_383 : vector<16xf32>
        %gather3A_384 = tpu.vector_load_idx %arg7[%broadcast_in_dim3A_381, %get3A_225] : memref<128x28xf32, #tpu.memory_space<vmem>>[vector<16xi32>, vector<16xi32>], vector<16xf32>,
        %gather3A_385 = tpu.vector_load_idx %arg7[%broadcast_in_dim3A_381, %get3A_281] : memref<128x28xf32, #tpu.memory_space<vmem>>[vector<16xi32>, vector<16xi32>], vector<16xf32>,
        %add3A_386 = arith.addf %gather3A_384, %gather3A_385 : vector<16xf32>
        %sub3A_387 = arith.subf %gather3A_384, %gather3A_385 : vector<16xf32>
        %abs3A_388 = math.absf %sub3A_387 : vector<16xf32>
        %div3A_389 = arith.divf %abs3A_388, %add3A_386 : vector<16xf32>
        %min3A_390 = arith.minimumf %min3A, %add3A_386 : vector<16xf32>
        %gather3A_391 = tpu.vector_load_idx %arg7[%broadcast_in_dim3A_381, %get3A_229] : memref<128x28xf32, #tpu.memory_space<vmem>>[vector<16xi32>, vector<16xi32>], vector<16xf32>,
        %gather3A_392 = tpu.vector_load_idx %arg7[%broadcast_in_dim3A_381, %get3A_285] : memref<128x28xf32, #tpu.memory_space<vmem>>[vector<16xi32>, vector<16xi32>], vector<16xf32>,
        %add3A_393 = arith.addf %gather3A_391, %gather3A_392 : vector<16xf32>
        %sub3A_394 = arith.subf %gather3A_391, %gather3A_392 : vector<16xf32>
        %abs3A_395 = math.absf %sub3A_394 : vector<16xf32>
        %div3A_396 = arith.divf %abs3A_395, %add3A_393 : vector<16xf32>
        %min3A_397 = arith.minimumf %min3A_390, %add3A_393 : vector<16xf32>
        %gather3A_398 = tpu.vector_load_idx %arg7[%broadcast_in_dim3A_381, %get3A_233] : memref<128x28xf32, #tpu.memory_space<vmem>>[vector<16xi32>, vector<16xi32>], vector<16xf32>,
        %gather3A_399 = tpu.vector_load_idx %arg7[%broadcast_in_dim3A_381, %get3A_289] : memref<128x28xf32, #tpu.memory_space<vmem>>[vector<16xi32>, vector<16xi32>], vector<16xf32>,
        %add3A_400 = arith.addf %gather3A_398, %gather3A_399 : vector<16xf32>
        %sub3A_401 = arith.subf %gather3A_398, %gather3A_399 : vector<16xf32>
        %abs3A_402 = math.absf %sub3A_401 : vector<16xf32>
        %div3A_403 = arith.divf %abs3A_402, %add3A_400 : vector<16xf32>
        %min3A_404 = arith.minimumf %min3A_397, %add3A_400 : vector<16xf32>
        %gather3A_405 = tpu.vector_load_idx %arg7[%broadcast_in_dim3A_381, %get3A_237] : memref<128x28xf32, #tpu.memory_space<vmem>>[vector<16xi32>, vector<16xi32>], vector<16xf32>,
        %gather3A_406 = tpu.vector_load_idx %arg7[%broadcast_in_dim3A_381, %get3A_293] : memref<128x28xf32, #tpu.memory_space<vmem>>[vector<16xi32>, vector<16xi32>], vector<16xf32>,
        %add3A_407 = arith.addf %gather3A_405, %gather3A_406 : vector<16xf32>
        %sub3A_408 = arith.subf %gather3A_405, %gather3A_406 : vector<16xf32>
        %abs3A_409 = math.absf %sub3A_408 : vector<16xf32>
        %div3A_410 = arith.divf %abs3A_409, %add3A_407 : vector<16xf32>
        %min3A_411 = arith.minimumf %min3A_404, %add3A_407 : vector<16xf32>
        %gather3A_412 = tpu.vector_load_idx %arg7[%broadcast_in_dim3A_381, %get3A_241] : memref<128x28xf32, #tpu.memory_space<vmem>>[vector<16xi32>, vector<16xi32>], vector<16xf32>,
        %gather3A_413 = tpu.vector_load_idx %arg7[%broadcast_in_dim3A_381, %get3A_297] : memref<128x28xf32, #tpu.memory_space<vmem>>[vector<16xi32>, vector<16xi32>], vector<16xf32>,
        %add3A_414 = arith.addf %gather3A_412, %gather3A_413 : vector<16xf32>
        %sub3A_415 = arith.subf %gather3A_412, %gather3A_413 : vector<16xf32>
        %abs3A_416 = math.absf %sub3A_415 : vector<16xf32>
        %div3A_417 = arith.divf %abs3A_416, %add3A_414 : vector<16xf32>
        %min3A_418 = arith.minimumf %min3A_411, %add3A_414 : vector<16xf32>
        %gather3A_419 = tpu.vector_load_idx %arg7[%broadcast_in_dim3A_381, %get3A_245] : memref<128x28xf32, #tpu.memory_space<vmem>>[vector<16xi32>, vector<16xi32>], vector<16xf32>,
        %gather3A_420 = tpu.vector_load_idx %arg7[%broadcast_in_dim3A_381, %get3A_301] : memref<128x28xf32, #tpu.memory_space<vmem>>[vector<16xi32>, vector<16xi32>], vector<16xf32>,
        %add3A_421 = arith.addf %gather3A_419, %gather3A_420 : vector<16xf32>
        %sub3A_422 = arith.subf %gather3A_419, %gather3A_420 : vector<16xf32>
        %abs3A_423 = math.absf %sub3A_422 : vector<16xf32>
        %div3A_424 = arith.divf %abs3A_423, %add3A_421 : vector<16xf32>
        %min3A_425 = arith.minimumf %min3A_418, %add3A_421 : vector<16xf32>
        %gather3A_426 = tpu.vector_load_idx %arg7[%broadcast_in_dim3A_381, %get3A_249] : memref<128x28xf32, #tpu.memory_space<vmem>>[vector<16xi32>, vector<16xi32>], vector<16xf32>,
        %gather3A_427 = tpu.vector_load_idx %arg7[%broadcast_in_dim3A_381, %get3A_305] : memref<128x28xf32, #tpu.memory_space<vmem>>[vector<16xi32>, vector<16xi32>], vector<16xf32>,
        %add3A_428 = arith.addf %gather3A_426, %gather3A_427 : vector<16xf32>
        %sub3A_429 = arith.subf %gather3A_426, %gather3A_427 : vector<16xf32>
        %abs3A_430 = math.absf %sub3A_429 : vector<16xf32>
        %div3A_431 = arith.divf %abs3A_430, %add3A_428 : vector<16xf32>
        %min3A_432 = arith.minimumf %min3A_425, %add3A_428 : vector<16xf32>
        %gather3A_433 = tpu.vector_load_idx %arg7[%broadcast_in_dim3A_381, %get3A_253] : memref<128x28xf32, #tpu.memory_space<vmem>>[vector<16xi32>, vector<16xi32>], vector<16xf32>,
        %gather3A_434 = tpu.vector_load_idx %arg7[%broadcast_in_dim3A_381, %get3A_309] : memref<128x28xf32, #tpu.memory_space<vmem>>[vector<16xi32>, vector<16xi32>], vector<16xf32>,
        %add3A_435 = arith.addf %gather3A_433, %gather3A_434 : vector<16xf32>
        %sub3A_436 = arith.subf %gather3A_433, %gather3A_434 : vector<16xf32>
        %abs3A_437 = math.absf %sub3A_436 : vector<16xf32>
        %div3A_438 = arith.divf %abs3A_437, %add3A_435 : vector<16xf32>
        %min3A_439 = arith.minimumf %min3A_432, %add3A_435 : vector<16xf32>
        %gather3A_440 = tpu.vector_load_idx %arg7[%broadcast_in_dim3A_381, %get3A_257] : memref<128x28xf32, #tpu.memory_space<vmem>>[vector<16xi32>, vector<16xi32>], vector<16xf32>,
        %gather3A_441 = tpu.vector_load_idx %arg7[%broadcast_in_dim3A_381, %get3A_313] : memref<128x28xf32, #tpu.memory_space<vmem>>[vector<16xi32>, vector<16xi32>], vector<16xf32>,
        %add3A_442 = arith.addf %gather3A_440, %gather3A_441 : vector<16xf32>
        %sub3A_443 = arith.subf %gather3A_440, %gather3A_441 : vector<16xf32>
        %abs3A_444 = math.absf %sub3A_443 : vector<16xf32>
        %div3A_445 = arith.divf %abs3A_444, %add3A_442 : vector<16xf32>
        %min3A_446 = arith.minimumf %min3A_439, %add3A_442 : vector<16xf32>
        %gather3A_447 = tpu.vector_load_idx %arg7[%broadcast_in_dim3A_381, %get3A_261] : memref<128x28xf32, #tpu.memory_space<vmem>>[vector<16xi32>, vector<16xi32>], vector<16xf32>,
        %gather3A_448 = tpu.vector_load_idx %arg7[%broadcast_in_dim3A_381, %get3A_317] : memref<128x28xf32, #tpu.memory_space<vmem>>[vector<16xi32>, vector<16xi32>], vector<16xf32>,
        %add3A_449 = arith.addf %gather3A_447, %gather3A_448 : vector<16xf32>
        %sub3A_450 = arith.subf %gather3A_447, %gather3A_448 : vector<16xf32>
        %abs3A_451 = math.absf %sub3A_450 : vector<16xf32>
        %div3A_452 = arith.divf %abs3A_451, %add3A_449 : vector<16xf32>
        %min3A_453 = arith.minimumf %min3A_446, %add3A_449 : vector<16xf32>
        %gather3A_454 = tpu.vector_load_idx %arg7[%broadcast_in_dim3A_381, %get3A_265] : memref<128x28xf32, #tpu.memory_space<vmem>>[vector<16xi32>, vector<16xi32>], vector<16xf32>,
        %gather3A_455 = tpu.vector_load_idx %arg7[%broadcast_in_dim3A_381, %get3A_321] : memref<128x28xf32, #tpu.memory_space<vmem>>[vector<16xi32>, vector<16xi32>], vector<16xf32>,
        %add3A_456 = arith.addf %gather3A_454, %gather3A_455 : vector<16xf32>
        %sub3A_457 = arith.subf %gather3A_454, %gather3A_455 : vector<16xf32>
        %abs3A_458 = math.absf %sub3A_457 : vector<16xf32>
        %div3A_459 = arith.divf %abs3A_458, %add3A_456 : vector<16xf32>
        %min3A_460 = arith.minimumf %min3A_453, %add3A_456 : vector<16xf32>
        %gather3A_461 = tpu.vector_load_idx %arg7[%broadcast_in_dim3A_381, %get3A_269] : memref<128x28xf32, #tpu.memory_space<vmem>>[vector<16xi32>, vector<16xi32>], vector<16xf32>,
        %gather3A_462 = tpu.vector_load_idx %arg7[%broadcast_in_dim3A_381, %get3A_325] : memref<128x28xf32, #tpu.memory_space<vmem>>[vector<16xi32>, vector<16xi32>], vector<16xf32>,
        %add3A_463 = arith.addf %gather3A_461, %gather3A_462 : vector<16xf32>
        %sub3A_464 = arith.subf %gather3A_461, %gather3A_462 : vector<16xf32>
        %abs3A_465 = math.absf %sub3A_464 : vector<16xf32>
        %div3A_466 = arith.divf %abs3A_465, %add3A_463 : vector<16xf32>
        %min3A_467 = arith.minimumf %min3A_460, %add3A_463 : vector<16xf32>
        %gather3A_468 = tpu.vector_load_idx %arg7[%broadcast_in_dim3A_381, %get3A_273] : memref<128x28xf32, #tpu.memory_space<vmem>>[vector<16xi32>, vector<16xi32>], vector<16xf32>,
        %gather3A_469 = tpu.vector_load_idx %arg7[%broadcast_in_dim3A_381, %get3A_329] : memref<128x28xf32, #tpu.memory_space<vmem>>[vector<16xi32>, vector<16xi32>], vector<16xf32>,
        %add3A_470 = arith.addf %gather3A_468, %gather3A_469 : vector<16xf32>
        %sub3A_471 = arith.subf %gather3A_468, %gather3A_469 : vector<16xf32>
        %abs3A_472 = math.absf %sub3A_471 : vector<16xf32>
        %div3A_473 = arith.divf %abs3A_472, %add3A_470 : vector<16xf32>
        %min3A_474 = arith.minimumf %min3A_467, %add3A_470 : vector<16xf32>
        %swap3A = arith.index_cast %scan3A_379 : i32 to index
        %swap3A_475 = arith.constant 0 : index
        %swap3A_476 = tpu.vector_load %arg9[%swap3A, %swap3A_475] {strides = array<i32>} : memref<128x210xf32, #tpu.memory_space<vmem>>, vector<16xf32>,
        tpu.vector_store %arg9[%swap3A, %swap3A_475], %div3A {strides = array<i32>} : memref<128x210xf32, #tpu.memory_space<vmem>>, vector<16xf32>,
        %swap3A_477 = arith.index_cast %scan3A_379 : i32 to index
        %swap3A_478 = arith.constant 16 : index
        %swap3A_479 = tpu.vector_load %arg9[%swap3A_477, %swap3A_478] {strides = array<i32>} : memref<128x210xf32, #tpu.memory_space<vmem>>, vector<16xf32>,
        tpu.vector_store %arg9[%swap3A_477, %swap3A_478], %div3A_389 {strides = array<i32>} : memref<128x210xf32, #tpu.memory_space<vmem>>, vector<16xf32>,
        %swap3A_480 = arith.index_cast %scan3A_379 : i32 to index
        %swap3A_481 = arith.constant 32 : index
        %swap3A_482 = tpu.vector_load %arg9[%swap3A_480, %swap3A_481] {strides = array<i32>} : memref<128x210xf32, #tpu.memory_space<vmem>>, vector<16xf32>,
        tpu.vector_store %arg9[%swap3A_480, %swap3A_481], %div3A_396 {strides = array<i32>} : memref<128x210xf32, #tpu.memory_space<vmem>>, vector<16xf32>,
        %swap3A_483 = arith.index_cast %scan3A_379 : i32 to index
        %swap3A_484 = arith.constant 48 : index
        %swap3A_485 = tpu.vector_load %arg9[%swap3A_483, %swap3A_484] {strides = array<i32>} : memref<128x210xf32, #tpu.memory_space<vmem>>, vector<16xf32>,
        tpu.vector_store %arg9[%swap3A_483, %swap3A_484], %div3A_403 {strides = array<i32>} : memref<128x210xf32, #tpu.memory_space<vmem>>, vector<16xf32>,
        %swap3A_486 = arith.index_cast %scan3A_379 : i32 to index
        %swap3A_487 = arith.constant 64 : index
        %swap3A_488 = tpu.vector_load %arg9[%swap3A_486, %swap3A_487] {strides = array<i32>} : memref<128x210xf32, #tpu.memory_space<vmem>>, vector<16xf32>,
        tpu.vector_store %arg9[%swap3A_486, %swap3A_487], %div3A_410 {strides = array<i32>} : memref<128x210xf32, #tpu.memory_space<vmem>>, vector<16xf32>,
        %swap3A_489 = arith.index_cast %scan3A_379 : i32 to index
        %swap3A_490 = arith.constant 80 : index
        %swap3A_491 = tpu.vector_load %arg9[%swap3A_489, %swap3A_490] {strides = array<i32>} : memref<128x210xf32, #tpu.memory_space<vmem>>, vector<16xf32>,
        tpu.vector_store %arg9[%swap3A_489, %swap3A_490], %div3A_417 {strides = array<i32>} : memref<128x210xf32, #tpu.memory_space<vmem>>, vector<16xf32>,
        %swap3A_492 = arith.index_cast %scan3A_379 : i32 to index
        %swap3A_493 = arith.constant 96 : index
        %swap3A_494 = tpu.vector_load %arg9[%swap3A_492, %swap3A_493] {strides = array<i32>} : memref<128x210xf32, #tpu.memory_space<vmem>>, vector<16xf32>,
        tpu.vector_store %arg9[%swap3A_492, %swap3A_493], %div3A_424 {strides = array<i32>} : memref<128x210xf32, #tpu.memory_space<vmem>>, vector<16xf32>,
        %swap3A_495 = arith.index_cast %scan3A_379 : i32 to index
        %swap3A_496 = arith.constant 112 : index
        %swap3A_497 = tpu.vector_load %arg9[%swap3A_495, %swap3A_496] {strides = array<i32>} : memref<128x210xf32, #tpu.memory_space<vmem>>, vector<16xf32>,
        tpu.vector_store %arg9[%swap3A_495, %swap3A_496], %div3A_431 {strides = array<i32>} : memref<128x210xf32, #tpu.memory_space<vmem>>, vector<16xf32>,
        %swap3A_498 = arith.index_cast %scan3A_379 : i32 to index
        %swap3A_499 = arith.constant 128 : index
        %swap3A_500 = tpu.vector_load %arg9[%swap3A_498, %swap3A_499] {strides = array<i32>} : memref<128x210xf32, #tpu.memory_space<vmem>>, vector<16xf32>,
        tpu.vector_store %arg9[%swap3A_498, %swap3A_499], %div3A_438 {strides = array<i32>} : memref<128x210xf32, #tpu.memory_space<vmem>>, vector<16xf32>,
        %swap3A_501 = arith.index_cast %scan3A_379 : i32 to index
        %swap3A_502 = arith.constant 144 : index
        %swap3A_503 = tpu.vector_load %arg9[%swap3A_501, %swap3A_502] {strides = array<i32>} : memref<128x210xf32, #tpu.memory_space<vmem>>, vector<16xf32>,
        tpu.vector_store %arg9[%swap3A_501, %swap3A_502], %div3A_445 {strides = array<i32>} : memref<128x210xf32, #tpu.memory_space<vmem>>, vector<16xf32>,
        %swap3A_504 = arith.index_cast %scan3A_379 : i32 to index
        %swap3A_505 = arith.constant 160 : index
        %swap3A_506 = tpu.vector_load %arg9[%swap3A_504, %swap3A_505] {strides = array<i32>} : memref<128x210xf32, #tpu.memory_space<vmem>>, vector<16xf32>,
        tpu.vector_store %arg9[%swap3A_504, %swap3A_505], %div3A_452 {strides = array<i32>} : memref<128x210xf32, #tpu.memory_space<vmem>>, vector<16xf32>,
        %swap3A_507 = arith.index_cast %scan3A_379 : i32 to index
        %swap3A_508 = arith.constant 176 : index
        %swap3A_509 = tpu.vector_load %arg9[%swap3A_507, %swap3A_508] {strides = array<i32>} : memref<128x210xf32, #tpu.memory_space<vmem>>, vector<16xf32>,
        tpu.vector_store %arg9[%swap3A_507, %swap3A_508], %div3A_459 {strides = array<i32>} : memref<128x210xf32, #tpu.memory_space<vmem>>, vector<16xf32>,
        %swap3A_510 = arith.index_cast %scan3A_379 : i32 to index
        %swap3A_511 = arith.constant 192 : index
        %swap3A_512 = tpu.vector_load %arg9[%swap3A_510, %swap3A_511] {strides = array<i32>} : memref<128x210xf32, #tpu.memory_space<vmem>>, vector<16xf32>,
        tpu.vector_store %arg9[%swap3A_510, %swap3A_511], %div3A_466 {strides = array<i32>} : memref<128x210xf32, #tpu.memory_space<vmem>>, vector<16xf32>,
        tpu.vector_store_idx %arg9[%broadcast_in_dim3A_381, %get3A_333], %div3A_473 masked %lt3A_337 : memref<128x210xf32, #tpu.memory_space<vmem>>[vector<16xi32>, vector<16xi32>], vector<16xf32>, vector<16xi1>
        %scan3A_513 = arith.constant 1 : i32
        %scan3A_514 = arith.addi %scan3A_379, %scan3A_513 : i32
        %broadcast_in_dim3A_515 = vector.broadcast %scan3A_514 : i32 to vector<16xi32>
        %gather3A_516 = tpu.vector_load_idx %arg7[%broadcast_in_dim3A_515, %get3A_221] : memref<128x28xf32, #tpu.memory_space<vmem>>[vector<16xi32>, vector<16xi32>], vector<16xf32>,
        %gather3A_517 = tpu.vector_load_idx %arg7[%broadcast_in_dim3A_515, %get3A_277] : memref<128x28xf32, #tpu.memory_space<vmem>>[vector<16xi32>, vector<16xi32>], vector<16xf32>,
        %add3A_518 = arith.addf %gather3A_516, %gather3A_517 : vector<16xf32>
        %sub3A_519 = arith.subf %gather3A_516, %gather3A_517 : vector<16xf32>
        %abs3A_520 = math.absf %sub3A_519 : vector<16xf32>
        %div3A_521 = arith.divf %abs3A_520, %add3A_518 : vector<16xf32>
        %min3A_522 = arith.minimumf %min3A_474, %add3A_518 : vector<16xf32>
        %gather3A_523 = tpu.vector_load_idx %arg7[%broadcast_in_dim3A_515, %get3A_225] : memref<128x28xf32, #tpu.memory_space<vmem>>[vector<16xi32>, vector<16xi32>], vector<16xf32>,
        %gather3A_524 = tpu.vector_load_idx %arg7[%broadcast_in_dim3A_515, %get3A_281] : memref<128x28xf32, #tpu.memory_space<vmem>>[vector<16xi32>, vector<16xi32>], vector<16xf32>,
        %add3A_525 = arith.addf %gather3A_523, %gather3A_524 : vector<16xf32>
        %sub3A_526 = arith.subf %gather3A_523, %gather3A_524 : vector<16xf32>
        %abs3A_527 = math.absf %sub3A_526 : vector<16xf32>
        %div3A_528 = arith.divf %abs3A_527, %add3A_525 : vector<16xf32>
        %min3A_529 = arith.minimumf %min3A_522, %add3A_525 : vector<16xf32>
        %gather3A_530 = tpu.vector_load_idx %arg7[%broadcast_in_dim3A_515, %get3A_229] : memref<128x28xf32, #tpu.memory_space<vmem>>[vector<16xi32>, vector<16xi32>], vector<16xf32>,
        %gather3A_531 = tpu.vector_load_idx %arg7[%broadcast_in_dim3A_515, %get3A_285] : memref<128x28xf32, #tpu.memory_space<vmem>>[vector<16xi32>, vector<16xi32>], vector<16xf32>,
        %add3A_532 = arith.addf %gather3A_530, %gather3A_531 : vector<16xf32>
        %sub3A_533 = arith.subf %gather3A_530, %gather3A_531 : vector<16xf32>
        %abs3A_534 = math.absf %sub3A_533 : vector<16xf32>
        %div3A_535 = arith.divf %abs3A_534, %add3A_532 : vector<16xf32>
        %min3A_536 = arith.minimumf %min3A_529, %add3A_532 : vector<16xf32>
        %gather3A_537 = tpu.vector_load_idx %arg7[%broadcast_in_dim3A_515, %get3A_233] : memref<128x28xf32, #tpu.memory_space<vmem>>[vector<16xi32>, vector<16xi32>], vector<16xf32>,
        %gather3A_538 = tpu.vector_load_idx %arg7[%broadcast_in_dim3A_515, %get3A_289] : memref<128x28xf32, #tpu.memory_space<vmem>>[vector<16xi32>, vector<16xi32>], vector<16xf32>,
        %add3A_539 = arith.addf %gather3A_537, %gather3A_538 : vector<16xf32>
        %sub3A_540 = arith.subf %gather3A_537, %gather3A_538 : vector<16xf32>
        %abs3A_541 = math.absf %sub3A_540 : vector<16xf32>
        %div3A_542 = arith.divf %abs3A_541, %add3A_539 : vector<16xf32>
        %min3A_543 = arith.minimumf %min3A_536, %add3A_539 : vector<16xf32>
        %gather3A_544 = tpu.vector_load_idx %arg7[%broadcast_in_dim3A_515, %get3A_237] : memref<128x28xf32, #tpu.memory_space<vmem>>[vector<16xi32>, vector<16xi32>], vector<16xf32>,
        %gather3A_545 = tpu.vector_load_idx %arg7[%broadcast_in_dim3A_515, %get3A_293] : memref<128x28xf32, #tpu.memory_space<vmem>>[vector<16xi32>, vector<16xi32>], vector<16xf32>,
        %add3A_546 = arith.addf %gather3A_544, %gather3A_545 : vector<16xf32>
        %sub3A_547 = arith.subf %gather3A_544, %gather3A_545 : vector<16xf32>
        %abs3A_548 = math.absf %sub3A_547 : vector<16xf32>
        %div3A_549 = arith.divf %abs3A_548, %add3A_546 : vector<16xf32>
        %min3A_550 = arith.minimumf %min3A_543, %add3A_546 : vector<16xf32>
        %gather3A_551 = tpu.vector_load_idx %arg7[%broadcast_in_dim3A_515, %get3A_241] : memref<128x28xf32, #tpu.memory_space<vmem>>[vector<16xi32>, vector<16xi32>], vector<16xf32>,
        %gather3A_552 = tpu.vector_load_idx %arg7[%broadcast_in_dim3A_515, %get3A_297] : memref<128x28xf32, #tpu.memory_space<vmem>>[vector<16xi32>, vector<16xi32>], vector<16xf32>,
        %add3A_553 = arith.addf %gather3A_551, %gather3A_552 : vector<16xf32>
        %sub3A_554 = arith.subf %gather3A_551, %gather3A_552 : vector<16xf32>
        %abs3A_555 = math.absf %sub3A_554 : vector<16xf32>
        %div3A_556 = arith.divf %abs3A_555, %add3A_553 : vector<16xf32>
        %min3A_557 = arith.minimumf %min3A_550, %add3A_553 : vector<16xf32>
        %gather3A_558 = tpu.vector_load_idx %arg7[%broadcast_in_dim3A_515, %get3A_245] : memref<128x28xf32, #tpu.memory_space<vmem>>[vector<16xi32>, vector<16xi32>], vector<16xf32>,
        %gather3A_559 = tpu.vector_load_idx %arg7[%broadcast_in_dim3A_515, %get3A_301] : memref<128x28xf32, #tpu.memory_space<vmem>>[vector<16xi32>, vector<16xi32>], vector<16xf32>,
        %add3A_560 = arith.addf %gather3A_558, %gather3A_559 : vector<16xf32>
        %sub3A_561 = arith.subf %gather3A_558, %gather3A_559 : vector<16xf32>
        %abs3A_562 = math.absf %sub3A_561 : vector<16xf32>
        %div3A_563 = arith.divf %abs3A_562, %add3A_560 : vector<16xf32>
        %min3A_564 = arith.minimumf %min3A_557, %add3A_560 : vector<16xf32>
        %gather3A_565 = tpu.vector_load_idx %arg7[%broadcast_in_dim3A_515, %get3A_249] : memref<128x28xf32, #tpu.memory_space<vmem>>[vector<16xi32>, vector<16xi32>], vector<16xf32>,
        %gather3A_566 = tpu.vector_load_idx %arg7[%broadcast_in_dim3A_515, %get3A_305] : memref<128x28xf32, #tpu.memory_space<vmem>>[vector<16xi32>, vector<16xi32>], vector<16xf32>,
        %add3A_567 = arith.addf %gather3A_565, %gather3A_566 : vector<16xf32>
        %sub3A_568 = arith.subf %gather3A_565, %gather3A_566 : vector<16xf32>
        %abs3A_569 = math.absf %sub3A_568 : vector<16xf32>
        %div3A_570 = arith.divf %abs3A_569, %add3A_567 : vector<16xf32>
        %min3A_571 = arith.minimumf %min3A_564, %add3A_567 : vector<16xf32>
        %gather3A_572 = tpu.vector_load_idx %arg7[%broadcast_in_dim3A_515, %get3A_253] : memref<128x28xf32, #tpu.memory_space<vmem>>[vector<16xi32>, vector<16xi32>], vector<16xf32>,
        %gather3A_573 = tpu.vector_load_idx %arg7[%broadcast_in_dim3A_515, %get3A_309] : memref<128x28xf32, #tpu.memory_space<vmem>>[vector<16xi32>, vector<16xi32>], vector<16xf32>,
        %add3A_574 = arith.addf %gather3A_572, %gather3A_573 : vector<16xf32>
        %sub3A_575 = arith.subf %gather3A_572, %gather3A_573 : vector<16xf32>
        %abs3A_576 = math.absf %sub3A_575 : vector<16xf32>
        %div3A_577 = arith.divf %abs3A_576, %add3A_574 : vector<16xf32>
        %min3A_578 = arith.minimumf %min3A_571, %add3A_574 : vector<16xf32>
        %gather3A_579 = tpu.vector_load_idx %arg7[%broadcast_in_dim3A_515, %get3A_257] : memref<128x28xf32, #tpu.memory_space<vmem>>[vector<16xi32>, vector<16xi32>], vector<16xf32>,
        %gather3A_580 = tpu.vector_load_idx %arg7[%broadcast_in_dim3A_515, %get3A_313] : memref<128x28xf32, #tpu.memory_space<vmem>>[vector<16xi32>, vector<16xi32>], vector<16xf32>,
        %add3A_581 = arith.addf %gather3A_579, %gather3A_580 : vector<16xf32>
        %sub3A_582 = arith.subf %gather3A_579, %gather3A_580 : vector<16xf32>
        %abs3A_583 = math.absf %sub3A_582 : vector<16xf32>
        %div3A_584 = arith.divf %abs3A_583, %add3A_581 : vector<16xf32>
        %min3A_585 = arith.minimumf %min3A_578, %add3A_581 : vector<16xf32>
        %gather3A_586 = tpu.vector_load_idx %arg7[%broadcast_in_dim3A_515, %get3A_261] : memref<128x28xf32, #tpu.memory_space<vmem>>[vector<16xi32>, vector<16xi32>], vector<16xf32>,
        %gather3A_587 = tpu.vector_load_idx %arg7[%broadcast_in_dim3A_515, %get3A_317] : memref<128x28xf32, #tpu.memory_space<vmem>>[vector<16xi32>, vector<16xi32>], vector<16xf32>,
        %add3A_588 = arith.addf %gather3A_586, %gather3A_587 : vector<16xf32>
        %sub3A_589 = arith.subf %gather3A_586, %gather3A_587 : vector<16xf32>
        %abs3A_590 = math.absf %sub3A_589 : vector<16xf32>
        %div3A_591 = arith.divf %abs3A_590, %add3A_588 : vector<16xf32>
        %min3A_592 = arith.minimumf %min3A_585, %add3A_588 : vector<16xf32>
        %gather3A_593 = tpu.vector_load_idx %arg7[%broadcast_in_dim3A_515, %get3A_265] : memref<128x28xf32, #tpu.memory_space<vmem>>[vector<16xi32>, vector<16xi32>], vector<16xf32>,
        %gather3A_594 = tpu.vector_load_idx %arg7[%broadcast_in_dim3A_515, %get3A_321] : memref<128x28xf32, #tpu.memory_space<vmem>>[vector<16xi32>, vector<16xi32>], vector<16xf32>,
        %add3A_595 = arith.addf %gather3A_593, %gather3A_594 : vector<16xf32>
        %sub3A_596 = arith.subf %gather3A_593, %gather3A_594 : vector<16xf32>
        %abs3A_597 = math.absf %sub3A_596 : vector<16xf32>
        %div3A_598 = arith.divf %abs3A_597, %add3A_595 : vector<16xf32>
        %min3A_599 = arith.minimumf %min3A_592, %add3A_595 : vector<16xf32>
        %gather3A_600 = tpu.vector_load_idx %arg7[%broadcast_in_dim3A_515, %get3A_269] : memref<128x28xf32, #tpu.memory_space<vmem>>[vector<16xi32>, vector<16xi32>], vector<16xf32>,
        %gather3A_601 = tpu.vector_load_idx %arg7[%broadcast_in_dim3A_515, %get3A_325] : memref<128x28xf32, #tpu.memory_space<vmem>>[vector<16xi32>, vector<16xi32>], vector<16xf32>,
        %add3A_602 = arith.addf %gather3A_600, %gather3A_601 : vector<16xf32>
        %sub3A_603 = arith.subf %gather3A_600, %gather3A_601 : vector<16xf32>
        %abs3A_604 = math.absf %sub3A_603 : vector<16xf32>
        %div3A_605 = arith.divf %abs3A_604, %add3A_602 : vector<16xf32>
        %min3A_606 = arith.minimumf %min3A_599, %add3A_602 : vector<16xf32>
        %gather3A_607 = tpu.vector_load_idx %arg7[%broadcast_in_dim3A_515, %get3A_273] : memref<128x28xf32, #tpu.memory_space<vmem>>[vector<16xi32>, vector<16xi32>], vector<16xf32>,
        %gather3A_608 = tpu.vector_load_idx %arg7[%broadcast_in_dim3A_515, %get3A_329] : memref<128x28xf32, #tpu.memory_space<vmem>>[vector<16xi32>, vector<16xi32>], vector<16xf32>,
        %add3A_609 = arith.addf %gather3A_607, %gather3A_608 : vector<16xf32>
        %sub3A_610 = arith.subf %gather3A_607, %gather3A_608 : vector<16xf32>
        %abs3A_611 = math.absf %sub3A_610 : vector<16xf32>
        %div3A_612 = arith.divf %abs3A_611, %add3A_609 : vector<16xf32>
        %min3A_613 = arith.minimumf %min3A_606, %add3A_609 : vector<16xf32>
        %swap3A_614 = arith.index_cast %scan3A_514 : i32 to index
        %swap3A_615 = arith.constant 0 : index
        %swap3A_616 = tpu.vector_load %arg9[%swap3A_614, %swap3A_615] {strides = array<i32>} : memref<128x210xf32, #tpu.memory_space<vmem>>, vector<16xf32>,
        tpu.vector_store %arg9[%swap3A_614, %swap3A_615], %div3A_521 {strides = array<i32>} : memref<128x210xf32, #tpu.memory_space<vmem>>, vector<16xf32>,
        %swap3A_617 = arith.index_cast %scan3A_514 : i32 to index
        %swap3A_618 = arith.constant 16 : index
        %swap3A_619 = tpu.vector_load %arg9[%swap3A_617, %swap3A_618] {strides = array<i32>} : memref<128x210xf32, #tpu.memory_space<vmem>>, vector<16xf32>,
        tpu.vector_store %arg9[%swap3A_617, %swap3A_618], %div3A_528 {strides = array<i32>} : memref<128x210xf32, #tpu.memory_space<vmem>>, vector<16xf32>,
        %swap3A_620 = arith.index_cast %scan3A_514 : i32 to index
        %swap3A_621 = arith.constant 32 : index
        %swap3A_622 = tpu.vector_load %arg9[%swap3A_620, %swap3A_621] {strides = array<i32>} : memref<128x210xf32, #tpu.memory_space<vmem>>, vector<16xf32>,
        tpu.vector_store %arg9[%swap3A_620, %swap3A_621], %div3A_535 {strides = array<i32>} : memref<128x210xf32, #tpu.memory_space<vmem>>, vector<16xf32>,
        %swap3A_623 = arith.index_cast %scan3A_514 : i32 to index
        %swap3A_624 = arith.constant 48 : index
        %swap3A_625 = tpu.vector_load %arg9[%swap3A_623, %swap3A_624] {strides = array<i32>} : memref<128x210xf32, #tpu.memory_space<vmem>>, vector<16xf32>,
        tpu.vector_store %arg9[%swap3A_623, %swap3A_624], %div3A_542 {strides = array<i32>} : memref<128x210xf32, #tpu.memory_space<vmem>>, vector<16xf32>,
        %swap3A_626 = arith.index_cast %scan3A_514 : i32 to index
        %swap3A_627 = arith.constant 64 : index
        %swap3A_628 = tpu.vector_load %arg9[%swap3A_626, %swap3A_627] {strides = array<i32>} : memref<128x210xf32, #tpu.memory_space<vmem>>, vector<16xf32>,
        tpu.vector_store %arg9[%swap3A_626, %swap3A_627], %div3A_549 {strides = array<i32>} : memref<128x210xf32, #tpu.memory_space<vmem>>, vector<16xf32>,
        %swap3A_629 = arith.index_cast %scan3A_514 : i32 to index
        %swap3A_630 = arith.constant 80 : index
        %swap3A_631 = tpu.vector_load %arg9[%swap3A_629, %swap3A_630] {strides = array<i32>} : memref<128x210xf32, #tpu.memory_space<vmem>>, vector<16xf32>,
        tpu.vector_store %arg9[%swap3A_629, %swap3A_630], %div3A_556 {strides = array<i32>} : memref<128x210xf32, #tpu.memory_space<vmem>>, vector<16xf32>,
        %swap3A_632 = arith.index_cast %scan3A_514 : i32 to index
        %swap3A_633 = arith.constant 96 : index
        %swap3A_634 = tpu.vector_load %arg9[%swap3A_632, %swap3A_633] {strides = array<i32>} : memref<128x210xf32, #tpu.memory_space<vmem>>, vector<16xf32>,
        tpu.vector_store %arg9[%swap3A_632, %swap3A_633], %div3A_563 {strides = array<i32>} : memref<128x210xf32, #tpu.memory_space<vmem>>, vector<16xf32>,
        %swap3A_635 = arith.index_cast %scan3A_514 : i32 to index
        %swap3A_636 = arith.constant 112 : index
        %swap3A_637 = tpu.vector_load %arg9[%swap3A_635, %swap3A_636] {strides = array<i32>} : memref<128x210xf32, #tpu.memory_space<vmem>>, vector<16xf32>,
        tpu.vector_store %arg9[%swap3A_635, %swap3A_636], %div3A_570 {strides = array<i32>} : memref<128x210xf32, #tpu.memory_space<vmem>>, vector<16xf32>,
        %swap3A_638 = arith.index_cast %scan3A_514 : i32 to index
        %swap3A_639 = arith.constant 128 : index
        %swap3A_640 = tpu.vector_load %arg9[%swap3A_638, %swap3A_639] {strides = array<i32>} : memref<128x210xf32, #tpu.memory_space<vmem>>, vector<16xf32>,
        tpu.vector_store %arg9[%swap3A_638, %swap3A_639], %div3A_577 {strides = array<i32>} : memref<128x210xf32, #tpu.memory_space<vmem>>, vector<16xf32>,
        %swap3A_641 = arith.index_cast %scan3A_514 : i32 to index
        %swap3A_642 = arith.constant 144 : index
        %swap3A_643 = tpu.vector_load %arg9[%swap3A_641, %swap3A_642] {strides = array<i32>} : memref<128x210xf32, #tpu.memory_space<vmem>>, vector<16xf32>,
        tpu.vector_store %arg9[%swap3A_641, %swap3A_642], %div3A_584 {strides = array<i32>} : memref<128x210xf32, #tpu.memory_space<vmem>>, vector<16xf32>,
        %swap3A_644 = arith.index_cast %scan3A_514 : i32 to index
        %swap3A_645 = arith.constant 160 : index
        %swap3A_646 = tpu.vector_load %arg9[%swap3A_644, %swap3A_645] {strides = array<i32>} : memref<128x210xf32, #tpu.memory_space<vmem>>, vector<16xf32>,
        tpu.vector_store %arg9[%swap3A_644, %swap3A_645], %div3A_591 {strides = array<i32>} : memref<128x210xf32, #tpu.memory_space<vmem>>, vector<16xf32>,
        %swap3A_647 = arith.index_cast %scan3A_514 : i32 to index
        %swap3A_648 = arith.constant 176 : index
        %swap3A_649 = tpu.vector_load %arg9[%swap3A_647, %swap3A_648] {strides = array<i32>} : memref<128x210xf32, #tpu.memory_space<vmem>>, vector<16xf32>,
        tpu.vector_store %arg9[%swap3A_647, %swap3A_648], %div3A_598 {strides = array<i32>} : memref<128x210xf32, #tpu.memory_space<vmem>>, vector<16xf32>,
        %swap3A_650 = arith.index_cast %scan3A_514 : i32 to index
        %swap3A_651 = arith.constant 192 : index
        %swap3A_652 = tpu.vector_load %arg9[%swap3A_650, %swap3A_651] {strides = array<i32>} : memref<128x210xf32, #tpu.memory_space<vmem>>, vector<16xf32>,
        tpu.vector_store %arg9[%swap3A_650, %swap3A_651], %div3A_605 {strides = array<i32>} : memref<128x210xf32, #tpu.memory_space<vmem>>, vector<16xf32>,
        tpu.vector_store_idx %arg9[%broadcast_in_dim3A_515, %get3A_333], %div3A_612 masked %lt3A_337 : memref<128x210xf32, #tpu.memory_space<vmem>>[vector<16xi32>, vector<16xi32>], vector<16xf32>, vector<16xi1>
        %scan3A_653 = arith.constant 2 : i32
        %scan3A_654 = arith.addi %scan3A_379, %scan3A_653 : i32
        %broadcast_in_dim3A_655 = vector.broadcast %scan3A_654 : i32 to vector<16xi32>
        %gather3A_656 = tpu.vector_load_idx %arg7[%broadcast_in_dim3A_655, %get3A_221] : memref<128x28xf32, #tpu.memory_space<vmem>>[vector<16xi32>, vector<16xi32>], vector<16xf32>,
        %gather3A_657 = tpu.vector_load_idx %arg7[%broadcast_in_dim3A_655, %get3A_277] : memref<128x28xf32, #tpu.memory_space<vmem>>[vector<16xi32>, vector<16xi32>], vector<16xf32>,
        %add3A_658 = arith.addf %gather3A_656, %gather3A_657 : vector<16xf32>
        %sub3A_659 = arith.subf %gather3A_656, %gather3A_657 : vector<16xf32>
        %abs3A_660 = math.absf %sub3A_659 : vector<16xf32>
        %div3A_661 = arith.divf %abs3A_660, %add3A_658 : vector<16xf32>
        %min3A_662 = arith.minimumf %min3A_613, %add3A_658 : vector<16xf32>
        %gather3A_663 = tpu.vector_load_idx %arg7[%broadcast_in_dim3A_655, %get3A_225] : memref<128x28xf32, #tpu.memory_space<vmem>>[vector<16xi32>, vector<16xi32>], vector<16xf32>,
        %gather3A_664 = tpu.vector_load_idx %arg7[%broadcast_in_dim3A_655, %get3A_281] : memref<128x28xf32, #tpu.memory_space<vmem>>[vector<16xi32>, vector<16xi32>], vector<16xf32>,
        %add3A_665 = arith.addf %gather3A_663, %gather3A_664 : vector<16xf32>
        %sub3A_666 = arith.subf %gather3A_663, %gather3A_664 : vector<16xf32>
        %abs3A_667 = math.absf %sub3A_666 : vector<16xf32>
        %div3A_668 = arith.divf %abs3A_667, %add3A_665 : vector<16xf32>
        %min3A_669 = arith.minimumf %min3A_662, %add3A_665 : vector<16xf32>
        %gather3A_670 = tpu.vector_load_idx %arg7[%broadcast_in_dim3A_655, %get3A_229] : memref<128x28xf32, #tpu.memory_space<vmem>>[vector<16xi32>, vector<16xi32>], vector<16xf32>,
        %gather3A_671 = tpu.vector_load_idx %arg7[%broadcast_in_dim3A_655, %get3A_285] : memref<128x28xf32, #tpu.memory_space<vmem>>[vector<16xi32>, vector<16xi32>], vector<16xf32>,
        %add3A_672 = arith.addf %gather3A_670, %gather3A_671 : vector<16xf32>
        %sub3A_673 = arith.subf %gather3A_670, %gather3A_671 : vector<16xf32>
        %abs3A_674 = math.absf %sub3A_673 : vector<16xf32>
        %div3A_675 = arith.divf %abs3A_674, %add3A_672 : vector<16xf32>
        %min3A_676 = arith.minimumf %min3A_669, %add3A_672 : vector<16xf32>
        %gather3A_677 = tpu.vector_load_idx %arg7[%broadcast_in_dim3A_655, %get3A_233] : memref<128x28xf32, #tpu.memory_space<vmem>>[vector<16xi32>, vector<16xi32>], vector<16xf32>,
        %gather3A_678 = tpu.vector_load_idx %arg7[%broadcast_in_dim3A_655, %get3A_289] : memref<128x28xf32, #tpu.memory_space<vmem>>[vector<16xi32>, vector<16xi32>], vector<16xf32>,
        %add3A_679 = arith.addf %gather3A_677, %gather3A_678 : vector<16xf32>
        %sub3A_680 = arith.subf %gather3A_677, %gather3A_678 : vector<16xf32>
        %abs3A_681 = math.absf %sub3A_680 : vector<16xf32>
        %div3A_682 = arith.divf %abs3A_681, %add3A_679 : vector<16xf32>
        %min3A_683 = arith.minimumf %min3A_676, %add3A_679 : vector<16xf32>
        %gather3A_684 = tpu.vector_load_idx %arg7[%broadcast_in_dim3A_655, %get3A_237] : memref<128x28xf32, #tpu.memory_space<vmem>>[vector<16xi32>, vector<16xi32>], vector<16xf32>,
        %gather3A_685 = tpu.vector_load_idx %arg7[%broadcast_in_dim3A_655, %get3A_293] : memref<128x28xf32, #tpu.memory_space<vmem>>[vector<16xi32>, vector<16xi32>], vector<16xf32>,
        %add3A_686 = arith.addf %gather3A_684, %gather3A_685 : vector<16xf32>
        %sub3A_687 = arith.subf %gather3A_684, %gather3A_685 : vector<16xf32>
        %abs3A_688 = math.absf %sub3A_687 : vector<16xf32>
        %div3A_689 = arith.divf %abs3A_688, %add3A_686 : vector<16xf32>
        %min3A_690 = arith.minimumf %min3A_683, %add3A_686 : vector<16xf32>
        %gather3A_691 = tpu.vector_load_idx %arg7[%broadcast_in_dim3A_655, %get3A_241] : memref<128x28xf32, #tpu.memory_space<vmem>>[vector<16xi32>, vector<16xi32>], vector<16xf32>,
        %gather3A_692 = tpu.vector_load_idx %arg7[%broadcast_in_dim3A_655, %get3A_297] : memref<128x28xf32, #tpu.memory_space<vmem>>[vector<16xi32>, vector<16xi32>], vector<16xf32>,
        %add3A_693 = arith.addf %gather3A_691, %gather3A_692 : vector<16xf32>
        %sub3A_694 = arith.subf %gather3A_691, %gather3A_692 : vector<16xf32>
        %abs3A_695 = math.absf %sub3A_694 : vector<16xf32>
        %div3A_696 = arith.divf %abs3A_695, %add3A_693 : vector<16xf32>
        %min3A_697 = arith.minimumf %min3A_690, %add3A_693 : vector<16xf32>
        %gather3A_698 = tpu.vector_load_idx %arg7[%broadcast_in_dim3A_655, %get3A_245] : memref<128x28xf32, #tpu.memory_space<vmem>>[vector<16xi32>, vector<16xi32>], vector<16xf32>,
        %gather3A_699 = tpu.vector_load_idx %arg7[%broadcast_in_dim3A_655, %get3A_301] : memref<128x28xf32, #tpu.memory_space<vmem>>[vector<16xi32>, vector<16xi32>], vector<16xf32>,
        %add3A_700 = arith.addf %gather3A_698, %gather3A_699 : vector<16xf32>
        %sub3A_701 = arith.subf %gather3A_698, %gather3A_699 : vector<16xf32>
        %abs3A_702 = math.absf %sub3A_701 : vector<16xf32>
        %div3A_703 = arith.divf %abs3A_702, %add3A_700 : vector<16xf32>
        %min3A_704 = arith.minimumf %min3A_697, %add3A_700 : vector<16xf32>
        %gather3A_705 = tpu.vector_load_idx %arg7[%broadcast_in_dim3A_655, %get3A_249] : memref<128x28xf32, #tpu.memory_space<vmem>>[vector<16xi32>, vector<16xi32>], vector<16xf32>,
        %gather3A_706 = tpu.vector_load_idx %arg7[%broadcast_in_dim3A_655, %get3A_305] : memref<128x28xf32, #tpu.memory_space<vmem>>[vector<16xi32>, vector<16xi32>], vector<16xf32>,
        %add3A_707 = arith.addf %gather3A_705, %gather3A_706 : vector<16xf32>
        %sub3A_708 = arith.subf %gather3A_705, %gather3A_706 : vector<16xf32>
        %abs3A_709 = math.absf %sub3A_708 : vector<16xf32>
        %div3A_710 = arith.divf %abs3A_709, %add3A_707 : vector<16xf32>
        %min3A_711 = arith.minimumf %min3A_704, %add3A_707 : vector<16xf32>
        %gather3A_712 = tpu.vector_load_idx %arg7[%broadcast_in_dim3A_655, %get3A_253] : memref<128x28xf32, #tpu.memory_space<vmem>>[vector<16xi32>, vector<16xi32>], vector<16xf32>,
        %gather3A_713 = tpu.vector_load_idx %arg7[%broadcast_in_dim3A_655, %get3A_309] : memref<128x28xf32, #tpu.memory_space<vmem>>[vector<16xi32>, vector<16xi32>], vector<16xf32>,
        %add3A_714 = arith.addf %gather3A_712, %gather3A_713 : vector<16xf32>
        %sub3A_715 = arith.subf %gather3A_712, %gather3A_713 : vector<16xf32>
        %abs3A_716 = math.absf %sub3A_715 : vector<16xf32>
        %div3A_717 = arith.divf %abs3A_716, %add3A_714 : vector<16xf32>
        %min3A_718 = arith.minimumf %min3A_711, %add3A_714 : vector<16xf32>
        %gather3A_719 = tpu.vector_load_idx %arg7[%broadcast_in_dim3A_655, %get3A_257] : memref<128x28xf32, #tpu.memory_space<vmem>>[vector<16xi32>, vector<16xi32>], vector<16xf32>,
        %gather3A_720 = tpu.vector_load_idx %arg7[%broadcast_in_dim3A_655, %get3A_313] : memref<128x28xf32, #tpu.memory_space<vmem>>[vector<16xi32>, vector<16xi32>], vector<16xf32>,
        %add3A_721 = arith.addf %gather3A_719, %gather3A_720 : vector<16xf32>
        %sub3A_722 = arith.subf %gather3A_719, %gather3A_720 : vector<16xf32>
        %abs3A_723 = math.absf %sub3A_722 : vector<16xf32>
        %div3A_724 = arith.divf %abs3A_723, %add3A_721 : vector<16xf32>
        %min3A_725 = arith.minimumf %min3A_718, %add3A_721 : vector<16xf32>
        %gather3A_726 = tpu.vector_load_idx %arg7[%broadcast_in_dim3A_655, %get3A_261] : memref<128x28xf32, #tpu.memory_space<vmem>>[vector<16xi32>, vector<16xi32>], vector<16xf32>,
        %gather3A_727 = tpu.vector_load_idx %arg7[%broadcast_in_dim3A_655, %get3A_317] : memref<128x28xf32, #tpu.memory_space<vmem>>[vector<16xi32>, vector<16xi32>], vector<16xf32>,
        %add3A_728 = arith.addf %gather3A_726, %gather3A_727 : vector<16xf32>
        %sub3A_729 = arith.subf %gather3A_726, %gather3A_727 : vector<16xf32>
        %abs3A_730 = math.absf %sub3A_729 : vector<16xf32>
        %div3A_731 = arith.divf %abs3A_730, %add3A_728 : vector<16xf32>
        %min3A_732 = arith.minimumf %min3A_725, %add3A_728 : vector<16xf32>
        %gather3A_733 = tpu.vector_load_idx %arg7[%broadcast_in_dim3A_655, %get3A_265] : memref<128x28xf32, #tpu.memory_space<vmem>>[vector<16xi32>, vector<16xi32>], vector<16xf32>,
        %gather3A_734 = tpu.vector_load_idx %arg7[%broadcast_in_dim3A_655, %get3A_321] : memref<128x28xf32, #tpu.memory_space<vmem>>[vector<16xi32>, vector<16xi32>], vector<16xf32>,
        %add3A_735 = arith.addf %gather3A_733, %gather3A_734 : vector<16xf32>
        %sub3A_736 = arith.subf %gather3A_733, %gather3A_734 : vector<16xf32>
        %abs3A_737 = math.absf %sub3A_736 : vector<16xf32>
        %div3A_738 = arith.divf %abs3A_737, %add3A_735 : vector<16xf32>
        %min3A_739 = arith.minimumf %min3A_732, %add3A_735 : vector<16xf32>
        %gather3A_740 = tpu.vector_load_idx %arg7[%broadcast_in_dim3A_655, %get3A_269] : memref<128x28xf32, #tpu.memory_space<vmem>>[vector<16xi32>, vector<16xi32>], vector<16xf32>,
        %gather3A_741 = tpu.vector_load_idx %arg7[%broadcast_in_dim3A_655, %get3A_325] : memref<128x28xf32, #tpu.memory_space<vmem>>[vector<16xi32>, vector<16xi32>], vector<16xf32>,
        %add3A_742 = arith.addf %gather3A_740, %gather3A_741 : vector<16xf32>
        %sub3A_743 = arith.subf %gather3A_740, %gather3A_741 : vector<16xf32>
        %abs3A_744 = math.absf %sub3A_743 : vector<16xf32>
        %div3A_745 = arith.divf %abs3A_744, %add3A_742 : vector<16xf32>
        %min3A_746 = arith.minimumf %min3A_739, %add3A_742 : vector<16xf32>
        %gather3A_747 = tpu.vector_load_idx %arg7[%broadcast_in_dim3A_655, %get3A_273] : memref<128x28xf32, #tpu.memory_space<vmem>>[vector<16xi32>, vector<16xi32>], vector<16xf32>,
        %gather3A_748 = tpu.vector_load_idx %arg7[%broadcast_in_dim3A_655, %get3A_329] : memref<128x28xf32, #tpu.memory_space<vmem>>[vector<16xi32>, vector<16xi32>], vector<16xf32>,
        %add3A_749 = arith.addf %gather3A_747, %gather3A_748 : vector<16xf32>
        %sub3A_750 = arith.subf %gather3A_747, %gather3A_748 : vector<16xf32>
        %abs3A_751 = math.absf %sub3A_750 : vector<16xf32>
        %div3A_752 = arith.divf %abs3A_751, %add3A_749 : vector<16xf32>
        %min3A_753 = arith.minimumf %min3A_746, %add3A_749 : vector<16xf32>
        %swap3A_754 = arith.index_cast %scan3A_654 : i32 to index
        %swap3A_755 = arith.constant 0 : index
        %swap3A_756 = tpu.vector_load %arg9[%swap3A_754, %swap3A_755] {strides = array<i32>} : memref<128x210xf32, #tpu.memory_space<vmem>>, vector<16xf32>,
        tpu.vector_store %arg9[%swap3A_754, %swap3A_755], %div3A_661 {strides = array<i32>} : memref<128x210xf32, #tpu.memory_space<vmem>>, vector<16xf32>,
        %swap3A_757 = arith.index_cast %scan3A_654 : i32 to index
        %swap3A_758 = arith.constant 16 : index
        %swap3A_759 = tpu.vector_load %arg9[%swap3A_757, %swap3A_758] {strides = array<i32>} : memref<128x210xf32, #tpu.memory_space<vmem>>, vector<16xf32>,
        tpu.vector_store %arg9[%swap3A_757, %swap3A_758], %div3A_668 {strides = array<i32>} : memref<128x210xf32, #tpu.memory_space<vmem>>, vector<16xf32>,
        %swap3A_760 = arith.index_cast %scan3A_654 : i32 to index
        %swap3A_761 = arith.constant 32 : index
        %swap3A_762 = tpu.vector_load %arg9[%swap3A_760, %swap3A_761] {strides = array<i32>} : memref<128x210xf32, #tpu.memory_space<vmem>>, vector<16xf32>,
        tpu.vector_store %arg9[%swap3A_760, %swap3A_761], %div3A_675 {strides = array<i32>} : memref<128x210xf32, #tpu.memory_space<vmem>>, vector<16xf32>,
        %swap3A_763 = arith.index_cast %scan3A_654 : i32 to index
        %swap3A_764 = arith.constant 48 : index
        %swap3A_765 = tpu.vector_load %arg9[%swap3A_763, %swap3A_764] {strides = array<i32>} : memref<128x210xf32, #tpu.memory_space<vmem>>, vector<16xf32>,
        tpu.vector_store %arg9[%swap3A_763, %swap3A_764], %div3A_682 {strides = array<i32>} : memref<128x210xf32, #tpu.memory_space<vmem>>, vector<16xf32>,
        %swap3A_766 = arith.index_cast %scan3A_654 : i32 to index
        %swap3A_767 = arith.constant 64 : index
        %swap3A_768 = tpu.vector_load %arg9[%swap3A_766, %swap3A_767] {strides = array<i32>} : memref<128x210xf32, #tpu.memory_space<vmem>>, vector<16xf32>,
        tpu.vector_store %arg9[%swap3A_766, %swap3A_767], %div3A_689 {strides = array<i32>} : memref<128x210xf32, #tpu.memory_space<vmem>>, vector<16xf32>,
        %swap3A_769 = arith.index_cast %scan3A_654 : i32 to index
        %swap3A_770 = arith.constant 80 : index
        %swap3A_771 = tpu.vector_load %arg9[%swap3A_769, %swap3A_770] {strides = array<i32>} : memref<128x210xf32, #tpu.memory_space<vmem>>, vector<16xf32>,
        tpu.vector_store %arg9[%swap3A_769, %swap3A_770], %div3A_696 {strides = array<i32>} : memref<128x210xf32, #tpu.memory_space<vmem>>, vector<16xf32>,
        %swap3A_772 = arith.index_cast %scan3A_654 : i32 to index
        %swap3A_773 = arith.constant 96 : index
        %swap3A_774 = tpu.vector_load %arg9[%swap3A_772, %swap3A_773] {strides = array<i32>} : memref<128x210xf32, #tpu.memory_space<vmem>>, vector<16xf32>,
        tpu.vector_store %arg9[%swap3A_772, %swap3A_773], %div3A_703 {strides = array<i32>} : memref<128x210xf32, #tpu.memory_space<vmem>>, vector<16xf32>,
        %swap3A_775 = arith.index_cast %scan3A_654 : i32 to index
        %swap3A_776 = arith.constant 112 : index
        %swap3A_777 = tpu.vector_load %arg9[%swap3A_775, %swap3A_776] {strides = array<i32>} : memref<128x210xf32, #tpu.memory_space<vmem>>, vector<16xf32>,
        tpu.vector_store %arg9[%swap3A_775, %swap3A_776], %div3A_710 {strides = array<i32>} : memref<128x210xf32, #tpu.memory_space<vmem>>, vector<16xf32>,
        %swap3A_778 = arith.index_cast %scan3A_654 : i32 to index
        %swap3A_779 = arith.constant 128 : index
        %swap3A_780 = tpu.vector_load %arg9[%swap3A_778, %swap3A_779] {strides = array<i32>} : memref<128x210xf32, #tpu.memory_space<vmem>>, vector<16xf32>,
        tpu.vector_store %arg9[%swap3A_778, %swap3A_779], %div3A_717 {strides = array<i32>} : memref<128x210xf32, #tpu.memory_space<vmem>>, vector<16xf32>,
        %swap3A_781 = arith.index_cast %scan3A_654 : i32 to index
        %swap3A_782 = arith.constant 144 : index
        %swap3A_783 = tpu.vector_load %arg9[%swap3A_781, %swap3A_782] {strides = array<i32>} : memref<128x210xf32, #tpu.memory_space<vmem>>, vector<16xf32>,
        tpu.vector_store %arg9[%swap3A_781, %swap3A_782], %div3A_724 {strides = array<i32>} : memref<128x210xf32, #tpu.memory_space<vmem>>, vector<16xf32>,
        %swap3A_784 = arith.index_cast %scan3A_654 : i32 to index
        %swap3A_785 = arith.constant 160 : index
        %swap3A_786 = tpu.vector_load %arg9[%swap3A_784, %swap3A_785] {strides = array<i32>} : memref<128x210xf32, #tpu.memory_space<vmem>>, vector<16xf32>,
        tpu.vector_store %arg9[%swap3A_784, %swap3A_785], %div3A_731 {strides = array<i32>} : memref<128x210xf32, #tpu.memory_space<vmem>>, vector<16xf32>,
        %swap3A_787 = arith.index_cast %scan3A_654 : i32 to index
        %swap3A_788 = arith.constant 176 : index
        %swap3A_789 = tpu.vector_load %arg9[%swap3A_787, %swap3A_788] {strides = array<i32>} : memref<128x210xf32, #tpu.memory_space<vmem>>, vector<16xf32>,
        tpu.vector_store %arg9[%swap3A_787, %swap3A_788], %div3A_738 {strides = array<i32>} : memref<128x210xf32, #tpu.memory_space<vmem>>, vector<16xf32>,
        %swap3A_790 = arith.index_cast %scan3A_654 : i32 to index
        %swap3A_791 = arith.constant 192 : index
        %swap3A_792 = tpu.vector_load %arg9[%swap3A_790, %swap3A_791] {strides = array<i32>} : memref<128x210xf32, #tpu.memory_space<vmem>>, vector<16xf32>,
        tpu.vector_store %arg9[%swap3A_790, %swap3A_791], %div3A_745 {strides = array<i32>} : memref<128x210xf32, #tpu.memory_space<vmem>>, vector<16xf32>,
        tpu.vector_store_idx %arg9[%broadcast_in_dim3A_655, %get3A_333], %div3A_752 masked %lt3A_337 : memref<128x210xf32, #tpu.memory_space<vmem>>[vector<16xi32>, vector<16xi32>], vector<16xf32>, vector<16xi1>
        %scan3A_793 = arith.constant 3 : i32
        %scan3A_794 = arith.addi %scan3A_379, %scan3A_793 : i32
        %broadcast_in_dim3A_795 = vector.broadcast %scan3A_794 : i32 to vector<16xi32>
        %gather3A_796 = tpu.vector_load_idx %arg7[%broadcast_in_dim3A_795, %get3A_221] : memref<128x28xf32, #tpu.memory_space<vmem>>[vector<16xi32>, vector<16xi32>], vector<16xf32>,
        %gather3A_797 = tpu.vector_load_idx %arg7[%broadcast_in_dim3A_795, %get3A_277] : memref<128x28xf32, #tpu.memory_space<vmem>>[vector<16xi32>, vector<16xi32>], vector<16xf32>,
        %add3A_798 = arith.addf %gather3A_796, %gather3A_797 : vector<16xf32>
        %sub3A_799 = arith.subf %gather3A_796, %gather3A_797 : vector<16xf32>
        %abs3A_800 = math.absf %sub3A_799 : vector<16xf32>
        %div3A_801 = arith.divf %abs3A_800, %add3A_798 : vector<16xf32>
        %min3A_802 = arith.minimumf %min3A_753, %add3A_798 : vector<16xf32>
        %gather3A_803 = tpu.vector_load_idx %arg7[%broadcast_in_dim3A_795, %get3A_225] : memref<128x28xf32, #tpu.memory_space<vmem>>[vector<16xi32>, vector<16xi32>], vector<16xf32>,
        %gather3A_804 = tpu.vector_load_idx %arg7[%broadcast_in_dim3A_795, %get3A_281] : memref<128x28xf32, #tpu.memory_space<vmem>>[vector<16xi32>, vector<16xi32>], vector<16xf32>,
        %add3A_805 = arith.addf %gather3A_803, %gather3A_804 : vector<16xf32>
        %sub3A_806 = arith.subf %gather3A_803, %gather3A_804 : vector<16xf32>
        %abs3A_807 = math.absf %sub3A_806 : vector<16xf32>
        %div3A_808 = arith.divf %abs3A_807, %add3A_805 : vector<16xf32>
        %min3A_809 = arith.minimumf %min3A_802, %add3A_805 : vector<16xf32>
        %gather3A_810 = tpu.vector_load_idx %arg7[%broadcast_in_dim3A_795, %get3A_229] : memref<128x28xf32, #tpu.memory_space<vmem>>[vector<16xi32>, vector<16xi32>], vector<16xf32>,
        %gather3A_811 = tpu.vector_load_idx %arg7[%broadcast_in_dim3A_795, %get3A_285] : memref<128x28xf32, #tpu.memory_space<vmem>>[vector<16xi32>, vector<16xi32>], vector<16xf32>,
        %add3A_812 = arith.addf %gather3A_810, %gather3A_811 : vector<16xf32>
        %sub3A_813 = arith.subf %gather3A_810, %gather3A_811 : vector<16xf32>
        %abs3A_814 = math.absf %sub3A_813 : vector<16xf32>
        %div3A_815 = arith.divf %abs3A_814, %add3A_812 : vector<16xf32>
        %min3A_816 = arith.minimumf %min3A_809, %add3A_812 : vector<16xf32>
        %gather3A_817 = tpu.vector_load_idx %arg7[%broadcast_in_dim3A_795, %get3A_233] : memref<128x28xf32, #tpu.memory_space<vmem>>[vector<16xi32>, vector<16xi32>], vector<16xf32>,
        %gather3A_818 = tpu.vector_load_idx %arg7[%broadcast_in_dim3A_795, %get3A_289] : memref<128x28xf32, #tpu.memory_space<vmem>>[vector<16xi32>, vector<16xi32>], vector<16xf32>,
        %add3A_819 = arith.addf %gather3A_817, %gather3A_818 : vector<16xf32>
        %sub3A_820 = arith.subf %gather3A_817, %gather3A_818 : vector<16xf32>
        %abs3A_821 = math.absf %sub3A_820 : vector<16xf32>
        %div3A_822 = arith.divf %abs3A_821, %add3A_819 : vector<16xf32>
        %min3A_823 = arith.minimumf %min3A_816, %add3A_819 : vector<16xf32>
        %gather3A_824 = tpu.vector_load_idx %arg7[%broadcast_in_dim3A_795, %get3A_237] : memref<128x28xf32, #tpu.memory_space<vmem>>[vector<16xi32>, vector<16xi32>], vector<16xf32>,
        %gather3A_825 = tpu.vector_load_idx %arg7[%broadcast_in_dim3A_795, %get3A_293] : memref<128x28xf32, #tpu.memory_space<vmem>>[vector<16xi32>, vector<16xi32>], vector<16xf32>,
        %add3A_826 = arith.addf %gather3A_824, %gather3A_825 : vector<16xf32>
        %sub3A_827 = arith.subf %gather3A_824, %gather3A_825 : vector<16xf32>
        %abs3A_828 = math.absf %sub3A_827 : vector<16xf32>
        %div3A_829 = arith.divf %abs3A_828, %add3A_826 : vector<16xf32>
        %min3A_830 = arith.minimumf %min3A_823, %add3A_826 : vector<16xf32>
        %gather3A_831 = tpu.vector_load_idx %arg7[%broadcast_in_dim3A_795, %get3A_241] : memref<128x28xf32, #tpu.memory_space<vmem>>[vector<16xi32>, vector<16xi32>], vector<16xf32>,
        %gather3A_832 = tpu.vector_load_idx %arg7[%broadcast_in_dim3A_795, %get3A_297] : memref<128x28xf32, #tpu.memory_space<vmem>>[vector<16xi32>, vector<16xi32>], vector<16xf32>,
        %add3A_833 = arith.addf %gather3A_831, %gather3A_832 : vector<16xf32>
        %sub3A_834 = arith.subf %gather3A_831, %gather3A_832 : vector<16xf32>
        %abs3A_835 = math.absf %sub3A_834 : vector<16xf32>
        %div3A_836 = arith.divf %abs3A_835, %add3A_833 : vector<16xf32>
        %min3A_837 = arith.minimumf %min3A_830, %add3A_833 : vector<16xf32>
        %gather3A_838 = tpu.vector_load_idx %arg7[%broadcast_in_dim3A_795, %get3A_245] : memref<128x28xf32, #tpu.memory_space<vmem>>[vector<16xi32>, vector<16xi32>], vector<16xf32>,
        %gather3A_839 = tpu.vector_load_idx %arg7[%broadcast_in_dim3A_795, %get3A_301] : memref<128x28xf32, #tpu.memory_space<vmem>>[vector<16xi32>, vector<16xi32>], vector<16xf32>,
        %add3A_840 = arith.addf %gather3A_838, %gather3A_839 : vector<16xf32>
        %sub3A_841 = arith.subf %gather3A_838, %gather3A_839 : vector<16xf32>
        %abs3A_842 = math.absf %sub3A_841 : vector<16xf32>
        %div3A_843 = arith.divf %abs3A_842, %add3A_840 : vector<16xf32>
        %min3A_844 = arith.minimumf %min3A_837, %add3A_840 : vector<16xf32>
        %gather3A_845 = tpu.vector_load_idx %arg7[%broadcast_in_dim3A_795, %get3A_249] : memref<128x28xf32, #tpu.memory_space<vmem>>[vector<16xi32>, vector<16xi32>], vector<16xf32>,
        %gather3A_846 = tpu.vector_load_idx %arg7[%broadcast_in_dim3A_795, %get3A_305] : memref<128x28xf32, #tpu.memory_space<vmem>>[vector<16xi32>, vector<16xi32>], vector<16xf32>,
        %add3A_847 = arith.addf %gather3A_845, %gather3A_846 : vector<16xf32>
        %sub3A_848 = arith.subf %gather3A_845, %gather3A_846 : vector<16xf32>
        %abs3A_849 = math.absf %sub3A_848 : vector<16xf32>
        %div3A_850 = arith.divf %abs3A_849, %add3A_847 : vector<16xf32>
        %min3A_851 = arith.minimumf %min3A_844, %add3A_847 : vector<16xf32>
        %gather3A_852 = tpu.vector_load_idx %arg7[%broadcast_in_dim3A_795, %get3A_253] : memref<128x28xf32, #tpu.memory_space<vmem>>[vector<16xi32>, vector<16xi32>], vector<16xf32>,
        %gather3A_853 = tpu.vector_load_idx %arg7[%broadcast_in_dim3A_795, %get3A_309] : memref<128x28xf32, #tpu.memory_space<vmem>>[vector<16xi32>, vector<16xi32>], vector<16xf32>,
        %add3A_854 = arith.addf %gather3A_852, %gather3A_853 : vector<16xf32>
        %sub3A_855 = arith.subf %gather3A_852, %gather3A_853 : vector<16xf32>
        %abs3A_856 = math.absf %sub3A_855 : vector<16xf32>
        %div3A_857 = arith.divf %abs3A_856, %add3A_854 : vector<16xf32>
        %min3A_858 = arith.minimumf %min3A_851, %add3A_854 : vector<16xf32>
        %gather3A_859 = tpu.vector_load_idx %arg7[%broadcast_in_dim3A_795, %get3A_257] : memref<128x28xf32, #tpu.memory_space<vmem>>[vector<16xi32>, vector<16xi32>], vector<16xf32>,
        %gather3A_860 = tpu.vector_load_idx %arg7[%broadcast_in_dim3A_795, %get3A_313] : memref<128x28xf32, #tpu.memory_space<vmem>>[vector<16xi32>, vector<16xi32>], vector<16xf32>,
        %add3A_861 = arith.addf %gather3A_859, %gather3A_860 : vector<16xf32>
        %sub3A_862 = arith.subf %gather3A_859, %gather3A_860 : vector<16xf32>
        %abs3A_863 = math.absf %sub3A_862 : vector<16xf32>
        %div3A_864 = arith.divf %abs3A_863, %add3A_861 : vector<16xf32>
        %min3A_865 = arith.minimumf %min3A_858, %add3A_861 : vector<16xf32>
        %gather3A_866 = tpu.vector_load_idx %arg7[%broadcast_in_dim3A_795, %get3A_261] : memref<128x28xf32, #tpu.memory_space<vmem>>[vector<16xi32>, vector<16xi32>], vector<16xf32>,
        %gather3A_867 = tpu.vector_load_idx %arg7[%broadcast_in_dim3A_795, %get3A_317] : memref<128x28xf32, #tpu.memory_space<vmem>>[vector<16xi32>, vector<16xi32>], vector<16xf32>,
        %add3A_868 = arith.addf %gather3A_866, %gather3A_867 : vector<16xf32>
        %sub3A_869 = arith.subf %gather3A_866, %gather3A_867 : vector<16xf32>
        %abs3A_870 = math.absf %sub3A_869 : vector<16xf32>
        %div3A_871 = arith.divf %abs3A_870, %add3A_868 : vector<16xf32>
        %min3A_872 = arith.minimumf %min3A_865, %add3A_868 : vector<16xf32>
        %gather3A_873 = tpu.vector_load_idx %arg7[%broadcast_in_dim3A_795, %get3A_265] : memref<128x28xf32, #tpu.memory_space<vmem>>[vector<16xi32>, vector<16xi32>], vector<16xf32>,
        %gather3A_874 = tpu.vector_load_idx %arg7[%broadcast_in_dim3A_795, %get3A_321] : memref<128x28xf32, #tpu.memory_space<vmem>>[vector<16xi32>, vector<16xi32>], vector<16xf32>,
        %add3A_875 = arith.addf %gather3A_873, %gather3A_874 : vector<16xf32>
        %sub3A_876 = arith.subf %gather3A_873, %gather3A_874 : vector<16xf32>
        %abs3A_877 = math.absf %sub3A_876 : vector<16xf32>
        %div3A_878 = arith.divf %abs3A_877, %add3A_875 : vector<16xf32>
        %min3A_879 = arith.minimumf %min3A_872, %add3A_875 : vector<16xf32>
        %gather3A_880 = tpu.vector_load_idx %arg7[%broadcast_in_dim3A_795, %get3A_269] : memref<128x28xf32, #tpu.memory_space<vmem>>[vector<16xi32>, vector<16xi32>], vector<16xf32>,
        %gather3A_881 = tpu.vector_load_idx %arg7[%broadcast_in_dim3A_795, %get3A_325] : memref<128x28xf32, #tpu.memory_space<vmem>>[vector<16xi32>, vector<16xi32>], vector<16xf32>,
        %add3A_882 = arith.addf %gather3A_880, %gather3A_881 : vector<16xf32>
        %sub3A_883 = arith.subf %gather3A_880, %gather3A_881 : vector<16xf32>
        %abs3A_884 = math.absf %sub3A_883 : vector<16xf32>
        %div3A_885 = arith.divf %abs3A_884, %add3A_882 : vector<16xf32>
        %min3A_886 = arith.minimumf %min3A_879, %add3A_882 : vector<16xf32>
        %gather3A_887 = tpu.vector_load_idx %arg7[%broadcast_in_dim3A_795, %get3A_273] : memref<128x28xf32, #tpu.memory_space<vmem>>[vector<16xi32>, vector<16xi32>], vector<16xf32>,
        %gather3A_888 = tpu.vector_load_idx %arg7[%broadcast_in_dim3A_795, %get3A_329] : memref<128x28xf32, #tpu.memory_space<vmem>>[vector<16xi32>, vector<16xi32>], vector<16xf32>,
        %add3A_889 = arith.addf %gather3A_887, %gather3A_888 : vector<16xf32>
        %sub3A_890 = arith.subf %gather3A_887, %gather3A_888 : vector<16xf32>
        %abs3A_891 = math.absf %sub3A_890 : vector<16xf32>
        %div3A_892 = arith.divf %abs3A_891, %add3A_889 : vector<16xf32>
        %min3A_893 = arith.minimumf %min3A_886, %add3A_889 : vector<16xf32>
        %swap3A_894 = arith.index_cast %scan3A_794 : i32 to index
        %swap3A_895 = arith.constant 0 : index
        %swap3A_896 = tpu.vector_load %arg9[%swap3A_894, %swap3A_895] {strides = array<i32>} : memref<128x210xf32, #tpu.memory_space<vmem>>, vector<16xf32>,
        tpu.vector_store %arg9[%swap3A_894, %swap3A_895], %div3A_801 {strides = array<i32>} : memref<128x210xf32, #tpu.memory_space<vmem>>, vector<16xf32>,
        %swap3A_897 = arith.index_cast %scan3A_794 : i32 to index
        %swap3A_898 = arith.constant 16 : index
        %swap3A_899 = tpu.vector_load %arg9[%swap3A_897, %swap3A_898] {strides = array<i32>} : memref<128x210xf32, #tpu.memory_space<vmem>>, vector<16xf32>,
        tpu.vector_store %arg9[%swap3A_897, %swap3A_898], %div3A_808 {strides = array<i32>} : memref<128x210xf32, #tpu.memory_space<vmem>>, vector<16xf32>,
        %swap3A_900 = arith.index_cast %scan3A_794 : i32 to index
        %swap3A_901 = arith.constant 32 : index
        %swap3A_902 = tpu.vector_load %arg9[%swap3A_900, %swap3A_901] {strides = array<i32>} : memref<128x210xf32, #tpu.memory_space<vmem>>, vector<16xf32>,
        tpu.vector_store %arg9[%swap3A_900, %swap3A_901], %div3A_815 {strides = array<i32>} : memref<128x210xf32, #tpu.memory_space<vmem>>, vector<16xf32>,
        %swap3A_903 = arith.index_cast %scan3A_794 : i32 to index
        %swap3A_904 = arith.constant 48 : index
        %swap3A_905 = tpu.vector_load %arg9[%swap3A_903, %swap3A_904] {strides = array<i32>} : memref<128x210xf32, #tpu.memory_space<vmem>>, vector<16xf32>,
        tpu.vector_store %arg9[%swap3A_903, %swap3A_904], %div3A_822 {strides = array<i32>} : memref<128x210xf32, #tpu.memory_space<vmem>>, vector<16xf32>,
        %swap3A_906 = arith.index_cast %scan3A_794 : i32 to index
        %swap3A_907 = arith.constant 64 : index
        %swap3A_908 = tpu.vector_load %arg9[%swap3A_906, %swap3A_907] {strides = array<i32>} : memref<128x210xf32, #tpu.memory_space<vmem>>, vector<16xf32>,
        tpu.vector_store %arg9[%swap3A_906, %swap3A_907], %div3A_829 {strides = array<i32>} : memref<128x210xf32, #tpu.memory_space<vmem>>, vector<16xf32>,
        %swap3A_909 = arith.index_cast %scan3A_794 : i32 to index
        %swap3A_910 = arith.constant 80 : index
        %swap3A_911 = tpu.vector_load %arg9[%swap3A_909, %swap3A_910] {strides = array<i32>} : memref<128x210xf32, #tpu.memory_space<vmem>>, vector<16xf32>,
        tpu.vector_store %arg9[%swap3A_909, %swap3A_910], %div3A_836 {strides = array<i32>} : memref<128x210xf32, #tpu.memory_space<vmem>>, vector<16xf32>,
        %swap3A_912 = arith.index_cast %scan3A_794 : i32 to index
        %swap3A_913 = arith.constant 96 : index
        %swap3A_914 = tpu.vector_load %arg9[%swap3A_912, %swap3A_913] {strides = array<i32>} : memref<128x210xf32, #tpu.memory_space<vmem>>, vector<16xf32>,
        tpu.vector_store %arg9[%swap3A_912, %swap3A_913], %div3A_843 {strides = array<i32>} : memref<128x210xf32, #tpu.memory_space<vmem>>, vector<16xf32>,
        %swap3A_915 = arith.index_cast %scan3A_794 : i32 to index
        %swap3A_916 = arith.constant 112 : index
        %swap3A_917 = tpu.vector_load %arg9[%swap3A_915, %swap3A_916] {strides = array<i32>} : memref<128x210xf32, #tpu.memory_space<vmem>>, vector<16xf32>,
        tpu.vector_store %arg9[%swap3A_915, %swap3A_916], %div3A_850 {strides = array<i32>} : memref<128x210xf32, #tpu.memory_space<vmem>>, vector<16xf32>,
        %swap3A_918 = arith.index_cast %scan3A_794 : i32 to index
        %swap3A_919 = arith.constant 128 : index
        %swap3A_920 = tpu.vector_load %arg9[%swap3A_918, %swap3A_919] {strides = array<i32>} : memref<128x210xf32, #tpu.memory_space<vmem>>, vector<16xf32>,
        tpu.vector_store %arg9[%swap3A_918, %swap3A_919], %div3A_857 {strides = array<i32>} : memref<128x210xf32, #tpu.memory_space<vmem>>, vector<16xf32>,
        %swap3A_921 = arith.index_cast %scan3A_794 : i32 to index
        %swap3A_922 = arith.constant 144 : index
        %swap3A_923 = tpu.vector_load %arg9[%swap3A_921, %swap3A_922] {strides = array<i32>} : memref<128x210xf32, #tpu.memory_space<vmem>>, vector<16xf32>,
        tpu.vector_store %arg9[%swap3A_921, %swap3A_922], %div3A_864 {strides = array<i32>} : memref<128x210xf32, #tpu.memory_space<vmem>>, vector<16xf32>,
        %swap3A_924 = arith.index_cast %scan3A_794 : i32 to index
        %swap3A_925 = arith.constant 160 : index
        %swap3A_926 = tpu.vector_load %arg9[%swap3A_924, %swap3A_925] {strides = array<i32>} : memref<128x210xf32, #tpu.memory_space<vmem>>, vector<16xf32>,
        tpu.vector_store %arg9[%swap3A_924, %swap3A_925], %div3A_871 {strides = array<i32>} : memref<128x210xf32, #tpu.memory_space<vmem>>, vector<16xf32>,
        %swap3A_927 = arith.index_cast %scan3A_794 : i32 to index
        %swap3A_928 = arith.constant 176 : index
        %swap3A_929 = tpu.vector_load %arg9[%swap3A_927, %swap3A_928] {strides = array<i32>} : memref<128x210xf32, #tpu.memory_space<vmem>>, vector<16xf32>,
        tpu.vector_store %arg9[%swap3A_927, %swap3A_928], %div3A_878 {strides = array<i32>} : memref<128x210xf32, #tpu.memory_space<vmem>>, vector<16xf32>,
        %swap3A_930 = arith.index_cast %scan3A_794 : i32 to index
        %swap3A_931 = arith.constant 192 : index
        %swap3A_932 = tpu.vector_load %arg9[%swap3A_930, %swap3A_931] {strides = array<i32>} : memref<128x210xf32, #tpu.memory_space<vmem>>, vector<16xf32>,
        tpu.vector_store %arg9[%swap3A_930, %swap3A_931], %div3A_885 {strides = array<i32>} : memref<128x210xf32, #tpu.memory_space<vmem>>, vector<16xf32>,
        tpu.vector_store_idx %arg9[%broadcast_in_dim3A_795, %get3A_333], %div3A_892 masked %lt3A_337 : memref<128x210xf32, #tpu.memory_space<vmem>>[vector<16xi32>, vector<16xi32>], vector<16xf32>, vector<16xi1>
        scf.yield %min3A_893 : vector<16xf32>
      }
      %scan3A_345 = arith.constant 128 : i32
      %eq3A_346 = arith.constant 0.000000e+00 : f32
      %eq3A_347 = vector.broadcast %eq3A_346 : f32 to vector<16xf32>
      %eq3A_348 = arith.cmpf oeq, %scan3A_344, %eq3A_347 : vector<16xf32>
      %reduce_or3A_349 = arith.constant 1.000000e+00 : f32
      %reduce_or3A_350 = arith.constant 0.000000e+00 : f32
      %reduce_or3A_351 = vector.broadcast %reduce_or3A_349 : f32 to vector<16xf32>
      %reduce_or3A_352 = vector.broadcast %reduce_or3A_350 : f32 to vector<16xf32>
      %reduce_or3A_353 = arith.select %eq3A_348, %reduce_or3A_351, %reduce_or3A_352 : vector<16xi1>, vector<16xf32>
      %reduce_or3A_354 = arith.constant true
      %reduce_or3A_355 = vector.broadcast %reduce_or3A_354 : i1 to vector<16xi1>
      %reduce_or3A_356 = tpu.scan <max>, %reduce_or3A_353 masked %reduce_or3A_355 : vector<16xf32>, vector<16xi1> -> vector<16xf32>
      %reduce_or3A_357 = vector.extract %reduce_or3A_356[15] : f32 from vector<16xf32>
      %reduce_or3A_358 = arith.constant 0.000000e+00 : f32
      %reduce_or3A_359 = arith.cmpf ogt, %reduce_or3A_357, %reduce_or3A_358 : f32
      %convert_element_type3A_360 = arith.extui %reduce_or3A_359 : i1 to i32
      %cond3A_361 = arith.constant 0.000000e+00 : f32
      %cond3A_362 = arith.constant 0x7F800000 : f32
      %cond3A_363 = arith.constant 0 : i32
      %cond3A_364 = arith.cmpi ne, %convert_element_type3A_360, %cond3A_363 : i32
      scf.if %cond3A_364 {
        %scan3A_379 = arith.constant 0 : i32
        %scan3A_380 = arith.constant 128 : i32
        %scan3A_381 = arith.addi %scan3A_379, %scan3A_380 : i32
        %scan3A_382 = arith.constant 1 : i32
        scf.for %scan3A_384 = %scan3A_379 to %scan3A_381 step %scan3A_382  : i32 {
          %broadcast_in_dim3A_385 = vector.broadcast %scan3A_384 : i32 to vector<16xi32>
          %gather3A = tpu.vector_load_idx %arg7[%broadcast_in_dim3A_385, %get3A_221] : memref<128x28xf32, #tpu.memory_space<vmem>>[vector<16xi32>, vector<16xi32>], vector<16xf32>,
          %gather3A_386 = tpu.vector_load_idx %arg7[%broadcast_in_dim3A_385, %get3A_277] : memref<128x28xf32, #tpu.memory_space<vmem>>[vector<16xi32>, vector<16xi32>], vector<16xf32>,
          %add3A_387 = arith.addf %gather3A, %gather3A_386 : vector<16xf32>
          %eq3A_388 = vector.broadcast %cond3A_361 : f32 to vector<16xf32>
          %eq3A_389 = arith.cmpf oeq, %add3A_387, %eq3A_388 : vector<16xf32>
          %sub3A = arith.subf %gather3A, %gather3A_386 : vector<16xf32>
          %abs3A = math.absf %sub3A : vector<16xf32>
          %div3A = arith.divf %abs3A, %add3A_387 : vector<16xf32>
          %broadcast_in_dim3A_390 = vector.broadcast %cond3A_362 : f32 to vector<16xf32>
          %select_n3A = arith.select %eq3A_389, %broadcast_in_dim3A_390, %div3A : vector<16xi1>, vector<16xf32>
          %gather3A_391 = tpu.vector_load_idx %arg7[%broadcast_in_dim3A_385, %get3A_225] : memref<128x28xf32, #tpu.memory_space<vmem>>[vector<16xi32>, vector<16xi32>], vector<16xf32>,
          %gather3A_392 = tpu.vector_load_idx %arg7[%broadcast_in_dim3A_385, %get3A_281] : memref<128x28xf32, #tpu.memory_space<vmem>>[vector<16xi32>, vector<16xi32>], vector<16xf32>,
          %add3A_393 = arith.addf %gather3A_391, %gather3A_392 : vector<16xf32>
          %eq3A_394 = vector.broadcast %cond3A_361 : f32 to vector<16xf32>
          %eq3A_395 = arith.cmpf oeq, %add3A_393, %eq3A_394 : vector<16xf32>
          %sub3A_396 = arith.subf %gather3A_391, %gather3A_392 : vector<16xf32>
          %abs3A_397 = math.absf %sub3A_396 : vector<16xf32>
          %div3A_398 = arith.divf %abs3A_397, %add3A_393 : vector<16xf32>
          %broadcast_in_dim3A_399 = vector.broadcast %cond3A_362 : f32 to vector<16xf32>
          %select_n3A_400 = arith.select %eq3A_395, %broadcast_in_dim3A_399, %div3A_398 : vector<16xi1>, vector<16xf32>
          %and3A = arith.andi %eq3A_389, %eq3A_395 : vector<16xi1>
          %gather3A_401 = tpu.vector_load_idx %arg7[%broadcast_in_dim3A_385, %get3A_229] : memref<128x28xf32, #tpu.memory_space<vmem>>[vector<16xi32>, vector<16xi32>], vector<16xf32>,
          %gather3A_402 = tpu.vector_load_idx %arg7[%broadcast_in_dim3A_385, %get3A_285] : memref<128x28xf32, #tpu.memory_space<vmem>>[vector<16xi32>, vector<16xi32>], vector<16xf32>,
          %add3A_403 = arith.addf %gather3A_401, %gather3A_402 : vector<16xf32>
          %eq3A_404 = vector.broadcast %cond3A_361 : f32 to vector<16xf32>
          %eq3A_405 = arith.cmpf oeq, %add3A_403, %eq3A_404 : vector<16xf32>
          %sub3A_406 = arith.subf %gather3A_401, %gather3A_402 : vector<16xf32>
          %abs3A_407 = math.absf %sub3A_406 : vector<16xf32>
          %div3A_408 = arith.divf %abs3A_407, %add3A_403 : vector<16xf32>
          %broadcast_in_dim3A_409 = vector.broadcast %cond3A_362 : f32 to vector<16xf32>
          %select_n3A_410 = arith.select %eq3A_405, %broadcast_in_dim3A_409, %div3A_408 : vector<16xi1>, vector<16xf32>
          %and3A_411 = arith.andi %and3A, %eq3A_405 : vector<16xi1>
          %gather3A_412 = tpu.vector_load_idx %arg7[%broadcast_in_dim3A_385, %get3A_233] : memref<128x28xf32, #tpu.memory_space<vmem>>[vector<16xi32>, vector<16xi32>], vector<16xf32>,
          %gather3A_413 = tpu.vector_load_idx %arg7[%broadcast_in_dim3A_385, %get3A_289] : memref<128x28xf32, #tpu.memory_space<vmem>>[vector<16xi32>, vector<16xi32>], vector<16xf32>,
          %add3A_414 = arith.addf %gather3A_412, %gather3A_413 : vector<16xf32>
          %eq3A_415 = vector.broadcast %cond3A_361 : f32 to vector<16xf32>
          %eq3A_416 = arith.cmpf oeq, %add3A_414, %eq3A_415 : vector<16xf32>
          %sub3A_417 = arith.subf %gather3A_412, %gather3A_413 : vector<16xf32>
          %abs3A_418 = math.absf %sub3A_417 : vector<16xf32>
          %div3A_419 = arith.divf %abs3A_418, %add3A_414 : vector<16xf32>
          %broadcast_in_dim3A_420 = vector.broadcast %cond3A_362 : f32 to vector<16xf32>
          %select_n3A_421 = arith.select %eq3A_416, %broadcast_in_dim3A_420, %div3A_419 : vector<16xi1>, vector<16xf32>
          %and3A_422 = arith.andi %and3A_411, %eq3A_416 : vector<16xi1>
          %gather3A_423 = tpu.vector_load_idx %arg7[%broadcast_in_dim3A_385, %get3A_237] : memref<128x28xf32, #tpu.memory_space<vmem>>[vector<16xi32>, vector<16xi32>], vector<16xf32>,
          %gather3A_424 = tpu.vector_load_idx %arg7[%broadcast_in_dim3A_385, %get3A_293] : memref<128x28xf32, #tpu.memory_space<vmem>>[vector<16xi32>, vector<16xi32>], vector<16xf32>,
          %add3A_425 = arith.addf %gather3A_423, %gather3A_424 : vector<16xf32>
          %eq3A_426 = vector.broadcast %cond3A_361 : f32 to vector<16xf32>
          %eq3A_427 = arith.cmpf oeq, %add3A_425, %eq3A_426 : vector<16xf32>
          %sub3A_428 = arith.subf %gather3A_423, %gather3A_424 : vector<16xf32>
          %abs3A_429 = math.absf %sub3A_428 : vector<16xf32>
          %div3A_430 = arith.divf %abs3A_429, %add3A_425 : vector<16xf32>
          %broadcast_in_dim3A_431 = vector.broadcast %cond3A_362 : f32 to vector<16xf32>
          %select_n3A_432 = arith.select %eq3A_427, %broadcast_in_dim3A_431, %div3A_430 : vector<16xi1>, vector<16xf32>
          %and3A_433 = arith.andi %and3A_422, %eq3A_427 : vector<16xi1>
          %gather3A_434 = tpu.vector_load_idx %arg7[%broadcast_in_dim3A_385, %get3A_241] : memref<128x28xf32, #tpu.memory_space<vmem>>[vector<16xi32>, vector<16xi32>], vector<16xf32>,
          %gather3A_435 = tpu.vector_load_idx %arg7[%broadcast_in_dim3A_385, %get3A_297] : memref<128x28xf32, #tpu.memory_space<vmem>>[vector<16xi32>, vector<16xi32>], vector<16xf32>,
          %add3A_436 = arith.addf %gather3A_434, %gather3A_435 : vector<16xf32>
          %eq3A_437 = vector.broadcast %cond3A_361 : f32 to vector<16xf32>
          %eq3A_438 = arith.cmpf oeq, %add3A_436, %eq3A_437 : vector<16xf32>
          %sub3A_439 = arith.subf %gather3A_434, %gather3A_435 : vector<16xf32>
          %abs3A_440 = math.absf %sub3A_439 : vector<16xf32>
          %div3A_441 = arith.divf %abs3A_440, %add3A_436 : vector<16xf32>
          %broadcast_in_dim3A_442 = vector.broadcast %cond3A_362 : f32 to vector<16xf32>
          %select_n3A_443 = arith.select %eq3A_438, %broadcast_in_dim3A_442, %div3A_441 : vector<16xi1>, vector<16xf32>
          %and3A_444 = arith.andi %and3A_433, %eq3A_438 : vector<16xi1>
          %gather3A_445 = tpu.vector_load_idx %arg7[%broadcast_in_dim3A_385, %get3A_245] : memref<128x28xf32, #tpu.memory_space<vmem>>[vector<16xi32>, vector<16xi32>], vector<16xf32>,
          %gather3A_446 = tpu.vector_load_idx %arg7[%broadcast_in_dim3A_385, %get3A_301] : memref<128x28xf32, #tpu.memory_space<vmem>>[vector<16xi32>, vector<16xi32>], vector<16xf32>,
          %add3A_447 = arith.addf %gather3A_445, %gather3A_446 : vector<16xf32>
          %eq3A_448 = vector.broadcast %cond3A_361 : f32 to vector<16xf32>
          %eq3A_449 = arith.cmpf oeq, %add3A_447, %eq3A_448 : vector<16xf32>
          %sub3A_450 = arith.subf %gather3A_445, %gather3A_446 : vector<16xf32>
          %abs3A_451 = math.absf %sub3A_450 : vector<16xf32>
          %div3A_452 = arith.divf %abs3A_451, %add3A_447 : vector<16xf32>
          %broadcast_in_dim3A_453 = vector.broadcast %cond3A_362 : f32 to vector<16xf32>
          %select_n3A_454 = arith.select %eq3A_449, %broadcast_in_dim3A_453, %div3A_452 : vector<16xi1>, vector<16xf32>
          %and3A_455 = arith.andi %and3A_444, %eq3A_449 : vector<16xi1>
          %gather3A_456 = tpu.vector_load_idx %arg7[%broadcast_in_dim3A_385, %get3A_249] : memref<128x28xf32, #tpu.memory_space<vmem>>[vector<16xi32>, vector<16xi32>], vector<16xf32>,
          %gather3A_457 = tpu.vector_load_idx %arg7[%broadcast_in_dim3A_385, %get3A_305] : memref<128x28xf32, #tpu.memory_space<vmem>>[vector<16xi32>, vector<16xi32>], vector<16xf32>,
          %add3A_458 = arith.addf %gather3A_456, %gather3A_457 : vector<16xf32>
          %eq3A_459 = vector.broadcast %cond3A_361 : f32 to vector<16xf32>
          %eq3A_460 = arith.cmpf oeq, %add3A_458, %eq3A_459 : vector<16xf32>
          %sub3A_461 = arith.subf %gather3A_456, %gather3A_457 : vector<16xf32>
          %abs3A_462 = math.absf %sub3A_461 : vector<16xf32>
          %div3A_463 = arith.divf %abs3A_462, %add3A_458 : vector<16xf32>
          %broadcast_in_dim3A_464 = vector.broadcast %cond3A_362 : f32 to vector<16xf32>
          %select_n3A_465 = arith.select %eq3A_460, %broadcast_in_dim3A_464, %div3A_463 : vector<16xi1>, vector<16xf32>
          %and3A_466 = arith.andi %and3A_455, %eq3A_460 : vector<16xi1>
          %gather3A_467 = tpu.vector_load_idx %arg7[%broadcast_in_dim3A_385, %get3A_253] : memref<128x28xf32, #tpu.memory_space<vmem>>[vector<16xi32>, vector<16xi32>], vector<16xf32>,
          %gather3A_468 = tpu.vector_load_idx %arg7[%broadcast_in_dim3A_385, %get3A_309] : memref<128x28xf32, #tpu.memory_space<vmem>>[vector<16xi32>, vector<16xi32>], vector<16xf32>,
          %add3A_469 = arith.addf %gather3A_467, %gather3A_468 : vector<16xf32>
          %eq3A_470 = vector.broadcast %cond3A_361 : f32 to vector<16xf32>
          %eq3A_471 = arith.cmpf oeq, %add3A_469, %eq3A_470 : vector<16xf32>
          %sub3A_472 = arith.subf %gather3A_467, %gather3A_468 : vector<16xf32>
          %abs3A_473 = math.absf %sub3A_472 : vector<16xf32>
          %div3A_474 = arith.divf %abs3A_473, %add3A_469 : vector<16xf32>
          %broadcast_in_dim3A_475 = vector.broadcast %cond3A_362 : f32 to vector<16xf32>
          %select_n3A_476 = arith.select %eq3A_471, %broadcast_in_dim3A_475, %div3A_474 : vector<16xi1>, vector<16xf32>
          %and3A_477 = arith.andi %and3A_466, %eq3A_471 : vector<16xi1>
          %gather3A_478 = tpu.vector_load_idx %arg7[%broadcast_in_dim3A_385, %get3A_257] : memref<128x28xf32, #tpu.memory_space<vmem>>[vector<16xi32>, vector<16xi32>], vector<16xf32>,
          %gather3A_479 = tpu.vector_load_idx %arg7[%broadcast_in_dim3A_385, %get3A_313] : memref<128x28xf32, #tpu.memory_space<vmem>>[vector<16xi32>, vector<16xi32>], vector<16xf32>,
          %add3A_480 = arith.addf %gather3A_478, %gather3A_479 : vector<16xf32>
          %eq3A_481 = vector.broadcast %cond3A_361 : f32 to vector<16xf32>
          %eq3A_482 = arith.cmpf oeq, %add3A_480, %eq3A_481 : vector<16xf32>
          %sub3A_483 = arith.subf %gather3A_478, %gather3A_479 : vector<16xf32>
          %abs3A_484 = math.absf %sub3A_483 : vector<16xf32>
          %div3A_485 = arith.divf %abs3A_484, %add3A_480 : vector<16xf32>
          %broadcast_in_dim3A_486 = vector.broadcast %cond3A_362 : f32 to vector<16xf32>
          %select_n3A_487 = arith.select %eq3A_482, %broadcast_in_dim3A_486, %div3A_485 : vector<16xi1>, vector<16xf32>
          %and3A_488 = arith.andi %and3A_477, %eq3A_482 : vector<16xi1>
          %gather3A_489 = tpu.vector_load_idx %arg7[%broadcast_in_dim3A_385, %get3A_261] : memref<128x28xf32, #tpu.memory_space<vmem>>[vector<16xi32>, vector<16xi32>], vector<16xf32>,
          %gather3A_490 = tpu.vector_load_idx %arg7[%broadcast_in_dim3A_385, %get3A_317] : memref<128x28xf32, #tpu.memory_space<vmem>>[vector<16xi32>, vector<16xi32>], vector<16xf32>,
          %add3A_491 = arith.addf %gather3A_489, %gather3A_490 : vector<16xf32>
          %eq3A_492 = vector.broadcast %cond3A_361 : f32 to vector<16xf32>
          %eq3A_493 = arith.cmpf oeq, %add3A_491, %eq3A_492 : vector<16xf32>
          %sub3A_494 = arith.subf %gather3A_489, %gather3A_490 : vector<16xf32>
          %abs3A_495 = math.absf %sub3A_494 : vector<16xf32>
          %div3A_496 = arith.divf %abs3A_495, %add3A_491 : vector<16xf32>
          %broadcast_in_dim3A_497 = vector.broadcast %cond3A_362 : f32 to vector<16xf32>
          %select_n3A_498 = arith.select %eq3A_493, %broadcast_in_dim3A_497, %div3A_496 : vector<16xi1>, vector<16xf32>
          %and3A_499 = arith.andi %and3A_488, %eq3A_493 : vector<16xi1>
          %gather3A_500 = tpu.vector_load_idx %arg7[%broadcast_in_dim3A_385, %get3A_265] : memref<128x28xf32, #tpu.memory_space<vmem>>[vector<16xi32>, vector<16xi32>], vector<16xf32>,
          %gather3A_501 = tpu.vector_load_idx %arg7[%broadcast_in_dim3A_385, %get3A_321] : memref<128x28xf32, #tpu.memory_space<vmem>>[vector<16xi32>, vector<16xi32>], vector<16xf32>,
          %add3A_502 = arith.addf %gather3A_500, %gather3A_501 : vector<16xf32>
          %eq3A_503 = vector.broadcast %cond3A_361 : f32 to vector<16xf32>
          %eq3A_504 = arith.cmpf oeq, %add3A_502, %eq3A_503 : vector<16xf32>
          %sub3A_505 = arith.subf %gather3A_500, %gather3A_501 : vector<16xf32>
          %abs3A_506 = math.absf %sub3A_505 : vector<16xf32>
          %div3A_507 = arith.divf %abs3A_506, %add3A_502 : vector<16xf32>
          %broadcast_in_dim3A_508 = vector.broadcast %cond3A_362 : f32 to vector<16xf32>
          %select_n3A_509 = arith.select %eq3A_504, %broadcast_in_dim3A_508, %div3A_507 : vector<16xi1>, vector<16xf32>
          %and3A_510 = arith.andi %and3A_499, %eq3A_504 : vector<16xi1>
          %gather3A_511 = tpu.vector_load_idx %arg7[%broadcast_in_dim3A_385, %get3A_269] : memref<128x28xf32, #tpu.memory_space<vmem>>[vector<16xi32>, vector<16xi32>], vector<16xf32>,
          %gather3A_512 = tpu.vector_load_idx %arg7[%broadcast_in_dim3A_385, %get3A_325] : memref<128x28xf32, #tpu.memory_space<vmem>>[vector<16xi32>, vector<16xi32>], vector<16xf32>,
          %add3A_513 = arith.addf %gather3A_511, %gather3A_512 : vector<16xf32>
          %eq3A_514 = vector.broadcast %cond3A_361 : f32 to vector<16xf32>
          %eq3A_515 = arith.cmpf oeq, %add3A_513, %eq3A_514 : vector<16xf32>
          %sub3A_516 = arith.subf %gather3A_511, %gather3A_512 : vector<16xf32>
          %abs3A_517 = math.absf %sub3A_516 : vector<16xf32>
          %div3A_518 = arith.divf %abs3A_517, %add3A_513 : vector<16xf32>
          %broadcast_in_dim3A_519 = vector.broadcast %cond3A_362 : f32 to vector<16xf32>
          %select_n3A_520 = arith.select %eq3A_515, %broadcast_in_dim3A_519, %div3A_518 : vector<16xi1>, vector<16xf32>
          %and3A_521 = arith.andi %and3A_510, %eq3A_515 : vector<16xi1>
          %gather3A_522 = tpu.vector_load_idx %arg7[%broadcast_in_dim3A_385, %get3A_273] : memref<128x28xf32, #tpu.memory_space<vmem>>[vector<16xi32>, vector<16xi32>], vector<16xf32>,
          %gather3A_523 = tpu.vector_load_idx %arg7[%broadcast_in_dim3A_385, %get3A_329] : memref<128x28xf32, #tpu.memory_space<vmem>>[vector<16xi32>, vector<16xi32>], vector<16xf32>,
          %add3A_524 = arith.addf %gather3A_522, %gather3A_523 : vector<16xf32>
          %eq3A_525 = vector.broadcast %cond3A_361 : f32 to vector<16xf32>
          %eq3A_526 = arith.cmpf oeq, %add3A_524, %eq3A_525 : vector<16xf32>
          %sub3A_527 = arith.subf %gather3A_522, %gather3A_523 : vector<16xf32>
          %abs3A_528 = math.absf %sub3A_527 : vector<16xf32>
          %div3A_529 = arith.divf %abs3A_528, %add3A_524 : vector<16xf32>
          %broadcast_in_dim3A_530 = vector.broadcast %cond3A_362 : f32 to vector<16xf32>
          %select_n3A_531 = arith.select %eq3A_526, %broadcast_in_dim3A_530, %div3A_529 : vector<16xi1>, vector<16xf32>
          %and3A_532 = arith.andi %and3A_521, %eq3A_526 : vector<16xi1>
          %swap3A = arith.index_cast %scan3A_384 : i32 to index
          %swap3A_533 = arith.constant 0 : index
          %swap3A_534 = tpu.vector_load %arg9[%swap3A, %swap3A_533] {strides = array<i32>} : memref<128x210xf32, #tpu.memory_space<vmem>>, vector<16xf32>,
          tpu.vector_store %arg9[%swap3A, %swap3A_533], %select_n3A {strides = array<i32>} : memref<128x210xf32, #tpu.memory_space<vmem>>, vector<16xf32>,
          %swap3A_535 = arith.index_cast %scan3A_384 : i32 to index
          %swap3A_536 = arith.constant 16 : index
          %swap3A_537 = tpu.vector_load %arg9[%swap3A_535, %swap3A_536] {strides = array<i32>} : memref<128x210xf32, #tpu.memory_space<vmem>>, vector<16xf32>,
          tpu.vector_store %arg9[%swap3A_535, %swap3A_536], %select_n3A_400 {strides = array<i32>} : memref<128x210xf32, #tpu.memory_space<vmem>>, vector<16xf32>,
          %swap3A_538 = arith.index_cast %scan3A_384 : i32 to index
          %swap3A_539 = arith.constant 32 : index
          %swap3A_540 = tpu.vector_load %arg9[%swap3A_538, %swap3A_539] {strides = array<i32>} : memref<128x210xf32, #tpu.memory_space<vmem>>, vector<16xf32>,
          tpu.vector_store %arg9[%swap3A_538, %swap3A_539], %select_n3A_410 {strides = array<i32>} : memref<128x210xf32, #tpu.memory_space<vmem>>, vector<16xf32>,
          %swap3A_541 = arith.index_cast %scan3A_384 : i32 to index
          %swap3A_542 = arith.constant 48 : index
          %swap3A_543 = tpu.vector_load %arg9[%swap3A_541, %swap3A_542] {strides = array<i32>} : memref<128x210xf32, #tpu.memory_space<vmem>>, vector<16xf32>,
          tpu.vector_store %arg9[%swap3A_541, %swap3A_542], %select_n3A_421 {strides = array<i32>} : memref<128x210xf32, #tpu.memory_space<vmem>>, vector<16xf32>,
          %swap3A_544 = arith.index_cast %scan3A_384 : i32 to index
          %swap3A_545 = arith.constant 64 : index
          %swap3A_546 = tpu.vector_load %arg9[%swap3A_544, %swap3A_545] {strides = array<i32>} : memref<128x210xf32, #tpu.memory_space<vmem>>, vector<16xf32>,
          tpu.vector_store %arg9[%swap3A_544, %swap3A_545], %select_n3A_432 {strides = array<i32>} : memref<128x210xf32, #tpu.memory_space<vmem>>, vector<16xf32>,
          %swap3A_547 = arith.index_cast %scan3A_384 : i32 to index
          %swap3A_548 = arith.constant 80 : index
          %swap3A_549 = tpu.vector_load %arg9[%swap3A_547, %swap3A_548] {strides = array<i32>} : memref<128x210xf32, #tpu.memory_space<vmem>>, vector<16xf32>,
          tpu.vector_store %arg9[%swap3A_547, %swap3A_548], %select_n3A_443 {strides = array<i32>} : memref<128x210xf32, #tpu.memory_space<vmem>>, vector<16xf32>,
          %swap3A_550 = arith.index_cast %scan3A_384 : i32 to index
          %swap3A_551 = arith.constant 96 : index
          %swap3A_552 = tpu.vector_load %arg9[%swap3A_550, %swap3A_551] {strides = array<i32>} : memref<128x210xf32, #tpu.memory_space<vmem>>, vector<16xf32>,
          tpu.vector_store %arg9[%swap3A_550, %swap3A_551], %select_n3A_454 {strides = array<i32>} : memref<128x210xf32, #tpu.memory_space<vmem>>, vector<16xf32>,
          %swap3A_553 = arith.index_cast %scan3A_384 : i32 to index
          %swap3A_554 = arith.constant 112 : index
          %swap3A_555 = tpu.vector_load %arg9[%swap3A_553, %swap3A_554] {strides = array<i32>} : memref<128x210xf32, #tpu.memory_space<vmem>>, vector<16xf32>,
          tpu.vector_store %arg9[%swap3A_553, %swap3A_554], %select_n3A_465 {strides = array<i32>} : memref<128x210xf32, #tpu.memory_space<vmem>>, vector<16xf32>,
          %swap3A_556 = arith.index_cast %scan3A_384 : i32 to index
          %swap3A_557 = arith.constant 128 : index
          %swap3A_558 = tpu.vector_load %arg9[%swap3A_556, %swap3A_557] {strides = array<i32>} : memref<128x210xf32, #tpu.memory_space<vmem>>, vector<16xf32>,
          tpu.vector_store %arg9[%swap3A_556, %swap3A_557], %select_n3A_476 {strides = array<i32>} : memref<128x210xf32, #tpu.memory_space<vmem>>, vector<16xf32>,
          %swap3A_559 = arith.index_cast %scan3A_384 : i32 to index
          %swap3A_560 = arith.constant 144 : index
          %swap3A_561 = tpu.vector_load %arg9[%swap3A_559, %swap3A_560] {strides = array<i32>} : memref<128x210xf32, #tpu.memory_space<vmem>>, vector<16xf32>,
          tpu.vector_store %arg9[%swap3A_559, %swap3A_560], %select_n3A_487 {strides = array<i32>} : memref<128x210xf32, #tpu.memory_space<vmem>>, vector<16xf32>,
          %swap3A_562 = arith.index_cast %scan3A_384 : i32 to index
          %swap3A_563 = arith.constant 160 : index
          %swap3A_564 = tpu.vector_load %arg9[%swap3A_562, %swap3A_563] {strides = array<i32>} : memref<128x210xf32, #tpu.memory_space<vmem>>, vector<16xf32>,
          tpu.vector_store %arg9[%swap3A_562, %swap3A_563], %select_n3A_498 {strides = array<i32>} : memref<128x210xf32, #tpu.memory_space<vmem>>, vector<16xf32>,
          %swap3A_565 = arith.index_cast %scan3A_384 : i32 to index
          %swap3A_566 = arith.constant 176 : index
          %swap3A_567 = tpu.vector_load %arg9[%swap3A_565, %swap3A_566] {strides = array<i32>} : memref<128x210xf32, #tpu.memory_space<vmem>>, vector<16xf32>,
          tpu.vector_store %arg9[%swap3A_565, %swap3A_566], %select_n3A_509 {strides = array<i32>} : memref<128x210xf32, #tpu.memory_space<vmem>>, vector<16xf32>,
          %swap3A_568 = arith.index_cast %scan3A_384 : i32 to index
          %swap3A_569 = arith.constant 192 : index
          %swap3A_570 = tpu.vector_load %arg9[%swap3A_568, %swap3A_569] {strides = array<i32>} : memref<128x210xf32, #tpu.memory_space<vmem>>, vector<16xf32>,
          tpu.vector_store %arg9[%swap3A_568, %swap3A_569], %select_n3A_520 {strides = array<i32>} : memref<128x210xf32, #tpu.memory_space<vmem>>, vector<16xf32>,
          tpu.vector_store_idx %arg9[%broadcast_in_dim3A_385, %get3A_333], %select_n3A_531 masked %lt3A_337 : memref<128x210xf32, #tpu.memory_space<vmem>>[vector<16xi32>, vector<16xi32>], vector<16xf32>, vector<16xi1>
          %reduce_and3A = arith.constant 1.000000e+00 : f32
          %reduce_and3A_571 = arith.constant 0.000000e+00 : f32
          %reduce_and3A_572 = vector.broadcast %reduce_and3A : f32 to vector<16xf32>
          %reduce_and3A_573 = vector.broadcast %reduce_and3A_571 : f32 to vector<16xf32>
          %reduce_and3A_574 = arith.select %and3A_532, %reduce_and3A_572, %reduce_and3A_573 : vector<16xi1>, vector<16xf32>
          %reduce_and3A_575 = arith.constant true
          %reduce_and3A_576 = vector.broadcast %reduce_and3A_575 : i1 to vector<16xi1>
          %reduce_and3A_577 = tpu.scan <min>, %reduce_and3A_574 masked %reduce_and3A_576 : vector<16xf32>, vector<16xi1> -> vector<16xf32>
          %reduce_and3A_578 = vector.extract %reduce_and3A_577[15] : f32 from vector<16xf32>
          %reduce_and3A_579 = arith.constant 0.000000e+00 : f32
          %reduce_and3A_580 = arith.cmpf ogt, %reduce_and3A_578, %reduce_and3A_579 : f32
          %convert_element_type3A_581 = arith.extui %reduce_and3A_580 : i1 to i32
          %cond3A_582 = arith.constant 0 : i32
          %cond3A_583 = arith.cmpi ne, %convert_element_type3A_581, %cond3A_582 : i32
          scf.if %cond3A_583 {
            %add3A_584 = vector.broadcast %mul3A_217 : i32 to vector<16xi32>
            %add3A_585 = arith.addi %broadcast_in_dim3A_385, %add3A_584 : vector<16xi32>
            %gather3A_586 = tpu.vector_load_idx %arg10[%add3A_585] : memref<4096xi32, #tpu.memory_space<vmem>>[vector<16xi32>], vector<16xi32>,
            %broadcast_in_dim3A_587 = arith.constant 1.000000e+00 : f32
            %broadcast_in_dim3A_588 = vector.broadcast %broadcast_in_dim3A_587 : f32 to vector<16xf32>
            %iota3A_589 = tpu.iota {dimensions = array<i32: 0>} : vector<16xi32>
            %lt3A_590 = arith.constant 1 : i32
            %lt3A_591 = vector.broadcast %lt3A_590 : i32 to vector<16xi32>
            %lt3A_592 = arith.cmpi slt, %iota3A_589, %lt3A_591 : vector<16xi32>
            tpu.vector_store_idx %arg9[%broadcast_in_dim3A_385, %gather3A_586], %broadcast_in_dim3A_588 masked %lt3A_592 : memref<128x210xf32, #tpu.memory_space<vmem>>[vector<16xi32>, vector<16xi32>], vector<16xf32>, vector<16xi1>
          } else {
          }
        }
        %scan3A_383 = arith.constant 128 : i32
      } else {
      }
      %mul3A_365 = arith.constant 128 : i32
      %mul3A_366 = arith.muli %add3A_203, %mul3A_365 : i32
      %add3A_367 = arith.addi %mul3A_2, %mul3A_366 : i32
      %dma_start3A_368 = arith.constant 0 : i32
      %dma_start3A_369 = tpu.memref_slice %arg5[%add3A_367, %dma_start3A_368] : memref<131072x210xf32, #tpu.memory_space<hbm>> -> memref<128x210xf32, #tpu.memory_space<hbm>>
      %dma_start3A_370 = arith.constant 0 : i32
      %dma_start3A_371 = tpu.memref_slice %arg5[%add3A_367, %dma_start3A_370] : memref<131072x210xf32, #tpu.memory_space<hbm>> -> memref<128x210xf32, #tpu.memory_space<hbm>>
      tpu.enqueue_dma source(%arg9 : memref<128x210xf32, #tpu.memory_space<vmem>>) target(%dma_start3A_371 : memref<128x210xf32, #tpu.memory_space<hbm>>) target_semaphore(%arg15 : memref<!tpu.dma_semaphore, #tpu.memory_space<semaphore_mem>>)
      %add3A_372 = arith.constant 2 : i32
      %add3A_373 = arith.addi %add3A_203, %add3A_372 : i32
      %lt3A_374 = arith.constant 32 : i32
      %lt3A_375 = arith.cmpi slt, %add3A_373, %lt3A_374 : i32
      %convert_element_type3A_376 = arith.extui %lt3A_375 : i1 to i32
      %cond3A_377 = arith.constant 0 : i32
      %cond3A_378 = arith.cmpi ne, %convert_element_type3A_376, %cond3A_377 : i32
      scf.if %cond3A_378 {
        %add3A_379 = arith.constant 2 : i32
        %add3A_380 = arith.addi %add3A_203, %add3A_379 : i32
        %mul3A_381 = arith.constant 128 : i32
        %mul3A_382 = arith.muli %add3A_380, %mul3A_381 : i32
        %add3A_383 = arith.addi %mul3A_2, %mul3A_382 : i32
        %dma_start3A_384 = arith.constant 0 : i32
        %dma_start3A_385 = tpu.memref_slice %arg2[%add3A_383, %dma_start3A_384] : memref<131072x28xf32, #tpu.memory_space<hbm>> -> memref<128x28xf32, #tpu.memory_space<hbm>>
        %dma_start3A_386 = arith.constant 0 : i32
        %dma_start3A_387 = tpu.memref_slice %arg2[%add3A_383, %dma_start3A_386] : memref<131072x28xf32, #tpu.memory_space<hbm>> -> memref<128x28xf32, #tpu.memory_space<hbm>>
        tpu.enqueue_dma source(%dma_start3A_387 : memref<128x28xf32, #tpu.memory_space<hbm>>) target(%arg7 : memref<128x28xf32, #tpu.memory_space<vmem>>) target_semaphore(%arg13 : memref<!tpu.dma_semaphore, #tpu.memory_space<semaphore_mem>>)
      } else {
      }
    }
    %scan3A_17 = arith.constant 16 : i32
    %add3A_18 = arith.constant 3840 : i32
    %add3A_19 = arith.addi %mul3A_2, %add3A_18 : i32
    %dma_wait3A = arith.constant 0 : i32
    %dma_wait3A_20 = tpu.memref_slice %arg5[%add3A_19, %dma_wait3A] : memref<131072x210xf32, #tpu.memory_space<hbm>> -> memref<128x210xf32, #tpu.memory_space<hbm>>
    %dma_wait3A_21 = arith.constant 0 : i32
    %dma_wait3A_22 = tpu.memref_slice %arg5[%add3A_19, %dma_wait3A_21] : memref<131072x210xf32, #tpu.memory_space<hbm>> -> memref<128x210xf32, #tpu.memory_space<hbm>>
    tpu.wait_dma2 semaphore(%arg14 : memref<!tpu.dma_semaphore, #tpu.memory_space<semaphore_mem>>) src(%arg8 : memref<128x210xf32, #tpu.memory_space<vmem>>) dst(%dma_wait3A_22 : memref<128x210xf32, #tpu.memory_space<hbm>>)
    %add3A_23 = arith.constant 3968 : i32
    %add3A_24 = arith.addi %mul3A_2, %add3A_23 : i32
    %dma_wait3A_25 = arith.constant 0 : i32
    %dma_wait3A_26 = tpu.memref_slice %arg5[%add3A_24, %dma_wait3A_25] : memref<131072x210xf32, #tpu.memory_space<hbm>> -> memref<128x210xf32, #tpu.memory_space<hbm>>
    %dma_wait3A_27 = arith.constant 0 : i32
    %dma_wait3A_28 = tpu.memref_slice %arg5[%add3A_24, %dma_wait3A_27] : memref<131072x210xf32, #tpu.memory_space<hbm>> -> memref<128x210xf32, #tpu.memory_space<hbm>>
    tpu.wait_dma2 semaphore(%arg15 : memref<!tpu.dma_semaphore, #tpu.memory_space<semaphore_mem>>) src(%arg9 : memref<128x210xf32, #tpu.memory_space<vmem>>) dst(%dma_wait3A_28 : memref<128x210xf32, #tpu.memory_space<hbm>>)
    return
  }
}

</mosaic_0001>

<sc_bundles>
// kernel: kernel.3.cloned.1.call-start
scs
__scs_entry_jumppad:
0x0: {  	(pc) =	sbr.rel $0x88, $3  }
0x1: {  	(tag) =	ssettag $0x0;
	lr =	simm.s32 $0x1  }
0x2: {  	[smem:$0x3FA0] =	sst lr;
	_ =	strace $0xD0000000  }
0x3: {  	_ = 	snop  }
0x4: {  	_ = 	snop  }
0x5: {  	_ = 	snop  }
0x6: {  	_ = 	snop  }
0x7: {  	_ = 	snop  }
__scs_overlays_trampoline_lowered:
0x8: {  	[smem:$0x3FAF] =	sst s0  }
0x9: {  	[smem:$0x3FB0] =	sst s1  }
0xa: {  	[smem:$0x3FB1] =	sst s2  }
0xb: {  	[smem:$0x3FB2] =	sst s3  }
0xc: {  	[smem:$0x3FB3] =	sst s4  }
0xd: {  	[smem:$0x3FB4] =	sst s5  }
0xe: {  	[smem:$0x3FB5] =	sst s6  }
0xf: {  	[smem:$0x3FB6] =	sst s7  }
0x10: {  	[smem:$0x3FB7] =	sst s8  }
0x11: {  	[smem:$0x3FB8] =	sst s9;
	s0 =	simm.s32 @!p0 $0x0  }
0x12: {  	s1 =	sld [smem:$0x3F9E];
	s0 =	simm.s32 @p0 $0x1  }
0x13: {  	[smem:$0x3FB9] =	sst s0;
	s0 =	simm.s32 @!p1 $0x0  }
0x14: {  	s2 =	sld [smem:$0x3F9D];
	s0 =	simm.s32 @p1 $0x1  }
0x15: {  	[smem:$0x3FBA] =	sst s0;
	s0 =	simm.s32 @!p2 $0x0  }
0x16: {  	s3 =	sld [smem:$0x3FDB];
	s0 =	simm.s32 @p2 $0x1  }
0x17: {  	s4 =	simm.s32 $0x1BF5;
	[smem:$0x3FBC] =	sst s0  }
0x18: {  	s0 =	sld [smem:$0x3F9F];
	_ =	swait.ge [sflag:s4], $0x0  }
0x19: {  	s7 =	sld [smem:$0x3FA0]  }
0x1a: {  	s8 =	sadd.s32 $0xFFFFE003, lr  }
0x1b: {  	s9 =	sadd.s32 $0xFFFFFEF7, lr;
	s5 =	simm.s32 $0xFFFFFFFF;
	p2 =	slt.u32 s8, $0xFFFFF086  }
0x1c: {  	p1 =	slt.u32 s9, $0xF7A;
	s5 =	simm.s32 @!p2 $0x0  }
0x1d: {  	s5 =	simm.s32 @p1 $0x1;
	p0 =	seq.s32 s7, s2  }
0x1e: {  	s7 =	smul.u32 @!p0 $0xF7A, s2;
	p2 =	seq.s32 @!p0 s5, $0x0  }
0x1f: {  	s9 =	smul.u32 $0xF7A, s1;
	s8 =	simm.s32 @!p0 $0x1BF5;
	p2 =	por !p2, p0  }
0x20: {  	[sflag:s8] =	ssyncset.s32 @!p0 $0xFFFFF086;
	s6 =	sadd.s32 @!p0 s3, s7;
	s7 =	simm.s32 @!p0 $0x108  }
0x21: {  	s3 =	sadd.s32 s3, s9;
	s6 =	sadd.s32 @!p0 $0x88, s6;
	s7 =	simm.s32 @p2 $0x1082  }
0x22: {  	[simem:s7], [sflag:s8] =	dma.local @!p0 [hbm:s6], $0xF7A  }
0x23: {  	s9 =	sor.u32 $0xD0000000, s2;
	s6 =	simm.s32 $0x108;
	_ =	swait.ge @!p0 [sflag:s8], $0x0  }
0x24: {  	s3 =	sadd.s32 $0x88, s3;
	s6 =	simm.s32 @!p1 $0x1082;
	[sflag:s4] =	ssyncset.s32 $0xFFFFF086  }
0x25: {  	[simem:s6], [sflag:s4] =	dma.local [hbm:s3], $0xF7A  }
0x26: {  	[smem:$0x3FA0] =	sst s1;
	(tag) =	ssettag s2;
	_ =	strace s9  }
0x27: {  	s1 =	sld [smem:$0x3FB0]  }
0x28: {  	s2 =	sld [smem:$0x3FB1]  }
0x29: {  	s4 =	sld [smem:$0x3FB3]  }
0x2a: {  	p0 =	seq.s32 s5, $0x0;
	s5 =	sld [smem:$0x3FB4]  }
0x2b: {  	s6 =	sld [smem:$0x3FB5]  }
0x2c: {  	s7 =	sld [smem:$0x3FB6]  }
0x2d: {  	s3 =	simm.s32 $0x108;
	s8 =	sld [smem:$0x3FB7]  }
0x2e: {  	s3 =	simm.s32 @!p0 $0x1082;
	s9 =	sld [smem:$0x3FB8]  }
0x2f: {  	lr =	sadd.s32 s0, s3;
	s0 =	sld [smem:$0x3FAF]  }
0x30: {  	s3 =	sld [smem:$0x3FB2]  }
0x31: {  	[smem:$0x3FBB] =	sst s10  }
0x32: {  	s10 =	sld [smem:$0x3FB9];
	_ =	sdelay $0x3  }
0x33: {  	p0 =	seq.s32 s10, $0x1;
	s10 =	sld [smem:$0x3FBB];
	_ =	sdelay $0x3  }
0x34: {  	[smem:$0x3FBB] =	sst s10  }
0x35: {  	s10 =	sld [smem:$0x3FBA];
	_ =	sdelay $0x3  }
0x36: {  	p1 =	seq.s32 s10, $0x1;
	s10 =	sld [smem:$0x3FBB];
	_ =	sdelay $0x3  }
0x37: {  	[smem:$0x3FBB] =	sst s10  }
0x38: {  	s10 =	sld [smem:$0x3FBC]  }
0x39: {  	_ = 	snop;
	(pc) =	sbr.ind lr, $3  }
0x3a: {  	_ = 	snop  }
0x3b: {  	_ = 	snop  }
0x3c: {  	p2 =	seq.s32 s10, $0x1;
	s10 =	sld [smem:$0x3FBB]  }
0x3d: {  	_ =	shalt  }
0x3e: {  	_ =	shalt  }
0x3f: {  	_ =	shalt  }
0x40: {  	_ =	shalt  }
0x41: {  	_ =	shalt  }
0x42: {  	_ =	shalt  }
0x43: {  	_ =	shalt  }
0x44: {  	_ =	shalt  }
0x45: {  	_ =	shalt  }
0x46: {  	_ =	shalt  }
0x47: {  	_ =	shalt  }
0x48: {  	_ =	shalt  }
0x49: {  	_ =	shalt  }
0x4a: {  	_ =	shalt  }
0x4b: {  	_ =	shalt  }
0x4c: {  	_ =	shalt  }
0x4d: {  	_ =	shalt  }
0x4e: {  	_ =	shalt  }
0x4f: {  	_ =	shalt  }
0x50: {  	_ =	shalt  }
0x51: {  	_ =	shalt  }
0x52: {  	_ =	shalt  }
0x53: {  	_ =	shalt  }
0x54: {  	_ =	shalt  }
0x55: {  	_ =	shalt  }
0x56: {  	_ =	shalt  }
0x57: {  	_ =	shalt  }
0x58: {  	_ =	shalt  }
0x59: {  	_ =	shalt  }
0x5a: {  	_ =	shalt  }
0x5b: {  	_ =	shalt  }
0x5c: {  	_ =	shalt  }
0x5d: {  	_ =	shalt  }
0x5e: {  	_ =	shalt  }
0x5f: {  	_ =	shalt  }
0x60: {  	_ =	shalt  }
0x61: {  	_ =	shalt  }
0x62: {  	_ =	shalt  }
0x63: {  	_ =	shalt  }
0x64: {  	_ =	shalt  }
0x65: {  	_ =	shalt  }
0x66: {  	_ =	shalt  }
0x67: {  	_ =	shalt  }
0x68: {  	_ =	shalt  }
0x69: {  	_ =	shalt  }
0x6a: {  	_ =	shalt  }
0x6b: {  	_ =	shalt  }
0x6c: {  	_ =	shalt  }
0x6d: {  	_ =	shalt  }
0x6e: {  	_ =	shalt  }
0x6f: {  	_ =	shalt  }
0x70: {  	_ =	shalt  }
0x71: {  	_ =	shalt  }
0x72: {  	_ =	shalt  }
0x73: {  	_ =	shalt  }
0x74: {  	_ =	shalt  }
0x75: {  	_ =	shalt  }
0x76: {  	_ =	shalt  }
0x77: {  	_ =	shalt  }
0x78: {  	_ =	shalt  }
0x79: {  	_ =	shalt  }
0x7a: {  	_ =	shalt  }
0x7b: {  	_ =	shalt  }
0x7c: {  	_ =	shalt  }
0x7d: {  	_ =	shalt  }
0x7e: {  	_ =	shalt  }
0x7f: {  	_ =	shalt  }
0x80: {  	_ =	shalt  }
0x81: {  	_ =	shalt  }
0x82: {  	_ =	shalt  }
0x83: {  	_ =	shalt  }
0x84: {  	_ =	shalt  }
0x85: {  	_ =	shalt  }
0x86: {  	_ =	shalt  }
0x87: {  	_ =	shalt  }
.Lfunc_end0:
.L_simem_size_0:
called_computation_lowered:
.L_overlay_start_0:
0x88: {  	s2 =	sld [smem:$0x3FD9]  }
0x89: {  	s3 =	sld [smem:$0x3FFE];
	_ =	sdelay $0x1  }
0x8a: {  	s1 =	srdreg.scid  }
0x8b: {  	s0 =	sand.u32 $0x1, s1  }
0x8c: {  	s17 =	sshll.u32 s0, $0xA;
	s2 =	sadd.s32 s3, s2  }
0x8d: {  	s2 =	sadd.s32 s2, s17  }
0x8e: {  	[smem:$0x3FC7] =	sst s2  }
0x8f: {  	_ = 	snop  }
0x90: {  	s2 =	sld [smem:$0x3FD0];
	(tm) =	ssettm $0x1  }
0x91: {  	s18 =	sld [smem:$0x3FFB];
	_ =	sdelay $0x3  }
0x92: {  	_ =	strace s18  }
0x93: {  	s3 =	sld [smem:$0x3FFC];
	_ =	sdelay $0x3  }
0x94: {  	_ =	strace s3  }
0x95: {  	s3 =	sld [smem:$0x3FFD];
	_ =	sdelay $0x3  }
0x96: {  	_ =	strace s3  }
0x97: {  	_ =	strace $0x8FFFFFFF  }
0x98: {  	s19 =	sld [smem:$0x3FDB];
	_ =	sdelay $0x1  }
0x99: {  	s4 =	simm.s32 $_scs_section_size  }
0x9a: {  	s5 =	simm.s32 $_size__tile_overlayer_lowered;
	s6 =	simm.s32 $_tile_overlayer_lowered  }
0x9b: {  	s22 =	simm.s32 $0x1BFF;
	s21 =	sshll.u32 s6, $0x1;
	s3 =	sadd.s32 s4, s19  }
0x9c: {  	s7 =	simm.s32 $0x0;
	s20 =	sshll.u32 s5, $0x1;
	s5 =	sadd.s32 s21, s3  }
0x9d: {  	[timem:s7], [sflag:s22] =	dma.local [hbm:s5], s20  }
0x9e: {  	_ =	swait.ge [sflag:s22], s20  }
0x9f: {  	s4 =	ssub.s32 $0x0, s20;
	[sflag:s22] =	ssyncset.done $0x0  }
0xa0: {  	[sflag:s22] =	ssyncadd.s32 s4;
	_ =	sdelay $0x1  }
0xa1: {  	s23 =	simm.s32 $0x1B8B  }
0xa2: {  	_ =	swait.ge [sflag:s23], $0x1  }
0xa3: {  	[sflag:s23] =	ssyncset.done $0x0  }
0xa4: {  	s25 =	simm.s32 $0x1B8E;
	s24 =	sld [smem:$0x3FFE];
	[sflag:s23] =	ssyncadd.s32 $0xFFFFFFFF  }
0xa5: {  	s26 =	simm.s32 $execute0_lowered;
	[smem:$0x3FD2] =	sst s25  }
0xa6: {  	s5 =	sshll.u32 s26, $0x1;
	_ =	strace $0x80000046;
	[dreg:$0x1] =	wrdreg $0xFFFFFFFF  }
0xa7: {  	s28 =	simm.s32 $_size_execute0_lowered;
	s3 =	sadd.s32 s3, s5;
	[dreg:$0x0] =	wrdreg $0x0  }
0xa8: {  	s5 =	sshll.u32 s28, $0x1;
	[dreg:$0x2] =	wrdreg s3  }
0xa9: {  	[dreg:$0x3] =	wrdreg s5  }
0xaa: {  	[dreg:$0x4] =	wrdreg $0xC0  }
0xab: {  	_ =	task [dreg:s7], $0x5FFFF  }
0xac: {  	[dreg:$0x1] =	wrdreg $0xFFFFFFFF  }
0xad: {  	[dreg:$0x0] =	wrdreg $0x60  }
0xae: {  	[dreg:$0x2] =	wrdreg s2  }
0xaf: {  	[dreg:$0x3] =	wrdreg s24  }
0xb0: {  	[dreg:$0x4] =	wrdreg $0x9  }
0xb1: {  	_ =	task.clear_ibuf [dreg:s7], $0x5FFFF;
	_ =	strace $0x90000046  }
0xb2: {  	s29 =	simm.s32 $0x9;
	_ =	strace $0x80000048  }
0xb3: {  	_ =	swait.ge [sflag:s29], $0x1  }
0xb4: {  	[sflag:s29] =	ssyncadd.s32 $0xFFFFFFFF  }
0xb5: {  	_ =	strace $0x90000048  }
0xb6: {  	_ =	sfence  }
0xb7: {  	s30 =	sld [smem:$0x0];
	_ =	sdelay $0x2  }
0xb8: {  	s31 =	sshll.u32 s1, $0xD;
	s1 =	sshrl.u32 s1, $0x2  }
0xb9: {  	s3 =	sand.u32 $0x4000, s31;
	s1 =	sadd.s32 s1, s30  }
0xba: {  	s0 =	sor.u32 s3, s0;
	s1 =	sshll.u32 s1, $0x11  }
0xbb: {  	s0 =	sor.u32 s1, s0  }
0xbc: {  	s0 =	sadd.s32 $0x8F2B, s0  }
0xbd: {  	[sflag:s0] =	ssyncadd.remote.s32 $0x1  }
0xbe: {  	_ =	sfence.sel $0xFFFF  }
0xbf: {  	[dreg:$0x0] =	wrdreg $0xFFFFFFFF;
	(pc) =	sbr.abs _section_cstart, $3  }
0xc0: {  	[dreg:$0x1] =	wrdreg $0xFFFFFFFF  }
0xc1: {  	_ =	task.clear_ibuf [dreg:s7], $0x2FFFF;
	_ =	strace $0x9FFFFFFF  }
0xc2: {  	(tm) =	ssettm $0x7FFFFFFF  }
0xc3: {  	_ =	shalt  }
tec
execute0_lowered:
.L_overlay_start_1:
0x0: {  	(tag) =	ssettag $0x1  }
0x1: {  	s0 =	rddreg [dreg:$0x0]  }
0x2: {  	s1 =	rddreg [dreg:$0x1]  }
0x3: {  	s2 =	srdreg.scid;
	s3 =	stileid.u32  }
0x4: {  	s13 =	simm.s32 $0x5;
	s15 =	simm.s32 $0x4000;
	s16 =	simm.s32 $0x1  }
0x5: {  	s17 =	simm.s32 $0x8000;
	s18 =	simm.s32 $0x2;
	s19 =	simm.s32 $0x10000  }
0x6: {  	s20 =	simm.s32 $0x3;
	s21 =	simm.s32 $0x4;
	s22 =	simm.s32 $0x0  }
0x7: {  	s5 =	sand.u32 $0x1, s2;
	s2 =	simm.s32 $0x0;
	s3 =	sshll.u32 s3, $0xD  }
0x8: {  	s29 =	sadd.s32 $0xA00, s1;
	s4 =	sshll.u32 s5, $0xC;
	[smem:$0x7FF] =	sst s2  }
0x9: {  	s7 =	ssub.s32 $0x2, s5;
	s5 =	sadd.s32 $0x5200, s1;
	s3 =	sor.u32 s4, s3  }
.Ltmp0:
0xa: {  	_ =	strace $0x80000047;
	[dreg:$0x3] =	wrdreg s29;
	(pc) =	sbr.rel .LBB2_1-.Ltmp0, $4  }
0xb: {  	s30 =	sshrl.u32 s7, $0x1;
	s4 =	sshrl.u32 s3, $0x3;
	s8 =	sshll.u32 s3, $0x4  }
0xc: {  	s6 =	sadd.s32 s4, s1;
	s1 =	ssub.s32 s7, s30;
	s7 =	sadd.s32 s0, s8  }
0xd: {  	s31 =	sadd.s32 $0x1200, s6;
	s8 =	sadd.s32 $0x800, s7;
	s9 =	sadd.s32 $0x1000, s7  }
0xe: {  	s10 =	sadd.s32 $0x1800, s7;
	s11 =	smax.u32 s1, $0x1;
	[dreg:$0x4] =	wrdreg s31  }
.LBB2_14:
0xf: {  	s22 =	sadd.s32 $0x1, s22  }
0x10: {  	_ =	swait.ge [sflag:s20], $0x8000;
	p0 =	sne.s32 s22, s11  }
.Ltmp1:
0x11: {  	[sflag:s20] =	ssyncset.done $0x0;
	(pc) =	sbr.rel @!p0 .LBB2_15-.Ltmp1, $4  }
0x12: {  	[sflag:s20] =	ssyncadd.s32 $0xFFFF8000  }
0x13: {  	_ =	swait.ge [sflag:s21], $0x8000  }
0x14: {  	[sflag:s21] =	ssyncset.done $0x0  }
0x15: {  	[sflag:s21] =	ssyncadd.s32 $0xFFFF8000  }
.LBB2_1:
0x16: {  	s0 =	rddreg [dreg:$0x3];
	s1 =	simm.s32 $0x19000  }
0x17: {  	[tilespmem:s1], [sflag:$0x5] =	stream.linear.gather [hbm4b:s0+s2], $0xE80, $0x38;
	[tilespmem:$0x1A000] =	vst v63  }
0x18: {  	_ =	swait.ge [sflag:s13], $0xE80  }
0x19: {  	[sflag:s13] =	ssyncset.done $0x0  }
0x1a: {  	s31 =	simm.s32 $0x18000;
	s30 =	rddreg [dreg:$0x4];
	[sflag:s13] =	ssyncadd.s32 $0xFFFFF180  }
0x1b: {  	[tilespmem:s31], [sflag:$0x5] =	stream.linear.gather [hbm4b:s30+s2], $0x1000, $0x38;
	[tilespmem:$0x1A000] =	vst v63  }
0x1c: {  	_ =	swait.ge [sflag:s13], $0x1000  }
0x1d: {  	[sflag:s13] =	ssyncset.done $0x0  }
0x1e: {  	[sflag:s13] =	ssyncadd.s32 $0xFFFFF000  }
0x1f: {  	[tilespmem:s2], [sflag:$0x1] =	stream.linear.gather [hbm4b:s7+s2], $0x4000, $0x38;
	[tilespmem:$0x1A000] =	vst v63  }
0x20: {  	s23 =	simm.s32 $0x0  }
0x21: {  	[tilespmem:s15], [sflag:$0x2] =	stream.linear.gather [hbm4b:s8+s2], $0x4000, $0x38;
	[tilespmem:$0x1A000] =	vst v63  }
.LBB2_2:
0x22: {  	_ =	swait.ge [sflag:s16], $0x4000  }
0x23: {  	p0 =	seq.s32 s23, $0x0;
	[sflag:s16] =	ssyncset.done $0x0  }
0x24: {  	s0 =	simm.s32 @!p0 $0x3;
	[sflag:s16] =	ssyncadd.s32 $0xFFFFC000  }
0x25: {  	_ =	swait.ge @!p0 [sflag:s0], $0x8000  }
0x26: {  	[sflag:s0] =	ssyncset.done @!p0 $0x0  }
0x27: {  	[sflag:s0] =	ssyncadd.s32 @!p0 $0xFFFF8000  }
0x28: {  	v20 =	vld [tilespmem:$0x19000]  }
0x29: {  	v21 =	vld [tilespmem:$0x19080]  }
0x2a: {  	v26 =	vld [tilespmem:$0x19100]  }
0x2b: {  	v24 =	vld [tilespmem:$0x19180]  }
0x2c: {  	v0 =	vld [tilespmem:$0x19500]  }
0x2d: {  	v52 =	vld [tilespmem:$0x19580]  }
0x2e: {  	v60 =	vld [tilespmem:$0x19600]  }
0x2f: {  	v59 =	vld [tilespmem:$0x19400]  }
0x30: {  	v62 =	vld [tilespmem:$0x19380]  }
0x31: {  	v61 =	vld [tilespmem:$0x19300];
	[tilespmem:$0x1FEC0] =	vst v0  }
0x32: {  	v55 =	vld [tilespmem:$0x19280];
	[tilespmem:$0x1FED0] =	vst v52  }
0x33: {  	v25 =	vld [tilespmem:$0x19200];
	[tilespmem:$0x1FEE0] =	vst v60  }
0x34: {  	v49 =	vld [tilespmem:$0x19980];
	[tilespmem:$0x1FEF0] =	vst v59  }
0x35: {  	v63 =	vld [tilespmem:$0x19A00];
	[tilespmem:$0x1FF00] =	vst v62  }
0x36: {  	v53 =	vld [tilespmem:$0x19E00];
	[tilespmem:$0x1FF10] =	vst v61  }
0x37: {  	v9 =	vld [tilespmem:$0x19B00];
	[tilespmem:$0x1FF20] =	vst v55  }
0x38: {  	v28 =	vld [tilespmem:$0x19B80];
	[tilespmem:$0x1FF30] =	vst v25  }
0x39: {  	v46 =	vld [tilespmem:$0x19C00];
	[tilespmem:$0x1FF40] =	vst v24  }
0x3a: {  	v47 =	vld [tilespmem:$0x19C80];
	[tilespmem:$0x1FF50] =	vst v49  }
0x3b: {  	v48 =	vld [tilespmem:$0x19D00];
	[tilespmem:$0x1FF60] =	vst v63  }
0x3c: {  	v50 =	vld [tilespmem:$0x19D80];
	[tilespmem:$0x1FF80] =	vst v9  }
0x3d: {  	v58 =	vld [tilespmem:$0x19480];
	[tilespmem:$0x1FF90] =	vst v28  }
0x3e: {  	v29 =	vld [tilespmem:$0x19680];
	[tilespmem:$0x1FFA0] =	vst v46  }
0x3f: {  	v52 =	vld [tilespmem:$0x19A80];
	[tilespmem:$0x1FFB0] =	vst v47  }
0x40: {  	v54 =	vld [tilespmem:$0x19700];
	[tilespmem:$0x1FFC0] =	vst v48  }
0x41: {  	v56 =	vld [tilespmem:$0x19780];
	v30 =	vshll.u32 v53, $0x3;
	v10 =	vand.u32 $0x7F, v53;
	[tilespmem:$0x1FFD0] =	vst v50  }
0x42: {  	s25 =	sshll.u32 s23, $0x8;
	s24 =	sshll.u32 s23, $0xC;
	s28 =	simm.s32 $0x180;
	v23 =	vld [tilespmem:$0x19800];
	v12 =	vand.u32 $0xFFFFFC00, v30;
	[tilespmem:$0x1FFE0] =	vst v10  }
0x43: {  	s29 =	simm.s32 $0x0;
	p1 =	por $0x0, $0x0;
	s30 =	simm.s32 $0x0;
	v27 =	vld [tilespmem:$0x19880];
	[tilespmem:$0x1FFF0] =	vst v12  }
0x44: {  	v39 =	vimm.f32 $1.000000000e+00;
	s31 =	simm.s32 $0x0;
	s26 =	sadd.s32 s3, s25;
	s0 =	simm.s32 $0x0;
	v57 =	vld [tilespmem:$0x19900];
	[tilespmem:$0x1FF70] =	vst v52  }
.LBB2_3:
0x45: {  	v47 =	vmov s0  }
0x46: {  	v46 =	vshll.u32 v47, $0x7  }
0x47: {  	v31 =	vadd.s32 v20, v46  }
0x48: {  	v32 =	vadd.s32 v54, v46  }
0x49: {  	v19 =	vmov v29;
	v29 =	vld [tilespmem:$0x1FEC0];
	v33 =	vadd.s32 v21, v46  }
0x4a: {  	v30 =	vld [tilespmem:$0x1FED0];
	v34 =	vadd.s32 v56, v46  }
0x4b: {  	v1 =	vmov v24;
	v35 =	vadd.s32 v26, v46;
	v45 =	vadd.s32 v63, v46;
	v63 =	vld [tilespmem:$0x1FFA0]  }
0x4c: {  	v60 =	vadd.s32 v1, v46;
	v36 =	vld.idx.msk [tilespmem:v31+s2+$0x0], $0xffff  }
0x4d: {  	v2 =	vmov v25;
	v0 =	vadd.s32 v27, v46;
	v37 =	vld.idx.msk [tilespmem:v32+s2+$0x0], $0xffff  }
0x4e: {  	v40 =	vadd.s32 v2, v46;
	v38 =	vld.idx.msk [tilespmem:v33+s2+$0x0], $0xffff  }
0x4f: {  	v1 =	vadd.s32 v57, v46;
	v34 =	vld.idx.msk [tilespmem:v34+s2+$0x0], $0xffff  }
0x50: {  	v3 =	vadd.s32 v61, v46;
	v41 =	vld.idx.msk [tilespmem:v35+s2+$0x0], $0xffff  }
0x51: {  	v48 =	vld.idx.msk [tilespmem:v60+s2+$0x0], $0xffff  }
0x52: {  	v2 =	vadd.s32 v49, v46;
	v4 =	vadd.s32 v62, v46;
	v49 =	vld.idx.msk [tilespmem:v0+s2+$0x0], $0xffff  }
0x53: {  	v40 =	vld.idx.msk [tilespmem:v40+s2+$0x0], $0xffff  }
0x54: {  	v5 =	vadd.s32 v59, v46;
	v50 =	vld.idx.msk [tilespmem:v1+s2+$0x0], $0xffff  }
0x55: {  	v53 =	vld.idx.msk [tilespmem:v3+s2+$0x0], $0xffff  }
0x56: {  	v22 =	vmov v54;
	v31 =	vadd.s32 v23, v46;
	v54 =	vld.idx.msk [tilespmem:v45+s2+$0x0], $0xffff  }
0x57: {  	v25 =	vmov v26;
	v26 =	vmov v23;
	v23 =	vmov v56;
	v56 =	vld.idx.msk [tilespmem:v4+s2+$0x0], $0xffff  }
0x58: {  	v6 =	vadd.s32 v9, v46;
	v0 =	vld [tilespmem:$0x1FF90]  }
0x59: {  	v17 =	vadd.s32 v29, v46;
	v59 =	vld.idx.msk [tilespmem:v5+s2+$0x0], $0xffff  }
0x5a: {  	v7 =	vadd.s32 v58, v46;
	v4 =	vld [tilespmem:$0x1FFB0]  }
0x5b: {  	v42 =	vld.idx.msk [tilespmem:v31+s2+$0x0], $0xffff;
	v31 =	vadd.s32 v55, v46  }
0x5c: {  	v5 =	vld [tilespmem:$0x1FEE0]  }
0x5d: {  	v61 =	vld.idx.msk [tilespmem:v6+s2+$0x0], $0xffff  }
0x5e: {  	v28 =	vmov v58;
	v58 =	vld.idx.msk [tilespmem:v17+s2+$0x0], $0xffff  }
0x5f: {  	v60 =	vadd.s32 v63, v46;
	v43 =	vadd.f32 v37, v36;
	v55 =	vld.idx.msk [tilespmem:v7+s2+$0x0], $0xffff  }
0x60: {  	v51 =	vld.idx.msk [tilespmem:v31+s2+$0x0], $0xffff;
	v31 =	vadd.s32 v52, v46  }
0x61: {  	v44 =	vadd.f32 v34, v38;
	v16 =	vadd.s32 v0, v46;
	v7 =	vld [tilespmem:$0x1FFC0];
	(erf) = vrcp.f32 v43  }
0x62: {  	v47 =	vshll.u32 v47, $0x8;
	v52 =	vld.idx.msk [tilespmem:v2+s2+$0x0], $0xffff;
	v45 =	vadd.f32 v42, v41  }
0x63: {  	v62 =	vadd.s32 v30, v46;
	v63 =	vadd.s32 v4, v46;
	v4 =	vld [tilespmem:$0x1FFD0];
	(erf) = vrcp.f32 v44  }
0x64: {  	v3 =	vadd.s32 v19, v46;
	v32 =	vadd.f32 v49, v48;
	v60 =	vld.idx.msk [tilespmem:v60+s2+$0x0], $0xffff;
	(erf) = vrcp.f32 v45  }
0x65: {  	v24 =	vmovc v21;
	v21 =	vmovc v20;
	v20 =	vmov v57;
	v47 =	vand.u32 $0x7800, v47;
	v57 =	vld.idx.msk [tilespmem:v31+s2+$0x0], $0xffff;
	v31 =	vadd.f32 v50, v40  }
0x66: {  	v1 =	vadd.s32 v5, v46;
	v6 =	vsub.f32 v36, v37;
	v0 =	vld.idx.msk [tilespmem:v16+s2+$0x0], $0xffff;
	(erf) = vrcp.f32 v32  }
0x67: {  	v2 =	vadd.s32 v7, v46;
	v33 =	vadd.f32 v52, v51;
	(erf) = vrcp.f32 v31  }
0x68: {  	v62 =	vld.idx.msk [tilespmem:v62+s2+$0x0], $0xffff;
	v16 =	vsub.f32 v38, v34;
	v34 =	vadd.f32 v54, v53;
	v4 =	vadd.s32 v4, v46  }
0x69: {  	v3 =	vld.idx.msk [tilespmem:v3+s2+$0x0], $0xffff;
	v35 =	vand.u32 $0x7FFFFFFF, v6;
	v41 =	vsub.f32 v41, v42;
	(erf) = vrcp.f32 v33  }
0x6a: {  	v63 =	vld.idx.msk [tilespmem:v63+s2+$0x0], $0xffff;
	v38 =	vadd.f32 v60, v58;
	v36 =	vand.u32 $0x7FFFFFFF, v16;
	v17 =	vpop (erf);
	(erf) = vrcp.f32 v34  }
0x6b: {  	v1 =	vld.idx.msk [tilespmem:v1+s2+$0x0], $0xffff;
	v37 =	vadd.f32 v0, v55;
	v5 =	vmul.f32 v17, v35;
	v17 =	vsub.f32 v48, v49  }
0x6c: {  	v41 =	vand.u32 $0x7FFFFFFF, v41;
	v2 =	vld.idx.msk [tilespmem:v2+s2+$0x0], $0xffff;
	v40 =	vsub.f32 v40, v50;
	v16 =	vpop (erf);
	v35 =	vadd.f32 v57, v56  }
0x6d: {  	v4 =	vld.idx.msk [tilespmem:v4+s2+$0x0], $0xffff;
	v52 =	vsub.f32 v51, v52;
	v6 =	vmul.f32 v16, v36;
	v36 =	vadd.f32 v61, v59;
	v16 =	vpop (erf)  }
0x6e: {  	v42 =	vand.u32 $0x7FFFFFFF, v17;
	(erf) = vrcp.f32 v35;
	v48 =	vmul.f32 v16, v41  }
0x6f: {  	v17 =	vpop (erf);
	v41 =	vand.u32 $0x7FFFFFFF, v40;
	v40 =	vadd.f32 v63, v62;
	(erf) = vrcp.f32 v36  }
0x70: {  	s1 =	sand.u32 $0x7800, s30;
	s12 =	sadd.s32 $0xFFFFFE80, s28;
	v49 =	vmul.f32 v17, v42;
	v17 =	vsub.f32 v53, v54;
	(erf) = vrcp.f32 v37;
	v7 =	vpop (erf)  }
0x71: {  	s12 =	sand.u32 $0x200, s12;
	s1 =	sor.u32 $0x8000, s1;
	(erf) = vrcp.f32 v38;
	v53 =	vmul.f32 v7, v41;
	v41 =	vadd.f32 v2, v1  }
0x72: {  	s12 =	sor.u32 s12, s1;
	v46 =	vand.u32 $0x200, v46;
	v42 =	vadd.f32 v4, v3;
	(erf) = vrcp.f32 v40;
	v16 =	vpop (erf)  }
0x73: {  	v0 =	vsub.f32 v55, v0;
	v50 =	vand.u32 $0x7FFFFFFF, v52;
	[tilespmem:s12+$0x0] =	vst v5;
	v7 =	vpop (erf);
	(erf) = vrcp.f32 v41  }
0x74: {  	[tilespmem:s12+$0x10] =	vst v6;
	v51 =	vand.u32 $0x7FFFFFFF, v17;
	v17 =	vsub.f32 v59, v61;
	(erf) = vrcp.f32 v42  }
0x75: {  	s4 =	sadd.s32 $0x1, s0;
	v0 =	vand.u32 $0x7FFFFFFF, v0;
	[tilespmem:s12+$0x20] =	vst v48;
	v50 =	vmul.f32 v16, v50;
	v16 =	vsub.f32 v56, v57  }
0x76: {  	s14 =	simm.s32 $0x1;
	v62 =	vsub.f32 v62, v63;
	v3 =	vsub.f32 v3, v4;
	[tilespmem:s12+$0x30] =	vst v49;
	v49 =	vmov s4  }
0x77: {  	s14 =	simm.s32 @!p1 $0x0;
	v57 =	vsub.f32 v58, v60;
	v5 =	vmul.f32 v7, v51;
	[tilespmem:s12+$0x40] =	vst v53;
	v61 =	vand.u32 $0x7FFFFFFF, v16;
	v59 =	vpop (erf)  }
0x78: {  	s14 =	sshll.u32 s14, $0x9;
	v1 =	vsub.f32 v1, v2;
	v16 =	vand.u32 $0x7FFFFFFF, v17;
	[tilespmem:s12+$0x50] =	vst v50;
	v17 =	vpop (erf);
	v6 =	vmul.f32 v59, v61  }
0x79: {  	v14 =	vld [tilespmem:$0x1FFB0];
	s14 =	sadd.s32 s14, s30;
	v60 =	vand.u32 $0x7FFFFFFF, v57;
	[tilespmem:s12+$0x60] =	vst v5;
	v58 =	vmul.f32 v17, v16;
	v59 =	vpop (erf);
	v17 =	vadd.s32 v12, v47  }
0x7a: {  	s6 =	sor.u32 $0x400, s14;
	v16 =	vand.u32 $0x7FFFFFFF, v62;
	v62 =	vld [tilespmem:$0x1FF40];
	v61 =	vpop (erf);
	v0 =	vmul.f32 v59, v0;
	[tilespmem:s12+$0x70] =	vst v6;
	v47 =	vor.u32 v46, v17  }
0x7b: {  	v15 =	vld [tilespmem:$0x1FEE0];
	s12 =	sor.u32 $0x410, s14;
	v46 =	vshll.u32 v49, $0x7;
	v63 =	vmul.f32 v61, v60;
	v52 =	vpop (erf);
	[tilespmem:s6+$0x8000] =	vst v58;
	v2 =	vor.u32 v10, v47  }
0x7c: {  	v1 =	vand.u32 $0x7FFFFFFF, v1;
	v7 =	vld [tilespmem:$0x1FF30];
	s6 =	sor.u32 $0x420, s14;
	v55 =	vadd.s32 v21, v46;
	v53 =	vmul.f32 v52, v16;
	[tilespmem:s12+$0x8000] =	vst v0;
	v54 =	vpop (erf)  }
0x7d: {  	v3 =	vand.u32 $0x7FFFFFFF, v3;
	v12 =	vld [tilespmem:$0x1FFA0];
	v57 =	vadd.s32 v22, v46;
	s12 =	sor.u32 $0x430, s14;
	[tilespmem:s6+$0x8000] =	vst v63;
	v1 =	vmul.f32 v54, v1;
	v56 =	vpop (erf)  }
0x7e: {  	v59 =	vadd.s32 v23, v46;
	v10 =	vld [tilespmem:$0x1FF90];
	s6 =	sor.u32 $0x440, s14;
	[tilespmem:s12+$0x8000] =	vst v53;
	v3 =	vmul.f32 v56, v3  }
0x7f: {  	v60 =	vadd.s32 v25, v46;
	v6 =	vadd.s32 v62, v46;
	v62 =	vld [tilespmem:$0x1FF10];
	[tilespmem:s6+$0x8000] =	vst v1  }
0x80: {  	v61 =	vadd.s32 v26, v46;
	v56 =	vld [tilespmem:$0x1FF70];
	[tilespmem:v2+s17+$0x0] =	vst.idx.msk $0x3, v3  }
0x81: {  	v0 =	vld.idx.msk [tilespmem:v55+s2+$0x0], $0xffff  }
0x82: {  	v5 =	vld.idx.msk [tilespmem:v57+s2+$0x0], $0xffff  }
0x83: {  	v63 =	vadd.s32 v27, v46;
	v1 =	vld.idx.msk [tilespmem:v59+s2+$0x0], $0xffff  }
0x84: {  	v2 =	vld.idx.msk [tilespmem:v60+s2+$0x0], $0xffff  }
0x85: {  	v3 =	vld.idx.msk [tilespmem:v61+s2+$0x0], $0xffff  }
0x86: {  	v16 =	vadd.s32 v7, v46;
	v60 =	vld [tilespmem:$0x1FF20]  }
0x87: {  	v61 =	vld [tilespmem:$0x1FF50]  }
0x88: {  	v58 =	vadd.s32 v24, v46;
	v59 =	vld.idx.msk [tilespmem:v63+s2+$0x0], $0xffff  }
0x89: {  	v63 =	vld [tilespmem:$0x1FF60]  }
0x8a: {  	v17 =	vadd.s32 v20, v46;
	v57 =	vld [tilespmem:$0x1FEF0]  }
0x8b: {  	v53 =	vadd.s32 v62, v46;
	v51 =	vadd.s32 v60, v46;
	v60 =	vld.idx.msk [tilespmem:v16+s2+$0x0], $0xffff  }
0x8c: {  	v39 =	vmin.f32 v39, v43;
	v16 =	vld [tilespmem:$0x1FF00]  }
0x8d: {  	v39 =	vmin.f32 v39, v44;
	v44 =	vadd.s32 v12, v46;
	v4 =	vld.idx.msk [tilespmem:v58+s2+$0x0], $0xffff  }
0x8e: {  	v6 =	vld.idx.msk [tilespmem:v6+s2+$0x0], $0xffff  }
0x8f: {  	v52 =	vadd.s32 v61, v46;
	v61 =	vld.idx.msk [tilespmem:v17+s2+$0x0], $0xffff  }
0x90: {  	v54 =	vadd.s32 v63, v46;
	v47 =	vadd.f32 v5, v0;
	v7 =	vld.idx.msk [tilespmem:v53+s2+$0x0], $0xffff  }
0x91: {  	v58 =	vadd.s32 v57, v46;
	v57 =	vadd.s32 v15, v46;
	v15 =	vld [tilespmem:$0x1FFC0];
	v17 =	vadd.s32 v16, v46  }
0x92: {  	v48 =	vadd.f32 v1, v4;
	v1 =	vsub.f32 v4, v1;
	v4 =	vld.idx.msk [tilespmem:v44+s2+$0x0], $0xffff  }
0x93: {  	v53 =	vadd.s32 v9, v46;
	v62 =	vld.idx.msk [tilespmem:v51+s2+$0x0], $0xffff  }
0x94: {  	(erf) = vrcp.f32 v47;
	v51 =	vadd.s32 v56, v46;
	v63 =	vld.idx.msk [tilespmem:v52+s2+$0x0], $0xffff  }
0x95: {  	v8 =	vld.idx.msk [tilespmem:v54+s2+$0x0], $0xffff;
	v16 =	vadd.s32 v28, v46  }
0x96: {  	v9 =	vld.idx.msk [tilespmem:v17+s2+$0x0], $0xffff;
	v17 =	vadd.s32 v10, v46  }
0x97: {  	v50 =	vadd.f32 v3, v2;
	v11 =	vld.idx.msk [tilespmem:v58+s2+$0x0], $0xffff  }
0x98: {  	(erf) = vrcp.f32 v48;
	v12 =	vld.idx.msk [tilespmem:v53+s2+$0x0], $0xffff  }
0x99: {  	v43 =	vadd.s32 v29, v46;
	(erf) = vrcp.f32 v50;
	v10 =	vld.idx.msk [tilespmem:v51+s2+$0x0], $0xffff  }
0x9a: {  	v0 =	vsub.f32 v0, v5;
	v44 =	vadd.s32 v19, v46;
	v51 =	vadd.f32 v59, v6;
	v13 =	vld.idx.msk [tilespmem:v16+s2+$0x0], $0xffff  }
0x9b: {  	v58 =	vmin.f32 v39, v45;
	v52 =	vadd.f32 v61, v60;
	v45 =	vadd.s32 v14, v46;
	v14 =	vld.idx.msk [tilespmem:v17+s2+$0x0], $0xffff  }
0x9c: {  	v39 =	vadd.s32 v30, v46;
	v53 =	vadd.f32 v63, v62;
	(erf) = vrcp.f32 v51  }
0x9d: {  	v0 =	vand.u32 $0x7FFFFFFF, v0;
	v54 =	vadd.f32 v8, v7;
	v16 =	vld [tilespmem:$0x1FFD0];
	v55 =	vpop (erf);
	(erf) = vrcp.f32 v52  }
0x9e: {  	v0 =	vmul.f32 v55, v0;
	(erf) = vrcp.f32 v53;
	v55 =	vadd.f32 v10, v9  }
0x9f: {  	v5 =	vld.idx.msk [tilespmem:v43+s2+$0x0], $0xffff;
	v43 =	vadd.s32 v15, v46;
	v56 =	vadd.f32 v12, v11;
	(erf) = vrcp.f32 v54  }
0xa0: {  	v18 =	vld.idx.msk [tilespmem:v57+s2+$0x0], $0xffff;
	(erf) = vrcp.f32 v55;
	v57 =	vadd.f32 v14, v13  }
0xa1: {  	v2 =	vsub.f32 v2, v3;
	v15 =	vld.idx.msk [tilespmem:v39+s2+$0x0], $0xffff;
	v39 =	vpop (erf);
	(erf) = vrcp.f32 v56  }
0xa2: {  	v6 =	vsub.f32 v6, v59;
	v59 =	vld.idx.msk [tilespmem:v44+s2+$0x0], $0xffff;
	v44 =	vpop (erf);
	v16 =	vadd.s32 v16, v46;
	(erf) = vrcp.f32 v57  }
0xa3: {  	v1 =	vand.u32 $0x7FFFFFFF, v1  }
0xa4: {  	v2 =	vand.u32 $0x7FFFFFFF, v2;
	v3 =	vld.idx.msk [tilespmem:v43+s2+$0x0], $0xffff;
	v43 =	vsub.f32 v60, v61;
	v7 =	vsub.f32 v7, v8  }
0xa5: {  	s12 =	sadd.s32 $0xFFFFFF00, s28;
	v6 =	vand.u32 $0x7FFFFFFF, v6;
	v1 =	vmul.f32 v39, v1;
	v17 =	vld.idx.msk [tilespmem:v45+s2+$0x0], $0xffff;
	v45 =	vsub.f32 v62, v63;
	v60 =	vpop (erf)  }
0xa6: {  	s4 =	sand.u32 $0x280, s12;
	v43 =	vand.u32 $0x7FFFFFFF, v43;
	v8 =	vsub.f32 v9, v10;
	v6 =	vmul.f32 v60, v6;
	v60 =	vpop (erf)  }
0xa7: {  	s4 =	sor.u32 s4, s1;
	v7 =	vand.u32 $0x7FFFFFFF, v7;
	v39 =	vadd.f32 v4, v5;
	v61 =	vand.u32 $0x7FFFFFFF, v45;
	v16 =	vld.idx.msk [tilespmem:v16+s2+$0x0], $0xffff;
	v62 =	vpop (erf)  }
0xa8: {  	v4 =	vsub.f32 v5, v4;
	[tilespmem:s4+$0x0] =	vst v0;
	v61 =	vmul.f32 v62, v61;
	v63 =	vpop (erf);
	v62 =	vand.u32 $0x7FFFFFFF, v8  }
0xa9: {  	[tilespmem:s4+$0x10] =	vst v1;
	(erf) = vrcp.f32 v39;
	v0 =	vmul.f32 v63, v7;
	v7 =	vsub.f32 v13, v14;
	v1 =	vpop (erf)  }
0xaa: {  	v2 =	vmul.f32 v44, v2;
	v60 =	vmul.f32 v60, v43;
	v43 =	vadd.f32 v17, v15;
	v63 =	vpop (erf)  }
0xab: {  	v44 =	vadd.f32 v3, v18;
	v1 =	vmul.f32 v1, v62;
	v5 =	vand.u32 $0x7FFFFFFF, v7;
	v62 =	vpop (erf)  }
0xac: {  	(erf) = vrcp.f32 v43;
	v45 =	vadd.f32 v16, v59;
	v5 =	vmul.f32 v62, v5;
	v62 =	vld [tilespmem:$0x1FFF0]  }
0xad: {  	v9 =	vsub.f32 v11, v12;
	(erf) = vrcp.f32 v44  }
0xae: {  	(erf) = vrcp.f32 v45  }
0xaf: {  	v8 =	vand.u32 $0x7FFFFFFF, v9;
	v9 =	vshll.u32 v49, $0x8  }
0xb0: {  	[tilespmem:s4+$0x50] =	vst v61;
	v61 =	vand.u32 $0x7800, v9  }
0xb1: {  	s14 =	sand.u32 $0x7, s31;
	[tilespmem:s4+$0x60] =	vst v0;
	v0 =	vadd.s32 v62, v61;
	v61 =	vld [tilespmem:$0x1FFE0]  }
0xb2: {  	s12 =	sshll.u32 s14, $0x7;
	v4 =	vand.u32 $0x7FFFFFFF, v4;
	[tilespmem:s4+$0x20] =	vst v2;
	v2 =	vmul.f32 v63, v8;
	v63 =	vpop (erf)  }
0xb3: {  	s12 =	sadd.s32 s30, s12;
	[tilespmem:s4+$0x30] =	vst v6;
	v4 =	vmul.f32 v63, v4;
	v63 =	vand.u32 $0x280, v46  }
0xb4: {  	s14 =	sadd.s32 $0x80, s12;
	s6 =	sadd.s32 $0x2, s0;
	v3 =	vsub.f32 v18, v3;
	[tilespmem:s4+$0x40] =	vst v60;
	v8 =	vsub.f32 v15, v17  }
0xb5: {  	v49 =	vmov s6;
	v60 =	vsub.f32 v59, v16;
	[tilespmem:s4+$0x70] =	vst v1;
	s4 =	sor.u32 $0x400, s14;
	v17 =	vpop (erf);
	v0 =	vor.u32 v63, v0  }
0xb6: {  	v11 =	vld [tilespmem:$0x1FF20];
	s6 =	sor.u32 $0x410, s14;
	v59 =	vmin.f32 v58, v32;
	v7 =	vand.u32 $0x7FFFFFFF, v8;
	[tilespmem:s4+$0x8000] =	vst v2;
	v63 =	vpop (erf);
	v0 =	vor.u32 v61, v0  }
0xb7: {  	v12 =	vld [tilespmem:$0x1FF50];
	v16 =	vand.u32 $0x7FFFFFFF, v60;
	[tilespmem:s6+$0x8000] =	vst v5;
	s6 =	sor.u32 $0x420, s14;
	v1 =	vmul.f32 v17, v7;
	v62 =	vand.u32 $0x7FFFFFFF, v3;
	v17 =	vpop (erf)  }
0xb8: {  	v18 =	vld [tilespmem:$0x1FF80];
	[tilespmem:s6+$0x8000] =	vst v4;
	s6 =	sor.u32 $0x430, s14;
	v2 =	vmul.f32 v63, v62;
	v3 =	vmul.f32 v17, v16;
	v16 =	vmin.f32 v59, v31  }
0xb9: {  	v13 =	vld [tilespmem:$0x1FF10];
	v46 =	vshll.u32 v49, $0x7;
	s14 =	sor.u32 $0x440, s14;
	[tilespmem:s6+$0x8000] =	vst v1;
	v6 =	vmin.f32 v16, v33  }
0xba: {  	v14 =	vld [tilespmem:$0x1FF60];
	v5 =	vadd.s32 v21, v46;
	[tilespmem:s14+$0x8000] =	vst v2;
	v33 =	vmin.f32 v6, v34  }
0xbb: {  	v9 =	vld [tilespmem:$0x1FF30];
	v4 =	vadd.s32 v22, v46;
	[tilespmem:v0+s17+$0x0] =	vst.idx.msk $0x3, v3;
	v3 =	vmin.f32 v33, v35  }
0xbc: {  	v15 =	vld [tilespmem:$0x1FF00];
	v63 =	vadd.s32 v24, v46;
	v3 =	vmin.f32 v3, v36  }
0xbd: {  	v60 =	vmov v29;
	v29 =	vld [tilespmem:$0x1FF90];
	v17 =	vadd.s32 v23, v46;
	v3 =	vmin.f32 v3, v37  }
0xbe: {  	v32 =	vadd.s32 v25, v46;
	v35 =	vld [tilespmem:$0x1FF40];
	v3 =	vmin.f32 v3, v38  }
0xbf: {  	v34 =	vadd.s32 v26, v46;
	v5 =	vld.idx.msk [tilespmem:v5+s2+$0x0], $0xffff;
	v3 =	vmin.f32 v3, v40  }
0xc0: {  	v8 =	vadd.s32 v27, v46;
	v4 =	vld.idx.msk [tilespmem:v4+s2+$0x0], $0xffff;
	v3 =	vmin.f32 v3, v41  }
0xc1: {  	v9 =	vadd.s32 v9, v46;
	v1 =	vld.idx.msk [tilespmem:v63+s2+$0x0], $0xffff;
	v3 =	vmin.f32 v3, v42  }
0xc2: {  	v10 =	vadd.s32 v20, v46;
	v2 =	vld.idx.msk [tilespmem:v17+s2+$0x0], $0xffff;
	v3 =	vmin.f32 v3, v47  }
0xc3: {  	v11 =	vadd.s32 v11, v46;
	v0 =	vld.idx.msk [tilespmem:v32+s2+$0x0], $0xffff;
	v3 =	vmin.f32 v3, v48  }
0xc4: {  	v6 =	vld.idx.msk [tilespmem:v34+s2+$0x0], $0xffff;
	v3 =	vmin.f32 v3, v50  }
0xc5: {  	v8 =	vld.idx.msk [tilespmem:v8+s2+$0x0], $0xffff;
	v3 =	vmin.f32 v3, v51  }
0xc6: {  	v9 =	vld.idx.msk [tilespmem:v9+s2+$0x0], $0xffff;
	v3 =	vmin.f32 v3, v52  }
0xc7: {  	v12 =	vadd.s32 v12, v46;
	v10 =	vld.idx.msk [tilespmem:v10+s2+$0x0], $0xffff;
	v3 =	vmin.f32 v3, v53  }
0xc8: {  	v13 =	vadd.s32 v13, v46;
	v11 =	vld.idx.msk [tilespmem:v11+s2+$0x0], $0xffff;
	v3 =	vmin.f32 v3, v54  }
0xc9: {  	v14 =	vadd.s32 v14, v46;
	v41 =	vld [tilespmem:$0x1FF70];
	v3 =	vmin.f32 v3, v55  }
0xca: {  	v7 =	vadd.s32 v35, v46;
	v42 =	vld [tilespmem:$0x1FEF0];
	v3 =	vmin.f32 v3, v56  }
0xcb: {  	v50 =	vmin.f32 v3, v57;
	v57 =	vmov v20;
	v20 =	vld [tilespmem:$0x1FFB0]  }
0xcc: {  	v12 =	vld.idx.msk [tilespmem:v12+s2+$0x0], $0xffff  }
0xcd: {  	v15 =	vadd.s32 v15, v46;
	v13 =	vld.idx.msk [tilespmem:v13+s2+$0x0], $0xffff  }
0xce: {  	v14 =	vld.idx.msk [tilespmem:v14+s2+$0x0], $0xffff;
	v33 =	vadd.f32 v4, v5  }
0xcf: {  	v7 =	vld.idx.msk [tilespmem:v7+s2+$0x0], $0xffff;
	v16 =	vadd.s32 v41, v46  }
0xd0: {  	(erf) = vrcp.f32 v33;
	v17 =	vadd.s32 v42, v46;
	v42 =	vadd.s32 v20, v46;
	v20 =	vld [tilespmem:$0x1FFC0]  }
0xd1: {  	v56 =	vmov v23;
	v23 =	vmov v26;
	v26 =	vld [tilespmem:$0x1FFA0]  }
0xd2: {  	v18 =	vadd.s32 v18, v46;
	v15 =	vld.idx.msk [tilespmem:v15+s2+$0x0], $0xffff;
	v34 =	vadd.f32 v2, v1  }
0xd3: {  	v31 =	vadd.s32 v28, v46;
	v35 =	vadd.f32 v6, v0;
	v47 =	vadd.s32 v29, v46;
	v29 =	vld [tilespmem:$0x1FEE0]  }
0xd4: {  	v37 =	vadd.f32 v10, v9;
	(erf) = vrcp.f32 v34;
	v16 =	vld.idx.msk [tilespmem:v16+s2+$0x0], $0xffff;
	v36 =	vadd.f32 v8, v7  }
0xd5: {  	(erf) = vrcp.f32 v35;
	v51 =	vadd.s32 v19, v46;
	v48 =	vadd.s32 v20, v46;
	v20 =	vld [tilespmem:$0x1FFD0]  }
0xd6: {  	v38 =	vadd.f32 v12, v11;
	v17 =	vld.idx.msk [tilespmem:v17+s2+$0x0], $0xffff;
	(erf) = vrcp.f32 v36;
	v54 =	vadd.s32 v26, v46  }
0xd7: {  	v4 =	vsub.f32 v5, v4;
	v3 =	vld.idx.msk [tilespmem:v18+s2+$0x0], $0xffff;
	(erf) = vrcp.f32 v37  }
0xd8: {  	v31 =	vld.idx.msk [tilespmem:v31+s2+$0x0], $0xffff;
	v40 =	vadd.f32 v14, v13;
	v53 =	vadd.s32 v60, v46;
	(erf) = vrcp.f32 v38  }
0xd9: {  	v4 =	vand.u32 $0x7FFFFFFF, v4;
	v32 =	vld.idx.msk [tilespmem:v47+s2+$0x0], $0xffff;
	v7 =	vsub.f32 v7, v8;
	v18 =	vadd.s32 v30, v46;
	v41 =	vpop (erf)  }
0xda: {  	v8 =	vld.idx.msk [tilespmem:v51+s2+$0x0], $0xffff;
	v4 =	vmul.f32 v41, v4;
	v41 =	vadd.f32 v16, v15;
	v52 =	vadd.s32 v20, v46  }
0xdb: {  	v1 =	vsub.f32 v1, v2;
	(erf) = vrcp.f32 v40;
	v2 =	vld.idx.msk [tilespmem:v54+s2+$0x0], $0xffff  }
0xdc: {  	v47 =	vadd.s32 v29, v46;
	(erf) = vrcp.f32 v41;
	v54 =	vld.idx.msk [tilespmem:v42+s2+$0x0], $0xffff;
	v42 =	vadd.f32 v3, v17  }
0xdd: {  	v0 =	vsub.f32 v0, v6;
	v5 =	vld.idx.msk [tilespmem:v53+s2+$0x0], $0xffff;
	v53 =	vpop (erf)  }
0xde: {  	v9 =	vsub.f32 v9, v10;
	v11 =	vsub.f32 v11, v12;
	v51 =	vpop (erf);
	v18 =	vld.idx.msk [tilespmem:v18+s2+$0x0], $0xffff;
	(erf) = vrcp.f32 v42  }
0xdf: {  	v1 =	vand.u32 $0x7FFFFFFF, v1;
	v10 =	vld.idx.msk [tilespmem:v52+s2+$0x0], $0xffff;
	v52 =	vpop (erf)  }
0xe0: {  	v0 =	vand.u32 $0x7FFFFFFF, v0;
	v9 =	vand.u32 $0x7FFFFFFF, v9;
	v11 =	vand.u32 $0x7FFFFFFF, v11;
	v12 =	vpop (erf)  }
0xe1: {  	v1 =	vmul.f32 v53, v1;
	v53 =	vld.idx.msk [tilespmem:v47+s2+$0x0], $0xffff;
	v47 =	vadd.f32 v32, v31;
	v9 =	vmul.f32 v12, v9;
	v12 =	vpop (erf)  }
0xe2: {  	s6 =	sadd.s32 $0xFFFFFF80, s28;
	v0 =	vmul.f32 v51, v0;
	v11 =	vmul.f32 v12, v11;
	v12 =	vsub.f32 v13, v14  }
0xe3: {  	s4 =	sand.u32 $0x300, s6;
	v3 =	vsub.f32 v17, v3;
	(erf) = vrcp.f32 v47;
	v6 =	vld.idx.msk [tilespmem:v48+s2+$0x0], $0xffff;
	v14 =	vsub.f32 v15, v16  }
0xe4: {  	s4 =	sor.u32 s4, s1;
	v48 =	vadd.f32 v2, v5;
	v51 =	vadd.f32 v54, v18;
	v16 =	vpop (erf);
	v12 =	vand.u32 $0x7FFFFFFF, v12  }
0xe5: {  	[tilespmem:s4+$0x0] =	vst v4;
	v17 =	vpop (erf);
	v4 =	vmul.f32 v16, v12;
	v12 =	vsub.f32 v31, v32;
	v32 =	vand.u32 $0x7FFFFFFF, v14  }
0xe6: {  	(erf) = vrcp.f32 v48;
	[tilespmem:s4+$0x10] =	vst v1;
	v1 =	vmul.f32 v17, v32;
	v17 =	vsub.f32 v18, v54  }
0xe7: {  	v3 =	vand.u32 $0x7FFFFFFF, v3;
	(erf) = vrcp.f32 v51;
	v16 =	vpop (erf)  }
0xe8: {  	[tilespmem:s4+$0x20] =	vst v0;
	v13 =	vadd.f32 v6, v53;
	v0 =	vmul.f32 v16, v3;
	v3 =	vand.u32 $0x7FFFFFFF, v17;
	v17 =	vld [tilespmem:$0x1FFF0]  }
0xe9: {  	v15 =	vadd.f32 v10, v8  }
0xea: {  	v7 =	vand.u32 $0x7FFFFFFF, v7;
	(erf) = vrcp.f32 v13  }
0xeb: {  	(erf) = vrcp.f32 v15;
	v54 =	vand.u32 $0x7FFFFFFF, v12;
	v12 =	vshll.u32 v49, $0x8  }
0xec: {  	v58 =	vld [tilespmem:$0x1FEF0];
	v7 =	vmul.f32 v52, v7;
	v16 =	vand.u32 $0x7800, v12  }
0xed: {  	s14 =	sand.u32 $0x3, s29;
	v2 =	vsub.f32 v5, v2;
	[tilespmem:s4+$0x60] =	vst v4;
	v4 =	vadd.s32 v17, v16;
	v17 =	vld [tilespmem:$0x1FFE0]  }
0xee: {  	v62 =	vld [tilespmem:$0x1FF20];
	s6 =	sshll.u32 s14, $0x8;
	[tilespmem:s4+$0x30] =	vst v7;
	v32 =	vpop (erf)  }
0xef: {  	v59 =	vld [tilespmem:$0x1FF00];
	s6 =	sadd.s32 s30, s6;
	v2 =	vand.u32 $0x7FFFFFFF, v2;
	v6 =	vsub.f32 v53, v6;
	[tilespmem:s4+$0x40] =	vst v9;
	v9 =	vpop (erf)  }
0xf0: {  	v61 =	vld [tilespmem:$0x1FF30];
	s14 =	sadd.s32 $0x3, s0;
	s6 =	sadd.s32 $0x100, s6;
	[tilespmem:s4+$0x50] =	vst v11;
	v5 =	vmul.f32 v32, v54;
	v32 =	vand.u32 $0x300, v46;
	v2 =	vmul.f32 v9, v2  }
0xf1: {  	v63 =	vld [tilespmem:$0x1FF10];
	[tilespmem:s4+$0x70] =	vst v1;
	s4 =	sor.u32 $0x400, s6;
	v54 =	vpop (erf);
	v16 =	vsub.f32 v8, v10;
	v53 =	vor.u32 v32, v4;
	v32 =	vmov s14  }
0xf2: {  	v55 =	vld [tilespmem:$0x1FF40];
	[tilespmem:s4+$0x8000] =	vst v0;
	v1 =	vmul.f32 v54, v3;
	s14 =	sor.u32 $0x410, s6;
	v31 =	vshll.u32 v32, $0x7;
	v0 =	vor.u32 v17, v53  }
0xf3: {  	v52 =	vld [tilespmem:$0x1FF70];
	v54 =	vpop (erf);
	[tilespmem:s14+$0x8000] =	vst v5;
	s14 =	sor.u32 $0x420, s6;
	v16 =	vand.u32 $0x7FFFFFFF, v16;
	v5 =	vadd.s32 v21, v31;
	v53 =	vand.u32 $0x7FFFFFFF, v6  }
0xf4: {  	v49 =	vld [tilespmem:$0x1FF50];
	[tilespmem:s14+$0x8000] =	vst v2;
	s14 =	sor.u32 $0x430, s6;
	v2 =	vadd.s32 v22, v31;
	v17 =	vpop (erf);
	v3 =	vmul.f32 v54, v53;
	v53 =	vmin.f32 v50, v39  }
0xf5: {  	v46 =	vld [tilespmem:$0x1FFA0];
	[tilespmem:s14+$0x8000] =	vst v1;
	s14 =	sor.u32 $0x440, s6;
	v4 =	vmul.f32 v17, v16;
	v16 =	vadd.s32 v24, v31;
	v7 =	vmin.f32 v53, v43  }
0xf6: {  	v50 =	vld [tilespmem:$0x1FFD0];
	v17 =	vadd.s32 v56, v31;
	[tilespmem:s14+$0x8000] =	vst v3;
	v1 =	vmin.f32 v7, v44  }
0xf7: {  	v39 =	vadd.s32 v55, v31;
	v1 =	vmin.f32 v1, v45;
	v45 =	vld [tilespmem:$0x1FF80];
	[tilespmem:v0+s17+$0x0] =	vst.idx.msk $0x3, v4  }
0xf8: {  	v8 =	vadd.s32 v27, v31;
	v3 =	vld.idx.msk [tilespmem:v5+s2+$0x0], $0xffff  }
0xf9: {  	v9 =	vadd.s32 v61, v31;
	v2 =	vld.idx.msk [tilespmem:v2+s2+$0x0], $0xffff  }
0xfa: {  	v11 =	vadd.s32 v57, v31;
	v0 =	vld.idx.msk [tilespmem:v16+s2+$0x0], $0xffff  }
0xfb: {  	v12 =	vadd.s32 v62, v31;
	v4 =	vld.idx.msk [tilespmem:v17+s2+$0x0], $0xffff  }
0xfc: {  	v14 =	vadd.s32 v49, v31;
	v7 =	vld.idx.msk [tilespmem:v39+s2+$0x0], $0xffff  }
0xfd: {  	v44 =	vadd.s32 v58, v31;
	v1 =	vmin.f32 v1, v33;
	v8 =	vld.idx.msk [tilespmem:v8+s2+$0x0], $0xffff  }
0xfe: {  	v1 =	vmin.f32 v1, v34;
	v9 =	vld.idx.msk [tilespmem:v9+s2+$0x0], $0xffff  }
0xff: {  	v33 =	vadd.s32 v25, v31;
	v11 =	vld.idx.msk [tilespmem:v11+s2+$0x0], $0xffff;
	v1 =	vmin.f32 v1, v35  }
0x100: {  	v34 =	vadd.s32 v23, v31;
	v12 =	vld.idx.msk [tilespmem:v12+s2+$0x0], $0xffff;
	v1 =	vmin.f32 v1, v36  }
0x101: {  	v43 =	vadd.s32 v52, v31;
	v14 =	vld.idx.msk [tilespmem:v14+s2+$0x0], $0xffff;
	v1 =	vmin.f32 v1, v37  }
0x102: {  	v26 =	vmov v25;
	v25 =	vmov v61;
	v36 =	vld.idx.msk [tilespmem:v44+s2+$0x0], $0xffff;
	v1 =	vmin.f32 v1, v38  }
0x103: {  	v61 =	vmovc v63;
	v17 =	vadd.s32 v28, v31;
	v1 =	vmin.f32 v1, v40;
	v40 =	vadd.s32 v63, v31;
	v63 =	vld [tilespmem:$0x1FF60]  }
0x104: {  	v20 =	vmovc v21;
	v21 =	vmovc v24;
	v24 =	vmov v55;
	v55 =	vmov v62;
	v53 =	vadd.s32 v60, v31;
	v5 =	vld.idx.msk [tilespmem:v33+s2+$0x0], $0xffff  }
0x105: {  	v16 =	vadd.s32 v45, v31;
	v45 =	vadd.s32 v46, v31;
	v10 =	vadd.f32 v2, v3;
	v6 =	vld.idx.msk [tilespmem:v34+s2+$0x0], $0xffff  }
0x106: {  	v18 =	vadd.f32 v4, v0;
	v2 =	vsub.f32 v3, v2;
	v34 =	vld.idx.msk [tilespmem:v43+s2+$0x0], $0xffff;
	v1 =	vmin.f32 v1, v41  }
0x107: {  	v62 =	vmovc v59;
	v1 =	vmin.f32 v1, v42;
	v42 =	vadd.s32 v59, v31;
	v59 =	vmovc v58;
	v58 =	vmov v28;
	v28 =	vld [tilespmem:$0x1FF90]  }
0x108: {  	v38 =	vadd.f32 v8, v7;
	v0 =	vsub.f32 v0, v4;
	v4 =	vld.idx.msk [tilespmem:v17+s2+$0x0], $0xffff;
	v41 =	vadd.s32 v63, v31  }
0x109: {  	v37 =	vadd.f32 v11, v9;
	(erf) = vrcp.f32 v10;
	v1 =	vmin.f32 v1, v47;
	v47 =	vld [tilespmem:$0x1FFB0]  }
0x10a: {  	v7 =	vsub.f32 v7, v8;
	v16 =	vld.idx.msk [tilespmem:v16+s2+$0x0], $0xffff;
	v1 =	vmin.f32 v1, v48;
	v35 =	vadd.f32 v6, v5  }
0x10b: {  	v9 =	vsub.f32 v9, v11;
	(erf) = vrcp.f32 v18;
	v48 =	vld [tilespmem:$0x1FFC0];
	v1 =	vmin.f32 v1, v51  }
0x10c: {  	v1 =	vmin.f32 v1, v13;
	v13 =	vld.idx.msk [tilespmem:v40+s2+$0x0], $0xffff;
	(erf) = vrcp.f32 v35;
	v33 =	vadd.s32 v28, v31  }
0x10d: {  	v2 =	vand.u32 $0x7FFFFFFF, v2;
	v0 =	vand.u32 $0x7FFFFFFF, v0;
	v40 =	vadd.s32 v19, v31;
	v3 =	vld.idx.msk [tilespmem:v41+s2+$0x0], $0xffff  }
0x10e: {  	v5 =	vsub.f32 v5, v6;
	v1 =	vmin.f32 v1, v15;
	v15 =	vld.idx.msk [tilespmem:v42+s2+$0x0], $0xffff;
	v42 =	vadd.s32 v30, v31  }
0x10f: {  	v6 =	vld.idx.msk [tilespmem:v53+s2+$0x0], $0xffff;
	(erf) = vrcp.f32 v38;
	v17 =	vadd.s32 v47, v31;
	v1 =	vmin.f32 v1, v10  }
0x110: {  	v53 =	vadd.s32 v48, v31;
	v1 =	vmin.f32 v1, v18;
	v18 =	vld.idx.msk [tilespmem:v45+s2+$0x0], $0xffff;
	v41 =	vadd.f32 v14, v12  }
0x111: {  	v7 =	vand.u32 $0x7FFFFFFF, v7;
	(erf) = vrcp.f32 v37;
	v10 =	vld.idx.msk [tilespmem:v33+s2+$0x0], $0xffff;
	v33 =	vadd.s32 v29, v31  }
0x112: {  	v45 =	vadd.s32 v50, v31;
	v51 =	vpop (erf);
	v40 =	vld.idx.msk [tilespmem:v40+s2+$0x0], $0xffff;
	(erf) = vrcp.f32 v41;
	v44 =	vadd.f32 v3, v13  }
0x113: {  	v9 =	vand.u32 $0x7FFFFFFF, v9;
	v5 =	vand.u32 $0x7FFFFFFF, v5;
	v42 =	vld.idx.msk [tilespmem:v42+s2+$0x0], $0xffff;
	v8 =	vadd.f32 v34, v15  }
0x114: {  	v1 =	vmin.f32 v1, v35;
	v2 =	vmul.f32 v51, v2;
	v51 =	vpop (erf);
	v17 =	vld.idx.msk [tilespmem:v17+s2+$0x0], $0xffff;
	(erf) = vrcp.f32 v44  }
0x115: {  	v12 =	vsub.f32 v12, v14;
	v0 =	vmul.f32 v51, v0;
	v11 =	vld.idx.msk [tilespmem:v53+s2+$0x0], $0xffff;
	v51 =	vpop (erf);
	(erf) = vrcp.f32 v8  }
0x116: {  	v35 =	vadd.f32 v16, v36;
	v16 =	vsub.f32 v36, v16;
	v36 =	vand.u32 $0x380, v31;
	v33 =	vld.idx.msk [tilespmem:v33+s2+$0x0], $0xffff  }
0x117: {  	v1 =	vmin.f32 v1, v38;
	v12 =	vand.u32 $0x7FFFFFFF, v12;
	v39 =	vld.idx.msk [tilespmem:v45+s2+$0x0], $0xffff;
	v14 =	vadd.f32 v10, v4  }
0x118: {  	v1 =	vmin.f32 v1, v37;
	v45 =	vadd.f32 v18, v6;
	(erf) = vrcp.f32 v35  }
0x119: {  	v15 =	vsub.f32 v15, v34;
	v6 =	vsub.f32 v6, v18;
	v53 =	vpop (erf);
	(erf) = vrcp.f32 v14  }
0x11a: {  	v5 =	vmul.f32 v51, v5;
	v51 =	vpop (erf);
	v37 =	vadd.f32 v17, v42;
	(erf) = vrcp.f32 v45  }
0x11b: {  	s6 =	sand.u32 $0x380, s28;
	v3 =	vsub.f32 v13, v3;
	v7 =	vmul.f32 v53, v7;
	v53 =	vpop (erf);
	v13 =	vadd.f32 v11, v33  }
0x11c: {  	s1 =	sor.u32 s6, s1;
	v34 =	vadd.f32 v39, v40;
	v12 =	vmul.f32 v53, v12;
	(erf) = vrcp.f32 v37  }
0x11d: {  	v1 =	vmin.f32 v1, v41;
	v6 =	vand.u32 $0x7FFFFFFF, v6;
	[tilespmem:s1+$0x0] =	vst v2;
	v41 =	vpop (erf);
	(erf) = vrcp.f32 v13  }
0x11e: {  	v1 =	vmin.f32 v1, v44;
	v3 =	vand.u32 $0x7FFFFFFF, v3;
	[tilespmem:s1+$0x50] =	vst v12;
	v12 =	vld [tilespmem:$0x1FFF0];
	v43 =	vpop (erf);
	(erf) = vrcp.f32 v34  }
0x11f: {  	[tilespmem:s1+$0x10] =	vst v0;
	v4 =	vsub.f32 v4, v10;
	v1 =	vmin.f32 v1, v8;
	v8 =	vand.u32 $0x7FFFFFFF, v16  }
0x120: {  	v10 =	vld [tilespmem:$0x1FFE0];
	v16 =	vshll.u32 v32, $0x8;
	v32 =	vsub.f32 v42, v17;
	v9 =	vmul.f32 v51, v9;
	[tilespmem:s1+$0x20] =	vst v5  }
0x121: {  	v51 =	vand.u32 $0x7FFFFFFF, v15;
	v1 =	vmin.f32 v1, v35;
	[tilespmem:s1+$0x30] =	vst v7;
	v2 =	vmul.f32 v41, v3;
	v44 =	vpop (erf)  }
0x122: {  	v4 =	vand.u32 $0x7FFFFFFF, v4;
	v7 =	vand.u32 $0x7800, v16;
	[tilespmem:s1+$0x40] =	vst v9;
	v3 =	vmul.f32 v43, v51;
	v53 =	vpop (erf)  }
0x123: {  	s4 =	sadd.s32 $0x180, s12;
	v0 =	vmul.f32 v44, v8;
	[tilespmem:s1+$0x60] =	vst v2;
	v35 =	vadd.s32 v12, v7;
	v4 =	vmul.f32 v53, v4;
	v8 =	vpop (erf)  }
0x124: {  	s12 =	sor.u32 $0x400, s4;
	[tilespmem:s1+$0x70] =	vst v3;
	v2 =	vor.u32 v36, v35;
	v6 =	vmul.f32 v8, v6;
	v8 =	vsub.f32 v33, v11  }
0x125: {  	p2 =	slt.u32 s0, $0x7C;
	s14 =	sor.u32 $0x410, s4;
	v5 =	vand.u32 $0x7FFFFFFF, v32;
	v41 =	vsub.f32 v40, v39;
	v38 =	vpop (erf);
	[tilespmem:s12+$0x8000] =	vst v0;
	v42 =	vor.u32 v10, v2  }
.Ltmp2:
0x126: {  	s6 =	sor.u32 $0x420, s4;
	v1 =	vmin.f32 v1, v14;
	v3 =	vmul.f32 v38, v5;
	[tilespmem:s14+$0x8000] =	vst v4;
	v44 =	vand.u32 $0x7FFFFFFF, v8;
	v43 =	vpop (erf);
	(pc) =	sbr.rel @p2 .LBB2_3-.Ltmp2, $4  }
0x127: {  	v1 =	vmin.f32 v1, v45;
	v51 =	vand.u32 $0x7FFFFFFF, v41;
	s12 =	sor.u32 $0x430, s4;
	[tilespmem:s6+$0x8000] =	vst v6;
	v2 =	vmul.f32 v43, v44;
	v53 =	vpop (erf)  }
0x128: {  	v1 =	vmin.f32 v1, v37;
	s14 =	sor.u32 $0x440, s4;
	[tilespmem:s12+$0x8000] =	vst v3;
	v4 =	vmul.f32 v53, v51  }
0x129: {  	p1 =	por !p1, !p1;
	s31 =	sadd.s32 $0x4, s31;
	s29 =	sadd.s32 $0x2, s29;
	v1 =	vmin.f32 v1, v13;
	[tilespmem:s14+$0x8000] =	vst v2  }
0x12a: {  	s0 =	sadd.s32 $0x4, s0;
	s30 =	sadd.s32 $0x400, s30;
	s28 =	sadd.s32 $0x200, s28;
	v54 =	vmovc v22;
	v60 =	vmov v29;
	v29 =	vmov v19;
	v9 =	vld [tilespmem:$0x1FF80];
	v39 =	vmin.f32 v1, v34;
	[tilespmem:v42+s17+$0x0] =	vst.idx.msk $0x3, v4  }
0x12b: {  	vm0 =	veq.f32 v39, $0.0e+00;
	v19 =	vimm.f32 $0.0e+00  }
0x12c: {  	v0 =	vsel vm0, $0x3F800000, v19  }
0x12d: {  	(xrf0) =	vmax.scan.msk.f32 $0xffff, v0;
	_ =	sdelay $0x5  }
0x12e: {  	v0, _, _ =	vpop (xrf0)  }
0x12f: {  	(v2sf) =	vpush v0, $0xF;
	_ =	sdelay $0xe  }
0x130: {  	s0 =	spop (v2sf)  }
0x131: {  	p1 =	sgt.f32 s0, $0.0e+00  }
.Ltmp3:
0x132: {  	_ = 	snop;
	(pc) =	sbr.rel @!p1 .LBB2_7-.Ltmp3, $1  }
0x133: {  	_ =	sdelay $0x3  }
0x134: {  	v22 =	vor.u32 v10, v12;
	s0 =	simm.s32 $0x0;
	s1 =	simm.s32 $0x0;
	s12 =	simm.s32 $0x0  }
.LBB2_6:
0x135: {  	v31 =	vmov s12  }
0x136: {  	v30 =	vshll.u32 v31, $0x7  }
0x137: {  	v0 =	vadd.s32 v20, v30  }
0x138: {  	v1 =	vadd.s32 v54, v30  }
0x139: {  	v2 =	vadd.s32 v21, v30  }
0x13a: {  	v17 =	vld [tilespmem:$0x1FF80];
	v3 =	vadd.s32 v56, v30  }
0x13b: {  	v4 =	vadd.s32 v26, v30;
	v32 =	vadd.s32 v28, v30;
	v28 =	vld [tilespmem:$0x1FEC0]  }
0x13c: {  	v5 =	vadd.s32 v23, v30;
	v0 =	vld.idx.msk [tilespmem:v0+s2+$0x0], $0xffff  }
0x13d: {  	v6 =	vadd.s32 v24, v30;
	v1 =	vld.idx.msk [tilespmem:v1+s2+$0x0], $0xffff  }
0x13e: {  	v7 =	vadd.s32 v27, v30;
	v2 =	vld.idx.msk [tilespmem:v2+s2+$0x0], $0xffff  }
0x13f: {  	v8 =	vadd.s32 v25, v30;
	v3 =	vld.idx.msk [tilespmem:v3+s2+$0x0], $0xffff  }
0x140: {  	v9 =	vadd.s32 v57, v30;
	v4 =	vld.idx.msk [tilespmem:v4+s2+$0x0], $0xffff  }
0x141: {  	v10 =	vadd.s32 v55, v30;
	v5 =	vld.idx.msk [tilespmem:v5+s2+$0x0], $0xffff  }
0x142: {  	v12 =	vadd.s32 v61, v30;
	v6 =	vld.idx.msk [tilespmem:v6+s2+$0x0], $0xffff  }
0x143: {  	v13 =	vadd.s32 v63, v30;
	v7 =	vld.idx.msk [tilespmem:v7+s2+$0x0], $0xffff  }
0x144: {  	v14 =	vadd.s32 v62, v30;
	v8 =	vld.idx.msk [tilespmem:v8+s2+$0x0], $0xffff  }
0x145: {  	v16 =	vadd.s32 v59, v30;
	v9 =	vld.idx.msk [tilespmem:v9+s2+$0x0], $0xffff  }
0x146: {  	v18 =	vadd.s32 v58, v30;
	v10 =	vld.idx.msk [tilespmem:v10+s2+$0x0], $0xffff  }
0x147: {  	v12 =	vld.idx.msk [tilespmem:v12+s2+$0x0], $0xffff  }
0x148: {  	v38 =	vadd.s32 v60, v30;
	v13 =	vld.idx.msk [tilespmem:v13+s2+$0x0], $0xffff  }
0x149: {  	v41 =	vadd.s32 v29, v30;
	v14 =	vld.idx.msk [tilespmem:v14+s2+$0x0], $0xffff  }
0x14a: {  	v11 =	vadd.s32 v49, v30;
	v16 =	vld.idx.msk [tilespmem:v16+s2+$0x0], $0xffff  }
0x14b: {  	v15 =	vadd.s32 v52, v30;
	v18 =	vld.idx.msk [tilespmem:v18+s2+$0x0], $0xffff  }
0x14c: {  	v33 =	vadd.s32 v28, v30;
	v28 =	vld [tilespmem:$0x1FED0]  }
0x14d: {  	v34 =	vadd.s32 v46, v30;
	v38 =	vld.idx.msk [tilespmem:v38+s2+$0x0], $0xffff  }
0x14e: {  	v17 =	vadd.s32 v17, v30;
	v41 =	vld.idx.msk [tilespmem:v41+s2+$0x0], $0xffff  }
0x14f: {  	v37 =	vadd.s32 v47, v30;
	v11 =	vld.idx.msk [tilespmem:v11+s2+$0x0], $0xffff  }
0x150: {  	v15 =	vld.idx.msk [tilespmem:v15+s2+$0x0], $0xffff;
	v36 =	vadd.f32 v1, v0  }
0x151: {  	v40 =	vadd.s32 v48, v30;
	v32 =	vld.idx.msk [tilespmem:v32+s2+$0x0], $0xffff;
	v39 =	vadd.f32 v3, v2;
	v35 =	vadd.s32 v28, v30  }
0x152: {  	v34 =	vld.idx.msk [tilespmem:v34+s2+$0x0], $0xffff;
	vm8 =	veq.f32 v36, $0.0e+00;
	(erf) = vrcp.f32 v36;
	v36 =	vadd.f32 v5, v4  }
0x153: {  	v43 =	vadd.s32 v50, v30;
	v17 =	vld.idx.msk [tilespmem:v17+s2+$0x0], $0xffff;
	v42 =	vadd.f32 v7, v6;
	vm9 =	veq.f32 v39, $0.0e+00  }
0x154: {  	v37 =	vld.idx.msk [tilespmem:v37+s2+$0x0], $0xffff;
	v44 =	vadd.f32 v9, v8;
	vm0 =	vmand vm8, vm9;
	vm10 =	veq.f32 v36, $0.0e+00  }
0x155: {  	v33 =	vld.idx.msk [tilespmem:v33+s2+$0x0], $0xffff;
	vm11 =	veq.f32 v42, $0.0e+00;
	v45 =	vadd.f32 v11, v10;
	vm0 =	vmand vm0, vm10  }
0x156: {  	v46 =	vadd.f32 v13, v12;
	vm12 =	veq.f32 v44, $0.0e+00;
	vm0 =	vmand vm0, vm11;
	v35 =	vld.idx.msk [tilespmem:v35+s2+$0x0], $0xffff  }
0x157: {  	v40 =	vld.idx.msk [tilespmem:v40+s2+$0x0], $0xffff;
	v47 =	vadd.f32 v15, v14;
	vm13 =	veq.f32 v45, $0.0e+00;
	vm0 =	vmand vm0, vm12  }
0x158: {  	v43 =	vld.idx.msk [tilespmem:v43+s2+$0x0], $0xffff;
	vm3 =	veq.f32 v46, $0.0e+00;
	v48 =	vadd.f32 v17, v16;
	vm0 =	vmand vm0, vm13  }
0x159: {  	v49 =	vadd.f32 v32, v18;
	vm4 =	veq.f32 v47, $0.0e+00;
	vm0 =	vmand vm0, vm3  }
0x15a: {  	vm5 =	veq.f32 v48, $0.0e+00;
	v50 =	vadd.f32 v34, v33;
	vm0 =	vmand vm0, vm4  }
0x15b: {  	vm6 =	veq.f32 v49, $0.0e+00;
	vm0 =	vmand vm0, vm5;
	v51 =	vadd.f32 v37, v35  }
0x15c: {  	v52 =	vadd.f32 v40, v38;
	vm7 =	veq.f32 v50, $0.0e+00;
	vm0 =	vmand vm0, vm6  }
0x15d: {  	v53 =	vadd.f32 v43, v41;
	vm1 =	vmand vm0, vm7;
	vm0 =	veq.f32 v51, $0.0e+00  }
0x15e: {  	vm2 =	vmand vm1, vm0;
	vm1 =	veq.f32 v52, $0.0e+00  }
0x15f: {  	vm14 =	vmand vm2, vm1;
	vm2 =	veq.f32 v53, $0.0e+00  }
0x160: {  	(erf) = vrcp.f32 v39;
	vm14 =	vmand vm14, vm2  }
0x161: {  	(erf) = vrcp.f32 v36;
	v39 =	vsel vm14, $0x3F800000, v19  }
0x162: {  	(xrf0) =	vmin.scan.msk.f32 $0xffff, v39;
	_ =	sdelay $0x1  }
0x163: {  	(erf) = vrcp.f32 v42  }
0x164: {  	v0 =	vsub.f32 v0, v1;
	(erf) = vrcp.f32 v44  }
0x165: {  	(erf) = vrcp.f32 v45;
	v45 =	vsub.f32 v2, v3  }
0x166: {  	v0 =	vand.u32 $0x7FFFFFFF, v0;
	v3 =	vsub.f32 v4, v5;
	v36 =	vpop (erf)  }
0x167: {  	v4 =	vsub.f32 v8, v9;
	v1 =	vand.u32 $0x7FFFFFFF, v45;
	(erf) = vrcp.f32 v46;
	v42, _, _ =	vpop (xrf0)  }
0x168: {  	v45 =	vsub.f32 v6, v7;
	v39 =	vpop (erf);
	(erf) = vrcp.f32 v47;
	(v2sf) =	vpush v42, $0xF  }
0x169: {  	v7 =	vsub.f32 v14, v15;
	v0 =	vmul.f32 v36, v0;
	v36 =	vpop (erf);
	(erf) = vrcp.f32 v48  }
0x16a: {  	v3 =	vand.u32 $0x7FFFFFFF, v3;
	v4 =	vand.u32 $0x7FFFFFFF, v4;
	v2 =	vand.u32 $0x7FFFFFFF, v45  }
0x16b: {  	v7 =	vand.u32 $0x7FFFFFFF, v7;
	v1 =	vmul.f32 v39, v1;
	v39 =	vsub.f32 v10, v11  }
0x16c: {  	v0 =	vsel vm8, $0x7F800000, v0;
	v3 =	vmul.f32 v36, v3;
	v36 =	vsub.f32 v16, v17  }
0x16d: {  	v6 =	vand.u32 $0x7FFFFFFF, v39;
	v1 =	vsel vm9, $0x7F800000, v1;
	v42 =	vpop (erf);
	(erf) = vrcp.f32 v49  }
0x16e: {  	v3 =	vsel vm10, $0x7F800000, v3;
	v8 =	vand.u32 $0x7FFFFFFF, v36;
	v44 =	vpop (erf);
	(erf) = vrcp.f32 v50  }
0x16f: {  	v2 =	vmul.f32 v42, v2;
	v42 =	vsub.f32 v18, v32;
	v45 =	vpop (erf);
	v4 =	vmul.f32 v44, v4  }
0x170: {  	s4 =	sand.u32 $0x7800, s0;
	s6 =	sand.u32 $0x380, s1;
	v44 =	vsub.f32 v33, v34;
	v34 =	vsub.f32 v35, v37;
	v39 =	vpop (erf);
	(erf) = vrcp.f32 v51  }
0x171: {  	s4 =	sor.u32 s6, s4;
	v35 =	vshll.u32 v31, $0x8;
	v11 =	vmul.f32 v45, v6;
	v45 =	vpop (erf);
	(erf) = vrcp.f32 v52  }
0x172: {  	[tilespmem:s4+$0x8000] =	vst v0;
	v37 =	vsub.f32 v38, v40;
	v2 =	vsel vm11, $0x7F800000, v2;
	v51 =	vpop (erf);
	(erf) = vrcp.f32 v53  }
0x173: {  	[tilespmem:s4+$0x8010] =	vst v1;
	v6 =	vsub.f32 v12, v13;
	v14 =	vand.u32 $0x7FFFFFFF, v42;
	v4 =	vsel vm12, $0x7F800000, v4  }
0x174: {  	v15 =	vand.u32 $0x7FFFFFFF, v44;
	[tilespmem:s4+$0x8030] =	vst v2;
	v36 =	vand.u32 $0x7FFFFFFF, v34;
	v2 =	vand.u32 $0x380, v30  }
0x175: {  	[tilespmem:s4+$0x8020] =	vst v3;
	v42 =	vand.u32 $0x7FFFFFFF, v37;
	v6 =	vand.u32 $0x7FFFFFFF, v6;
	v7 =	vmul.f32 v45, v7  }
0x176: {  	v5 =	vsel vm13, $0x7F800000, v11;
	[tilespmem:s4+$0x8040] =	vst v4;
	v4 =	vand.u32 $0x7800, v35;
	v6 =	vmul.f32 v39, v6  }
0x177: {  	v8 =	vmul.f32 v51, v8;
	[tilespmem:s4+$0x8050] =	vst v5;
	v39 =	vsub.f32 v41, v43;
	v32 =	vsel vm4, $0x7F800000, v7;
	v53 =	vpop (erf);
	s31 =	spop (v2sf)  }
0x178: {  	v40 =	vadd.s32 v22, v4;
	v6 =	vsel vm3, $0x7F800000, v6;
	[tilespmem:s4+$0x8070] =	vst v32;
	v12 =	vpop (erf);
	v0 =	vmul.f32 v53, v14;
	p1 =	sgt.f32 s31, $0.0e+00  }
0x179: {  	v43 =	vor.u32 v2, v40;
	v33 =	vsel vm5, $0x7F800000, v8;
	[tilespmem:s4+$0x8060] =	vst v6;
	v1 =	vmul.f32 v12, v15;
	v38 =	vpop (erf)  }
0x17a: {  	v44 =	vand.u32 $0x7FFFFFFF, v39;
	[tilespmem:s4+$0x8400] =	vst v33;
	v0 =	vsel vm6, $0x7F800000, v0;
	v41 =	vpop (erf);
	v5 =	vmul.f32 v38, v36;
	s6 =	sadd.s32 @p1 s25, s12  }
0x17b: {  	v1 =	vsel vm7, $0x7F800000, v1;
	[tilespmem:s4+$0x8410] =	vst v0;
	v6 =	vmul.f32 v41, v42;
	v45 =	vpop (erf);
	v0 =	vmov @p1 s6  }
0x17c: {  	[tilespmem:s4+$0x8420] =	vst v1;
	v5 =	vsel vm0, $0x7F800000, v5;
	v7 =	vmul.f32 v45, v44  }
0x17d: {  	v51 =	vsel vm1, $0x7F800000, v6;
	[tilespmem:s4+$0x8430] =	vst v5  }
0x17e: {  	v53 =	vsel vm2, $0x7F800000, v7;
	[tilespmem:s4+$0x8440] =	vst v51  }
0x17f: {  	[tilespmem:v43+s17+$0x0] =	vst.idx.msk $0x3, v53;
	s4 =	simm.s32 @p1 $0x18000  }
0x180: {  	v0 =	vld.idx.msk @p1 [tilespmem:v0+s4+$0x0], $0xffff;
	_ =	sdelay $0x4  }
0x181: {  	v1 =	vshll.u32 @p1 v0, $0x3  }
0x182: {  	v1 =	vand.u32 @p1 $0xFFFFFC00, v1  }
0x183: {  	v0 =	vand.u32 @p1 $0x7F, v0;
	v1 =	vadd.s32 @p1 v4, v1  }
0x184: {  	v28 =	vld [tilespmem:$0x1FF90];
	s12 =	sadd.s32 $0x1, s12;
	v0 =	vor.u32 @p1 v0, v1  }
0x185: {  	v46 =	vld [tilespmem:$0x1FFA0];
	p2 =	sne.s32 s12, $0x80;
	v0 =	vor.u32 @p1 v2, v0  }
.Ltmp4:
0x186: {  	v47 =	vld [tilespmem:$0x1FFB0];
	(pc) =	sbr.rel @p2 .LBB2_6-.Ltmp4, $4  }
0x187: {  	v48 =	vld [tilespmem:$0x1FFC0]  }
0x188: {  	v49 =	vld [tilespmem:$0x1FF50]  }
0x189: {  	v50 =	vld [tilespmem:$0x1FFD0];
	s4 =	simm.s32 @p1 $0x8000;
	v1 =	vimm.f32 @p1 $1.000000000e+00  }
0x18a: {  	s1 =	sadd.s32 $0x80, s1;
	s0 =	sadd.s32 $0x100, s0;
	v52 =	vld [tilespmem:$0x1FF70];
	[tilespmem:v0+s4+$0x0] =	vst.idx.msk @p1 $0x1, v1  }
.LBB2_7:
0x18b: {  	s0 =	sshll.u32 s26, $0x5  }
0x18c: {  	p1 =	seq.s32 s23, $0xF;
	s0 =	sadd.s32 s5, s0  }
0x18d: {  	[hbm4b:s0+s2] =	stream.linear.scatter [tilespmem:s17], [sflag:$0x3], $0x8000, $0x38;
	[tilespmem:$0x1A000] =	vst v63  }
0x18e: {  	s1 =	simm.s32 @!p1 $0x0;
	s0 =	sadd.s32 @!p1 s24, s9  }
0x18f: {  	[tilespmem:s1], [sflag:$0x1] =	stream.linear.gather @!p1 [hbm4b:s0+s1], $0x4000, $0x38;
	[tilespmem:$0x1A000] =	vst v63  }
0x190: {  	_ =	swait.ge [sflag:s18], $0x4000  }
0x191: {  	[sflag:s18] =	ssyncset.done $0x0  }
0x192: {  	s0 =	simm.s32 @!p0 $0x4;
	[sflag:s18] =	ssyncadd.s32 $0xFFFFC000  }
0x193: {  	_ =	swait.ge @!p0 [sflag:s0], $0x8000  }
0x194: {  	[sflag:s0] =	ssyncset.done @!p0 $0x0  }
0x195: {  	[sflag:s0] =	ssyncadd.s32 @!p0 $0xFFFF8000  }
0x196: {  	v20 =	vld [tilespmem:$0x19000]  }
0x197: {  	v26 =	vld [tilespmem:$0x19080]  }
0x198: {  	v23 =	vld [tilespmem:$0x19100]  }
0x199: {  	v54 =	vld [tilespmem:$0x19180]  }
0x19a: {  	v25 =	vld [tilespmem:$0x19200]  }
0x19b: {  	v29 =	vld [tilespmem:$0x19280]  }
0x19c: {  	v0 =	vld [tilespmem:$0x19580]  }
0x19d: {  	v55 =	vld [tilespmem:$0x19600]  }
0x19e: {  	v59 =	vld [tilespmem:$0x19400]  }
0x19f: {  	v62 =	vld [tilespmem:$0x19380]  }
0x1a0: {  	v61 =	vld [tilespmem:$0x19300]  }
0x1a1: {  	v56 =	vld [tilespmem:$0x19480];
	[tilespmem:$0x1FDA0] =	vst v0  }
0x1a2: {  	v63 =	vld [tilespmem:$0x19980];
	[tilespmem:$0x1FDB0] =	vst v55  }
0x1a3: {  	v50 =	vld [tilespmem:$0x19A00];
	[tilespmem:$0x1FDC0] =	vst v59  }
0x1a4: {  	v52 =	vld [tilespmem:$0x19A80];
	[tilespmem:$0x1FDD0] =	vst v62  }
0x1a5: {  	v53 =	vld [tilespmem:$0x19E00];
	[tilespmem:$0x1FDE0] =	vst v61  }
0x1a6: {  	v60 =	vld [tilespmem:$0x19B00];
	[tilespmem:$0x1FDF0] =	vst v29  }
0x1a7: {  	v45 =	vld [tilespmem:$0x19B80];
	[tilespmem:$0x1FE00] =	vst v25  }
0x1a8: {  	v46 =	vld [tilespmem:$0x19C00];
	[tilespmem:$0x1FE10] =	vst v63  }
0x1a9: {  	v47 =	vld [tilespmem:$0x19C80];
	[tilespmem:$0x1FE20] =	vst v50  }
0x1aa: {  	v48 =	vld [tilespmem:$0x19D00];
	[tilespmem:$0x1FE30] =	vst v52  }
0x1ab: {  	v49 =	vld [tilespmem:$0x19D80];
	[tilespmem:$0x1FE40] =	vst v60  }
0x1ac: {  	v58 =	vld [tilespmem:$0x19500];
	[tilespmem:$0x1FE50] =	vst v45  }
0x1ad: {  	v28 =	vld [tilespmem:$0x19680];
	[tilespmem:$0x1FE60] =	vst v46  }
0x1ae: {  	v19 =	vld [tilespmem:$0x19700];
	[tilespmem:$0x1FE70] =	vst v47  }
0x1af: {  	v21 =	vld [tilespmem:$0x19780];
	[tilespmem:$0x1FE80] =	vst v48  }
0x1b0: {  	s25 =	sor.u32 $0x80, s25;
	s28 =	simm.s32 $0x180;
	v22 =	vld [tilespmem:$0x19800];
	v30 =	vshll.u32 v53, $0x3;
	v9 =	vand.u32 $0x7F, v53;
	[tilespmem:$0x1FE90] =	vst v49  }
0x1b1: {  	s29 =	simm.s32 $0x0;
	s30 =	simm.s32 $0x0;
	s31 =	simm.s32 $0x0;
	v24 =	vld [tilespmem:$0x19880];
	v10 =	vand.u32 $0xFFFFFC00, v30;
	[tilespmem:$0x1FEA0] =	vst v9  }
0x1b2: {  	v39 =	vimm.f32 $1.000000000e+00;
	s26 =	sadd.s32 s3, s25;
	p0 =	por $0x0, $0x0;
	s0 =	simm.s32 $0x0;
	v57 =	vld [tilespmem:$0x19900];
	[tilespmem:$0x1FEB0] =	vst v10  }
.LBB2_8:
0x1b3: {  	v47 =	vmov s0  }
0x1b4: {  	v46 =	vshll.u32 v47, $0x7  }
0x1b5: {  	v0 =	vadd.s32 v20, v46  }
0x1b6: {  	v31 =	vadd.s32 v19, v46  }
0x1b7: {  	v32 =	vadd.s32 v26, v46  }
0x1b8: {  	v33 =	vadd.s32 v21, v46  }
0x1b9: {  	v30 =	vld [tilespmem:$0x1FDA0];
	v34 =	vadd.s32 v23, v46  }
0x1ba: {  	v35 =	vadd.s32 v22, v46;
	v0 =	vld.idx.msk [tilespmem:v0+s15+$0x0], $0xffff  }
0x1bb: {  	v1 =	vadd.s32 v24, v46;
	v36 =	vld.idx.msk [tilespmem:v31+s15+$0x0], $0xffff  }
0x1bc: {  	v2 =	vadd.s32 v25, v46;
	v37 =	vld.idx.msk [tilespmem:v32+s15+$0x0], $0xffff  }
0x1bd: {  	v31 =	vadd.s32 v54, v46;
	v38 =	vld.idx.msk [tilespmem:v33+s15+$0x0], $0xffff  }
0x1be: {  	v3 =	vmov v29;
	v4 =	vadd.s32 v57, v46;
	v40 =	vld.idx.msk [tilespmem:v34+s15+$0x0], $0xffff  }
0x1bf: {  	v5 =	vadd.s32 v3, v46;
	v41 =	vld.idx.msk [tilespmem:v35+s15+$0x0], $0xffff  }
0x1c0: {  	v6 =	vadd.s32 v61, v46;
	v48 =	vld.idx.msk [tilespmem:v1+s15+$0x0], $0xffff  }
0x1c1: {  	v7 =	vadd.s32 v50, v46;
	v49 =	vld.idx.msk [tilespmem:v2+s15+$0x0], $0xffff  }
0x1c2: {  	v42 =	vld.idx.msk [tilespmem:v31+s15+$0x0], $0xffff;
	v31 =	vadd.s32 v63, v46  }
0x1c3: {  	v12 =	vadd.s32 v62, v46;
	v50 =	vld.idx.msk [tilespmem:v4+s15+$0x0], $0xffff  }
0x1c4: {  	v13 =	vadd.s32 v52, v46;
	v51 =	vld.idx.msk [tilespmem:v5+s15+$0x0], $0xffff  }
0x1c5: {  	v53 =	vld.idx.msk [tilespmem:v6+s15+$0x0], $0xffff  }
0x1c6: {  	v55 =	vld.idx.msk [tilespmem:v7+s15+$0x0], $0xffff  }
0x1c7: {  	v25 =	vmovc v26;
	v15 =	vadd.s32 v56, v46;
	v26 =	vmov v24;
	v52 =	vld.idx.msk [tilespmem:v31+s15+$0x0], $0xffff;
	v31 =	vadd.s32 v59, v46  }
0x1c8: {  	v24 =	vmovc v22;
	v22 =	vmovc v21;
	v21 =	vmov v19;
	v19 =	vmov v28;
	v28 =	vmov v56;
	v56 =	vld.idx.msk [tilespmem:v12+s15+$0x0], $0xffff  }
0x1c9: {  	v27 =	vmovc v23;
	v23 =	vmov v20;
	v20 =	vmov v57;
	v57 =	vld.idx.msk [tilespmem:v13+s15+$0x0], $0xffff;
	v43 =	vadd.f32 v36, v0  }
0x1ca: {  	v5 =	vadd.s32 v58, v46;
	v1 =	vld [tilespmem:$0x1FE60];
	v44 =	vadd.f32 v38, v37  }
0x1cb: {  	v4 =	vadd.s32 v45, v46;
	v7 =	vld [tilespmem:$0x1FE70];
	v45 =	vadd.f32 v41, v40;
	(erf) = vrcp.f32 v43  }
0x1cc: {  	v14 =	vadd.s32 v60, v46;
	v32 =	vmovc v58;
	(erf) = vrcp.f32 v44;
	v58 =	vld.idx.msk [tilespmem:v31+s15+$0x0], $0xffff;
	v31 =	vadd.f32 v48, v42  }
0x1cd: {  	v12 =	vld [tilespmem:$0x1FDB0];
	v2 =	vadd.f32 v50, v49;
	(erf) = vrcp.f32 v45  }
0x1ce: {  	v60 =	vadd.s32 v30, v46;
	v13 =	vld [tilespmem:$0x1FE80];
	(erf) = vrcp.f32 v31  }
0x1cf: {  	[tilespmem:$0x1FD90] =	vst v2;
	(erf) = vrcp.f32 v2;
	v2 =	vld.idx.msk [tilespmem:v5+s15+$0x0], $0xffff  }
0x1d0: {  	v6 =	vadd.s32 v1, v46;
	v5 =	vld [tilespmem:$0x1FE90]  }
0x1d1: {  	v29 =	vmov v54;
	v54 =	vld.idx.msk [tilespmem:v14+s15+$0x0], $0xffff;
	v62 =	vadd.s32 v7, v46  }
0x1d2: {  	v47 =	vshll.u32 v47, $0x8;
	v61 =	vld.idx.msk [tilespmem:v15+s15+$0x0], $0xffff;
	v1 =	vadd.s32 v12, v46  }
0x1d3: {  	v47 =	vand.u32 $0x7800, v47;
	v60 =	vld.idx.msk [tilespmem:v60+s15+$0x0], $0xffff;
	v3 =	vadd.s32 v13, v46  }
0x1d4: {  	v63 =	vld.idx.msk [tilespmem:v4+s15+$0x0], $0xffff;
	v0 =	vsub.f32 v0, v36;
	v4 =	vadd.s32 v19, v46;
	v33 =	vadd.f32 v52, v51  }
0x1d5: {  	v14 =	vsub.f32 v37, v38;
	v34 =	vadd.f32 v55, v53;
	v59 =	vld.idx.msk [tilespmem:v6+s15+$0x0], $0xffff;
	v5 =	vadd.s32 v5, v46  }
0x1d6: {  	v35 =	vadd.f32 v57, v56;
	v40 =	vsub.f32 v40, v41;
	v62 =	vld.idx.msk [tilespmem:v62+s15+$0x0], $0xffff;
	(erf) = vrcp.f32 v33  }
0x1d7: {  	v0 =	vand.u32 $0x7FFFFFFF, v0;
	v1 =	vld.idx.msk [tilespmem:v1+s15+$0x0], $0xffff;
	v12 =	vsub.f32 v42, v48;
	v15 =	vpop (erf);
	(erf) = vrcp.f32 v34  }
0x1d8: {  	v40 =	vand.u32 $0x7FFFFFFF, v40;
	v6 =	vand.u32 $0x7FFFFFFF, v14;
	v3 =	vld.idx.msk [tilespmem:v3+s15+$0x0], $0xffff;
	v14 =	vsub.f32 v49, v50  }
0x1d9: {  	v37 =	vadd.f32 v63, v61;
	v4 =	vld.idx.msk [tilespmem:v4+s15+$0x0], $0xffff;
	v41 =	vand.u32 $0x7FFFFFFF, v12;
	v36 =	vadd.f32 v54, v58  }
0x1da: {  	v12 =	vand.u32 $0x7FFFFFFF, v14;
	v0 =	vmul.f32 v15, v0;
	v7 =	vpop (erf);
	(erf) = vrcp.f32 v35;
	v5 =	vld.idx.msk [tilespmem:v5+s15+$0x0], $0xffff  }
0x1db: {  	v6 =	vmul.f32 v7, v6;
	v13 =	vpop (erf);
	v7 =	vsub.f32 v51, v52;
	(erf) = vrcp.f32 v36  }
0x1dc: {  	v51 =	vmul.f32 v13, v40;
	v38 =	vadd.f32 v59, v2;
	(erf) = vrcp.f32 v37  }
0x1dd: {  	s1 =	sand.u32 $0x7800, s30;
	s4 =	sadd.s32 $0xFFFFFE80, s28;
	v40 =	vadd.f32 v62, v60;
	v14 =	vand.u32 $0x7FFFFFFF, v7;
	v54 =	vsub.f32 v58, v54;
	v15 =	vpop (erf)  }
0x1de: {  	s4 =	sand.u32 $0x200, s4;
	s1 =	sor.u32 $0x10000, s1;
	(erf) = vrcp.f32 v38;
	v49 =	vmul.f32 v15, v41;
	v13 =	vpop (erf);
	v41 =	vadd.f32 v3, v1  }
0x1df: {  	s4 =	sor.u32 s4, s1;
	v7 =	vsub.f32 v53, v55;
	(erf) = vrcp.f32 v40;
	v15 =	vpop (erf);
	v42 =	vadd.f32 v5, v4  }
0x1e0: {  	v54 =	vand.u32 $0x7FFFFFFF, v54;
	v53 =	vmul.f32 v13, v12;
	[tilespmem:s4+$0x0] =	vst v0;
	v13 =	vpop (erf);
	(erf) = vrcp.f32 v41  }
0x1e1: {  	v2 =	vsub.f32 v2, v59;
	v46 =	vand.u32 $0x200, v46;
	[tilespmem:s4+$0x10] =	vst v6;
	(erf) = vrcp.f32 v42  }
0x1e2: {  	v12 =	vand.u32 $0x7FFFFFFF, v7;
	[tilespmem:s4+$0x20] =	vst v51;
	v48 =	vmul.f32 v15, v14;
	v14 =	vsub.f32 v56, v57  }
0x1e3: {  	s6 =	simm.s32 $0x1;
	v2 =	vand.u32 $0x7FFFFFFF, v2;
	v1 =	vsub.f32 v1, v3;
	v57 =	vsub.f32 v61, v63;
	[tilespmem:s4+$0x30] =	vst v49;
	v15 =	vpop (erf)  }
0x1e4: {  	s6 =	simm.s32 @!p0 $0x0;
	v49 =	vadd.s32 v10, v47;
	v0 =	vmul.f32 v13, v12;
	[tilespmem:s4+$0x40] =	vst v53;
	v58 =	vand.u32 $0x7FFFFFFF, v14;
	v61 =	vpop (erf)  }
0x1e5: {  	v8 =	vld [tilespmem:$0x1FE40];
	s6 =	sshll.u32 s6, $0x9;
	v7 =	vand.u32 $0x7FFFFFFF, v57;
	v14 =	vsub.f32 v60, v62;
	[tilespmem:s4+$0x50] =	vst v48;
	v6 =	vmul.f32 v15, v58;
	v12 =	vpop (erf)  }
0x1e6: {  	s12 =	sadd.s32 $0x1, s0;
	s6 =	sadd.s32 s6, s30;
	v63 =	vmul.f32 v61, v54;
	[tilespmem:s4+$0x60] =	vst v0;
	v0 =	vor.u32 v46, v49;
	v51 =	vmul.f32 v12, v7;
	v12 =	vld [tilespmem:$0x1FDF0]  }
0x1e7: {  	s14 =	sor.u32 $0x400, s6;
	v49 =	vmov s12;
	v15 =	vand.u32 $0x7FFFFFFF, v14;
	v4 =	vsub.f32 v4, v5;
	v14 =	vld [tilespmem:$0x1FE10];
	[tilespmem:s4+$0x70] =	vst v6;
	v13 =	vpop (erf)  }
0x1e8: {  	v16 =	vld [tilespmem:$0x1FE90];
	s12 =	sor.u32 $0x410, s6;
	v0 =	vor.u32 v9, v0;
	v46 =	vshll.u32 v49, $0x7;
	[tilespmem:s14+$0x10000] =	vst v63;
	v2 =	vmul.f32 v13, v2;
	v52 =	vpop (erf)  }
0x1e9: {  	v1 =	vand.u32 $0x7FFFFFFF, v1;
	v10 =	vld [tilespmem:$0x1FE50];
	s14 =	sor.u32 $0x420, s6;
	v54 =	vadd.s32 v23, v46;
	[tilespmem:s12+$0x10000] =	vst v51;
	v3 =	vmul.f32 v52, v15;
	v53 =	vpop (erf)  }
0x1ea: {  	v7 =	vld [tilespmem:$0x1FE00];
	v56 =	vadd.s32 v21, v46;
	v4 =	vand.u32 $0x7FFFFFFF, v4;
	s12 =	sor.u32 $0x430, s6;
	[tilespmem:s14+$0x10000] =	vst v2;
	v1 =	vmul.f32 v53, v1;
	v55 =	vpop (erf)  }
0x1eb: {  	v57 =	vadd.s32 v25, v46;
	s14 =	sor.u32 $0x440, s6;
	v13 =	vadd.s32 v12, v46;
	v12 =	vld [tilespmem:$0x1FE30];
	[tilespmem:s12+$0x10000] =	vst v3;
	v4 =	vmul.f32 v55, v4  }
0x1ec: {  	v58 =	vadd.s32 v22, v46;
	v15 =	vadd.s32 v14, v46;
	v14 =	vld [tilespmem:$0x1FDC0];
	[tilespmem:s14+$0x10000] =	vst v1  }
0x1ed: {  	v59 =	vadd.s32 v27, v46;
	v55 =	vld [tilespmem:$0x1FDE0];
	[tilespmem:v0+s19+$0x0] =	vst.idx.msk $0x3, v4  }
0x1ee: {  	v60 =	vadd.s32 v24, v46;
	v4 =	vld.idx.msk [tilespmem:v54+s15+$0x0], $0xffff  }
0x1ef: {  	v61 =	vadd.s32 v29, v46;
	v2 =	vld.idx.msk [tilespmem:v56+s15+$0x0], $0xffff  }
0x1f0: {  	v62 =	vadd.s32 v26, v46;
	v3 =	vld.idx.msk [tilespmem:v57+s15+$0x0], $0xffff  }
0x1f1: {  	v63 =	vadd.s32 v7, v46;
	v1 =	vld.idx.msk [tilespmem:v58+s15+$0x0], $0xffff  }
0x1f2: {  	v0 =	vld.idx.msk [tilespmem:v59+s15+$0x0], $0xffff  }
0x1f3: {  	v50 =	vadd.s32 v20, v46;
	v5 =	vld.idx.msk [tilespmem:v60+s15+$0x0], $0xffff  }
0x1f4: {  	v6 =	vld.idx.msk [tilespmem:v61+s15+$0x0], $0xffff  }
0x1f5: {  	v59 =	vld.idx.msk [tilespmem:v62+s15+$0x0], $0xffff  }
0x1f6: {  	v60 =	vld.idx.msk [tilespmem:v63+s15+$0x0], $0xffff  }
0x1f7: {  	v56 =	vld [tilespmem:$0x1FE20]  }
0x1f8: {  	v61 =	vld.idx.msk [tilespmem:v50+s15+$0x0], $0xffff  }
0x1f9: {  	v62 =	vld.idx.msk [tilespmem:v13+s15+$0x0], $0xffff;
	v13 =	vadd.s32 v12, v46  }
0x1fa: {  	v63 =	vld.idx.msk [tilespmem:v15+s15+$0x0], $0xffff;
	v15 =	vadd.s32 v14, v46  }
0x1fb: {  	v57 =	vld [tilespmem:$0x1FDD0]  }
0x1fc: {  	v39 =	vmin.f32 v39, v43;
	v43 =	vadd.s32 v32, v46;
	v12 =	vld [tilespmem:$0x1FE60]  }
0x1fd: {  	v14 =	vld [tilespmem:$0x1FE70]  }
0x1fe: {  	v53 =	vadd.s32 v55, v46;
	v55 =	vadd.s32 v10, v46;
	v10 =	vld.idx.msk [tilespmem:v13+s15+$0x0], $0xffff  }
0x1ff: {  	v54 =	vadd.s32 v56, v46;
	v11 =	vld.idx.msk [tilespmem:v15+s15+$0x0], $0xffff  }
0x200: {  	v58 =	vadd.s32 v57, v46;
	v15 =	vld [tilespmem:$0x1FDB0]  }
0x201: {  	v39 =	vmin.f32 v39, v44;
	v47 =	vadd.f32 v2, v4;
	v2 =	vsub.f32 v4, v2;
	v4 =	vld.idx.msk [tilespmem:v43+s15+$0x0], $0xffff  }
0x202: {  	v48 =	vadd.f32 v1, v3;
	v50 =	vadd.f32 v5, v0;
	v44 =	vadd.s32 v12, v46;
	v56 =	vld [tilespmem:$0x1FE80]  }
0x203: {  	v51 =	vadd.f32 v59, v6;
	v7 =	vld.idx.msk [tilespmem:v53+s15+$0x0], $0xffff;
	v53 =	vadd.s32 v8, v46;
	(erf) = vrcp.f32 v47  }
0x204: {  	v52 =	vadd.f32 v61, v60;
	(erf) = vrcp.f32 v48;
	v8 =	vld.idx.msk [tilespmem:v54+s15+$0x0], $0xffff;
	v54 =	vadd.s32 v28, v46  }
0x205: {  	(erf) = vrcp.f32 v50;
	v9 =	vld.idx.msk [tilespmem:v58+s15+$0x0], $0xffff;
	v58 =	vmin.f32 v39, v45;
	v39 =	vadd.s32 v30, v46  }
0x206: {  	v45 =	vadd.s32 v14, v46;
	(erf) = vrcp.f32 v51;
	v14 =	vld.idx.msk [tilespmem:v55+s15+$0x0], $0xffff  }
0x207: {  	v1 =	vsub.f32 v3, v1;
	v43 =	vadd.s32 v56, v46;
	v3 =	vld.idx.msk [tilespmem:v44+s15+$0x0], $0xffff;
	(erf) = vrcp.f32 v52  }
0x208: {  	v12 =	vld.idx.msk [tilespmem:v53+s15+$0x0], $0xffff  }
0x209: {  	v16 =	vadd.s32 v16, v46;
	v44 =	vadd.s32 v19, v46;
	v13 =	vld.idx.msk [tilespmem:v54+s15+$0x0], $0xffff  }
0x20a: {  	v0 =	vsub.f32 v0, v5;
	v6 =	vsub.f32 v6, v59;
	v57 =	vadd.s32 v15, v46;
	v15 =	vld.idx.msk [tilespmem:v39+s15+$0x0], $0xffff  }
0x20b: {  	v2 =	vand.u32 $0x7FFFFFFF, v2;
	v1 =	vand.u32 $0x7FFFFFFF, v1;
	v53 =	vadd.f32 v63, v62;
	v17 =	vld.idx.msk [tilespmem:v45+s15+$0x0], $0xffff  }
0x20c: {  	v6 =	vand.u32 $0x7FFFFFFF, v6;
	v54 =	vadd.f32 v8, v7;
	v5 =	vld.idx.msk [tilespmem:v43+s15+$0x0], $0xffff;
	v43 =	vsub.f32 v60, v61;
	v55 =	vpop (erf)  }
0x20d: {  	(erf) = vrcp.f32 v53;
	v2 =	vmul.f32 v55, v2;
	v39 =	vpop (erf);
	v55 =	vadd.f32 v10, v9  }
0x20e: {  	v59 =	vld.idx.msk [tilespmem:v44+s15+$0x0], $0xffff;
	(erf) = vrcp.f32 v54;
	v56 =	vadd.f32 v12, v11;
	v43 =	vand.u32 $0x7FFFFFFF, v43;
	v44 =	vpop (erf)  }
0x20f: {  	v18 =	vld.idx.msk [tilespmem:v57+s15+$0x0], $0xffff;
	v1 =	vmul.f32 v39, v1;
	(erf) = vrcp.f32 v55;
	v60 =	vpop (erf);
	v57 =	vadd.f32 v14, v13  }
0x210: {  	v39 =	vadd.f32 v3, v4;
	(erf) = vrcp.f32 v56;
	v6 =	vmul.f32 v60, v6;
	v60 =	vpop (erf)  }
0x211: {  	s6 =	sadd.s32 $0xFFFFFF00, s28;
	v60 =	vmul.f32 v60, v43;
	v43 =	vadd.f32 v17, v15;
	(erf) = vrcp.f32 v57  }
0x212: {  	s4 =	sand.u32 $0x280, s6;
	v16 =	vld.idx.msk [tilespmem:v16+s15+$0x0], $0xffff;
	(erf) = vrcp.f32 v39  }
0x213: {  	s4 =	sor.u32 s4, s1;
	v0 =	vand.u32 $0x7FFFFFFF, v0;
	v45 =	vsub.f32 v62, v63;
	(erf) = vrcp.f32 v43  }
0x214: {  	v7 =	vsub.f32 v7, v8;
	v8 =	vsub.f32 v9, v10;
	v0 =	vmul.f32 v44, v0;
	[tilespmem:s4+$0x0] =	vst v2  }
0x215: {  	v61 =	vand.u32 $0x7FFFFFFF, v45;
	v9 =	vsub.f32 v11, v12;
	v3 =	vsub.f32 v4, v3;
	[tilespmem:s4+$0x10] =	vst v1  }
0x216: {  	v7 =	vand.u32 $0x7FFFFFFF, v7;
	v44 =	vadd.f32 v5, v18;
	v12 =	vsub.f32 v13, v14;
	[tilespmem:s4+$0x20] =	vst v0;
	v62 =	vpop (erf)  }
0x217: {  	s12 =	sand.u32 $0x7, s31;
	v45 =	vadd.f32 v16, v59;
	v14 =	vand.u32 $0x7FFFFFFF, v8;
	[tilespmem:s4+$0x30] =	vst v6;
	v61 =	vmul.f32 v62, v61;
	v63 =	vpop (erf)  }
0x218: {  	s6 =	sshll.u32 s12, $0x7;
	v8 =	vand.u32 $0x7FFFFFFF, v9;
	v3 =	vand.u32 $0x7FFFFFFF, v3;
	[tilespmem:s4+$0x40] =	vst v60;
	v60 =	vld [tilespmem:$0x1FEB0];
	v2 =	vmul.f32 v63, v7;
	v13 =	vpop (erf)  }
0x219: {  	s12 =	sadd.s32 s30, s6;
	(erf) = vrcp.f32 v44;
	[tilespmem:s4+$0x50] =	vst v61;
	v63 =	vand.u32 $0x7FFFFFFF, v12;
	v62 =	vpop (erf);
	v1 =	vmul.f32 v13, v14  }
0x21a: {  	s14 =	sadd.s32 $0x2, s0;
	s6 =	sadd.s32 $0x80, s12;
	(erf) = vrcp.f32 v45;
	[tilespmem:s4+$0x60] =	vst v2;
	v0 =	vmul.f32 v62, v8;
	v8 =	vsub.f32 v15, v17;
	v12 =	vpop (erf)  }
0x21b: {  	v9 =	vshll.u32 v49, $0x8;
	v49 =	vmov s14;
	[tilespmem:s4+$0x70] =	vst v1;
	s4 =	sor.u32 $0x400, s6;
	v13 =	vpop (erf);
	v4 =	vmul.f32 v12, v63  }
0x21c: {  	s14 =	sor.u32 $0x410, s6;
	v14 =	vand.u32 $0x7800, v9;
	v15 =	vand.u32 $0x7FFFFFFF, v8;
	[tilespmem:s4+$0x10000] =	vst v0;
	v3 =	vmul.f32 v13, v3;
	v63 =	vpop (erf);
	v13 =	vld [tilespmem:$0x1FEA0]  }
0x21d: {  	v2 =	vadd.s32 v60, v14;
	v14 =	vmul.f32 v63, v15;
	[tilespmem:s14+$0x10000] =	vst v4;
	s14 =	sor.u32 $0x420, s6  }
0x21e: {  	[tilespmem:s14+$0x10000] =	vst v3;
	s14 =	sor.u32 $0x430, s6  }
0x21f: {  	v61 =	vand.u32 $0x280, v46;
	[tilespmem:s14+$0x10000] =	vst v14;
	v14 =	vld [tilespmem:$0x1FD90]  }
0x220: {  	v5 =	vsub.f32 v18, v5;
	v62 =	vor.u32 v61, v2;
	v12 =	vsub.f32 v59, v16  }
0x221: {  	v46 =	vshll.u32 v49, $0x7;
	v0 =	vor.u32 v13, v62  }
0x222: {  	v11 =	vld [tilespmem:$0x1FDF0];
	v60 =	vadd.s32 v23, v46;
	v15 =	vand.u32 $0x7FFFFFFF, v5;
	v61 =	vand.u32 $0x7FFFFFFF, v12;
	v59 =	vpop (erf)  }
0x223: {  	v9 =	vld [tilespmem:$0x1FE00];
	v63 =	vadd.s32 v21, v46;
	v12 =	vmin.f32 v58, v31;
	v2 =	vmul.f32 v59, v15;
	v62 =	vpop (erf)  }
0x224: {  	v18 =	vld [tilespmem:$0x1FE40];
	s14 =	sor.u32 $0x440, s6;
	v13 =	vadd.s32 v25, v46;
	v5 =	vmul.f32 v62, v61;
	v6 =	vmin.f32 v12, v14  }
0x225: {  	v17 =	vld [tilespmem:$0x1FDC0];
	v15 =	vadd.s32 v22, v46;
	[tilespmem:s14+$0x10000] =	vst v2;
	v6 =	vmin.f32 v6, v33  }
0x226: {  	v16 =	vld [tilespmem:$0x1FE30];
	v58 =	vmov v32;
	v32 =	vadd.s32 v27, v46;
	[tilespmem:v0+s19+$0x0] =	vst.idx.msk $0x3, v5;
	v33 =	vmin.f32 v6, v34  }
0x227: {  	v8 =	vadd.s32 v26, v46;
	v4 =	vld.idx.msk [tilespmem:v60+s15+$0x0], $0xffff;
	v5 =	vmin.f32 v33, v35  }
0x228: {  	v9 =	vadd.s32 v9, v46;
	v3 =	vld.idx.msk [tilespmem:v63+s15+$0x0], $0xffff;
	v5 =	vmin.f32 v5, v36  }
0x229: {  	v10 =	vadd.s32 v20, v46;
	v1 =	vld.idx.msk [tilespmem:v13+s15+$0x0], $0xffff;
	v5 =	vmin.f32 v5, v37  }
0x22a: {  	v11 =	vadd.s32 v11, v46;
	v2 =	vld.idx.msk [tilespmem:v15+s15+$0x0], $0xffff;
	v5 =	vmin.f32 v5, v38  }
0x22b: {  	v16 =	vadd.s32 v16, v46;
	v0 =	vld.idx.msk [tilespmem:v32+s15+$0x0], $0xffff;
	v5 =	vmin.f32 v5, v40  }
0x22c: {  	v17 =	vadd.s32 v17, v46;
	v8 =	vld.idx.msk [tilespmem:v8+s15+$0x0], $0xffff;
	v5 =	vmin.f32 v5, v41  }
0x22d: {  	v9 =	vld.idx.msk [tilespmem:v9+s15+$0x0], $0xffff;
	v5 =	vmin.f32 v5, v42  }
0x22e: {  	v10 =	vld.idx.msk [tilespmem:v10+s15+$0x0], $0xffff;
	v5 =	vmin.f32 v5, v47  }
0x22f: {  	v11 =	vld.idx.msk [tilespmem:v11+s15+$0x0], $0xffff;
	v5 =	vmin.f32 v5, v48  }
0x230: {  	v16 =	vld.idx.msk [tilespmem:v16+s15+$0x0], $0xffff;
	v5 =	vmin.f32 v5, v50  }
0x231: {  	v34 =	vadd.s32 v24, v46;
	v17 =	vld.idx.msk [tilespmem:v17+s15+$0x0], $0xffff;
	v5 =	vmin.f32 v5, v51  }
0x232: {  	v41 =	vld [tilespmem:$0x1FE10];
	v5 =	vmin.f32 v5, v52  }
0x233: {  	v35 =	vadd.s32 v29, v46;
	v42 =	vld [tilespmem:$0x1FDE0];
	v5 =	vmin.f32 v5, v53  }
0x234: {  	v47 =	vld [tilespmem:$0x1FE20];
	v5 =	vmin.f32 v5, v54  }
0x235: {  	v48 =	vld [tilespmem:$0x1FDD0];
	v5 =	vmin.f32 v5, v55  }
0x236: {  	v6 =	vld.idx.msk [tilespmem:v34+s15+$0x0], $0xffff;
	v5 =	vmin.f32 v5, v56  }
0x237: {  	v50 =	vmin.f32 v5, v57;
	v57 =	vmov v20;
	v20 =	vld [tilespmem:$0x1FE70]  }
0x238: {  	v7 =	vld.idx.msk [tilespmem:v35+s15+$0x0], $0xffff;
	v12 =	vadd.s32 v41, v46  }
0x239: {  	v31 =	vadd.s32 v28, v46;
	v13 =	vadd.s32 v42, v46;
	v52 =	vld [tilespmem:$0x1FE50]  }
0x23a: {  	v33 =	vadd.f32 v3, v4;
	v14 =	vadd.s32 v47, v46;
	v15 =	vadd.s32 v48, v46;
	v55 =	vld [tilespmem:$0x1FDB0];
	v56 =	vmovc v28  }
0x23b: {  	v28 =	vmovc v19;
	v19 =	vmovc v21;
	v21 =	vmov v22;
	v22 =	vmov v24;
	v24 =	vmov v26;
	v26 =	vld [tilespmem:$0x1FE60]  }
0x23c: {  	(erf) = vrcp.f32 v33;
	v42 =	vadd.s32 v20, v46;
	v20 =	vld [tilespmem:$0x1FE80]  }
0x23d: {  	v18 =	vadd.s32 v18, v46;
	v12 =	vld.idx.msk [tilespmem:v12+s15+$0x0], $0xffff  }
0x23e: {  	v34 =	vadd.f32 v2, v1;
	v13 =	vld.idx.msk [tilespmem:v13+s15+$0x0], $0xffff  }
0x23f: {  	v37 =	vadd.f32 v10, v9;
	v35 =	vadd.f32 v6, v0;
	v53 =	vadd.s32 v58, v46;
	v14 =	vld.idx.msk [tilespmem:v14+s15+$0x0], $0xffff  }
0x240: {  	(erf) = vrcp.f32 v34;
	v36 =	vadd.f32 v8, v7;
	v32 =	vadd.s32 v52, v46;
	v15 =	vld.idx.msk [tilespmem:v15+s15+$0x0], $0xffff  }
0x241: {  	(erf) = vrcp.f32 v35;
	v54 =	vadd.s32 v26, v46;
	v48 =	vadd.s32 v20, v46;
	v20 =	vld [tilespmem:$0x1FE90]  }
0x242: {  	(erf) = vrcp.f32 v36;
	v5 =	vld.idx.msk [tilespmem:v18+s15+$0x0], $0xffff;
	v38 =	vadd.f32 v12, v11  }
0x243: {  	v31 =	vld.idx.msk [tilespmem:v31+s15+$0x0], $0xffff;
	v3 =	vsub.f32 v4, v3;
	(erf) = vrcp.f32 v37;
	v18 =	vadd.s32 v30, v46  }
0x244: {  	v1 =	vsub.f32 v1, v2;
	v51 =	vadd.s32 v28, v46;
	v4 =	vld.idx.msk [tilespmem:v53+s15+$0x0], $0xffff;
	(erf) = vrcp.f32 v38  }
0x245: {  	v3 =	vand.u32 $0x7FFFFFFF, v3;
	v41 =	vpop (erf);
	v47 =	vadd.s32 v55, v46;
	v32 =	vld.idx.msk [tilespmem:v32+s15+$0x0], $0xffff;
	v40 =	vadd.f32 v14, v13  }
0x246: {  	v3 =	vmul.f32 v41, v3;
	v41 =	vadd.f32 v16, v15;
	v2 =	vld.idx.msk [tilespmem:v54+s15+$0x0], $0xffff;
	v52 =	vadd.s32 v20, v46  }
0x247: {  	(erf) = vrcp.f32 v40;
	v54 =	vld.idx.msk [tilespmem:v42+s15+$0x0], $0xffff;
	v42 =	vadd.f32 v5, v17  }
0x248: {  	v9 =	vsub.f32 v9, v10;
	v18 =	vld.idx.msk [tilespmem:v18+s15+$0x0], $0xffff;
	(erf) = vrcp.f32 v41  }
0x249: {  	v1 =	vand.u32 $0x7FFFFFFF, v1;
	v7 =	vsub.f32 v7, v8;
	v53 =	vpop (erf);
	v8 =	vld.idx.msk [tilespmem:v51+s15+$0x0], $0xffff;
	(erf) = vrcp.f32 v42  }
0x24a: {  	v0 =	vsub.f32 v0, v6;
	v1 =	vmul.f32 v53, v1;
	v11 =	vsub.f32 v11, v12;
	v51 =	vpop (erf);
	v53 =	vld.idx.msk [tilespmem:v47+s15+$0x0], $0xffff  }
0x24b: {  	v9 =	vand.u32 $0x7FFFFFFF, v9;
	v10 =	vld.idx.msk [tilespmem:v52+s15+$0x0], $0xffff;
	v52 =	vpop (erf)  }
0x24c: {  	v0 =	vand.u32 $0x7FFFFFFF, v0;
	v11 =	vand.u32 $0x7FFFFFFF, v11;
	v47 =	vadd.f32 v32, v31;
	v6 =	vld.idx.msk [tilespmem:v48+s15+$0x0], $0xffff;
	v12 =	vpop (erf)  }
0x24d: {  	s6 =	sadd.s32 $0xFFFFFF80, s28;
	v5 =	vsub.f32 v17, v5;
	v48 =	vadd.f32 v2, v4;
	v9 =	vmul.f32 v12, v9;
	v12 =	vpop (erf)  }
0x24e: {  	s4 =	sand.u32 $0x300, s6;
	v11 =	vmul.f32 v12, v11;
	v12 =	vsub.f32 v13, v14;
	v14 =	vsub.f32 v15, v16  }
0x24f: {  	s4 =	sor.u32 s4, s1;
	v0 =	vmul.f32 v51, v0;
	(erf) = vrcp.f32 v47;
	v51 =	vadd.f32 v54, v18  }
0x250: {  	v5 =	vand.u32 $0x7FFFFFFF, v5;
	(erf) = vrcp.f32 v48;
	[tilespmem:s4+$0x0] =	vst v3;
	v3 =	vpop (erf)  }
0x251: {  	[tilespmem:s4+$0x10] =	vst v1;
	(erf) = vrcp.f32 v51;
	v13 =	vadd.f32 v6, v53;
	v1 =	vpop (erf);
	v12 =	vand.u32 $0x7FFFFFFF, v12  }
0x252: {  	v3 =	vmul.f32 v3, v12;
	v12 =	vsub.f32 v31, v32;
	v32 =	vand.u32 $0x7FFFFFFF, v14;
	v14 =	vpop (erf)  }
0x253: {  	v7 =	vand.u32 $0x7FFFFFFF, v7;
	[tilespmem:s4+$0x20] =	vst v0;
	v15 =	vadd.f32 v10, v8;
	v0 =	vmul.f32 v14, v5;
	v14 =	vld [tilespmem:$0x1FEB0]  }
0x254: {  	v7 =	vmul.f32 v52, v7;
	(erf) = vrcp.f32 v13  }
0x255: {  	(erf) = vrcp.f32 v15  }
0x256: {  	s14 =	sand.u32 $0x3, s29;
	v2 =	vsub.f32 v4, v2;
	v4 =	vsub.f32 v18, v54;
	v54 =	vshll.u32 v49, $0x8;
	[tilespmem:s4+$0x30] =	vst v7  }
0x257: {  	v61 =	vld [tilespmem:$0x1FE00];
	s6 =	sshll.u32 s14, $0x8;
	[tilespmem:s4+$0x40] =	vst v9;
	v1 =	vmul.f32 v1, v32;
	v32 =	vand.u32 $0x7FFFFFFF, v12;
	v12 =	vand.u32 $0x7800, v54  }
0x258: {  	s6 =	sadd.s32 s30, s6;
	v2 =	vand.u32 $0x7FFFFFFF, v2;
	v5 =	vpop (erf);
	[tilespmem:s4+$0x60] =	vst v3;
	v3 =	vadd.s32 v14, v12;
	v14 =	vld [tilespmem:$0x1FEA0]  }
0x259: {  	v62 =	vld [tilespmem:$0x1FDE0];
	s14 =	sadd.s32 $0x3, s0;
	s6 =	sadd.s32 $0x100, s6;
	v6 =	vsub.f32 v53, v6;
	[tilespmem:s4+$0x50] =	vst v11;
	v5 =	vmul.f32 v5, v32;
	v32 =	vand.u32 $0x300, v46  }
0x25a: {  	v9 =	vpop (erf);
	[tilespmem:s4+$0x70] =	vst v1;
	s4 =	sor.u32 $0x400, s6;
	v12 =	vsub.f32 v8, v10;
	v53 =	vor.u32 v32, v3;
	v32 =	vmov s14  }
0x25b: {  	v59 =	vld [tilespmem:$0x1FDD0];
	v4 =	vand.u32 $0x7FFFFFFF, v4;
	v2 =	vmul.f32 v9, v2;
	v54 =	vpop (erf);
	[tilespmem:s4+$0x10000] =	vst v0;
	s14 =	sor.u32 $0x410, s6;
	v31 =	vshll.u32 v32, $0x7  }
0x25c: {  	v63 =	vld [tilespmem:$0x1FDF0];
	v26 =	vmovc v25;
	v1 =	vmul.f32 v54, v4;
	[tilespmem:s14+$0x10000] =	vst v5;
	v12 =	vand.u32 $0x7FFFFFFF, v12;
	v5 =	vadd.s32 v23, v31  }
0x25d: {  	v60 =	vld [tilespmem:$0x1FDC0];
	v54 =	vpop (erf);
	v9 =	vadd.s32 v61, v31;
	v0 =	vor.u32 v14, v53;
	v53 =	vand.u32 $0x7FFFFFFF, v6  }
0x25e: {  	v49 =	vld [tilespmem:$0x1FE90];
	v16 =	vadd.s32 v62, v31;
	v14 =	vpop (erf);
	v3 =	vmul.f32 v54, v53;
	v53 =	vadd.s32 v19, v31  }
0x25f: {  	v20 =	vmovc v23;
	v52 =	vld [tilespmem:$0x1FE30];
	s14 =	sor.u32 $0x420, s6;
	v54 =	vmin.f32 v50, v39;
	v4 =	vmul.f32 v14, v12;
	v12 =	vadd.s32 v25, v31  }
0x260: {  	v46 =	vld [tilespmem:$0x1FE60];
	[tilespmem:s14+$0x10000] =	vst v2;
	s14 =	sor.u32 $0x430, s6;
	v14 =	vadd.s32 v21, v31;
	v39 =	vadd.s32 v29, v31;
	v7 =	vmin.f32 v54, v43  }
0x261: {  	[tilespmem:s14+$0x10000] =	vst v1;
	s14 =	sor.u32 $0x440, s6;
	v50 =	vld [tilespmem:$0x1FE20];
	v25 =	vmovc v61;
	v61 =	vmov v62;
	v43 =	vadd.s32 v59, v31;
	v1 =	vmin.f32 v7, v44  }
0x262: {  	v62 =	vmovc v59;
	v59 =	vmov v60;
	[tilespmem:s14+$0x10000] =	vst v3;
	v1 =	vmin.f32 v1, v45;
	v45 =	vadd.s32 v60, v31;
	v60 =	vld [tilespmem:$0x1FE40]  }
0x263: {  	v23 =	vmov v27;
	[tilespmem:v0+s19+$0x0] =	vst.idx.msk $0x3, v4;
	v1 =	vmin.f32 v1, v33;
	v33 =	vadd.s32 v27, v31;
	v27 =	vld [tilespmem:$0x1FE50]  }
0x264: {  	v8 =	vadd.s32 v24, v31;
	v3 =	vld.idx.msk [tilespmem:v5+s15+$0x0], $0xffff  }
0x265: {  	v2 =	vld.idx.msk [tilespmem:v53+s15+$0x0], $0xffff  }
0x266: {  	v11 =	vadd.s32 v57, v31;
	v0 =	vld.idx.msk [tilespmem:v12+s15+$0x0], $0xffff  }
0x267: {  	v4 =	vld.idx.msk [tilespmem:v14+s15+$0x0], $0xffff  }
0x268: {  	v1 =	vmin.f32 v1, v34;
	v7 =	vld.idx.msk [tilespmem:v39+s15+$0x0], $0xffff  }
0x269: {  	v8 =	vld.idx.msk [tilespmem:v8+s15+$0x0], $0xffff;
	v1 =	vmin.f32 v1, v35  }
0x26a: {  	v34 =	vadd.s32 v22, v31;
	v9 =	vld.idx.msk [tilespmem:v9+s15+$0x0], $0xffff;
	v1 =	vmin.f32 v1, v36  }
0x26b: {  	v17 =	vadd.s32 v50, v31;
	v11 =	vld.idx.msk [tilespmem:v11+s15+$0x0], $0xffff;
	v1 =	vmin.f32 v1, v37  }
0x26c: {  	v44 =	vadd.s32 v52, v31;
	v36 =	vld.idx.msk [tilespmem:v45+s15+$0x0], $0xffff;
	v1 =	vmin.f32 v1, v38  }
0x26d: {  	v54 =	vmovc v29;
	v29 =	vmov v63;
	v1 =	vmin.f32 v1, v40;
	v40 =	vadd.s32 v63, v31;
	v63 =	vld [tilespmem:$0x1FE10]  }
0x26e: {  	v5 =	vld.idx.msk [tilespmem:v33+s15+$0x0], $0xffff  }
0x26f: {  	v10 =	vadd.f32 v2, v3;
	v6 =	vld.idx.msk [tilespmem:v34+s15+$0x0], $0xffff  }
0x270: {  	v2 =	vsub.f32 v3, v2;
	v3 =	vld.idx.msk [tilespmem:v17+s15+$0x0], $0xffff;
	v17 =	vadd.s32 v56, v31;
	v1 =	vmin.f32 v1, v41  }
0x271: {  	v53 =	vadd.s32 v58, v31;
	v34 =	vld.idx.msk [tilespmem:v44+s15+$0x0], $0xffff;
	v1 =	vmin.f32 v1, v42  }
0x272: {  	v45 =	vadd.s32 v46, v31;
	v1 =	vmin.f32 v1, v47;
	v47 =	vld [tilespmem:$0x1FE70];
	v41 =	vadd.s32 v63, v31  }
0x273: {  	v33 =	vadd.s32 v27, v31;
	v18 =	vadd.f32 v4, v0;
	v1 =	vmin.f32 v1, v48;
	v48 =	vld [tilespmem:$0x1FE80]  }
0x274: {  	v38 =	vadd.f32 v8, v7;
	v0 =	vsub.f32 v0, v4;
	(erf) = vrcp.f32 v10;
	v12 =	vld.idx.msk [tilespmem:v40+s15+$0x0], $0xffff  }
0x275: {  	v42 =	vadd.s32 v30, v31;
	v1 =	vmin.f32 v1, v51;
	v35 =	vadd.f32 v6, v5;
	v4 =	vld.idx.msk [tilespmem:v17+s15+$0x0], $0xffff  }
0x276: {  	v37 =	vadd.f32 v11, v9;
	(erf) = vrcp.f32 v18;
	v1 =	vmin.f32 v1, v13;
	v13 =	vld.idx.msk [tilespmem:v16+s15+$0x0], $0xffff  }
0x277: {  	v7 =	vsub.f32 v7, v8;
	v16 =	vadd.s32 v60, v31;
	(erf) = vrcp.f32 v35;
	v14 =	vld.idx.msk [tilespmem:v41+s15+$0x0], $0xffff  }
0x278: {  	v9 =	vsub.f32 v9, v11;
	v2 =	vand.u32 $0x7FFFFFFF, v2;
	v5 =	vsub.f32 v5, v6;
	v6 =	vld.idx.msk [tilespmem:v53+s15+$0x0], $0xffff  }
0x279: {  	v0 =	vand.u32 $0x7FFFFFFF, v0;
	v40 =	vadd.s32 v28, v31;
	v1 =	vmin.f32 v1, v15;
	v15 =	vld.idx.msk [tilespmem:v43+s15+$0x0], $0xffff  }
0x27a: {  	v7 =	vand.u32 $0x7FFFFFFF, v7;
	v9 =	vand.u32 $0x7FFFFFFF, v9;
	v42 =	vld.idx.msk [tilespmem:v42+s15+$0x0], $0xffff;
	v17 =	vadd.s32 v47, v31  }
0x27b: {  	(erf) = vrcp.f32 v38;
	v1 =	vmin.f32 v1, v10;
	v10 =	vld.idx.msk [tilespmem:v33+s15+$0x0], $0xffff;
	v33 =	vadd.s32 v55, v31  }
0x27c: {  	(erf) = vrcp.f32 v37;
	v53 =	vadd.s32 v48, v31;
	v16 =	vld.idx.msk [tilespmem:v16+s15+$0x0], $0xffff;
	v41 =	vadd.f32 v14, v12  }
0x27d: {  	v1 =	vmin.f32 v1, v18;
	v18 =	vld.idx.msk [tilespmem:v45+s15+$0x0], $0xffff;
	v45 =	vadd.s32 v49, v31;
	v44 =	vadd.f32 v3, v13  }
0x27e: {  	v5 =	vand.u32 $0x7FFFFFFF, v5;
	v40 =	vld.idx.msk [tilespmem:v40+s15+$0x0], $0xffff;
	v51 =	vpop (erf);
	v8 =	vadd.f32 v34, v15;
	(erf) = vrcp.f32 v41  }
0x27f: {  	v1 =	vmin.f32 v1, v35;
	v2 =	vmul.f32 v51, v2;
	v51 =	vpop (erf);
	v17 =	vld.idx.msk [tilespmem:v17+s15+$0x0], $0xffff;
	(erf) = vrcp.f32 v44  }
0x280: {  	v3 =	vsub.f32 v13, v3;
	v0 =	vmul.f32 v51, v0;
	v33 =	vld.idx.msk [tilespmem:v33+s15+$0x0], $0xffff;
	v51 =	vpop (erf);
	(erf) = vrcp.f32 v8  }
0x281: {  	v1 =	vmin.f32 v1, v38;
	v15 =	vsub.f32 v15, v34;
	v11 =	vld.idx.msk [tilespmem:v53+s15+$0x0], $0xffff;
	v35 =	vadd.f32 v16, v36  }
0x282: {  	v1 =	vmin.f32 v1, v37;
	v39 =	vld.idx.msk [tilespmem:v45+s15+$0x0], $0xffff;
	v12 =	vsub.f32 v12, v14;
	v14 =	vadd.f32 v10, v4  }
0x283: {  	v3 =	vand.u32 $0x7FFFFFFF, v3;
	v45 =	vadd.f32 v18, v6;
	(erf) = vrcp.f32 v35  }
0x284: {  	v43 =	vand.u32 $0x7FFFFFFF, v15;
	v6 =	vsub.f32 v6, v18;
	v53 =	vpop (erf);
	(erf) = vrcp.f32 v14  }
0x285: {  	v5 =	vmul.f32 v51, v5;
	v51 =	vpop (erf);
	v37 =	vadd.f32 v17, v42;
	(erf) = vrcp.f32 v45  }
0x286: {  	s6 =	sand.u32 $0x380, s28;
	v15 =	vand.u32 $0x380, v31;
	v4 =	vsub.f32 v4, v10;
	v13 =	vadd.f32 v11, v33  }
0x287: {  	s1 =	sor.u32 s6, s1;
	v7 =	vmul.f32 v53, v7;
	v34 =	vadd.f32 v39, v40;
	v53 =	vpop (erf);
	(erf) = vrcp.f32 v37  }
0x288: {  	[tilespmem:s1+$0x0] =	vst v2;
	v10 =	vld [tilespmem:$0x1FEB0];
	v16 =	vsub.f32 v36, v16;
	v1 =	vmin.f32 v1, v41;
	v36 =	vpop (erf);
	(erf) = vrcp.f32 v13  }
0x289: {  	[tilespmem:s1+$0x10] =	vst v0;
	v1 =	vmin.f32 v1, v44;
	v9 =	vmul.f32 v51, v9;
	v38 =	vpop (erf);
	(erf) = vrcp.f32 v34  }
0x28a: {  	v6 =	vand.u32 $0x7FFFFFFF, v6;
	v12 =	vand.u32 $0x7FFFFFFF, v12;
	v1 =	vmin.f32 v1, v8;
	[tilespmem:s1+$0x20] =	vst v5  }
0x28b: {  	v8 =	vand.u32 $0x7FFFFFFF, v16;
	v51 =	vshll.u32 v32, $0x8;
	[tilespmem:s1+$0x40] =	vst v9;
	v9 =	vld [tilespmem:$0x1FEA0];
	v12 =	vmul.f32 v53, v12  }
0x28c: {  	v4 =	vand.u32 $0x7FFFFFFF, v4;
	[tilespmem:s1+$0x30] =	vst v7;
	v7 =	vand.u32 $0x7800, v51;
	v2 =	vmul.f32 v36, v3;
	v41 =	vpop (erf)  }
0x28d: {  	v1 =	vmin.f32 v1, v35;
	v3 =	vmul.f32 v38, v43;
	[tilespmem:s1+$0x50] =	vst v12;
	v12 =	vadd.s32 v10, v7;
	v44 =	vpop (erf)  }
0x28e: {  	s4 =	sadd.s32 $0x180, s12;
	v53 =	vsub.f32 v42, v17;
	v0 =	vmul.f32 v41, v8;
	[tilespmem:s1+$0x60] =	vst v2;
	v2 =	vor.u32 v15, v12;
	v8 =	vpop (erf)  }
0x28f: {  	s12 =	sor.u32 $0x400, s4;
	v4 =	vmul.f32 v44, v4;
	[tilespmem:s1+$0x70] =	vst v3;
	v6 =	vmul.f32 v8, v6;
	v8 =	vsub.f32 v33, v11  }
0x290: {  	p2 =	slt.u32 s0, $0x7C;
	s14 =	sor.u32 $0x410, s4;
	v5 =	vand.u32 $0x7FFFFFFF, v53;
	v35 =	vor.u32 v9, v2;
	v33 =	vsub.f32 v40, v39;
	[tilespmem:s12+$0x10000] =	vst v0;
	v32 =	vpop (erf)  }
.Ltmp5:
0x291: {  	s6 =	sor.u32 $0x420, s4;
	v1 =	vmin.f32 v1, v14;
	[tilespmem:s14+$0x10000] =	vst v4;
	v43 =	vand.u32 $0x7FFFFFFF, v8;
	v42 =	vpop (erf);
	v3 =	vmul.f32 v32, v5;
	(pc) =	sbr.rel @p2 .LBB2_8-.Ltmp5, $4  }
0x292: {  	v1 =	vmin.f32 v1, v45;
	s12 =	sor.u32 $0x430, s4;
	v51 =	vand.u32 $0x7FFFFFFF, v33;
	[tilespmem:s6+$0x10000] =	vst v6;
	v2 =	vmul.f32 v42, v43;
	v53 =	vpop (erf)  }
0x293: {  	v1 =	vmin.f32 v1, v37;
	s14 =	sor.u32 $0x440, s4;
	v4 =	vmul.f32 v53, v51;
	[tilespmem:s12+$0x10000] =	vst v3  }
0x294: {  	p0 =	por !p0, !p0;
	s31 =	sadd.s32 $0x4, s31;
	s29 =	sadd.s32 $0x2, s29;
	v1 =	vmin.f32 v1, v13;
	[tilespmem:s14+$0x10000] =	vst v2  }
0x295: {  	s0 =	sadd.s32 $0x4, s0;
	s30 =	sadd.s32 $0x400, s30;
	s28 =	sadd.s32 $0x200, s28;
	v45 =	vld [tilespmem:$0x1FE50];
	v39 =	vmin.f32 v1, v34;
	[tilespmem:v35+s19+$0x0] =	vst.idx.msk $0x3, v4  }
0x296: {  	vm0 =	veq.f32 v39, $0.0e+00;
	v0 =	vimm.f32 $0.0e+00  }
0x297: {  	v0 =	vsel vm0, $0x3F800000, v0  }
0x298: {  	(xrf0) =	vmax.scan.msk.f32 $0xffff, v0;
	_ =	sdelay $0x5  }
0x299: {  	v0, _, _ =	vpop (xrf0)  }
0x29a: {  	(v2sf) =	vpush v0, $0xF;
	_ =	sdelay $0xe  }
0x29b: {  	s0 =	spop (v2sf)  }
0x29c: {  	p0 =	sgt.f32 s0, $0.0e+00  }
.Ltmp6:
0x29d: {  	_ = 	snop;
	(pc) =	sbr.rel @!p0 .LBB2_12-.Ltmp6, $1  }
0x29e: {  	_ =	sdelay $0x3  }
0x29f: {  	v27 =	vmov v60;
	v60 =	vor.u32 v9, v10;
	s0 =	simm.s32 $0x0;
	s1 =	simm.s32 $0x0;
	s12 =	simm.s32 $0x0  }
.LBB2_11:
0x2a0: {  	v31 =	vmov s12  }
0x2a1: {  	v30 =	vshll.u32 v31, $0x7  }
0x2a2: {  	v0 =	vadd.s32 v20, v30  }
0x2a3: {  	v1 =	vadd.s32 v19, v30  }
0x2a4: {  	v2 =	vadd.s32 v26, v30  }
0x2a5: {  	v3 =	vadd.s32 v21, v30  }
0x2a6: {  	v35 =	vld [tilespmem:$0x1FDA0];
	v4 =	vadd.s32 v23, v30  }
0x2a7: {  	v5 =	vadd.s32 v22, v30;
	v0 =	vld.idx.msk [tilespmem:v0+s15+$0x0], $0xffff  }
0x2a8: {  	v6 =	vadd.s32 v54, v30;
	v1 =	vld.idx.msk [tilespmem:v1+s15+$0x0], $0xffff  }
0x2a9: {  	v7 =	vadd.s32 v24, v30;
	v2 =	vld.idx.msk [tilespmem:v2+s15+$0x0], $0xffff  }
0x2aa: {  	v8 =	vadd.s32 v25, v30;
	v3 =	vld.idx.msk [tilespmem:v3+s15+$0x0], $0xffff  }
0x2ab: {  	v9 =	vadd.s32 v57, v30;
	v4 =	vld.idx.msk [tilespmem:v4+s15+$0x0], $0xffff  }
0x2ac: {  	v10 =	vadd.s32 v29, v30;
	v5 =	vld.idx.msk [tilespmem:v5+s15+$0x0], $0xffff  }
0x2ad: {  	v11 =	vadd.s32 v63, v30;
	v6 =	vld.idx.msk [tilespmem:v6+s15+$0x0], $0xffff  }
0x2ae: {  	v12 =	vadd.s32 v61, v30;
	v7 =	vld.idx.msk [tilespmem:v7+s15+$0x0], $0xffff  }
0x2af: {  	v14 =	vadd.s32 v62, v30;
	v8 =	vld.idx.msk [tilespmem:v8+s15+$0x0], $0xffff  }
0x2b0: {  	v16 =	vadd.s32 v59, v30;
	v9 =	vld.idx.msk [tilespmem:v9+s15+$0x0], $0xffff  }
0x2b1: {  	v17 =	vadd.s32 v27, v30;
	v10 =	vld.idx.msk [tilespmem:v10+s15+$0x0], $0xffff  }
0x2b2: {  	v18 =	vadd.s32 v56, v30;
	v11 =	vld.idx.msk [tilespmem:v11+s15+$0x0], $0xffff  }
0x2b3: {  	v33 =	vadd.s32 v58, v30;
	v12 =	vld.idx.msk [tilespmem:v12+s15+$0x0], $0xffff  }
0x2b4: {  	v38 =	vadd.s32 v55, v30;
	v14 =	vld.idx.msk [tilespmem:v14+s15+$0x0], $0xffff  }
0x2b5: {  	v41 =	vadd.s32 v28, v30;
	v16 =	vld.idx.msk [tilespmem:v16+s15+$0x0], $0xffff  }
0x2b6: {  	v13 =	vadd.s32 v50, v30;
	v17 =	vld.idx.msk [tilespmem:v17+s15+$0x0], $0xffff  }
0x2b7: {  	v15 =	vadd.s32 v52, v30;
	v18 =	vld.idx.msk [tilespmem:v18+s15+$0x0], $0xffff  }
0x2b8: {  	v32 =	vadd.s32 v45, v30;
	v33 =	vld.idx.msk [tilespmem:v33+s15+$0x0], $0xffff  }
0x2b9: {  	v34 =	vadd.s32 v46, v30;
	v38 =	vld.idx.msk [tilespmem:v38+s15+$0x0], $0xffff  }
0x2ba: {  	v37 =	vadd.s32 v47, v30;
	v41 =	vld.idx.msk [tilespmem:v41+s15+$0x0], $0xffff;
	v36 =	vadd.f32 v1, v0  }
0x2bb: {  	v40 =	vadd.s32 v48, v30;
	v35 =	vadd.s32 v35, v30;
	v13 =	vld.idx.msk [tilespmem:v13+s15+$0x0], $0xffff;
	v39 =	vadd.f32 v3, v2  }
0x2bc: {  	v15 =	vld.idx.msk [tilespmem:v15+s15+$0x0], $0xffff;
	vm8 =	veq.f32 v36, $0.0e+00;
	(erf) = vrcp.f32 v36;
	v36 =	vadd.f32 v5, v4  }
0x2bd: {  	v43 =	vadd.s32 v49, v30;
	v32 =	vld.idx.msk [tilespmem:v32+s15+$0x0], $0xffff;
	v42 =	vadd.f32 v7, v6;
	vm9 =	veq.f32 v39, $0.0e+00  }
0x2be: {  	v34 =	vld.idx.msk [tilespmem:v34+s15+$0x0], $0xffff;
	v44 =	vadd.f32 v9, v8;
	vm0 =	vmand vm8, vm9;
	vm10 =	veq.f32 v36, $0.0e+00  }
0x2bf: {  	v37 =	vld.idx.msk [tilespmem:v37+s15+$0x0], $0xffff;
	v45 =	vadd.f32 v11, v10;
	vm11 =	veq.f32 v42, $0.0e+00;
	vm0 =	vmand vm0, vm10  }
0x2c0: {  	v35 =	vld.idx.msk [tilespmem:v35+s15+$0x0], $0xffff;
	vm12 =	veq.f32 v44, $0.0e+00;
	v46 =	vadd.f32 v13, v12;
	vm0 =	vmand vm0, vm11  }
0x2c1: {  	v40 =	vld.idx.msk [tilespmem:v40+s15+$0x0], $0xffff;
	vm13 =	veq.f32 v45, $0.0e+00;
	v47 =	vadd.f32 v15, v14;
	vm0 =	vmand vm0, vm12  }
0x2c2: {  	v43 =	vld.idx.msk [tilespmem:v43+s15+$0x0], $0xffff;
	v48 =	vadd.f32 v17, v16;
	vm3 =	veq.f32 v46, $0.0e+00;
	vm0 =	vmand vm0, vm13  }
0x2c3: {  	v49 =	vadd.f32 v32, v18;
	vm4 =	veq.f32 v47, $0.0e+00;
	vm0 =	vmand vm0, vm3  }
0x2c4: {  	vm5 =	veq.f32 v48, $0.0e+00;
	v50 =	vadd.f32 v34, v33;
	vm0 =	vmand vm0, vm4  }
0x2c5: {  	v51 =	vadd.f32 v37, v35;
	vm6 =	veq.f32 v49, $0.0e+00;
	vm0 =	vmand vm0, vm5  }
0x2c6: {  	v52 =	vadd.f32 v40, v38;
	vm7 =	veq.f32 v50, $0.0e+00;
	vm0 =	vmand vm0, vm6  }
0x2c7: {  	v53 =	vadd.f32 v43, v41;
	vm1 =	vmand vm0, vm7;
	vm0 =	veq.f32 v51, $0.0e+00  }
0x2c8: {  	vm2 =	vmand vm1, vm0;
	vm1 =	veq.f32 v52, $0.0e+00  }
0x2c9: {  	vm14 =	vmand vm2, vm1;
	vm2 =	veq.f32 v53, $0.0e+00  }
0x2ca: {  	(erf) = vrcp.f32 v39;
	v39 =	vimm.f32 $0.0e+00;
	vm14 =	vmand vm14, vm2  }
0x2cb: {  	(erf) = vrcp.f32 v36;
	v39 =	vsel vm14, $0x3F800000, v39  }
0x2cc: {  	(xrf0) =	vmin.scan.msk.f32 $0xffff, v39;
	_ =	sdelay $0x2  }
0x2cd: {  	v0 =	vsub.f32 v0, v1;
	(erf) = vrcp.f32 v42;
	v42 =	vsub.f32 v2, v3  }
0x2ce: {  	(erf) = vrcp.f32 v44  }
0x2cf: {  	v0 =	vand.u32 $0x7FFFFFFF, v0;
	(erf) = vrcp.f32 v45;
	v1 =	vand.u32 $0x7FFFFFFF, v42;
	v44 =	vpop (erf)  }
0x2d0: {  	v42 =	vsub.f32 v4, v5;
	v4 =	vsub.f32 v8, v9;
	(erf) = vrcp.f32 v46;
	v39, _, _ =	vpop (xrf0)  }
0x2d1: {  	v8 =	vsub.f32 v16, v17;
	v36 =	vpop (erf);
	(erf) = vrcp.f32 v47;
	(v2sf) =	vpush v39, $0xF  }
0x2d2: {  	v3 =	vand.u32 $0x7FFFFFFF, v42;
	v4 =	vand.u32 $0x7FFFFFFF, v4;
	v9 =	vpop (erf);
	(erf) = vrcp.f32 v48  }
0x2d3: {  	v8 =	vand.u32 $0x7FFFFFFF, v8;
	v0 =	vmul.f32 v44, v0;
	v44 =	vsub.f32 v6, v7  }
0x2d4: {  	v7 =	vsub.f32 v14, v15;
	v1 =	vmul.f32 v36, v1;
	v36 =	vsub.f32 v10, v11  }
0x2d5: {  	v3 =	vmul.f32 v9, v3;
	v2 =	vand.u32 $0x7FFFFFFF, v44;
	v0 =	vsel vm8, $0x7F800000, v0  }
0x2d6: {  	v7 =	vand.u32 $0x7FFFFFFF, v7;
	v6 =	vand.u32 $0x7FFFFFFF, v36;
	v39 =	vpop (erf);
	(erf) = vrcp.f32 v49  }
0x2d7: {  	v1 =	vsel vm9, $0x7F800000, v1;
	v3 =	vsel vm10, $0x7F800000, v3;
	v42 =	vpop (erf);
	(erf) = vrcp.f32 v50  }
0x2d8: {  	v2 =	vmul.f32 v39, v2;
	v39 =	vsub.f32 v18, v32;
	v44 =	vpop (erf);
	v4 =	vmul.f32 v42, v4  }
0x2d9: {  	s4 =	sand.u32 $0x7800, s0;
	s6 =	sand.u32 $0x380, s1;
	v42 =	vsub.f32 v33, v34;
	v33 =	vsub.f32 v35, v37;
	v36 =	vpop (erf);
	(erf) = vrcp.f32 v51  }
0x2da: {  	s4 =	sor.u32 s6, s4;
	v34 =	vshll.u32 v31, $0x8;
	v11 =	vmul.f32 v44, v6;
	v44 =	vpop (erf);
	(erf) = vrcp.f32 v52  }
0x2db: {  	[tilespmem:s4+$0x10000] =	vst v0;
	v2 =	vsel vm11, $0x7F800000, v2;
	v6 =	vsub.f32 v12, v13;
	v51 =	vpop (erf);
	(erf) = vrcp.f32 v53  }
0x2dc: {  	[tilespmem:s4+$0x10010] =	vst v1;
	v13 =	vand.u32 $0x7FFFFFFF, v39;
	v4 =	vsel vm12, $0x7F800000, v4;
	v14 =	vand.u32 $0x7FFFFFFF, v42  }
0x2dd: {  	[tilespmem:s4+$0x10030] =	vst v2;
	v35 =	vand.u32 $0x7FFFFFFF, v33;
	v2 =	vand.u32 $0x380, v30;
	v5 =	vsel vm13, $0x7F800000, v11  }
0x2de: {  	v6 =	vand.u32 $0x7FFFFFFF, v6;
	v7 =	vmul.f32 v44, v7;
	[tilespmem:s4+$0x10040] =	vst v4;
	v4 =	vand.u32 $0x7800, v34  }
0x2df: {  	[tilespmem:s4+$0x10020] =	vst v3;
	v6 =	vmul.f32 v36, v6;
	v8 =	vmul.f32 v51, v8;
	v36 =	vsub.f32 v38, v40  }
0x2e0: {  	[tilespmem:s4+$0x10050] =	vst v5;
	v38 =	vsub.f32 v41, v43;
	v39 =	vadd.s32 v60, v4;
	v15 =	vsel vm4, $0x7F800000, v7;
	v53 =	vpop (erf);
	s31 =	spop (v2sf)  }
0x2e1: {  	v42 =	vor.u32 v2, v39;
	v6 =	vsel vm3, $0x7F800000, v6;
	[tilespmem:s4+$0x10070] =	vst v15;
	v12 =	vpop (erf);
	v0 =	vmul.f32 v53, v13;
	p0 =	sgt.f32 s31, $0.0e+00  }
0x2e2: {  	v32 =	vsel vm5, $0x7F800000, v8;
	v41 =	vand.u32 $0x7FFFFFFF, v36;
	[tilespmem:s4+$0x10060] =	vst v6;
	v1 =	vmul.f32 v12, v14;
	v37 =	vpop (erf)  }
0x2e3: {  	v43 =	vand.u32 $0x7FFFFFFF, v38;
	[tilespmem:s4+$0x10400] =	vst v32;
	v0 =	vsel vm6, $0x7F800000, v0;
	v40 =	vpop (erf);
	v5 =	vmul.f32 v37, v35;
	s6 =	sadd.s32 @p0 s25, s12  }
0x2e4: {  	v1 =	vsel vm7, $0x7F800000, v1;
	[tilespmem:s4+$0x10410] =	vst v0;
	v6 =	vmul.f32 v40, v41;
	v44 =	vpop (erf);
	v0 =	vmov @p0 s6  }
0x2e5: {  	[tilespmem:s4+$0x10420] =	vst v1;
	v5 =	vsel vm0, $0x7F800000, v5;
	v7 =	vmul.f32 v44, v43  }
0x2e6: {  	v51 =	vsel vm1, $0x7F800000, v6;
	[tilespmem:s4+$0x10430] =	vst v5  }
0x2e7: {  	v53 =	vsel vm2, $0x7F800000, v7;
	[tilespmem:s4+$0x10440] =	vst v51  }
0x2e8: {  	[tilespmem:v42+s19+$0x0] =	vst.idx.msk $0x3, v53;
	s4 =	simm.s32 @p0 $0x18000  }
0x2e9: {  	v0 =	vld.idx.msk @p0 [tilespmem:v0+s4+$0x0], $0xffff;
	_ =	sdelay $0x4  }
0x2ea: {  	v1 =	vshll.u32 @p0 v0, $0x3  }
0x2eb: {  	v1 =	vand.u32 @p0 $0xFFFFFC00, v1  }
0x2ec: {  	v0 =	vand.u32 @p0 $0x7F, v0;
	v1 =	vadd.s32 @p0 v4, v1  }
0x2ed: {  	v45 =	vld [tilespmem:$0x1FE50];
	s12 =	sadd.s32 $0x1, s12;
	v0 =	vor.u32 @p0 v0, v1  }
0x2ee: {  	v46 =	vld [tilespmem:$0x1FE60];
	p2 =	sne.s32 s12, $0x80;
	v0 =	vor.u32 @p0 v2, v0  }
.Ltmp7:
0x2ef: {  	v47 =	vld [tilespmem:$0x1FE70];
	(pc) =	sbr.rel @p2 .LBB2_11-.Ltmp7, $4  }
0x2f0: {  	v48 =	vld [tilespmem:$0x1FE80]  }
0x2f1: {  	v49 =	vld [tilespmem:$0x1FE90]  }
0x2f2: {  	v50 =	vld [tilespmem:$0x1FE20];
	s4 =	simm.s32 @p0 $0x10000;
	v1 =	vimm.f32 @p0 $1.000000000e+00  }
0x2f3: {  	s1 =	sadd.s32 $0x80, s1;
	s0 =	sadd.s32 $0x100, s0;
	v52 =	vld [tilespmem:$0x1FE30];
	[tilespmem:v0+s4+$0x0] =	vst.idx.msk @p0 $0x1, v1  }
.LBB2_12:
.Ltmp8:
0x2f4: {  	(pc) =	sbr.rel @p1 .LBB2_14-.Ltmp8, $4  }
0x2f5: {  	_ = 	snop  }
0x2f6: {  	s0 =	sshll.u32 s26, $0x5  }
0x2f7: {  	s0 =	sadd.s32 s5, s0  }
0x2f8: {  	[hbm4b:s0+s2] =	stream.linear.scatter [tilespmem:s19], [sflag:$0x4], $0x8000, $0x38;
	[tilespmem:$0x1A000] =	vst v63  }
.Ltmp9:
0x2f9: {  	(pc) =	sbr.rel .LBB2_2-.Ltmp9, $3  }
0x2fa: {  	_ =	sdelay $0x1  }
0x2fb: {  	s0 =	sadd.s32 s24, s10;
	s23 =	sadd.s32 $0x1, s23  }
0x2fc: {  	[tilespmem:s15], [sflag:$0x2] =	stream.linear.gather [hbm4b:s0+s2], $0x4000, $0x38;
	[tilespmem:$0x1A000] =	vst v63  }
.LBB2_15:
0x2fd: {  	_ =	sfence.sel $0x180000  }
0x2fe: {  	[bflag:$0x0] =	sbarrier.arrive $0xFFFF  }
0x2ff: {  	_ =	strace $0x90000047  }
0x300: {  	s0 =	stileid.u32;
	[bflag:$0x2] =	sbarrier.arrive $0xFFFF  }
0x301: {  	p0 =	sne.s32 s0, $0x0;
	s0 =	rddreg [dreg:$0x2]  }
0x302: {  	s0 =	sadd.s32 @!p0 $0x100000, s0  }
0x303: {  	[sflag:s0] =	ssyncadd.tile.s32 @!p0 $0x1;
	_ =	shalt  }
.Lfunc_end2:
_tile_overlayer_lowered:
.L_overlay_start_2:
0x304: {  	(tag) =	ssettag $0x2  }
0x305: {  	s0 =	rddreg [dreg:$0x0];
	s2 =	stileid.u32  }
0x306: {  	s1 =	rddreg [dreg:$0x1];
	p0 =	sne.s32 s2, $0x0  }
0x307: {  	s3 =	rddreg [dreg:$0x2];
	[bflag:$0x3] =	sbarrier.arrive $0xFFFF;
	s2 =	simm.s32 @!p0 $0x1C05  }
0x308: {  	[timem:s3], [sflag:s2] =	dma.local @!p0 [hbm:s0], s1  }
0x309: {  	s0 =	simm.s32 @!p0 $0x5  }
0x30a: {  	_ =	swait.ge @!p0 [sflag:s0], s1  }
0x30b: {  	s1 =	ssub.s32 @!p0 $0x0, s1;
	[sflag:s0] =	ssyncset.done @!p0 $0x0  }
0x30c: {  	[sflag:s0] =	ssyncadd.s32 @!p0 s1  }
0x30d: {  	[bflag:$0x3] =	sbarrier.arrive $0xFFFF  }
0x30e: {  	_ =	shalt  }

</sc_bundles>
